<compile_context>
chip_gen: v7x
topology: tpu7x:2x2x1
jax: 0.10.2.dev20260603
libtpu: 0.0.44.dev20260713+nightly
codegen_flags: <defaults>
</compile_context>

<pallas_src>
import functools
import numpy as np
import jax
import jax.numpy as jnp
from jax import lax
from jax.experimental import pallas as pl
from jax.experimental.pallas import tpu as pltpu
from jax.experimental.pallas import tpu_sc as plsc

D_MODEL = 1024
NUM_SETS = 64
K_TOP = 8
NEG = -1e30
BLK = 512

_SC_NUM_CORES = 2
_SC_NUM_SUBCORES = 16
_NW = _SC_NUM_CORES * _SC_NUM_SUBCORES


def _scores_body(x_ref, desc_ref, wq_ref, bq_ref, s_ref):
    scale = 1.0 / np.sqrt(D_MODEL)
    q = jax.lax.dot_general(
        x_ref[0], wq_ref[...], (((1,), (1,)), ((), ())),
        preferred_element_type=jnp.float32) + bq_ref[...]
    s_ref[0] = jax.lax.dot_general(
        q, desc_ref[0], (((1,), (1,)), ((), ())),
        preferred_element_type=jnp.float32) * scale


def _combine_body(w_ref, set_ref, out_ref):
    out_ref[0] = jax.lax.dot_general(
        w_ref[...], set_ref[0], (((1,), (0,)), ((), ())),
        preferred_element_type=jnp.float32)


_NCHUNK = 4


def _route_body(s_hbm, tts_hbm, w_hbm, s_v, tts_v, wout_v, win_v,
                sem_t, sem_i, sem_o, per_w):
    wid = lax.axis_index("s") * _SC_NUM_CORES + lax.axis_index("c")
    base = wid * per_w
    ch = per_w // _NCHUNK

    h_t = pltpu.async_copy(tts_hbm.at[pl.ds(base * 16, per_w * 16)],
                           tts_v, sem_t)
    h_in = [
        pltpu.async_copy(
            s_hbm.at[pl.ds((base + c * ch) * NUM_SETS, ch * NUM_SETS)],
            s_v.at[pl.ds(c * ch * NUM_SETS, ch * NUM_SETS)], sem_i)
        for c in range(_NCHUNK)
    ]

    lanes = lax.iota(jnp.int32, 16)
    zeros = jnp.zeros((16,), jnp.float32)

    def token(t, _):
        idx = plsc.load_gather(tts_v, [t * 16 + lanes])
        plsc.store_scatter(win_v, [idx], lanes)
        keep = plsc.load_gather(win_v, [idx]) == lanes
        s = plsc.load_gather(s_v, [t * NUM_SETS + idx])
        s_m = jnp.where(keep, s, NEG)
        sk, sv = plsc.sort_key_val(s_m, idx, descending=True)
        top8 = lanes < K_TOP
        s8 = jnp.where(top8, sk, NEG)
        m = jnp.max(s8)
        e = jnp.exp(s8 - m)
        w = e / jnp.sum(e)
        valid = top8 & (sk > NEG * 0.5)
        for jj in range(4):
            wout_v[pl.ds(t * NUM_SETS + 16 * jj, 16)] = zeros
        plsc.store_scatter(wout_v, [t * NUM_SETS + sv], w, mask=valid)
        return 0

    h_t.wait()
    h_out = []
    for c in range(_NCHUNK):
        h_in[c].wait()
        lax.fori_loop(c * ch, (c + 1) * ch, token, 0, unroll=4)
        h_out.append(pltpu.async_copy(
            wout_v.at[pl.ds(c * ch * NUM_SETS, ch * NUM_SETS)],
            w_hbm.at[pl.ds((base + c * ch) * NUM_SETS, ch * NUM_SETS)],
            sem_o))
    for h in h_out:
        h.wait()


@jax.jit
def _run(token_states, set_states, desc_router, tts2, W_q, b_q2):
    batch, seq_len, d = token_states.shape
    nb = seq_len // BLK
    per_w = seq_len // _NW

    mesh = plsc.VectorSubcoreMesh(core_axis_name="c", subcore_axis_name="s",
                                  num_cores=_SC_NUM_CORES,
                                  num_subcores=_SC_NUM_SUBCORES)

    def scores_half(b):
        return pl.pallas_call(
            _scores_body,
            grid=(1, nb),
            in_specs=[
                pl.BlockSpec((1, BLK, d), lambda b_, i: (b_, i, 0)),
                pl.BlockSpec((1, NUM_SETS, d), lambda b_, i: (b_, 0, 0)),
                pl.BlockSpec((d, d), lambda b_, i: (0, 0)),
                pl.BlockSpec((1, d), lambda b_, i: (0, 0)),
            ],
            out_specs=pl.BlockSpec((1, BLK, NUM_SETS),
                                   lambda b_, i: (b_, i, 0)),
            out_shape=jax.ShapeDtypeStruct((1, seq_len, NUM_SETS),
                                           jnp.float32),
        )(token_states[b:b + 1], desc_router[b:b + 1], W_q, b_q2)

    def route_half(scores_b, tts_b):
        w = pl.kernel(
            functools.partial(_route_body, per_w=per_w),
            out_type=jax.ShapeDtypeStruct((seq_len * NUM_SETS,),
                                          jnp.float32),
            mesh=mesh,
            compiler_params=pltpu.CompilerParams(needs_layout_passes=False),
            scratch_types=[
                pltpu.VMEM((per_w * NUM_SETS,), jnp.float32),
                pltpu.VMEM((per_w * 16,), jnp.int32),
                pltpu.VMEM((per_w * NUM_SETS,), jnp.float32),
                pltpu.VMEM((NUM_SETS,), jnp.int32),
                pltpu.SemaphoreType.DMA,
                pltpu.SemaphoreType.DMA,
                pltpu.SemaphoreType.DMA,
            ],
        )(scores_b.reshape(seq_len * NUM_SETS), tts_b)
        return w.reshape(seq_len, NUM_SETS)

    def combine_half(weights_b, b):
        return pl.pallas_call(
            _combine_body,
            grid=(1, nb),
            in_specs=[
                pl.BlockSpec((BLK, NUM_SETS), lambda b_, i: (i, 0)),
                pl.BlockSpec((1, NUM_SETS, d), lambda b_, i: (b_, 0, 0)),
            ],
            out_specs=pl.BlockSpec((1, BLK, d), lambda b_, i: (b_, i, 0)),
            out_shape=jax.ShapeDtypeStruct((1, seq_len, d), jnp.float32),
        )(weights_b, set_states[b:b + 1])

    tts_f = tts2.reshape(batch, seq_len * 16)
    scores = [scores_half(b) for b in range(batch)]
    weights = [route_half(scores[b], tts_f[b]) for b in range(batch)]
    outs = [combine_half(weights[b], b) for b in range(batch)]
    return jnp.concatenate(outs, axis=0)


def kernel(token_states, set_states, desc_router, token_to_sets, W_q, b_q):
    batch = token_states.shape[0]
    tts = token_to_sets.astype(jnp.int32)
    tts2 = jnp.concatenate([tts] * batch, axis=0)
    return _run(token_states, set_states, desc_router, tts2, W_q,
                b_q.reshape(1, -1))

# --- scband reference (transcript-rebuilt; emitter-appended) ---
"""Pipeline reference for scband-learned-router-89129161326933 (READ-ONLY COPY).

The authoritative reference and input builder live on the scoring server;
editing this copy changes nothing except your own understanding.
"""

import jax, jax.numpy as jnp
import numpy as np

D_MODEL = 1024
TOPK = 8


def setup_inputs(seed: int = 0) -> dict:
    key = jax.random.key(seed)
    ks = jax.random.split(key, 6)
    token_states = jax.random.normal(ks[0], (2, 4096, D_MODEL), dtype=jnp.float32)
    set_states = jax.random.normal(ks[1], (2, 64, D_MODEL), dtype=jnp.float32)
    desc_router = jax.random.normal(ks[2], (2, 64, D_MODEL), dtype=jnp.float32)
    token_to_sets = jax.random.randint(ks[3], (4096, 16), 0, 64)
    W_q = jax.random.normal(ks[4], (D_MODEL, D_MODEL), dtype=jnp.float32) * (1.0 / np.sqrt(D_MODEL))
    b_q = jnp.zeros((D_MODEL,), dtype=jnp.float32)
    return {"token_states": token_states, "set_states": set_states, "desc_router": desc_router, "token_to_sets": token_to_sets, "W_q": W_q, "b_q": b_q}


def reference(token_states, set_states, desc_router, token_to_sets, W_q, b_q):
    batch, seq_len, d = token_states.shape
    num_sets = set_states.shape[1]
    scale = 1.0 / np.sqrt(d)
    # q = Linear(token_states)
    q = jnp.einsum('bsd,ed->bse', token_states, W_q) + b_q
    # scores = q @ desc_router^T * scale
    scores = jnp.einsum('bse,bne->bsn', q, desc_router) * scale
    # restrict_to_sets mask
    rows = jnp.broadcast_to(jnp.arange(seq_len)[:, None], token_to_sets.shape)
    valid = token_to_sets >= 0
    safe_idx = jnp.where(valid, token_to_sets, 0)
    cnt = jnp.zeros((seq_len, num_sets), dtype=jnp.int32).at[rows, safe_idx].add(valid.astype(jnp.int32))
    mask = cnt > 0
    scores = jnp.where(mask[None, :, :], scores, -jnp.inf)
    # topk restriction (TOPK < num_sets)
    topk_scores, topk_idx = jax.lax.top_k(scores, TOPK)
    bi = jnp.arange(batch)[:, None, None]
    si = jnp.arange(seq_len)[None, :, None]
    keep = jnp.full_like(scores, -jnp.inf).at[bi, si, topk_idx].set(topk_scores)
    weights = jax.nn.softmax(keep, axis=-1)
    return jnp.einsum('bsn,bnd->bsd', weights, set_states)

if __name__ == "__main__":
    import jax
    _d = setup_inputs()
    print(jax.jit(kernel)(*tuple(_d.values())))

</pallas_src>

<mosaic_0001>
#map = affine_map<(d0, d1) -> (0)>
module attributes {stable_mosaic.version = 14 : i64} {
  func.func @_route_body(%arg0: i32, %arg1: i32, %arg2: memref<262144xf32, #tpu.memory_space<hbm>>, %arg3: memref<65536xi32, #tpu.memory_space<hbm>>, %arg4: memref<262144xf32, #tpu.memory_space<hbm>>, %arg5: memref<8192xf32, #tpu.memory_space<vmem>>, %arg6: memref<2048xi32, #tpu.memory_space<vmem>>, %arg7: memref<8192xf32, #tpu.memory_space<vmem>>, %arg8: memref<64xi32, #tpu.memory_space<vmem>>, %arg9: memref<!tpu.dma_semaphore, #tpu.memory_space<semaphore_mem>>, %arg10: memref<!tpu.dma_semaphore, #tpu.memory_space<semaphore_mem>>, %arg11: memref<!tpu.dma_semaphore, #tpu.memory_space<semaphore_mem>>) attributes {dimension_semantics = [#tpu.dimension_semantics<core_parallel>, #tpu.dimension_semantics<subcore_parallel>], iteration_bounds = array<i64: 2, 16>, scalar_prefetch = 0 : i64, scratch_operands = 7 : i64, tpu.core_type = #tpu.core_type<sc_vector_subcore>, window_params = [{transform_indices = #map}, {transform_indices = #map}, {transform_indices = #map}]} {
    %mul3A = arith.constant 2 : i32
    %mul3A_0 = arith.muli %arg1, %mul3A : i32
    %add3A = arith.addi %mul3A_0, %arg0 : i32
    %mul3A_1 = arith.constant 128 : i32
    %mul3A_2 = arith.muli %add3A, %mul3A_1 : i32
    %mul3A_3 = arith.constant 16 : i32
    %mul3A_4 = arith.muli %mul3A_2, %mul3A_3 : i32
    %dma_start3A = tpu.memref_slice %arg3[%mul3A_4] : memref<65536xi32, #tpu.memory_space<hbm>> -> memref<2048xi32, #tpu.memory_space<hbm>>
    %dma_start3A_5 = tpu.memref_slice %arg3[%mul3A_4] : memref<65536xi32, #tpu.memory_space<hbm>> -> memref<2048xi32, #tpu.memory_space<hbm>>
    tpu.enqueue_dma source(%dma_start3A_5 : memref<2048xi32, #tpu.memory_space<hbm>>) target(%arg6 : memref<2048xi32, #tpu.memory_space<vmem>>) target_semaphore(%arg9 : memref<!tpu.dma_semaphore, #tpu.memory_space<semaphore_mem>>)
    %add3A_6 = arith.constant 0 : i32
    %add3A_7 = arith.addi %mul3A_2, %add3A_6 : i32
    %mul3A_8 = arith.constant 64 : i32
    %mul3A_9 = arith.muli %add3A_7, %mul3A_8 : i32
    %dma_start3A_10 = arith.constant 0 : i32
    %dma_start3A_11 = tpu.memref_slice %arg5[%dma_start3A_10] : memref<8192xf32, #tpu.memory_space<vmem>> -> memref<2048xf32, #tpu.memory_space<vmem>>
    %dma_start3A_12 = tpu.memref_slice %arg2[%mul3A_9] : memref<262144xf32, #tpu.memory_space<hbm>> -> memref<2048xf32, #tpu.memory_space<hbm>>
    %dma_start3A_13 = arith.constant 0 : i32
    %dma_start3A_14 = tpu.memref_slice %arg5[%dma_start3A_13] : memref<8192xf32, #tpu.memory_space<vmem>> -> memref<2048xf32, #tpu.memory_space<vmem>>
    %dma_start3A_15 = tpu.memref_slice %arg2[%mul3A_9] : memref<262144xf32, #tpu.memory_space<hbm>> -> memref<2048xf32, #tpu.memory_space<hbm>>
    tpu.enqueue_dma source(%dma_start3A_15 : memref<2048xf32, #tpu.memory_space<hbm>>) target(%dma_start3A_14 : memref<2048xf32, #tpu.memory_space<vmem>>) target_semaphore(%arg10 : memref<!tpu.dma_semaphore, #tpu.memory_space<semaphore_mem>>)
    %add3A_16 = arith.constant 32 : i32
    %add3A_17 = arith.addi %mul3A_2, %add3A_16 : i32
    %mul3A_18 = arith.constant 64 : i32
    %mul3A_19 = arith.muli %add3A_17, %mul3A_18 : i32
    %dma_start3A_20 = arith.constant 2048 : i32
    %dma_start3A_21 = tpu.memref_slice %arg5[%dma_start3A_20] : memref<8192xf32, #tpu.memory_space<vmem>> -> memref<2048xf32, #tpu.memory_space<vmem>>
    %dma_start3A_22 = tpu.memref_slice %arg2[%mul3A_19] : memref<262144xf32, #tpu.memory_space<hbm>> -> memref<2048xf32, #tpu.memory_space<hbm>>
    %dma_start3A_23 = arith.constant 2048 : i32
    %dma_start3A_24 = tpu.memref_slice %arg5[%dma_start3A_23] : memref<8192xf32, #tpu.memory_space<vmem>> -> memref<2048xf32, #tpu.memory_space<vmem>>
    %dma_start3A_25 = tpu.memref_slice %arg2[%mul3A_19] : memref<262144xf32, #tpu.memory_space<hbm>> -> memref<2048xf32, #tpu.memory_space<hbm>>
    tpu.enqueue_dma source(%dma_start3A_25 : memref<2048xf32, #tpu.memory_space<hbm>>) target(%dma_start3A_24 : memref<2048xf32, #tpu.memory_space<vmem>>) target_semaphore(%arg10 : memref<!tpu.dma_semaphore, #tpu.memory_space<semaphore_mem>>)
    %add3A_26 = arith.constant 64 : i32
    %add3A_27 = arith.addi %mul3A_2, %add3A_26 : i32
    %mul3A_28 = arith.constant 64 : i32
    %mul3A_29 = arith.muli %add3A_27, %mul3A_28 : i32
    %dma_start3A_30 = arith.constant 4096 : i32
    %dma_start3A_31 = tpu.memref_slice %arg5[%dma_start3A_30] : memref<8192xf32, #tpu.memory_space<vmem>> -> memref<2048xf32, #tpu.memory_space<vmem>>
    %dma_start3A_32 = tpu.memref_slice %arg2[%mul3A_29] : memref<262144xf32, #tpu.memory_space<hbm>> -> memref<2048xf32, #tpu.memory_space<hbm>>
    %dma_start3A_33 = arith.constant 4096 : i32
    %dma_start3A_34 = tpu.memref_slice %arg5[%dma_start3A_33] : memref<8192xf32, #tpu.memory_space<vmem>> -> memref<2048xf32, #tpu.memory_space<vmem>>
    %dma_start3A_35 = tpu.memref_slice %arg2[%mul3A_29] : memref<262144xf32, #tpu.memory_space<hbm>> -> memref<2048xf32, #tpu.memory_space<hbm>>
    tpu.enqueue_dma source(%dma_start3A_35 : memref<2048xf32, #tpu.memory_space<hbm>>) target(%dma_start3A_34 : memref<2048xf32, #tpu.memory_space<vmem>>) target_semaphore(%arg10 : memref<!tpu.dma_semaphore, #tpu.memory_space<semaphore_mem>>)
    %add3A_36 = arith.constant 96 : i32
    %add3A_37 = arith.addi %mul3A_2, %add3A_36 : i32
    %mul3A_38 = arith.constant 64 : i32
    %mul3A_39 = arith.muli %add3A_37, %mul3A_38 : i32
    %dma_start3A_40 = arith.constant 6144 : i32
    %dma_start3A_41 = tpu.memref_slice %arg5[%dma_start3A_40] : memref<8192xf32, #tpu.memory_space<vmem>> -> memref<2048xf32, #tpu.memory_space<vmem>>
    %dma_start3A_42 = tpu.memref_slice %arg2[%mul3A_39] : memref<262144xf32, #tpu.memory_space<hbm>> -> memref<2048xf32, #tpu.memory_space<hbm>>
    %dma_start3A_43 = arith.constant 6144 : i32
    %dma_start3A_44 = tpu.memref_slice %arg5[%dma_start3A_43] : memref<8192xf32, #tpu.memory_space<vmem>> -> memref<2048xf32, #tpu.memory_space<vmem>>
    %dma_start3A_45 = tpu.memref_slice %arg2[%mul3A_39] : memref<262144xf32, #tpu.memory_space<hbm>> -> memref<2048xf32, #tpu.memory_space<hbm>>
    tpu.enqueue_dma source(%dma_start3A_45 : memref<2048xf32, #tpu.memory_space<hbm>>) target(%dma_start3A_44 : memref<2048xf32, #tpu.memory_space<vmem>>) target_semaphore(%arg10 : memref<!tpu.dma_semaphore, #tpu.memory_space<semaphore_mem>>)
    %iota3A = tpu.iota {dimensions = array<i32: 0>} : vector<16xi32>
    %broadcast_in_dim3A = arith.constant 0.000000e+00 : f32
    %broadcast_in_dim3A_46 = vector.broadcast %broadcast_in_dim3A : f32 to vector<16xf32>
    %dma_wait3A = tpu.memref_slice %arg3[%mul3A_4] : memref<65536xi32, #tpu.memory_space<hbm>> -> memref<2048xi32, #tpu.memory_space<hbm>>
    %dma_wait3A_47 = tpu.memref_slice %arg3[%mul3A_4] : memref<65536xi32, #tpu.memory_space<hbm>> -> memref<2048xi32, #tpu.memory_space<hbm>>
    tpu.wait_dma2 semaphore(%arg9 : memref<!tpu.dma_semaphore, #tpu.memory_space<semaphore_mem>>) src(%dma_wait3A_47 : memref<2048xi32, #tpu.memory_space<hbm>>) dst(%arg6 : memref<2048xi32, #tpu.memory_space<vmem>>)
    %dma_wait3A_48 = arith.constant 0 : i32
    %dma_wait3A_49 = tpu.memref_slice %arg5[%dma_wait3A_48] : memref<8192xf32, #tpu.memory_space<vmem>> -> memref<2048xf32, #tpu.memory_space<vmem>>
    %dma_wait3A_50 = tpu.memref_slice %arg2[%mul3A_9] : memref<262144xf32, #tpu.memory_space<hbm>> -> memref<2048xf32, #tpu.memory_space<hbm>>
    %dma_wait3A_51 = arith.constant 0 : i32
    %dma_wait3A_52 = tpu.memref_slice %arg5[%dma_wait3A_51] : memref<8192xf32, #tpu.memory_space<vmem>> -> memref<2048xf32, #tpu.memory_space<vmem>>
    %dma_wait3A_53 = tpu.memref_slice %arg2[%mul3A_9] : memref<262144xf32, #tpu.memory_space<hbm>> -> memref<2048xf32, #tpu.memory_space<hbm>>
    tpu.wait_dma2 semaphore(%arg10 : memref<!tpu.dma_semaphore, #tpu.memory_space<semaphore_mem>>) src(%dma_wait3A_53 : memref<2048xf32, #tpu.memory_space<hbm>>) dst(%dma_wait3A_52 : memref<2048xf32, #tpu.memory_space<vmem>>)
    %scan3A = arith.constant 0 : i32
    %scan3A_54 = arith.constant 0 : i32
    %scan3A_55 = arith.constant 32 : i32
    %scan3A_56 = arith.addi %scan3A_54, %scan3A_55 : i32
    %scan3A_57 = arith.constant 4 : i32
    %scan3A_58 = scf.for %scan3A_163 = %scan3A_54 to %scan3A_56 step %scan3A_57 iter_args(%scan3A_164 = %scan3A) -> (i32)  : i32 {
      %mul3A_165 = arith.constant 16 : i32
      %mul3A_166 = arith.muli %scan3A_163, %mul3A_165 : i32
      %add3A_167 = vector.broadcast %mul3A_166 : i32 to vector<16xi32>
      %add3A_168 = arith.addi %add3A_167, %iota3A : vector<16xi32>
      %gather3A = tpu.vector_load_idx %arg6[%add3A_168] : memref<2048xi32, #tpu.memory_space<vmem>>[vector<16xi32>], vector<16xi32>,
      tpu.vector_store_idx %arg8[%gather3A], %iota3A : memref<64xi32, #tpu.memory_space<vmem>>[vector<16xi32>], vector<16xi32>,
      %gather3A_169 = tpu.vector_load_idx %arg8[%gather3A] : memref<64xi32, #tpu.memory_space<vmem>>[vector<16xi32>], vector<16xi32>,
      %eq3A = arith.cmpi eq, %gather3A_169, %iota3A : vector<16xi32>
      %mul3A_170 = arith.constant 64 : i32
      %mul3A_171 = arith.muli %scan3A_163, %mul3A_170 : i32
      %add3A_172 = vector.broadcast %mul3A_171 : i32 to vector<16xi32>
      %add3A_173 = arith.addi %add3A_172, %gather3A : vector<16xi32>
      %gather3A_174 = tpu.vector_load_idx %arg5[%add3A_173] : memref<8192xf32, #tpu.memory_space<vmem>>[vector<16xi32>], vector<16xf32>,
      %jit3A = arith.constant -1.000000e+30 : f32
      %broadcast_in_dim3A_175 = vector.broadcast %jit3A : f32 to vector<16xf32>
      %select_n3A = arith.select %eq3A, %gather3A_174, %broadcast_in_dim3A_175 : vector<16xi1>, vector<16xf32>
      %masked_sort3A = arith.constant dense<true> : vector<16xi1>
      %masked_sort3A_176, %masked_sort3A_177, %masked_sort3A_178 = tpu.sort %select_n3A, %gather3A masked %masked_sort3A {descending = true} : (vector<16xf32>, vector<16xi32>, vector<16xi1>) -> (vector<16xi1>, vector<16xf32>, vector<16xi32>)
      %lt3A = arith.constant 8 : i32
      %lt3A_179 = vector.broadcast %lt3A : i32 to vector<16xi32>
      %lt3A_180 = arith.cmpi slt, %iota3A, %lt3A_179 : vector<16xi32>
      %jit3A_181 = arith.constant -1.000000e+30 : f32
      %broadcast_in_dim3A_182 = vector.broadcast %jit3A_181 : f32 to vector<16xf32>
      %select_n3A_183 = arith.select %lt3A_180, %masked_sort3A_177, %broadcast_in_dim3A_182 : vector<16xi1>, vector<16xf32>
      %reduce_max3A = arith.constant true
      %reduce_max3A_184 = vector.broadcast %reduce_max3A : i1 to vector<16xi1>
      %reduce_max3A_185 = tpu.scan <max>, %select_n3A_183 masked %reduce_max3A_184 : vector<16xf32>, vector<16xi1> -> vector<16xf32>
      %reduce_max3A_186 = vector.extract %reduce_max3A_185[15] : f32 from vector<16xf32>
      %sub3A = vector.broadcast %reduce_max3A_186 : f32 to vector<16xf32>
      %sub3A_187 = arith.subf %select_n3A_183, %sub3A : vector<16xf32>
      %exp3A = math.exp %sub3A_187 : vector<16xf32>
      %reduce_sum3A = arith.constant true
      %reduce_sum3A_188 = vector.broadcast %reduce_sum3A : i1 to vector<16xi1>
      %reduce_sum3A_189 = tpu.scan <sum>, %exp3A masked %reduce_sum3A_188 : vector<16xf32>, vector<16xi1> -> vector<16xf32>
      %reduce_sum3A_190 = vector.extract %reduce_sum3A_189[15] : f32 from vector<16xf32>
      %div3A = vector.broadcast %reduce_sum3A_190 : f32 to vector<16xf32>
      %div3A_191 = arith.divf %exp3A, %div3A : vector<16xf32>
      %gt3A = arith.constant -5.000000e+29 : f32
      %gt3A_192 = vector.broadcast %gt3A : f32 to vector<16xf32>
      %gt3A_193 = arith.cmpf ogt, %masked_sort3A_177, %gt3A_192 : vector<16xf32>
      %and3A = arith.andi %lt3A_180, %gt3A_193 : vector<16xi1>
      %mul3A_194 = arith.constant 64 : i32
      %mul3A_195 = arith.muli %scan3A_163, %mul3A_194 : i32
      %add3A_196 = arith.constant 0 : i32
      %add3A_197 = arith.addi %mul3A_195, %add3A_196 : i32
      %swap3A = arith.index_cast %add3A_197 : i32 to index
      %swap3A_198 = tpu.vector_load %arg7[%swap3A] {strides = array<i32>} : memref<8192xf32, #tpu.memory_space<vmem>>, vector<16xf32>,
      tpu.vector_store %arg7[%swap3A], %broadcast_in_dim3A_46 {strides = array<i32>} : memref<8192xf32, #tpu.memory_space<vmem>>, vector<16xf32>,
      %mul3A_199 = arith.constant 64 : i32
      %mul3A_200 = arith.muli %scan3A_163, %mul3A_199 : i32
      %add3A_201 = arith.constant 16 : i32
      %add3A_202 = arith.addi %mul3A_200, %add3A_201 : i32
      %swap3A_203 = arith.index_cast %add3A_202 : i32 to index
      %swap3A_204 = tpu.vector_load %arg7[%swap3A_203] {strides = array<i32>} : memref<8192xf32, #tpu.memory_space<vmem>>, vector<16xf32>,
      tpu.vector_store %arg7[%swap3A_203], %broadcast_in_dim3A_46 {strides = array<i32>} : memref<8192xf32, #tpu.memory_space<vmem>>, vector<16xf32>,
      %mul3A_205 = arith.constant 64 : i32
      %mul3A_206 = arith.muli %scan3A_163, %mul3A_205 : i32
      %add3A_207 = arith.constant 32 : i32
      %add3A_208 = arith.addi %mul3A_206, %add3A_207 : i32
      %swap3A_209 = arith.index_cast %add3A_208 : i32 to index
      %swap3A_210 = tpu.vector_load %arg7[%swap3A_209] {strides = array<i32>} : memref<8192xf32, #tpu.memory_space<vmem>>, vector<16xf32>,
      tpu.vector_store %arg7[%swap3A_209], %broadcast_in_dim3A_46 {strides = array<i32>} : memref<8192xf32, #tpu.memory_space<vmem>>, vector<16xf32>,
      %mul3A_211 = arith.constant 64 : i32
      %mul3A_212 = arith.muli %scan3A_163, %mul3A_211 : i32
      %add3A_213 = arith.constant 48 : i32
      %add3A_214 = arith.addi %mul3A_212, %add3A_213 : i32
      %swap3A_215 = arith.index_cast %add3A_214 : i32 to index
      %swap3A_216 = tpu.vector_load %arg7[%swap3A_215] {strides = array<i32>} : memref<8192xf32, #tpu.memory_space<vmem>>, vector<16xf32>,
      tpu.vector_store %arg7[%swap3A_215], %broadcast_in_dim3A_46 {strides = array<i32>} : memref<8192xf32, #tpu.memory_space<vmem>>, vector<16xf32>,
      %mul3A_217 = arith.constant 64 : i32
      %mul3A_218 = arith.muli %scan3A_163, %mul3A_217 : i32
      %add3A_219 = vector.broadcast %mul3A_218 : i32 to vector<16xi32>
      %add3A_220 = arith.addi %add3A_219, %masked_sort3A_178 : vector<16xi32>
      tpu.vector_store_idx %arg7[%add3A_220], %div3A_191 masked %and3A : memref<8192xf32, #tpu.memory_space<vmem>>[vector<16xi32>], vector<16xf32>, vector<16xi1>
      %scan3A_221 = arith.constant 0 : i32
      %scan3A_222 = arith.constant 1 : i32
      %scan3A_223 = arith.addi %scan3A_163, %scan3A_222 : i32
      %mul3A_224 = arith.constant 16 : i32
      %mul3A_225 = arith.muli %scan3A_223, %mul3A_224 : i32
      %add3A_226 = vector.broadcast %mul3A_225 : i32 to vector<16xi32>
      %add3A_227 = arith.addi %add3A_226, %iota3A : vector<16xi32>
      %gather3A_228 = tpu.vector_load_idx %arg6[%add3A_227] : memref<2048xi32, #tpu.memory_space<vmem>>[vector<16xi32>], vector<16xi32>,
      tpu.vector_store_idx %arg8[%gather3A_228], %iota3A : memref<64xi32, #tpu.memory_space<vmem>>[vector<16xi32>], vector<16xi32>,
      %gather3A_229 = tpu.vector_load_idx %arg8[%gather3A_228] : memref<64xi32, #tpu.memory_space<vmem>>[vector<16xi32>], vector<16xi32>,
      %eq3A_230 = arith.cmpi eq, %gather3A_229, %iota3A : vector<16xi32>
      %mul3A_231 = arith.constant 64 : i32
      %mul3A_232 = arith.muli %scan3A_223, %mul3A_231 : i32
      %add3A_233 = vector.broadcast %mul3A_232 : i32 to vector<16xi32>
      %add3A_234 = arith.addi %add3A_233, %gather3A_228 : vector<16xi32>
      %gather3A_235 = tpu.vector_load_idx %arg5[%add3A_234] : memref<8192xf32, #tpu.memory_space<vmem>>[vector<16xi32>], vector<16xf32>,
      %jit3A_236 = arith.constant -1.000000e+30 : f32
      %broadcast_in_dim3A_237 = vector.broadcast %jit3A_236 : f32 to vector<16xf32>
      %select_n3A_238 = arith.select %eq3A_230, %gather3A_235, %broadcast_in_dim3A_237 : vector<16xi1>, vector<16xf32>
      %masked_sort3A_239 = arith.constant dense<true> : vector<16xi1>
      %masked_sort3A_240, %masked_sort3A_241, %masked_sort3A_242 = tpu.sort %select_n3A_238, %gather3A_228 masked %masked_sort3A_239 {descending = true} : (vector<16xf32>, vector<16xi32>, vector<16xi1>) -> (vector<16xi1>, vector<16xf32>, vector<16xi32>)
      %lt3A_243 = arith.constant 8 : i32
      %lt3A_244 = vector.broadcast %lt3A_243 : i32 to vector<16xi32>
      %lt3A_245 = arith.cmpi slt, %iota3A, %lt3A_244 : vector<16xi32>
      %jit3A_246 = arith.constant -1.000000e+30 : f32
      %broadcast_in_dim3A_247 = vector.broadcast %jit3A_246 : f32 to vector<16xf32>
      %select_n3A_248 = arith.select %lt3A_245, %masked_sort3A_241, %broadcast_in_dim3A_247 : vector<16xi1>, vector<16xf32>
      %reduce_max3A_249 = arith.constant true
      %reduce_max3A_250 = vector.broadcast %reduce_max3A_249 : i1 to vector<16xi1>
      %reduce_max3A_251 = tpu.scan <max>, %select_n3A_248 masked %reduce_max3A_250 : vector<16xf32>, vector<16xi1> -> vector<16xf32>
      %reduce_max3A_252 = vector.extract %reduce_max3A_251[15] : f32 from vector<16xf32>
      %sub3A_253 = vector.broadcast %reduce_max3A_252 : f32 to vector<16xf32>
      %sub3A_254 = arith.subf %select_n3A_248, %sub3A_253 : vector<16xf32>
      %exp3A_255 = math.exp %sub3A_254 : vector<16xf32>
      %reduce_sum3A_256 = arith.constant true
      %reduce_sum3A_257 = vector.broadcast %reduce_sum3A_256 : i1 to vector<16xi1>
      %reduce_sum3A_258 = tpu.scan <sum>, %exp3A_255 masked %reduce_sum3A_257 : vector<16xf32>, vector<16xi1> -> vector<16xf32>
      %reduce_sum3A_259 = vector.extract %reduce_sum3A_258[15] : f32 from vector<16xf32>
      %div3A_260 = vector.broadcast %reduce_sum3A_259 : f32 to vector<16xf32>
      %div3A_261 = arith.divf %exp3A_255, %div3A_260 : vector<16xf32>
      %gt3A_262 = arith.constant -5.000000e+29 : f32
      %gt3A_263 = vector.broadcast %gt3A_262 : f32 to vector<16xf32>
      %gt3A_264 = arith.cmpf ogt, %masked_sort3A_241, %gt3A_263 : vector<16xf32>
      %and3A_265 = arith.andi %lt3A_245, %gt3A_264 : vector<16xi1>
      %mul3A_266 = arith.constant 64 : i32
      %mul3A_267 = arith.muli %scan3A_223, %mul3A_266 : i32
      %add3A_268 = arith.constant 0 : i32
      %add3A_269 = arith.addi %mul3A_267, %add3A_268 : i32
      %swap3A_270 = arith.index_cast %add3A_269 : i32 to index
      %swap3A_271 = tpu.vector_load %arg7[%swap3A_270] {strides = array<i32>} : memref<8192xf32, #tpu.memory_space<vmem>>, vector<16xf32>,
      tpu.vector_store %arg7[%swap3A_270], %broadcast_in_dim3A_46 {strides = array<i32>} : memref<8192xf32, #tpu.memory_space<vmem>>, vector<16xf32>,
      %mul3A_272 = arith.constant 64 : i32
      %mul3A_273 = arith.muli %scan3A_223, %mul3A_272 : i32
      %add3A_274 = arith.constant 16 : i32
      %add3A_275 = arith.addi %mul3A_273, %add3A_274 : i32
      %swap3A_276 = arith.index_cast %add3A_275 : i32 to index
      %swap3A_277 = tpu.vector_load %arg7[%swap3A_276] {strides = array<i32>} : memref<8192xf32, #tpu.memory_space<vmem>>, vector<16xf32>,
      tpu.vector_store %arg7[%swap3A_276], %broadcast_in_dim3A_46 {strides = array<i32>} : memref<8192xf32, #tpu.memory_space<vmem>>, vector<16xf32>,
      %mul3A_278 = arith.constant 64 : i32
      %mul3A_279 = arith.muli %scan3A_223, %mul3A_278 : i32
      %add3A_280 = arith.constant 32 : i32
      %add3A_281 = arith.addi %mul3A_279, %add3A_280 : i32
      %swap3A_282 = arith.index_cast %add3A_281 : i32 to index
      %swap3A_283 = tpu.vector_load %arg7[%swap3A_282] {strides = array<i32>} : memref<8192xf32, #tpu.memory_space<vmem>>, vector<16xf32>,
      tpu.vector_store %arg7[%swap3A_282], %broadcast_in_dim3A_46 {strides = array<i32>} : memref<8192xf32, #tpu.memory_space<vmem>>, vector<16xf32>,
      %mul3A_284 = arith.constant 64 : i32
      %mul3A_285 = arith.muli %scan3A_223, %mul3A_284 : i32
      %add3A_286 = arith.constant 48 : i32
      %add3A_287 = arith.addi %mul3A_285, %add3A_286 : i32
      %swap3A_288 = arith.index_cast %add3A_287 : i32 to index
      %swap3A_289 = tpu.vector_load %arg7[%swap3A_288] {strides = array<i32>} : memref<8192xf32, #tpu.memory_space<vmem>>, vector<16xf32>,
      tpu.vector_store %arg7[%swap3A_288], %broadcast_in_dim3A_46 {strides = array<i32>} : memref<8192xf32, #tpu.memory_space<vmem>>, vector<16xf32>,
      %mul3A_290 = arith.constant 64 : i32
      %mul3A_291 = arith.muli %scan3A_223, %mul3A_290 : i32
      %add3A_292 = vector.broadcast %mul3A_291 : i32 to vector<16xi32>
      %add3A_293 = arith.addi %add3A_292, %masked_sort3A_242 : vector<16xi32>
      tpu.vector_store_idx %arg7[%add3A_293], %div3A_261 masked %and3A_265 : memref<8192xf32, #tpu.memory_space<vmem>>[vector<16xi32>], vector<16xf32>, vector<16xi1>
      %scan3A_294 = arith.constant 0 : i32
      %scan3A_295 = arith.constant 2 : i32
      %scan3A_296 = arith.addi %scan3A_163, %scan3A_295 : i32
      %mul3A_297 = arith.constant 16 : i32
      %mul3A_298 = arith.muli %scan3A_296, %mul3A_297 : i32
      %add3A_299 = vector.broadcast %mul3A_298 : i32 to vector<16xi32>
      %add3A_300 = arith.addi %add3A_299, %iota3A : vector<16xi32>
      %gather3A_301 = tpu.vector_load_idx %arg6[%add3A_300] : memref<2048xi32, #tpu.memory_space<vmem>>[vector<16xi32>], vector<16xi32>,
      tpu.vector_store_idx %arg8[%gather3A_301], %iota3A : memref<64xi32, #tpu.memory_space<vmem>>[vector<16xi32>], vector<16xi32>,
      %gather3A_302 = tpu.vector_load_idx %arg8[%gather3A_301] : memref<64xi32, #tpu.memory_space<vmem>>[vector<16xi32>], vector<16xi32>,
      %eq3A_303 = arith.cmpi eq, %gather3A_302, %iota3A : vector<16xi32>
      %mul3A_304 = arith.constant 64 : i32
      %mul3A_305 = arith.muli %scan3A_296, %mul3A_304 : i32
      %add3A_306 = vector.broadcast %mul3A_305 : i32 to vector<16xi32>
      %add3A_307 = arith.addi %add3A_306, %gather3A_301 : vector<16xi32>
      %gather3A_308 = tpu.vector_load_idx %arg5[%add3A_307] : memref<8192xf32, #tpu.memory_space<vmem>>[vector<16xi32>], vector<16xf32>,
      %jit3A_309 = arith.constant -1.000000e+30 : f32
      %broadcast_in_dim3A_310 = vector.broadcast %jit3A_309 : f32 to vector<16xf32>
      %select_n3A_311 = arith.select %eq3A_303, %gather3A_308, %broadcast_in_dim3A_310 : vector<16xi1>, vector<16xf32>
      %masked_sort3A_312 = arith.constant dense<true> : vector<16xi1>
      %masked_sort3A_313, %masked_sort3A_314, %masked_sort3A_315 = tpu.sort %select_n3A_311, %gather3A_301 masked %masked_sort3A_312 {descending = true} : (vector<16xf32>, vector<16xi32>, vector<16xi1>) -> (vector<16xi1>, vector<16xf32>, vector<16xi32>)
      %lt3A_316 = arith.constant 8 : i32
      %lt3A_317 = vector.broadcast %lt3A_316 : i32 to vector<16xi32>
      %lt3A_318 = arith.cmpi slt, %iota3A, %lt3A_317 : vector<16xi32>
      %jit3A_319 = arith.constant -1.000000e+30 : f32
      %broadcast_in_dim3A_320 = vector.broadcast %jit3A_319 : f32 to vector<16xf32>
      %select_n3A_321 = arith.select %lt3A_318, %masked_sort3A_314, %broadcast_in_dim3A_320 : vector<16xi1>, vector<16xf32>
      %reduce_max3A_322 = arith.constant true
      %reduce_max3A_323 = vector.broadcast %reduce_max3A_322 : i1 to vector<16xi1>
      %reduce_max3A_324 = tpu.scan <max>, %select_n3A_321 masked %reduce_max3A_323 : vector<16xf32>, vector<16xi1> -> vector<16xf32>
      %reduce_max3A_325 = vector.extract %reduce_max3A_324[15] : f32 from vector<16xf32>
      %sub3A_326 = vector.broadcast %reduce_max3A_325 : f32 to vector<16xf32>
      %sub3A_327 = arith.subf %select_n3A_321, %sub3A_326 : vector<16xf32>
      %exp3A_328 = math.exp %sub3A_327 : vector<16xf32>
      %reduce_sum3A_329 = arith.constant true
      %reduce_sum3A_330 = vector.broadcast %reduce_sum3A_329 : i1 to vector<16xi1>
      %reduce_sum3A_331 = tpu.scan <sum>, %exp3A_328 masked %reduce_sum3A_330 : vector<16xf32>, vector<16xi1> -> vector<16xf32>
      %reduce_sum3A_332 = vector.extract %reduce_sum3A_331[15] : f32 from vector<16xf32>
      %div3A_333 = vector.broadcast %reduce_sum3A_332 : f32 to vector<16xf32>
      %div3A_334 = arith.divf %exp3A_328, %div3A_333 : vector<16xf32>
      %gt3A_335 = arith.constant -5.000000e+29 : f32
      %gt3A_336 = vector.broadcast %gt3A_335 : f32 to vector<16xf32>
      %gt3A_337 = arith.cmpf ogt, %masked_sort3A_314, %gt3A_336 : vector<16xf32>
      %and3A_338 = arith.andi %lt3A_318, %gt3A_337 : vector<16xi1>
      %mul3A_339 = arith.constant 64 : i32
      %mul3A_340 = arith.muli %scan3A_296, %mul3A_339 : i32
      %add3A_341 = arith.constant 0 : i32
      %add3A_342 = arith.addi %mul3A_340, %add3A_341 : i32
      %swap3A_343 = arith.index_cast %add3A_342 : i32 to index
      %swap3A_344 = tpu.vector_load %arg7[%swap3A_343] {strides = array<i32>} : memref<8192xf32, #tpu.memory_space<vmem>>, vector<16xf32>,
      tpu.vector_store %arg7[%swap3A_343], %broadcast_in_dim3A_46 {strides = array<i32>} : memref<8192xf32, #tpu.memory_space<vmem>>, vector<16xf32>,
      %mul3A_345 = arith.constant 64 : i32
      %mul3A_346 = arith.muli %scan3A_296, %mul3A_345 : i32
      %add3A_347 = arith.constant 16 : i32
      %add3A_348 = arith.addi %mul3A_346, %add3A_347 : i32
      %swap3A_349 = arith.index_cast %add3A_348 : i32 to index
      %swap3A_350 = tpu.vector_load %arg7[%swap3A_349] {strides = array<i32>} : memref<8192xf32, #tpu.memory_space<vmem>>, vector<16xf32>,
      tpu.vector_store %arg7[%swap3A_349], %broadcast_in_dim3A_46 {strides = array<i32>} : memref<8192xf32, #tpu.memory_space<vmem>>, vector<16xf32>,
      %mul3A_351 = arith.constant 64 : i32
      %mul3A_352 = arith.muli %scan3A_296, %mul3A_351 : i32
      %add3A_353 = arith.constant 32 : i32
      %add3A_354 = arith.addi %mul3A_352, %add3A_353 : i32
      %swap3A_355 = arith.index_cast %add3A_354 : i32 to index
      %swap3A_356 = tpu.vector_load %arg7[%swap3A_355] {strides = array<i32>} : memref<8192xf32, #tpu.memory_space<vmem>>, vector<16xf32>,
      tpu.vector_store %arg7[%swap3A_355], %broadcast_in_dim3A_46 {strides = array<i32>} : memref<8192xf32, #tpu.memory_space<vmem>>, vector<16xf32>,
      %mul3A_357 = arith.constant 64 : i32
      %mul3A_358 = arith.muli %scan3A_296, %mul3A_357 : i32
      %add3A_359 = arith.constant 48 : i32
      %add3A_360 = arith.addi %mul3A_358, %add3A_359 : i32
      %swap3A_361 = arith.index_cast %add3A_360 : i32 to index
      %swap3A_362 = tpu.vector_load %arg7[%swap3A_361] {strides = array<i32>} : memref<8192xf32, #tpu.memory_space<vmem>>, vector<16xf32>,
      tpu.vector_store %arg7[%swap3A_361], %broadcast_in_dim3A_46 {strides = array<i32>} : memref<8192xf32, #tpu.memory_space<vmem>>, vector<16xf32>,
      %mul3A_363 = arith.constant 64 : i32
      %mul3A_364 = arith.muli %scan3A_296, %mul3A_363 : i32
      %add3A_365 = vector.broadcast %mul3A_364 : i32 to vector<16xi32>
      %add3A_366 = arith.addi %add3A_365, %masked_sort3A_315 : vector<16xi32>
      tpu.vector_store_idx %arg7[%add3A_366], %div3A_334 masked %and3A_338 : memref<8192xf32, #tpu.memory_space<vmem>>[vector<16xi32>], vector<16xf32>, vector<16xi1>
      %scan3A_367 = arith.constant 0 : i32
      %scan3A_368 = arith.constant 3 : i32
      %scan3A_369 = arith.addi %scan3A_163, %scan3A_368 : i32
      %mul3A_370 = arith.constant 16 : i32
      %mul3A_371 = arith.muli %scan3A_369, %mul3A_370 : i32
      %add3A_372 = vector.broadcast %mul3A_371 : i32 to vector<16xi32>
      %add3A_373 = arith.addi %add3A_372, %iota3A : vector<16xi32>
      %gather3A_374 = tpu.vector_load_idx %arg6[%add3A_373] : memref<2048xi32, #tpu.memory_space<vmem>>[vector<16xi32>], vector<16xi32>,
      tpu.vector_store_idx %arg8[%gather3A_374], %iota3A : memref<64xi32, #tpu.memory_space<vmem>>[vector<16xi32>], vector<16xi32>,
      %gather3A_375 = tpu.vector_load_idx %arg8[%gather3A_374] : memref<64xi32, #tpu.memory_space<vmem>>[vector<16xi32>], vector<16xi32>,
      %eq3A_376 = arith.cmpi eq, %gather3A_375, %iota3A : vector<16xi32>
      %mul3A_377 = arith.constant 64 : i32
      %mul3A_378 = arith.muli %scan3A_369, %mul3A_377 : i32
      %add3A_379 = vector.broadcast %mul3A_378 : i32 to vector<16xi32>
      %add3A_380 = arith.addi %add3A_379, %gather3A_374 : vector<16xi32>
      %gather3A_381 = tpu.vector_load_idx %arg5[%add3A_380] : memref<8192xf32, #tpu.memory_space<vmem>>[vector<16xi32>], vector<16xf32>,
      %jit3A_382 = arith.constant -1.000000e+30 : f32
      %broadcast_in_dim3A_383 = vector.broadcast %jit3A_382 : f32 to vector<16xf32>
      %select_n3A_384 = arith.select %eq3A_376, %gather3A_381, %broadcast_in_dim3A_383 : vector<16xi1>, vector<16xf32>
      %masked_sort3A_385 = arith.constant dense<true> : vector<16xi1>
      %masked_sort3A_386, %masked_sort3A_387, %masked_sort3A_388 = tpu.sort %select_n3A_384, %gather3A_374 masked %masked_sort3A_385 {descending = true} : (vector<16xf32>, vector<16xi32>, vector<16xi1>) -> (vector<16xi1>, vector<16xf32>, vector<16xi32>)
      %lt3A_389 = arith.constant 8 : i32
      %lt3A_390 = vector.broadcast %lt3A_389 : i32 to vector<16xi32>
      %lt3A_391 = arith.cmpi slt, %iota3A, %lt3A_390 : vector<16xi32>
      %jit3A_392 = arith.constant -1.000000e+30 : f32
      %broadcast_in_dim3A_393 = vector.broadcast %jit3A_392 : f32 to vector<16xf32>
      %select_n3A_394 = arith.select %lt3A_391, %masked_sort3A_387, %broadcast_in_dim3A_393 : vector<16xi1>, vector<16xf32>
      %reduce_max3A_395 = arith.constant true
      %reduce_max3A_396 = vector.broadcast %reduce_max3A_395 : i1 to vector<16xi1>
      %reduce_max3A_397 = tpu.scan <max>, %select_n3A_394 masked %reduce_max3A_396 : vector<16xf32>, vector<16xi1> -> vector<16xf32>
      %reduce_max3A_398 = vector.extract %reduce_max3A_397[15] : f32 from vector<16xf32>
      %sub3A_399 = vector.broadcast %reduce_max3A_398 : f32 to vector<16xf32>
      %sub3A_400 = arith.subf %select_n3A_394, %sub3A_399 : vector<16xf32>
      %exp3A_401 = math.exp %sub3A_400 : vector<16xf32>
      %reduce_sum3A_402 = arith.constant true
      %reduce_sum3A_403 = vector.broadcast %reduce_sum3A_402 : i1 to vector<16xi1>
      %reduce_sum3A_404 = tpu.scan <sum>, %exp3A_401 masked %reduce_sum3A_403 : vector<16xf32>, vector<16xi1> -> vector<16xf32>
      %reduce_sum3A_405 = vector.extract %reduce_sum3A_404[15] : f32 from vector<16xf32>
      %div3A_406 = vector.broadcast %reduce_sum3A_405 : f32 to vector<16xf32>
      %div3A_407 = arith.divf %exp3A_401, %div3A_406 : vector<16xf32>
      %gt3A_408 = arith.constant -5.000000e+29 : f32
      %gt3A_409 = vector.broadcast %gt3A_408 : f32 to vector<16xf32>
      %gt3A_410 = arith.cmpf ogt, %masked_sort3A_387, %gt3A_409 : vector<16xf32>
      %and3A_411 = arith.andi %lt3A_391, %gt3A_410 : vector<16xi1>
      %mul3A_412 = arith.constant 64 : i32
      %mul3A_413 = arith.muli %scan3A_369, %mul3A_412 : i32
      %add3A_414 = arith.constant 0 : i32
      %add3A_415 = arith.addi %mul3A_413, %add3A_414 : i32
      %swap3A_416 = arith.index_cast %add3A_415 : i32 to index
      %swap3A_417 = tpu.vector_load %arg7[%swap3A_416] {strides = array<i32>} : memref<8192xf32, #tpu.memory_space<vmem>>, vector<16xf32>,
      tpu.vector_store %arg7[%swap3A_416], %broadcast_in_dim3A_46 {strides = array<i32>} : memref<8192xf32, #tpu.memory_space<vmem>>, vector<16xf32>,
      %mul3A_418 = arith.constant 64 : i32
      %mul3A_419 = arith.muli %scan3A_369, %mul3A_418 : i32
      %add3A_420 = arith.constant 16 : i32
      %add3A_421 = arith.addi %mul3A_419, %add3A_420 : i32
      %swap3A_422 = arith.index_cast %add3A_421 : i32 to index
      %swap3A_423 = tpu.vector_load %arg7[%swap3A_422] {strides = array<i32>} : memref<8192xf32, #tpu.memory_space<vmem>>, vector<16xf32>,
      tpu.vector_store %arg7[%swap3A_422], %broadcast_in_dim3A_46 {strides = array<i32>} : memref<8192xf32, #tpu.memory_space<vmem>>, vector<16xf32>,
      %mul3A_424 = arith.constant 64 : i32
      %mul3A_425 = arith.muli %scan3A_369, %mul3A_424 : i32
      %add3A_426 = arith.constant 32 : i32
      %add3A_427 = arith.addi %mul3A_425, %add3A_426 : i32
      %swap3A_428 = arith.index_cast %add3A_427 : i32 to index
      %swap3A_429 = tpu.vector_load %arg7[%swap3A_428] {strides = array<i32>} : memref<8192xf32, #tpu.memory_space<vmem>>, vector<16xf32>,
      tpu.vector_store %arg7[%swap3A_428], %broadcast_in_dim3A_46 {strides = array<i32>} : memref<8192xf32, #tpu.memory_space<vmem>>, vector<16xf32>,
      %mul3A_430 = arith.constant 64 : i32
      %mul3A_431 = arith.muli %scan3A_369, %mul3A_430 : i32
      %add3A_432 = arith.constant 48 : i32
      %add3A_433 = arith.addi %mul3A_431, %add3A_432 : i32
      %swap3A_434 = arith.index_cast %add3A_433 : i32 to index
      %swap3A_435 = tpu.vector_load %arg7[%swap3A_434] {strides = array<i32>} : memref<8192xf32, #tpu.memory_space<vmem>>, vector<16xf32>,
      tpu.vector_store %arg7[%swap3A_434], %broadcast_in_dim3A_46 {strides = array<i32>} : memref<8192xf32, #tpu.memory_space<vmem>>, vector<16xf32>,
      %mul3A_436 = arith.constant 64 : i32
      %mul3A_437 = arith.muli %scan3A_369, %mul3A_436 : i32
      %add3A_438 = vector.broadcast %mul3A_437 : i32 to vector<16xi32>
      %add3A_439 = arith.addi %add3A_438, %masked_sort3A_388 : vector<16xi32>
      tpu.vector_store_idx %arg7[%add3A_439], %div3A_407 masked %and3A_411 : memref<8192xf32, #tpu.memory_space<vmem>>[vector<16xi32>], vector<16xf32>, vector<16xi1>
      %scan3A_440 = arith.constant 0 : i32
      scf.yield %scan3A_440 : i32
    }
    %scan3A_59 = arith.constant 32 : i32
    %add3A_60 = arith.constant 0 : i32
    %add3A_61 = arith.addi %mul3A_2, %add3A_60 : i32
    %mul3A_62 = arith.constant 64 : i32
    %mul3A_63 = arith.muli %add3A_61, %mul3A_62 : i32
    %dma_start3A_64 = arith.constant 0 : i32
    %dma_start3A_65 = tpu.memref_slice %arg7[%dma_start3A_64] : memref<8192xf32, #tpu.memory_space<vmem>> -> memref<2048xf32, #tpu.memory_space<vmem>>
    %dma_start3A_66 = tpu.memref_slice %arg4[%mul3A_63] : memref<262144xf32, #tpu.memory_space<hbm>> -> memref<2048xf32, #tpu.memory_space<hbm>>
    %dma_start3A_67 = tpu.memref_slice %arg4[%mul3A_63] : memref<262144xf32, #tpu.memory_space<hbm>> -> memref<2048xf32, #tpu.memory_space<hbm>>
    %dma_start3A_68 = arith.constant 0 : i32
    %dma_start3A_69 = tpu.memref_slice %arg7[%dma_start3A_68] : memref<8192xf32, #tpu.memory_space<vmem>> -> memref<2048xf32, #tpu.memory_space<vmem>>
    tpu.enqueue_dma source(%dma_start3A_69 : memref<2048xf32, #tpu.memory_space<vmem>>) target(%dma_start3A_67 : memref<2048xf32, #tpu.memory_space<hbm>>) target_semaphore(%arg11 : memref<!tpu.dma_semaphore, #tpu.memory_space<semaphore_mem>>)
    %dma_wait3A_70 = arith.constant 2048 : i32
    %dma_wait3A_71 = tpu.memref_slice %arg5[%dma_wait3A_70] : memref<8192xf32, #tpu.memory_space<vmem>> -> memref<2048xf32, #tpu.memory_space<vmem>>
    %dma_wait3A_72 = tpu.memref_slice %arg2[%mul3A_19] : memref<262144xf32, #tpu.memory_space<hbm>> -> memref<2048xf32, #tpu.memory_space<hbm>>
    %dma_wait3A_73 = arith.constant 2048 : i32
    %dma_wait3A_74 = tpu.memref_slice %arg5[%dma_wait3A_73] : memref<8192xf32, #tpu.memory_space<vmem>> -> memref<2048xf32, #tpu.memory_space<vmem>>
    %dma_wait3A_75 = tpu.memref_slice %arg2[%mul3A_19] : memref<262144xf32, #tpu.memory_space<hbm>> -> memref<2048xf32, #tpu.memory_space<hbm>>
    tpu.wait_dma2 semaphore(%arg10 : memref<!tpu.dma_semaphore, #tpu.memory_space<semaphore_mem>>) src(%dma_wait3A_75 : memref<2048xf32, #tpu.memory_space<hbm>>) dst(%dma_wait3A_74 : memref<2048xf32, #tpu.memory_space<vmem>>)
    %scan3A_76 = arith.constant 0 : i32
    %scan3A_77 = arith.constant 32 : i32
    %scan3A_78 = arith.constant 32 : i32
    %scan3A_79 = arith.addi %scan3A_77, %scan3A_78 : i32
    %scan3A_80 = arith.constant 4 : i32
    %scan3A_81 = scf.for %scan3A_163 = %scan3A_77 to %scan3A_79 step %scan3A_80 iter_args(%scan3A_164 = %scan3A_76) -> (i32)  : i32 {
      %mul3A_165 = arith.constant 16 : i32
      %mul3A_166 = arith.muli %scan3A_163, %mul3A_165 : i32
      %add3A_167 = vector.broadcast %mul3A_166 : i32 to vector<16xi32>
      %add3A_168 = arith.addi %add3A_167, %iota3A : vector<16xi32>
      %gather3A = tpu.vector_load_idx %arg6[%add3A_168] : memref<2048xi32, #tpu.memory_space<vmem>>[vector<16xi32>], vector<16xi32>,
      tpu.vector_store_idx %arg8[%gather3A], %iota3A : memref<64xi32, #tpu.memory_space<vmem>>[vector<16xi32>], vector<16xi32>,
      %gather3A_169 = tpu.vector_load_idx %arg8[%gather3A] : memref<64xi32, #tpu.memory_space<vmem>>[vector<16xi32>], vector<16xi32>,
      %eq3A = arith.cmpi eq, %gather3A_169, %iota3A : vector<16xi32>
      %mul3A_170 = arith.constant 64 : i32
      %mul3A_171 = arith.muli %scan3A_163, %mul3A_170 : i32
      %add3A_172 = vector.broadcast %mul3A_171 : i32 to vector<16xi32>
      %add3A_173 = arith.addi %add3A_172, %gather3A : vector<16xi32>
      %gather3A_174 = tpu.vector_load_idx %arg5[%add3A_173] : memref<8192xf32, #tpu.memory_space<vmem>>[vector<16xi32>], vector<16xf32>,
      %jit3A = arith.constant -1.000000e+30 : f32
      %broadcast_in_dim3A_175 = vector.broadcast %jit3A : f32 to vector<16xf32>
      %select_n3A = arith.select %eq3A, %gather3A_174, %broadcast_in_dim3A_175 : vector<16xi1>, vector<16xf32>
      %masked_sort3A = arith.constant dense<true> : vector<16xi1>
      %masked_sort3A_176, %masked_sort3A_177, %masked_sort3A_178 = tpu.sort %select_n3A, %gather3A masked %masked_sort3A {descending = true} : (vector<16xf32>, vector<16xi32>, vector<16xi1>) -> (vector<16xi1>, vector<16xf32>, vector<16xi32>)
      %lt3A = arith.constant 8 : i32
      %lt3A_179 = vector.broadcast %lt3A : i32 to vector<16xi32>
      %lt3A_180 = arith.cmpi slt, %iota3A, %lt3A_179 : vector<16xi32>
      %jit3A_181 = arith.constant -1.000000e+30 : f32
      %broadcast_in_dim3A_182 = vector.broadcast %jit3A_181 : f32 to vector<16xf32>
      %select_n3A_183 = arith.select %lt3A_180, %masked_sort3A_177, %broadcast_in_dim3A_182 : vector<16xi1>, vector<16xf32>
      %reduce_max3A = arith.constant true
      %reduce_max3A_184 = vector.broadcast %reduce_max3A : i1 to vector<16xi1>
      %reduce_max3A_185 = tpu.scan <max>, %select_n3A_183 masked %reduce_max3A_184 : vector<16xf32>, vector<16xi1> -> vector<16xf32>
      %reduce_max3A_186 = vector.extract %reduce_max3A_185[15] : f32 from vector<16xf32>
      %sub3A = vector.broadcast %reduce_max3A_186 : f32 to vector<16xf32>
      %sub3A_187 = arith.subf %select_n3A_183, %sub3A : vector<16xf32>
      %exp3A = math.exp %sub3A_187 : vector<16xf32>
      %reduce_sum3A = arith.constant true
      %reduce_sum3A_188 = vector.broadcast %reduce_sum3A : i1 to vector<16xi1>
      %reduce_sum3A_189 = tpu.scan <sum>, %exp3A masked %reduce_sum3A_188 : vector<16xf32>, vector<16xi1> -> vector<16xf32>
      %reduce_sum3A_190 = vector.extract %reduce_sum3A_189[15] : f32 from vector<16xf32>
      %div3A = vector.broadcast %reduce_sum3A_190 : f32 to vector<16xf32>
      %div3A_191 = arith.divf %exp3A, %div3A : vector<16xf32>
      %gt3A = arith.constant -5.000000e+29 : f32
      %gt3A_192 = vector.broadcast %gt3A : f32 to vector<16xf32>
      %gt3A_193 = arith.cmpf ogt, %masked_sort3A_177, %gt3A_192 : vector<16xf32>
      %and3A = arith.andi %lt3A_180, %gt3A_193 : vector<16xi1>
      %mul3A_194 = arith.constant 64 : i32
      %mul3A_195 = arith.muli %scan3A_163, %mul3A_194 : i32
      %add3A_196 = arith.constant 0 : i32
      %add3A_197 = arith.addi %mul3A_195, %add3A_196 : i32
      %swap3A = arith.index_cast %add3A_197 : i32 to index
      %swap3A_198 = tpu.vector_load %arg7[%swap3A] {strides = array<i32>} : memref<8192xf32, #tpu.memory_space<vmem>>, vector<16xf32>,
      tpu.vector_store %arg7[%swap3A], %broadcast_in_dim3A_46 {strides = array<i32>} : memref<8192xf32, #tpu.memory_space<vmem>>, vector<16xf32>,
      %mul3A_199 = arith.constant 64 : i32
      %mul3A_200 = arith.muli %scan3A_163, %mul3A_199 : i32
      %add3A_201 = arith.constant 16 : i32
      %add3A_202 = arith.addi %mul3A_200, %add3A_201 : i32
      %swap3A_203 = arith.index_cast %add3A_202 : i32 to index
      %swap3A_204 = tpu.vector_load %arg7[%swap3A_203] {strides = array<i32>} : memref<8192xf32, #tpu.memory_space<vmem>>, vector<16xf32>,
      tpu.vector_store %arg7[%swap3A_203], %broadcast_in_dim3A_46 {strides = array<i32>} : memref<8192xf32, #tpu.memory_space<vmem>>, vector<16xf32>,
      %mul3A_205 = arith.constant 64 : i32
      %mul3A_206 = arith.muli %scan3A_163, %mul3A_205 : i32
      %add3A_207 = arith.constant 32 : i32
      %add3A_208 = arith.addi %mul3A_206, %add3A_207 : i32
      %swap3A_209 = arith.index_cast %add3A_208 : i32 to index
      %swap3A_210 = tpu.vector_load %arg7[%swap3A_209] {strides = array<i32>} : memref<8192xf32, #tpu.memory_space<vmem>>, vector<16xf32>,
      tpu.vector_store %arg7[%swap3A_209], %broadcast_in_dim3A_46 {strides = array<i32>} : memref<8192xf32, #tpu.memory_space<vmem>>, vector<16xf32>,
      %mul3A_211 = arith.constant 64 : i32
      %mul3A_212 = arith.muli %scan3A_163, %mul3A_211 : i32
      %add3A_213 = arith.constant 48 : i32
      %add3A_214 = arith.addi %mul3A_212, %add3A_213 : i32
      %swap3A_215 = arith.index_cast %add3A_214 : i32 to index
      %swap3A_216 = tpu.vector_load %arg7[%swap3A_215] {strides = array<i32>} : memref<8192xf32, #tpu.memory_space<vmem>>, vector<16xf32>,
      tpu.vector_store %arg7[%swap3A_215], %broadcast_in_dim3A_46 {strides = array<i32>} : memref<8192xf32, #tpu.memory_space<vmem>>, vector<16xf32>,
      %mul3A_217 = arith.constant 64 : i32
      %mul3A_218 = arith.muli %scan3A_163, %mul3A_217 : i32
      %add3A_219 = vector.broadcast %mul3A_218 : i32 to vector<16xi32>
      %add3A_220 = arith.addi %add3A_219, %masked_sort3A_178 : vector<16xi32>
      tpu.vector_store_idx %arg7[%add3A_220], %div3A_191 masked %and3A : memref<8192xf32, #tpu.memory_space<vmem>>[vector<16xi32>], vector<16xf32>, vector<16xi1>
      %scan3A_221 = arith.constant 0 : i32
      %scan3A_222 = arith.constant 1 : i32
      %scan3A_223 = arith.addi %scan3A_163, %scan3A_222 : i32
      %mul3A_224 = arith.constant 16 : i32
      %mul3A_225 = arith.muli %scan3A_223, %mul3A_224 : i32
      %add3A_226 = vector.broadcast %mul3A_225 : i32 to vector<16xi32>
      %add3A_227 = arith.addi %add3A_226, %iota3A : vector<16xi32>
      %gather3A_228 = tpu.vector_load_idx %arg6[%add3A_227] : memref<2048xi32, #tpu.memory_space<vmem>>[vector<16xi32>], vector<16xi32>,
      tpu.vector_store_idx %arg8[%gather3A_228], %iota3A : memref<64xi32, #tpu.memory_space<vmem>>[vector<16xi32>], vector<16xi32>,
      %gather3A_229 = tpu.vector_load_idx %arg8[%gather3A_228] : memref<64xi32, #tpu.memory_space<vmem>>[vector<16xi32>], vector<16xi32>,
      %eq3A_230 = arith.cmpi eq, %gather3A_229, %iota3A : vector<16xi32>
      %mul3A_231 = arith.constant 64 : i32
      %mul3A_232 = arith.muli %scan3A_223, %mul3A_231 : i32
      %add3A_233 = vector.broadcast %mul3A_232 : i32 to vector<16xi32>
      %add3A_234 = arith.addi %add3A_233, %gather3A_228 : vector<16xi32>
      %gather3A_235 = tpu.vector_load_idx %arg5[%add3A_234] : memref<8192xf32, #tpu.memory_space<vmem>>[vector<16xi32>], vector<16xf32>,
      %jit3A_236 = arith.constant -1.000000e+30 : f32
      %broadcast_in_dim3A_237 = vector.broadcast %jit3A_236 : f32 to vector<16xf32>
      %select_n3A_238 = arith.select %eq3A_230, %gather3A_235, %broadcast_in_dim3A_237 : vector<16xi1>, vector<16xf32>
      %masked_sort3A_239 = arith.constant dense<true> : vector<16xi1>
      %masked_sort3A_240, %masked_sort3A_241, %masked_sort3A_242 = tpu.sort %select_n3A_238, %gather3A_228 masked %masked_sort3A_239 {descending = true} : (vector<16xf32>, vector<16xi32>, vector<16xi1>) -> (vector<16xi1>, vector<16xf32>, vector<16xi32>)
      %lt3A_243 = arith.constant 8 : i32
      %lt3A_244 = vector.broadcast %lt3A_243 : i32 to vector<16xi32>
      %lt3A_245 = arith.cmpi slt, %iota3A, %lt3A_244 : vector<16xi32>
      %jit3A_246 = arith.constant -1.000000e+30 : f32
      %broadcast_in_dim3A_247 = vector.broadcast %jit3A_246 : f32 to vector<16xf32>
      %select_n3A_248 = arith.select %lt3A_245, %masked_sort3A_241, %broadcast_in_dim3A_247 : vector<16xi1>, vector<16xf32>
      %reduce_max3A_249 = arith.constant true
      %reduce_max3A_250 = vector.broadcast %reduce_max3A_249 : i1 to vector<16xi1>
      %reduce_max3A_251 = tpu.scan <max>, %select_n3A_248 masked %reduce_max3A_250 : vector<16xf32>, vector<16xi1> -> vector<16xf32>
      %reduce_max3A_252 = vector.extract %reduce_max3A_251[15] : f32 from vector<16xf32>
      %sub3A_253 = vector.broadcast %reduce_max3A_252 : f32 to vector<16xf32>
      %sub3A_254 = arith.subf %select_n3A_248, %sub3A_253 : vector<16xf32>
      %exp3A_255 = math.exp %sub3A_254 : vector<16xf32>
      %reduce_sum3A_256 = arith.constant true
      %reduce_sum3A_257 = vector.broadcast %reduce_sum3A_256 : i1 to vector<16xi1>
      %reduce_sum3A_258 = tpu.scan <sum>, %exp3A_255 masked %reduce_sum3A_257 : vector<16xf32>, vector<16xi1> -> vector<16xf32>
      %reduce_sum3A_259 = vector.extract %reduce_sum3A_258[15] : f32 from vector<16xf32>
      %div3A_260 = vector.broadcast %reduce_sum3A_259 : f32 to vector<16xf32>
      %div3A_261 = arith.divf %exp3A_255, %div3A_260 : vector<16xf32>
      %gt3A_262 = arith.constant -5.000000e+29 : f32
      %gt3A_263 = vector.broadcast %gt3A_262 : f32 to vector<16xf32>
      %gt3A_264 = arith.cmpf ogt, %masked_sort3A_241, %gt3A_263 : vector<16xf32>
      %and3A_265 = arith.andi %lt3A_245, %gt3A_264 : vector<16xi1>
      %mul3A_266 = arith.constant 64 : i32
      %mul3A_267 = arith.muli %scan3A_223, %mul3A_266 : i32
      %add3A_268 = arith.constant 0 : i32
      %add3A_269 = arith.addi %mul3A_267, %add3A_268 : i32
      %swap3A_270 = arith.index_cast %add3A_269 : i32 to index
      %swap3A_271 = tpu.vector_load %arg7[%swap3A_270] {strides = array<i32>} : memref<8192xf32, #tpu.memory_space<vmem>>, vector<16xf32>,
      tpu.vector_store %arg7[%swap3A_270], %broadcast_in_dim3A_46 {strides = array<i32>} : memref<8192xf32, #tpu.memory_space<vmem>>, vector<16xf32>,
      %mul3A_272 = arith.constant 64 : i32
      %mul3A_273 = arith.muli %scan3A_223, %mul3A_272 : i32
      %add3A_274 = arith.constant 16 : i32
      %add3A_275 = arith.addi %mul3A_273, %add3A_274 : i32
      %swap3A_276 = arith.index_cast %add3A_275 : i32 to index
      %swap3A_277 = tpu.vector_load %arg7[%swap3A_276] {strides = array<i32>} : memref<8192xf32, #tpu.memory_space<vmem>>, vector<16xf32>,
      tpu.vector_store %arg7[%swap3A_276], %broadcast_in_dim3A_46 {strides = array<i32>} : memref<8192xf32, #tpu.memory_space<vmem>>, vector<16xf32>,
      %mul3A_278 = arith.constant 64 : i32
      %mul3A_279 = arith.muli %scan3A_223, %mul3A_278 : i32
      %add3A_280 = arith.constant 32 : i32
      %add3A_281 = arith.addi %mul3A_279, %add3A_280 : i32
      %swap3A_282 = arith.index_cast %add3A_281 : i32 to index
      %swap3A_283 = tpu.vector_load %arg7[%swap3A_282] {strides = array<i32>} : memref<8192xf32, #tpu.memory_space<vmem>>, vector<16xf32>,
      tpu.vector_store %arg7[%swap3A_282], %broadcast_in_dim3A_46 {strides = array<i32>} : memref<8192xf32, #tpu.memory_space<vmem>>, vector<16xf32>,
      %mul3A_284 = arith.constant 64 : i32
      %mul3A_285 = arith.muli %scan3A_223, %mul3A_284 : i32
      %add3A_286 = arith.constant 48 : i32
      %add3A_287 = arith.addi %mul3A_285, %add3A_286 : i32
      %swap3A_288 = arith.index_cast %add3A_287 : i32 to index
      %swap3A_289 = tpu.vector_load %arg7[%swap3A_288] {strides = array<i32>} : memref<8192xf32, #tpu.memory_space<vmem>>, vector<16xf32>,
      tpu.vector_store %arg7[%swap3A_288], %broadcast_in_dim3A_46 {strides = array<i32>} : memref<8192xf32, #tpu.memory_space<vmem>>, vector<16xf32>,
      %mul3A_290 = arith.constant 64 : i32
      %mul3A_291 = arith.muli %scan3A_223, %mul3A_290 : i32
      %add3A_292 = vector.broadcast %mul3A_291 : i32 to vector<16xi32>
      %add3A_293 = arith.addi %add3A_292, %masked_sort3A_242 : vector<16xi32>
      tpu.vector_store_idx %arg7[%add3A_293], %div3A_261 masked %and3A_265 : memref<8192xf32, #tpu.memory_space<vmem>>[vector<16xi32>], vector<16xf32>, vector<16xi1>
      %scan3A_294 = arith.constant 0 : i32
      %scan3A_295 = arith.constant 2 : i32
      %scan3A_296 = arith.addi %scan3A_163, %scan3A_295 : i32
      %mul3A_297 = arith.constant 16 : i32
      %mul3A_298 = arith.muli %scan3A_296, %mul3A_297 : i32
      %add3A_299 = vector.broadcast %mul3A_298 : i32 to vector<16xi32>
      %add3A_300 = arith.addi %add3A_299, %iota3A : vector<16xi32>
      %gather3A_301 = tpu.vector_load_idx %arg6[%add3A_300] : memref<2048xi32, #tpu.memory_space<vmem>>[vector<16xi32>], vector<16xi32>,
      tpu.vector_store_idx %arg8[%gather3A_301], %iota3A : memref<64xi32, #tpu.memory_space<vmem>>[vector<16xi32>], vector<16xi32>,
      %gather3A_302 = tpu.vector_load_idx %arg8[%gather3A_301] : memref<64xi32, #tpu.memory_space<vmem>>[vector<16xi32>], vector<16xi32>,
      %eq3A_303 = arith.cmpi eq, %gather3A_302, %iota3A : vector<16xi32>
      %mul3A_304 = arith.constant 64 : i32
      %mul3A_305 = arith.muli %scan3A_296, %mul3A_304 : i32
      %add3A_306 = vector.broadcast %mul3A_305 : i32 to vector<16xi32>
      %add3A_307 = arith.addi %add3A_306, %gather3A_301 : vector<16xi32>
      %gather3A_308 = tpu.vector_load_idx %arg5[%add3A_307] : memref<8192xf32, #tpu.memory_space<vmem>>[vector<16xi32>], vector<16xf32>,
      %jit3A_309 = arith.constant -1.000000e+30 : f32
      %broadcast_in_dim3A_310 = vector.broadcast %jit3A_309 : f32 to vector<16xf32>
      %select_n3A_311 = arith.select %eq3A_303, %gather3A_308, %broadcast_in_dim3A_310 : vector<16xi1>, vector<16xf32>
      %masked_sort3A_312 = arith.constant dense<true> : vector<16xi1>
      %masked_sort3A_313, %masked_sort3A_314, %masked_sort3A_315 = tpu.sort %select_n3A_311, %gather3A_301 masked %masked_sort3A_312 {descending = true} : (vector<16xf32>, vector<16xi32>, vector<16xi1>) -> (vector<16xi1>, vector<16xf32>, vector<16xi32>)
      %lt3A_316 = arith.constant 8 : i32
      %lt3A_317 = vector.broadcast %lt3A_316 : i32 to vector<16xi32>
      %lt3A_318 = arith.cmpi slt, %iota3A, %lt3A_317 : vector<16xi32>
      %jit3A_319 = arith.constant -1.000000e+30 : f32
      %broadcast_in_dim3A_320 = vector.broadcast %jit3A_319 : f32 to vector<16xf32>
      %select_n3A_321 = arith.select %lt3A_318, %masked_sort3A_314, %broadcast_in_dim3A_320 : vector<16xi1>, vector<16xf32>
      %reduce_max3A_322 = arith.constant true
      %reduce_max3A_323 = vector.broadcast %reduce_max3A_322 : i1 to vector<16xi1>
      %reduce_max3A_324 = tpu.scan <max>, %select_n3A_321 masked %reduce_max3A_323 : vector<16xf32>, vector<16xi1> -> vector<16xf32>
      %reduce_max3A_325 = vector.extract %reduce_max3A_324[15] : f32 from vector<16xf32>
      %sub3A_326 = vector.broadcast %reduce_max3A_325 : f32 to vector<16xf32>
      %sub3A_327 = arith.subf %select_n3A_321, %sub3A_326 : vector<16xf32>
      %exp3A_328 = math.exp %sub3A_327 : vector<16xf32>
      %reduce_sum3A_329 = arith.constant true
      %reduce_sum3A_330 = vector.broadcast %reduce_sum3A_329 : i1 to vector<16xi1>
      %reduce_sum3A_331 = tpu.scan <sum>, %exp3A_328 masked %reduce_sum3A_330 : vector<16xf32>, vector<16xi1> -> vector<16xf32>
      %reduce_sum3A_332 = vector.extract %reduce_sum3A_331[15] : f32 from vector<16xf32>
      %div3A_333 = vector.broadcast %reduce_sum3A_332 : f32 to vector<16xf32>
      %div3A_334 = arith.divf %exp3A_328, %div3A_333 : vector<16xf32>
      %gt3A_335 = arith.constant -5.000000e+29 : f32
      %gt3A_336 = vector.broadcast %gt3A_335 : f32 to vector<16xf32>
      %gt3A_337 = arith.cmpf ogt, %masked_sort3A_314, %gt3A_336 : vector<16xf32>
      %and3A_338 = arith.andi %lt3A_318, %gt3A_337 : vector<16xi1>
      %mul3A_339 = arith.constant 64 : i32
      %mul3A_340 = arith.muli %scan3A_296, %mul3A_339 : i32
      %add3A_341 = arith.constant 0 : i32
      %add3A_342 = arith.addi %mul3A_340, %add3A_341 : i32
      %swap3A_343 = arith.index_cast %add3A_342 : i32 to index
      %swap3A_344 = tpu.vector_load %arg7[%swap3A_343] {strides = array<i32>} : memref<8192xf32, #tpu.memory_space<vmem>>, vector<16xf32>,
      tpu.vector_store %arg7[%swap3A_343], %broadcast_in_dim3A_46 {strides = array<i32>} : memref<8192xf32, #tpu.memory_space<vmem>>, vector<16xf32>,
      %mul3A_345 = arith.constant 64 : i32
      %mul3A_346 = arith.muli %scan3A_296, %mul3A_345 : i32
      %add3A_347 = arith.constant 16 : i32
      %add3A_348 = arith.addi %mul3A_346, %add3A_347 : i32
      %swap3A_349 = arith.index_cast %add3A_348 : i32 to index
      %swap3A_350 = tpu.vector_load %arg7[%swap3A_349] {strides = array<i32>} : memref<8192xf32, #tpu.memory_space<vmem>>, vector<16xf32>,
      tpu.vector_store %arg7[%swap3A_349], %broadcast_in_dim3A_46 {strides = array<i32>} : memref<8192xf32, #tpu.memory_space<vmem>>, vector<16xf32>,
      %mul3A_351 = arith.constant 64 : i32
      %mul3A_352 = arith.muli %scan3A_296, %mul3A_351 : i32
      %add3A_353 = arith.constant 32 : i32
      %add3A_354 = arith.addi %mul3A_352, %add3A_353 : i32
      %swap3A_355 = arith.index_cast %add3A_354 : i32 to index
      %swap3A_356 = tpu.vector_load %arg7[%swap3A_355] {strides = array<i32>} : memref<8192xf32, #tpu.memory_space<vmem>>, vector<16xf32>,
      tpu.vector_store %arg7[%swap3A_355], %broadcast_in_dim3A_46 {strides = array<i32>} : memref<8192xf32, #tpu.memory_space<vmem>>, vector<16xf32>,
      %mul3A_357 = arith.constant 64 : i32
      %mul3A_358 = arith.muli %scan3A_296, %mul3A_357 : i32
      %add3A_359 = arith.constant 48 : i32
      %add3A_360 = arith.addi %mul3A_358, %add3A_359 : i32
      %swap3A_361 = arith.index_cast %add3A_360 : i32 to index
      %swap3A_362 = tpu.vector_load %arg7[%swap3A_361] {strides = array<i32>} : memref<8192xf32, #tpu.memory_space<vmem>>, vector<16xf32>,
      tpu.vector_store %arg7[%swap3A_361], %broadcast_in_dim3A_46 {strides = array<i32>} : memref<8192xf32, #tpu.memory_space<vmem>>, vector<16xf32>,
      %mul3A_363 = arith.constant 64 : i32
      %mul3A_364 = arith.muli %scan3A_296, %mul3A_363 : i32
      %add3A_365 = vector.broadcast %mul3A_364 : i32 to vector<16xi32>
      %add3A_366 = arith.addi %add3A_365, %masked_sort3A_315 : vector<16xi32>
      tpu.vector_store_idx %arg7[%add3A_366], %div3A_334 masked %and3A_338 : memref<8192xf32, #tpu.memory_space<vmem>>[vector<16xi32>], vector<16xf32>, vector<16xi1>
      %scan3A_367 = arith.constant 0 : i32
      %scan3A_368 = arith.constant 3 : i32
      %scan3A_369 = arith.addi %scan3A_163, %scan3A_368 : i32
      %mul3A_370 = arith.constant 16 : i32
      %mul3A_371 = arith.muli %scan3A_369, %mul3A_370 : i32
      %add3A_372 = vector.broadcast %mul3A_371 : i32 to vector<16xi32>
      %add3A_373 = arith.addi %add3A_372, %iota3A : vector<16xi32>
      %gather3A_374 = tpu.vector_load_idx %arg6[%add3A_373] : memref<2048xi32, #tpu.memory_space<vmem>>[vector<16xi32>], vector<16xi32>,
      tpu.vector_store_idx %arg8[%gather3A_374], %iota3A : memref<64xi32, #tpu.memory_space<vmem>>[vector<16xi32>], vector<16xi32>,
      %gather3A_375 = tpu.vector_load_idx %arg8[%gather3A_374] : memref<64xi32, #tpu.memory_space<vmem>>[vector<16xi32>], vector<16xi32>,
      %eq3A_376 = arith.cmpi eq, %gather3A_375, %iota3A : vector<16xi32>
      %mul3A_377 = arith.constant 64 : i32
      %mul3A_378 = arith.muli %scan3A_369, %mul3A_377 : i32
      %add3A_379 = vector.broadcast %mul3A_378 : i32 to vector<16xi32>
      %add3A_380 = arith.addi %add3A_379, %gather3A_374 : vector<16xi32>
      %gather3A_381 = tpu.vector_load_idx %arg5[%add3A_380] : memref<8192xf32, #tpu.memory_space<vmem>>[vector<16xi32>], vector<16xf32>,
      %jit3A_382 = arith.constant -1.000000e+30 : f32
      %broadcast_in_dim3A_383 = vector.broadcast %jit3A_382 : f32 to vector<16xf32>
      %select_n3A_384 = arith.select %eq3A_376, %gather3A_381, %broadcast_in_dim3A_383 : vector<16xi1>, vector<16xf32>
      %masked_sort3A_385 = arith.constant dense<true> : vector<16xi1>
      %masked_sort3A_386, %masked_sort3A_387, %masked_sort3A_388 = tpu.sort %select_n3A_384, %gather3A_374 masked %masked_sort3A_385 {descending = true} : (vector<16xf32>, vector<16xi32>, vector<16xi1>) -> (vector<16xi1>, vector<16xf32>, vector<16xi32>)
      %lt3A_389 = arith.constant 8 : i32
      %lt3A_390 = vector.broadcast %lt3A_389 : i32 to vector<16xi32>
      %lt3A_391 = arith.cmpi slt, %iota3A, %lt3A_390 : vector<16xi32>
      %jit3A_392 = arith.constant -1.000000e+30 : f32
      %broadcast_in_dim3A_393 = vector.broadcast %jit3A_392 : f32 to vector<16xf32>
      %select_n3A_394 = arith.select %lt3A_391, %masked_sort3A_387, %broadcast_in_dim3A_393 : vector<16xi1>, vector<16xf32>
      %reduce_max3A_395 = arith.constant true
      %reduce_max3A_396 = vector.broadcast %reduce_max3A_395 : i1 to vector<16xi1>
      %reduce_max3A_397 = tpu.scan <max>, %select_n3A_394 masked %reduce_max3A_396 : vector<16xf32>, vector<16xi1> -> vector<16xf32>
      %reduce_max3A_398 = vector.extract %reduce_max3A_397[15] : f32 from vector<16xf32>
      %sub3A_399 = vector.broadcast %reduce_max3A_398 : f32 to vector<16xf32>
      %sub3A_400 = arith.subf %select_n3A_394, %sub3A_399 : vector<16xf32>
      %exp3A_401 = math.exp %sub3A_400 : vector<16xf32>
      %reduce_sum3A_402 = arith.constant true
      %reduce_sum3A_403 = vector.broadcast %reduce_sum3A_402 : i1 to vector<16xi1>
      %reduce_sum3A_404 = tpu.scan <sum>, %exp3A_401 masked %reduce_sum3A_403 : vector<16xf32>, vector<16xi1> -> vector<16xf32>
      %reduce_sum3A_405 = vector.extract %reduce_sum3A_404[15] : f32 from vector<16xf32>
      %div3A_406 = vector.broadcast %reduce_sum3A_405 : f32 to vector<16xf32>
      %div3A_407 = arith.divf %exp3A_401, %div3A_406 : vector<16xf32>
      %gt3A_408 = arith.constant -5.000000e+29 : f32
      %gt3A_409 = vector.broadcast %gt3A_408 : f32 to vector<16xf32>
      %gt3A_410 = arith.cmpf ogt, %masked_sort3A_387, %gt3A_409 : vector<16xf32>
      %and3A_411 = arith.andi %lt3A_391, %gt3A_410 : vector<16xi1>
      %mul3A_412 = arith.constant 64 : i32
      %mul3A_413 = arith.muli %scan3A_369, %mul3A_412 : i32
      %add3A_414 = arith.constant 0 : i32
      %add3A_415 = arith.addi %mul3A_413, %add3A_414 : i32
      %swap3A_416 = arith.index_cast %add3A_415 : i32 to index
      %swap3A_417 = tpu.vector_load %arg7[%swap3A_416] {strides = array<i32>} : memref<8192xf32, #tpu.memory_space<vmem>>, vector<16xf32>,
      tpu.vector_store %arg7[%swap3A_416], %broadcast_in_dim3A_46 {strides = array<i32>} : memref<8192xf32, #tpu.memory_space<vmem>>, vector<16xf32>,
      %mul3A_418 = arith.constant 64 : i32
      %mul3A_419 = arith.muli %scan3A_369, %mul3A_418 : i32
      %add3A_420 = arith.constant 16 : i32
      %add3A_421 = arith.addi %mul3A_419, %add3A_420 : i32
      %swap3A_422 = arith.index_cast %add3A_421 : i32 to index
      %swap3A_423 = tpu.vector_load %arg7[%swap3A_422] {strides = array<i32>} : memref<8192xf32, #tpu.memory_space<vmem>>, vector<16xf32>,
      tpu.vector_store %arg7[%swap3A_422], %broadcast_in_dim3A_46 {strides = array<i32>} : memref<8192xf32, #tpu.memory_space<vmem>>, vector<16xf32>,
      %mul3A_424 = arith.constant 64 : i32
      %mul3A_425 = arith.muli %scan3A_369, %mul3A_424 : i32
      %add3A_426 = arith.constant 32 : i32
      %add3A_427 = arith.addi %mul3A_425, %add3A_426 : i32
      %swap3A_428 = arith.index_cast %add3A_427 : i32 to index
      %swap3A_429 = tpu.vector_load %arg7[%swap3A_428] {strides = array<i32>} : memref<8192xf32, #tpu.memory_space<vmem>>, vector<16xf32>,
      tpu.vector_store %arg7[%swap3A_428], %broadcast_in_dim3A_46 {strides = array<i32>} : memref<8192xf32, #tpu.memory_space<vmem>>, vector<16xf32>,
      %mul3A_430 = arith.constant 64 : i32
      %mul3A_431 = arith.muli %scan3A_369, %mul3A_430 : i32
      %add3A_432 = arith.constant 48 : i32
      %add3A_433 = arith.addi %mul3A_431, %add3A_432 : i32
      %swap3A_434 = arith.index_cast %add3A_433 : i32 to index
      %swap3A_435 = tpu.vector_load %arg7[%swap3A_434] {strides = array<i32>} : memref<8192xf32, #tpu.memory_space<vmem>>, vector<16xf32>,
      tpu.vector_store %arg7[%swap3A_434], %broadcast_in_dim3A_46 {strides = array<i32>} : memref<8192xf32, #tpu.memory_space<vmem>>, vector<16xf32>,
      %mul3A_436 = arith.constant 64 : i32
      %mul3A_437 = arith.muli %scan3A_369, %mul3A_436 : i32
      %add3A_438 = vector.broadcast %mul3A_437 : i32 to vector<16xi32>
      %add3A_439 = arith.addi %add3A_438, %masked_sort3A_388 : vector<16xi32>
      tpu.vector_store_idx %arg7[%add3A_439], %div3A_407 masked %and3A_411 : memref<8192xf32, #tpu.memory_space<vmem>>[vector<16xi32>], vector<16xf32>, vector<16xi1>
      %scan3A_440 = arith.constant 0 : i32
      scf.yield %scan3A_440 : i32
    }
    %scan3A_82 = arith.constant 32 : i32
    %add3A_83 = arith.constant 32 : i32
    %add3A_84 = arith.addi %mul3A_2, %add3A_83 : i32
    %mul3A_85 = arith.constant 64 : i32
    %mul3A_86 = arith.muli %add3A_84, %mul3A_85 : i32
    %dma_start3A_87 = arith.constant 2048 : i32
    %dma_start3A_88 = tpu.memref_slice %arg7[%dma_start3A_87] : memref<8192xf32, #tpu.memory_space<vmem>> -> memref<2048xf32, #tpu.memory_space<vmem>>
    %dma_start3A_89 = tpu.memref_slice %arg4[%mul3A_86] : memref<262144xf32, #tpu.memory_space<hbm>> -> memref<2048xf32, #tpu.memory_space<hbm>>
    %dma_start3A_90 = tpu.memref_slice %arg4[%mul3A_86] : memref<262144xf32, #tpu.memory_space<hbm>> -> memref<2048xf32, #tpu.memory_space<hbm>>
    %dma_start3A_91 = arith.constant 2048 : i32
    %dma_start3A_92 = tpu.memref_slice %arg7[%dma_start3A_91] : memref<8192xf32, #tpu.memory_space<vmem>> -> memref<2048xf32, #tpu.memory_space<vmem>>
    tpu.enqueue_dma source(%dma_start3A_92 : memref<2048xf32, #tpu.memory_space<vmem>>) target(%dma_start3A_90 : memref<2048xf32, #tpu.memory_space<hbm>>) target_semaphore(%arg11 : memref<!tpu.dma_semaphore, #tpu.memory_space<semaphore_mem>>)
    %dma_wait3A_93 = arith.constant 4096 : i32
    %dma_wait3A_94 = tpu.memref_slice %arg5[%dma_wait3A_93] : memref<8192xf32, #tpu.memory_space<vmem>> -> memref<2048xf32, #tpu.memory_space<vmem>>
    %dma_wait3A_95 = tpu.memref_slice %arg2[%mul3A_29] : memref<262144xf32, #tpu.memory_space<hbm>> -> memref<2048xf32, #tpu.memory_space<hbm>>
    %dma_wait3A_96 = arith.constant 4096 : i32
    %dma_wait3A_97 = tpu.memref_slice %arg5[%dma_wait3A_96] : memref<8192xf32, #tpu.memory_space<vmem>> -> memref<2048xf32, #tpu.memory_space<vmem>>
    %dma_wait3A_98 = tpu.memref_slice %arg2[%mul3A_29] : memref<262144xf32, #tpu.memory_space<hbm>> -> memref<2048xf32, #tpu.memory_space<hbm>>
    tpu.wait_dma2 semaphore(%arg10 : memref<!tpu.dma_semaphore, #tpu.memory_space<semaphore_mem>>) src(%dma_wait3A_98 : memref<2048xf32, #tpu.memory_space<hbm>>) dst(%dma_wait3A_97 : memref<2048xf32, #tpu.memory_space<vmem>>)
    %scan3A_99 = arith.constant 0 : i32
    %scan3A_100 = arith.constant 64 : i32
    %scan3A_101 = arith.constant 32 : i32
    %scan3A_102 = arith.addi %scan3A_100, %scan3A_101 : i32
    %scan3A_103 = arith.constant 4 : i32
    %scan3A_104 = scf.for %scan3A_163 = %scan3A_100 to %scan3A_102 step %scan3A_103 iter_args(%scan3A_164 = %scan3A_99) -> (i32)  : i32 {
      %mul3A_165 = arith.constant 16 : i32
      %mul3A_166 = arith.muli %scan3A_163, %mul3A_165 : i32
      %add3A_167 = vector.broadcast %mul3A_166 : i32 to vector<16xi32>
      %add3A_168 = arith.addi %add3A_167, %iota3A : vector<16xi32>
      %gather3A = tpu.vector_load_idx %arg6[%add3A_168] : memref<2048xi32, #tpu.memory_space<vmem>>[vector<16xi32>], vector<16xi32>,
      tpu.vector_store_idx %arg8[%gather3A], %iota3A : memref<64xi32, #tpu.memory_space<vmem>>[vector<16xi32>], vector<16xi32>,
      %gather3A_169 = tpu.vector_load_idx %arg8[%gather3A] : memref<64xi32, #tpu.memory_space<vmem>>[vector<16xi32>], vector<16xi32>,
      %eq3A = arith.cmpi eq, %gather3A_169, %iota3A : vector<16xi32>
      %mul3A_170 = arith.constant 64 : i32
      %mul3A_171 = arith.muli %scan3A_163, %mul3A_170 : i32
      %add3A_172 = vector.broadcast %mul3A_171 : i32 to vector<16xi32>
      %add3A_173 = arith.addi %add3A_172, %gather3A : vector<16xi32>
      %gather3A_174 = tpu.vector_load_idx %arg5[%add3A_173] : memref<8192xf32, #tpu.memory_space<vmem>>[vector<16xi32>], vector<16xf32>,
      %jit3A = arith.constant -1.000000e+30 : f32
      %broadcast_in_dim3A_175 = vector.broadcast %jit3A : f32 to vector<16xf32>
      %select_n3A = arith.select %eq3A, %gather3A_174, %broadcast_in_dim3A_175 : vector<16xi1>, vector<16xf32>
      %masked_sort3A = arith.constant dense<true> : vector<16xi1>
      %masked_sort3A_176, %masked_sort3A_177, %masked_sort3A_178 = tpu.sort %select_n3A, %gather3A masked %masked_sort3A {descending = true} : (vector<16xf32>, vector<16xi32>, vector<16xi1>) -> (vector<16xi1>, vector<16xf32>, vector<16xi32>)
      %lt3A = arith.constant 8 : i32
      %lt3A_179 = vector.broadcast %lt3A : i32 to vector<16xi32>
      %lt3A_180 = arith.cmpi slt, %iota3A, %lt3A_179 : vector<16xi32>
      %jit3A_181 = arith.constant -1.000000e+30 : f32
      %broadcast_in_dim3A_182 = vector.broadcast %jit3A_181 : f32 to vector<16xf32>
      %select_n3A_183 = arith.select %lt3A_180, %masked_sort3A_177, %broadcast_in_dim3A_182 : vector<16xi1>, vector<16xf32>
      %reduce_max3A = arith.constant true
      %reduce_max3A_184 = vector.broadcast %reduce_max3A : i1 to vector<16xi1>
      %reduce_max3A_185 = tpu.scan <max>, %select_n3A_183 masked %reduce_max3A_184 : vector<16xf32>, vector<16xi1> -> vector<16xf32>
      %reduce_max3A_186 = vector.extract %reduce_max3A_185[15] : f32 from vector<16xf32>
      %sub3A = vector.broadcast %reduce_max3A_186 : f32 to vector<16xf32>
      %sub3A_187 = arith.subf %select_n3A_183, %sub3A : vector<16xf32>
      %exp3A = math.exp %sub3A_187 : vector<16xf32>
      %reduce_sum3A = arith.constant true
      %reduce_sum3A_188 = vector.broadcast %reduce_sum3A : i1 to vector<16xi1>
      %reduce_sum3A_189 = tpu.scan <sum>, %exp3A masked %reduce_sum3A_188 : vector<16xf32>, vector<16xi1> -> vector<16xf32>
      %reduce_sum3A_190 = vector.extract %reduce_sum3A_189[15] : f32 from vector<16xf32>
      %div3A = vector.broadcast %reduce_sum3A_190 : f32 to vector<16xf32>
      %div3A_191 = arith.divf %exp3A, %div3A : vector<16xf32>
      %gt3A = arith.constant -5.000000e+29 : f32
      %gt3A_192 = vector.broadcast %gt3A : f32 to vector<16xf32>
      %gt3A_193 = arith.cmpf ogt, %masked_sort3A_177, %gt3A_192 : vector<16xf32>
      %and3A = arith.andi %lt3A_180, %gt3A_193 : vector<16xi1>
      %mul3A_194 = arith.constant 64 : i32
      %mul3A_195 = arith.muli %scan3A_163, %mul3A_194 : i32
      %add3A_196 = arith.constant 0 : i32
      %add3A_197 = arith.addi %mul3A_195, %add3A_196 : i32
      %swap3A = arith.index_cast %add3A_197 : i32 to index
      %swap3A_198 = tpu.vector_load %arg7[%swap3A] {strides = array<i32>} : memref<8192xf32, #tpu.memory_space<vmem>>, vector<16xf32>,
      tpu.vector_store %arg7[%swap3A], %broadcast_in_dim3A_46 {strides = array<i32>} : memref<8192xf32, #tpu.memory_space<vmem>>, vector<16xf32>,
      %mul3A_199 = arith.constant 64 : i32
      %mul3A_200 = arith.muli %scan3A_163, %mul3A_199 : i32
      %add3A_201 = arith.constant 16 : i32
      %add3A_202 = arith.addi %mul3A_200, %add3A_201 : i32
      %swap3A_203 = arith.index_cast %add3A_202 : i32 to index
      %swap3A_204 = tpu.vector_load %arg7[%swap3A_203] {strides = array<i32>} : memref<8192xf32, #tpu.memory_space<vmem>>, vector<16xf32>,
      tpu.vector_store %arg7[%swap3A_203], %broadcast_in_dim3A_46 {strides = array<i32>} : memref<8192xf32, #tpu.memory_space<vmem>>, vector<16xf32>,
      %mul3A_205 = arith.constant 64 : i32
      %mul3A_206 = arith.muli %scan3A_163, %mul3A_205 : i32
      %add3A_207 = arith.constant 32 : i32
      %add3A_208 = arith.addi %mul3A_206, %add3A_207 : i32
      %swap3A_209 = arith.index_cast %add3A_208 : i32 to index
      %swap3A_210 = tpu.vector_load %arg7[%swap3A_209] {strides = array<i32>} : memref<8192xf32, #tpu.memory_space<vmem>>, vector<16xf32>,
      tpu.vector_store %arg7[%swap3A_209], %broadcast_in_dim3A_46 {strides = array<i32>} : memref<8192xf32, #tpu.memory_space<vmem>>, vector<16xf32>,
      %mul3A_211 = arith.constant 64 : i32
      %mul3A_212 = arith.muli %scan3A_163, %mul3A_211 : i32
      %add3A_213 = arith.constant 48 : i32
      %add3A_214 = arith.addi %mul3A_212, %add3A_213 : i32
      %swap3A_215 = arith.index_cast %add3A_214 : i32 to index
      %swap3A_216 = tpu.vector_load %arg7[%swap3A_215] {strides = array<i32>} : memref<8192xf32, #tpu.memory_space<vmem>>, vector<16xf32>,
      tpu.vector_store %arg7[%swap3A_215], %broadcast_in_dim3A_46 {strides = array<i32>} : memref<8192xf32, #tpu.memory_space<vmem>>, vector<16xf32>,
      %mul3A_217 = arith.constant 64 : i32
      %mul3A_218 = arith.muli %scan3A_163, %mul3A_217 : i32
      %add3A_219 = vector.broadcast %mul3A_218 : i32 to vector<16xi32>
      %add3A_220 = arith.addi %add3A_219, %masked_sort3A_178 : vector<16xi32>
      tpu.vector_store_idx %arg7[%add3A_220], %div3A_191 masked %and3A : memref<8192xf32, #tpu.memory_space<vmem>>[vector<16xi32>], vector<16xf32>, vector<16xi1>
      %scan3A_221 = arith.constant 0 : i32
      %scan3A_222 = arith.constant 1 : i32
      %scan3A_223 = arith.addi %scan3A_163, %scan3A_222 : i32
      %mul3A_224 = arith.constant 16 : i32
      %mul3A_225 = arith.muli %scan3A_223, %mul3A_224 : i32
      %add3A_226 = vector.broadcast %mul3A_225 : i32 to vector<16xi32>
      %add3A_227 = arith.addi %add3A_226, %iota3A : vector<16xi32>
      %gather3A_228 = tpu.vector_load_idx %arg6[%add3A_227] : memref<2048xi32, #tpu.memory_space<vmem>>[vector<16xi32>], vector<16xi32>,
      tpu.vector_store_idx %arg8[%gather3A_228], %iota3A : memref<64xi32, #tpu.memory_space<vmem>>[vector<16xi32>], vector<16xi32>,
      %gather3A_229 = tpu.vector_load_idx %arg8[%gather3A_228] : memref<64xi32, #tpu.memory_space<vmem>>[vector<16xi32>], vector<16xi32>,
      %eq3A_230 = arith.cmpi eq, %gather3A_229, %iota3A : vector<16xi32>
      %mul3A_231 = arith.constant 64 : i32
      %mul3A_232 = arith.muli %scan3A_223, %mul3A_231 : i32
      %add3A_233 = vector.broadcast %mul3A_232 : i32 to vector<16xi32>
      %add3A_234 = arith.addi %add3A_233, %gather3A_228 : vector<16xi32>
      %gather3A_235 = tpu.vector_load_idx %arg5[%add3A_234] : memref<8192xf32, #tpu.memory_space<vmem>>[vector<16xi32>], vector<16xf32>,
      %jit3A_236 = arith.constant -1.000000e+30 : f32
      %broadcast_in_dim3A_237 = vector.broadcast %jit3A_236 : f32 to vector<16xf32>
      %select_n3A_238 = arith.select %eq3A_230, %gather3A_235, %broadcast_in_dim3A_237 : vector<16xi1>, vector<16xf32>
      %masked_sort3A_239 = arith.constant dense<true> : vector<16xi1>
      %masked_sort3A_240, %masked_sort3A_241, %masked_sort3A_242 = tpu.sort %select_n3A_238, %gather3A_228 masked %masked_sort3A_239 {descending = true} : (vector<16xf32>, vector<16xi32>, vector<16xi1>) -> (vector<16xi1>, vector<16xf32>, vector<16xi32>)
      %lt3A_243 = arith.constant 8 : i32
      %lt3A_244 = vector.broadcast %lt3A_243 : i32 to vector<16xi32>
      %lt3A_245 = arith.cmpi slt, %iota3A, %lt3A_244 : vector<16xi32>
      %jit3A_246 = arith.constant -1.000000e+30 : f32
      %broadcast_in_dim3A_247 = vector.broadcast %jit3A_246 : f32 to vector<16xf32>
      %select_n3A_248 = arith.select %lt3A_245, %masked_sort3A_241, %broadcast_in_dim3A_247 : vector<16xi1>, vector<16xf32>
      %reduce_max3A_249 = arith.constant true
      %reduce_max3A_250 = vector.broadcast %reduce_max3A_249 : i1 to vector<16xi1>
      %reduce_max3A_251 = tpu.scan <max>, %select_n3A_248 masked %reduce_max3A_250 : vector<16xf32>, vector<16xi1> -> vector<16xf32>
      %reduce_max3A_252 = vector.extract %reduce_max3A_251[15] : f32 from vector<16xf32>
      %sub3A_253 = vector.broadcast %reduce_max3A_252 : f32 to vector<16xf32>
      %sub3A_254 = arith.subf %select_n3A_248, %sub3A_253 : vector<16xf32>
      %exp3A_255 = math.exp %sub3A_254 : vector<16xf32>
      %reduce_sum3A_256 = arith.constant true
      %reduce_sum3A_257 = vector.broadcast %reduce_sum3A_256 : i1 to vector<16xi1>
      %reduce_sum3A_258 = tpu.scan <sum>, %exp3A_255 masked %reduce_sum3A_257 : vector<16xf32>, vector<16xi1> -> vector<16xf32>
      %reduce_sum3A_259 = vector.extract %reduce_sum3A_258[15] : f32 from vector<16xf32>
      %div3A_260 = vector.broadcast %reduce_sum3A_259 : f32 to vector<16xf32>
      %div3A_261 = arith.divf %exp3A_255, %div3A_260 : vector<16xf32>
      %gt3A_262 = arith.constant -5.000000e+29 : f32
      %gt3A_263 = vector.broadcast %gt3A_262 : f32 to vector<16xf32>
      %gt3A_264 = arith.cmpf ogt, %masked_sort3A_241, %gt3A_263 : vector<16xf32>
      %and3A_265 = arith.andi %lt3A_245, %gt3A_264 : vector<16xi1>
      %mul3A_266 = arith.constant 64 : i32
      %mul3A_267 = arith.muli %scan3A_223, %mul3A_266 : i32
      %add3A_268 = arith.constant 0 : i32
      %add3A_269 = arith.addi %mul3A_267, %add3A_268 : i32
      %swap3A_270 = arith.index_cast %add3A_269 : i32 to index
      %swap3A_271 = tpu.vector_load %arg7[%swap3A_270] {strides = array<i32>} : memref<8192xf32, #tpu.memory_space<vmem>>, vector<16xf32>,
      tpu.vector_store %arg7[%swap3A_270], %broadcast_in_dim3A_46 {strides = array<i32>} : memref<8192xf32, #tpu.memory_space<vmem>>, vector<16xf32>,
      %mul3A_272 = arith.constant 64 : i32
      %mul3A_273 = arith.muli %scan3A_223, %mul3A_272 : i32
      %add3A_274 = arith.constant 16 : i32
      %add3A_275 = arith.addi %mul3A_273, %add3A_274 : i32
      %swap3A_276 = arith.index_cast %add3A_275 : i32 to index
      %swap3A_277 = tpu.vector_load %arg7[%swap3A_276] {strides = array<i32>} : memref<8192xf32, #tpu.memory_space<vmem>>, vector<16xf32>,
      tpu.vector_store %arg7[%swap3A_276], %broadcast_in_dim3A_46 {strides = array<i32>} : memref<8192xf32, #tpu.memory_space<vmem>>, vector<16xf32>,
      %mul3A_278 = arith.constant 64 : i32
      %mul3A_279 = arith.muli %scan3A_223, %mul3A_278 : i32
      %add3A_280 = arith.constant 32 : i32
      %add3A_281 = arith.addi %mul3A_279, %add3A_280 : i32
      %swap3A_282 = arith.index_cast %add3A_281 : i32 to index
      %swap3A_283 = tpu.vector_load %arg7[%swap3A_282] {strides = array<i32>} : memref<8192xf32, #tpu.memory_space<vmem>>, vector<16xf32>,
      tpu.vector_store %arg7[%swap3A_282], %broadcast_in_dim3A_46 {strides = array<i32>} : memref<8192xf32, #tpu.memory_space<vmem>>, vector<16xf32>,
      %mul3A_284 = arith.constant 64 : i32
      %mul3A_285 = arith.muli %scan3A_223, %mul3A_284 : i32
      %add3A_286 = arith.constant 48 : i32
      %add3A_287 = arith.addi %mul3A_285, %add3A_286 : i32
      %swap3A_288 = arith.index_cast %add3A_287 : i32 to index
      %swap3A_289 = tpu.vector_load %arg7[%swap3A_288] {strides = array<i32>} : memref<8192xf32, #tpu.memory_space<vmem>>, vector<16xf32>,
      tpu.vector_store %arg7[%swap3A_288], %broadcast_in_dim3A_46 {strides = array<i32>} : memref<8192xf32, #tpu.memory_space<vmem>>, vector<16xf32>,
      %mul3A_290 = arith.constant 64 : i32
      %mul3A_291 = arith.muli %scan3A_223, %mul3A_290 : i32
      %add3A_292 = vector.broadcast %mul3A_291 : i32 to vector<16xi32>
      %add3A_293 = arith.addi %add3A_292, %masked_sort3A_242 : vector<16xi32>
      tpu.vector_store_idx %arg7[%add3A_293], %div3A_261 masked %and3A_265 : memref<8192xf32, #tpu.memory_space<vmem>>[vector<16xi32>], vector<16xf32>, vector<16xi1>
      %scan3A_294 = arith.constant 0 : i32
      %scan3A_295 = arith.constant 2 : i32
      %scan3A_296 = arith.addi %scan3A_163, %scan3A_295 : i32
      %mul3A_297 = arith.constant 16 : i32
      %mul3A_298 = arith.muli %scan3A_296, %mul3A_297 : i32
      %add3A_299 = vector.broadcast %mul3A_298 : i32 to vector<16xi32>
      %add3A_300 = arith.addi %add3A_299, %iota3A : vector<16xi32>
      %gather3A_301 = tpu.vector_load_idx %arg6[%add3A_300] : memref<2048xi32, #tpu.memory_space<vmem>>[vector<16xi32>], vector<16xi32>,
      tpu.vector_store_idx %arg8[%gather3A_301], %iota3A : memref<64xi32, #tpu.memory_space<vmem>>[vector<16xi32>], vector<16xi32>,
      %gather3A_302 = tpu.vector_load_idx %arg8[%gather3A_301] : memref<64xi32, #tpu.memory_space<vmem>>[vector<16xi32>], vector<16xi32>,
      %eq3A_303 = arith.cmpi eq, %gather3A_302, %iota3A : vector<16xi32>
      %mul3A_304 = arith.constant 64 : i32
      %mul3A_305 = arith.muli %scan3A_296, %mul3A_304 : i32
      %add3A_306 = vector.broadcast %mul3A_305 : i32 to vector<16xi32>
      %add3A_307 = arith.addi %add3A_306, %gather3A_301 : vector<16xi32>
      %gather3A_308 = tpu.vector_load_idx %arg5[%add3A_307] : memref<8192xf32, #tpu.memory_space<vmem>>[vector<16xi32>], vector<16xf32>,
      %jit3A_309 = arith.constant -1.000000e+30 : f32
      %broadcast_in_dim3A_310 = vector.broadcast %jit3A_309 : f32 to vector<16xf32>
      %select_n3A_311 = arith.select %eq3A_303, %gather3A_308, %broadcast_in_dim3A_310 : vector<16xi1>, vector<16xf32>
      %masked_sort3A_312 = arith.constant dense<true> : vector<16xi1>
      %masked_sort3A_313, %masked_sort3A_314, %masked_sort3A_315 = tpu.sort %select_n3A_311, %gather3A_301 masked %masked_sort3A_312 {descending = true} : (vector<16xf32>, vector<16xi32>, vector<16xi1>) -> (vector<16xi1>, vector<16xf32>, vector<16xi32>)
      %lt3A_316 = arith.constant 8 : i32
      %lt3A_317 = vector.broadcast %lt3A_316 : i32 to vector<16xi32>
      %lt3A_318 = arith.cmpi slt, %iota3A, %lt3A_317 : vector<16xi32>
      %jit3A_319 = arith.constant -1.000000e+30 : f32
      %broadcast_in_dim3A_320 = vector.broadcast %jit3A_319 : f32 to vector<16xf32>
      %select_n3A_321 = arith.select %lt3A_318, %masked_sort3A_314, %broadcast_in_dim3A_320 : vector<16xi1>, vector<16xf32>
      %reduce_max3A_322 = arith.constant true
      %reduce_max3A_323 = vector.broadcast %reduce_max3A_322 : i1 to vector<16xi1>
      %reduce_max3A_324 = tpu.scan <max>, %select_n3A_321 masked %reduce_max3A_323 : vector<16xf32>, vector<16xi1> -> vector<16xf32>
      %reduce_max3A_325 = vector.extract %reduce_max3A_324[15] : f32 from vector<16xf32>
      %sub3A_326 = vector.broadcast %reduce_max3A_325 : f32 to vector<16xf32>
      %sub3A_327 = arith.subf %select_n3A_321, %sub3A_326 : vector<16xf32>
      %exp3A_328 = math.exp %sub3A_327 : vector<16xf32>
      %reduce_sum3A_329 = arith.constant true
      %reduce_sum3A_330 = vector.broadcast %reduce_sum3A_329 : i1 to vector<16xi1>
      %reduce_sum3A_331 = tpu.scan <sum>, %exp3A_328 masked %reduce_sum3A_330 : vector<16xf32>, vector<16xi1> -> vector<16xf32>
      %reduce_sum3A_332 = vector.extract %reduce_sum3A_331[15] : f32 from vector<16xf32>
      %div3A_333 = vector.broadcast %reduce_sum3A_332 : f32 to vector<16xf32>
      %div3A_334 = arith.divf %exp3A_328, %div3A_333 : vector<16xf32>
      %gt3A_335 = arith.constant -5.000000e+29 : f32
      %gt3A_336 = vector.broadcast %gt3A_335 : f32 to vector<16xf32>
      %gt3A_337 = arith.cmpf ogt, %masked_sort3A_314, %gt3A_336 : vector<16xf32>
      %and3A_338 = arith.andi %lt3A_318, %gt3A_337 : vector<16xi1>
      %mul3A_339 = arith.constant 64 : i32
      %mul3A_340 = arith.muli %scan3A_296, %mul3A_339 : i32
      %add3A_341 = arith.constant 0 : i32
      %add3A_342 = arith.addi %mul3A_340, %add3A_341 : i32
      %swap3A_343 = arith.index_cast %add3A_342 : i32 to index
      %swap3A_344 = tpu.vector_load %arg7[%swap3A_343] {strides = array<i32>} : memref<8192xf32, #tpu.memory_space<vmem>>, vector<16xf32>,
      tpu.vector_store %arg7[%swap3A_343], %broadcast_in_dim3A_46 {strides = array<i32>} : memref<8192xf32, #tpu.memory_space<vmem>>, vector<16xf32>,
      %mul3A_345 = arith.constant 64 : i32
      %mul3A_346 = arith.muli %scan3A_296, %mul3A_345 : i32
      %add3A_347 = arith.constant 16 : i32
      %add3A_348 = arith.addi %mul3A_346, %add3A_347 : i32
      %swap3A_349 = arith.index_cast %add3A_348 : i32 to index
      %swap3A_350 = tpu.vector_load %arg7[%swap3A_349] {strides = array<i32>} : memref<8192xf32, #tpu.memory_space<vmem>>, vector<16xf32>,
      tpu.vector_store %arg7[%swap3A_349], %broadcast_in_dim3A_46 {strides = array<i32>} : memref<8192xf32, #tpu.memory_space<vmem>>, vector<16xf32>,
      %mul3A_351 = arith.constant 64 : i32
      %mul3A_352 = arith.muli %scan3A_296, %mul3A_351 : i32
      %add3A_353 = arith.constant 32 : i32
      %add3A_354 = arith.addi %mul3A_352, %add3A_353 : i32
      %swap3A_355 = arith.index_cast %add3A_354 : i32 to index
      %swap3A_356 = tpu.vector_load %arg7[%swap3A_355] {strides = array<i32>} : memref<8192xf32, #tpu.memory_space<vmem>>, vector<16xf32>,
      tpu.vector_store %arg7[%swap3A_355], %broadcast_in_dim3A_46 {strides = array<i32>} : memref<8192xf32, #tpu.memory_space<vmem>>, vector<16xf32>,
      %mul3A_357 = arith.constant 64 : i32
      %mul3A_358 = arith.muli %scan3A_296, %mul3A_357 : i32
      %add3A_359 = arith.constant 48 : i32
      %add3A_360 = arith.addi %mul3A_358, %add3A_359 : i32
      %swap3A_361 = arith.index_cast %add3A_360 : i32 to index
      %swap3A_362 = tpu.vector_load %arg7[%swap3A_361] {strides = array<i32>} : memref<8192xf32, #tpu.memory_space<vmem>>, vector<16xf32>,
      tpu.vector_store %arg7[%swap3A_361], %broadcast_in_dim3A_46 {strides = array<i32>} : memref<8192xf32, #tpu.memory_space<vmem>>, vector<16xf32>,
      %mul3A_363 = arith.constant 64 : i32
      %mul3A_364 = arith.muli %scan3A_296, %mul3A_363 : i32
      %add3A_365 = vector.broadcast %mul3A_364 : i32 to vector<16xi32>
      %add3A_366 = arith.addi %add3A_365, %masked_sort3A_315 : vector<16xi32>
      tpu.vector_store_idx %arg7[%add3A_366], %div3A_334 masked %and3A_338 : memref<8192xf32, #tpu.memory_space<vmem>>[vector<16xi32>], vector<16xf32>, vector<16xi1>
      %scan3A_367 = arith.constant 0 : i32
      %scan3A_368 = arith.constant 3 : i32
      %scan3A_369 = arith.addi %scan3A_163, %scan3A_368 : i32
      %mul3A_370 = arith.constant 16 : i32
      %mul3A_371 = arith.muli %scan3A_369, %mul3A_370 : i32
      %add3A_372 = vector.broadcast %mul3A_371 : i32 to vector<16xi32>
      %add3A_373 = arith.addi %add3A_372, %iota3A : vector<16xi32>
      %gather3A_374 = tpu.vector_load_idx %arg6[%add3A_373] : memref<2048xi32, #tpu.memory_space<vmem>>[vector<16xi32>], vector<16xi32>,
      tpu.vector_store_idx %arg8[%gather3A_374], %iota3A : memref<64xi32, #tpu.memory_space<vmem>>[vector<16xi32>], vector<16xi32>,
      %gather3A_375 = tpu.vector_load_idx %arg8[%gather3A_374] : memref<64xi32, #tpu.memory_space<vmem>>[vector<16xi32>], vector<16xi32>,
      %eq3A_376 = arith.cmpi eq, %gather3A_375, %iota3A : vector<16xi32>
      %mul3A_377 = arith.constant 64 : i32
      %mul3A_378 = arith.muli %scan3A_369, %mul3A_377 : i32
      %add3A_379 = vector.broadcast %mul3A_378 : i32 to vector<16xi32>
      %add3A_380 = arith.addi %add3A_379, %gather3A_374 : vector<16xi32>
      %gather3A_381 = tpu.vector_load_idx %arg5[%add3A_380] : memref<8192xf32, #tpu.memory_space<vmem>>[vector<16xi32>], vector<16xf32>,
      %jit3A_382 = arith.constant -1.000000e+30 : f32
      %broadcast_in_dim3A_383 = vector.broadcast %jit3A_382 : f32 to vector<16xf32>
      %select_n3A_384 = arith.select %eq3A_376, %gather3A_381, %broadcast_in_dim3A_383 : vector<16xi1>, vector<16xf32>
      %masked_sort3A_385 = arith.constant dense<true> : vector<16xi1>
      %masked_sort3A_386, %masked_sort3A_387, %masked_sort3A_388 = tpu.sort %select_n3A_384, %gather3A_374 masked %masked_sort3A_385 {descending = true} : (vector<16xf32>, vector<16xi32>, vector<16xi1>) -> (vector<16xi1>, vector<16xf32>, vector<16xi32>)
      %lt3A_389 = arith.constant 8 : i32
      %lt3A_390 = vector.broadcast %lt3A_389 : i32 to vector<16xi32>
      %lt3A_391 = arith.cmpi slt, %iota3A, %lt3A_390 : vector<16xi32>
      %jit3A_392 = arith.constant -1.000000e+30 : f32
      %broadcast_in_dim3A_393 = vector.broadcast %jit3A_392 : f32 to vector<16xf32>
      %select_n3A_394 = arith.select %lt3A_391, %masked_sort3A_387, %broadcast_in_dim3A_393 : vector<16xi1>, vector<16xf32>
      %reduce_max3A_395 = arith.constant true
      %reduce_max3A_396 = vector.broadcast %reduce_max3A_395 : i1 to vector<16xi1>
      %reduce_max3A_397 = tpu.scan <max>, %select_n3A_394 masked %reduce_max3A_396 : vector<16xf32>, vector<16xi1> -> vector<16xf32>
      %reduce_max3A_398 = vector.extract %reduce_max3A_397[15] : f32 from vector<16xf32>
      %sub3A_399 = vector.broadcast %reduce_max3A_398 : f32 to vector<16xf32>
      %sub3A_400 = arith.subf %select_n3A_394, %sub3A_399 : vector<16xf32>
      %exp3A_401 = math.exp %sub3A_400 : vector<16xf32>
      %reduce_sum3A_402 = arith.constant true
      %reduce_sum3A_403 = vector.broadcast %reduce_sum3A_402 : i1 to vector<16xi1>
      %reduce_sum3A_404 = tpu.scan <sum>, %exp3A_401 masked %reduce_sum3A_403 : vector<16xf32>, vector<16xi1> -> vector<16xf32>
      %reduce_sum3A_405 = vector.extract %reduce_sum3A_404[15] : f32 from vector<16xf32>
      %div3A_406 = vector.broadcast %reduce_sum3A_405 : f32 to vector<16xf32>
      %div3A_407 = arith.divf %exp3A_401, %div3A_406 : vector<16xf32>
      %gt3A_408 = arith.constant -5.000000e+29 : f32
      %gt3A_409 = vector.broadcast %gt3A_408 : f32 to vector<16xf32>
      %gt3A_410 = arith.cmpf ogt, %masked_sort3A_387, %gt3A_409 : vector<16xf32>
      %and3A_411 = arith.andi %lt3A_391, %gt3A_410 : vector<16xi1>
      %mul3A_412 = arith.constant 64 : i32
      %mul3A_413 = arith.muli %scan3A_369, %mul3A_412 : i32
      %add3A_414 = arith.constant 0 : i32
      %add3A_415 = arith.addi %mul3A_413, %add3A_414 : i32
      %swap3A_416 = arith.index_cast %add3A_415 : i32 to index
      %swap3A_417 = tpu.vector_load %arg7[%swap3A_416] {strides = array<i32>} : memref<8192xf32, #tpu.memory_space<vmem>>, vector<16xf32>,
      tpu.vector_store %arg7[%swap3A_416], %broadcast_in_dim3A_46 {strides = array<i32>} : memref<8192xf32, #tpu.memory_space<vmem>>, vector<16xf32>,
      %mul3A_418 = arith.constant 64 : i32
      %mul3A_419 = arith.muli %scan3A_369, %mul3A_418 : i32
      %add3A_420 = arith.constant 16 : i32
      %add3A_421 = arith.addi %mul3A_419, %add3A_420 : i32
      %swap3A_422 = arith.index_cast %add3A_421 : i32 to index
      %swap3A_423 = tpu.vector_load %arg7[%swap3A_422] {strides = array<i32>} : memref<8192xf32, #tpu.memory_space<vmem>>, vector<16xf32>,
      tpu.vector_store %arg7[%swap3A_422], %broadcast_in_dim3A_46 {strides = array<i32>} : memref<8192xf32, #tpu.memory_space<vmem>>, vector<16xf32>,
      %mul3A_424 = arith.constant 64 : i32
      %mul3A_425 = arith.muli %scan3A_369, %mul3A_424 : i32
      %add3A_426 = arith.constant 32 : i32
      %add3A_427 = arith.addi %mul3A_425, %add3A_426 : i32
      %swap3A_428 = arith.index_cast %add3A_427 : i32 to index
      %swap3A_429 = tpu.vector_load %arg7[%swap3A_428] {strides = array<i32>} : memref<8192xf32, #tpu.memory_space<vmem>>, vector<16xf32>,
      tpu.vector_store %arg7[%swap3A_428], %broadcast_in_dim3A_46 {strides = array<i32>} : memref<8192xf32, #tpu.memory_space<vmem>>, vector<16xf32>,
      %mul3A_430 = arith.constant 64 : i32
      %mul3A_431 = arith.muli %scan3A_369, %mul3A_430 : i32
      %add3A_432 = arith.constant 48 : i32
      %add3A_433 = arith.addi %mul3A_431, %add3A_432 : i32
      %swap3A_434 = arith.index_cast %add3A_433 : i32 to index
      %swap3A_435 = tpu.vector_load %arg7[%swap3A_434] {strides = array<i32>} : memref<8192xf32, #tpu.memory_space<vmem>>, vector<16xf32>,
      tpu.vector_store %arg7[%swap3A_434], %broadcast_in_dim3A_46 {strides = array<i32>} : memref<8192xf32, #tpu.memory_space<vmem>>, vector<16xf32>,
      %mul3A_436 = arith.constant 64 : i32
      %mul3A_437 = arith.muli %scan3A_369, %mul3A_436 : i32
      %add3A_438 = vector.broadcast %mul3A_437 : i32 to vector<16xi32>
      %add3A_439 = arith.addi %add3A_438, %masked_sort3A_388 : vector<16xi32>
      tpu.vector_store_idx %arg7[%add3A_439], %div3A_407 masked %and3A_411 : memref<8192xf32, #tpu.memory_space<vmem>>[vector<16xi32>], vector<16xf32>, vector<16xi1>
      %scan3A_440 = arith.constant 0 : i32
      scf.yield %scan3A_440 : i32
    }
    %scan3A_105 = arith.constant 32 : i32
    %add3A_106 = arith.constant 64 : i32
    %add3A_107 = arith.addi %mul3A_2, %add3A_106 : i32
    %mul3A_108 = arith.constant 64 : i32
    %mul3A_109 = arith.muli %add3A_107, %mul3A_108 : i32
    %dma_start3A_110 = arith.constant 4096 : i32
    %dma_start3A_111 = tpu.memref_slice %arg7[%dma_start3A_110] : memref<8192xf32, #tpu.memory_space<vmem>> -> memref<2048xf32, #tpu.memory_space<vmem>>
    %dma_start3A_112 = tpu.memref_slice %arg4[%mul3A_109] : memref<262144xf32, #tpu.memory_space<hbm>> -> memref<2048xf32, #tpu.memory_space<hbm>>
    %dma_start3A_113 = tpu.memref_slice %arg4[%mul3A_109] : memref<262144xf32, #tpu.memory_space<hbm>> -> memref<2048xf32, #tpu.memory_space<hbm>>
    %dma_start3A_114 = arith.constant 4096 : i32
    %dma_start3A_115 = tpu.memref_slice %arg7[%dma_start3A_114] : memref<8192xf32, #tpu.memory_space<vmem>> -> memref<2048xf32, #tpu.memory_space<vmem>>
    tpu.enqueue_dma source(%dma_start3A_115 : memref<2048xf32, #tpu.memory_space<vmem>>) target(%dma_start3A_113 : memref<2048xf32, #tpu.memory_space<hbm>>) target_semaphore(%arg11 : memref<!tpu.dma_semaphore, #tpu.memory_space<semaphore_mem>>)
    %dma_wait3A_116 = arith.constant 6144 : i32
    %dma_wait3A_117 = tpu.memref_slice %arg5[%dma_wait3A_116] : memref<8192xf32, #tpu.memory_space<vmem>> -> memref<2048xf32, #tpu.memory_space<vmem>>
    %dma_wait3A_118 = tpu.memref_slice %arg2[%mul3A_39] : memref<262144xf32, #tpu.memory_space<hbm>> -> memref<2048xf32, #tpu.memory_space<hbm>>
    %dma_wait3A_119 = arith.constant 6144 : i32
    %dma_wait3A_120 = tpu.memref_slice %arg5[%dma_wait3A_119] : memref<8192xf32, #tpu.memory_space<vmem>> -> memref<2048xf32, #tpu.memory_space<vmem>>
    %dma_wait3A_121 = tpu.memref_slice %arg2[%mul3A_39] : memref<262144xf32, #tpu.memory_space<hbm>> -> memref<2048xf32, #tpu.memory_space<hbm>>
    tpu.wait_dma2 semaphore(%arg10 : memref<!tpu.dma_semaphore, #tpu.memory_space<semaphore_mem>>) src(%dma_wait3A_121 : memref<2048xf32, #tpu.memory_space<hbm>>) dst(%dma_wait3A_120 : memref<2048xf32, #tpu.memory_space<vmem>>)
    %scan3A_122 = arith.constant 0 : i32
    %scan3A_123 = arith.constant 96 : i32
    %scan3A_124 = arith.constant 32 : i32
    %scan3A_125 = arith.addi %scan3A_123, %scan3A_124 : i32
    %scan3A_126 = arith.constant 4 : i32
    %scan3A_127 = scf.for %scan3A_163 = %scan3A_123 to %scan3A_125 step %scan3A_126 iter_args(%scan3A_164 = %scan3A_122) -> (i32)  : i32 {
      %mul3A_165 = arith.constant 16 : i32
      %mul3A_166 = arith.muli %scan3A_163, %mul3A_165 : i32
      %add3A_167 = vector.broadcast %mul3A_166 : i32 to vector<16xi32>
      %add3A_168 = arith.addi %add3A_167, %iota3A : vector<16xi32>
      %gather3A = tpu.vector_load_idx %arg6[%add3A_168] : memref<2048xi32, #tpu.memory_space<vmem>>[vector<16xi32>], vector<16xi32>,
      tpu.vector_store_idx %arg8[%gather3A], %iota3A : memref<64xi32, #tpu.memory_space<vmem>>[vector<16xi32>], vector<16xi32>,
      %gather3A_169 = tpu.vector_load_idx %arg8[%gather3A] : memref<64xi32, #tpu.memory_space<vmem>>[vector<16xi32>], vector<16xi32>,
      %eq3A = arith.cmpi eq, %gather3A_169, %iota3A : vector<16xi32>
      %mul3A_170 = arith.constant 64 : i32
      %mul3A_171 = arith.muli %scan3A_163, %mul3A_170 : i32
      %add3A_172 = vector.broadcast %mul3A_171 : i32 to vector<16xi32>
      %add3A_173 = arith.addi %add3A_172, %gather3A : vector<16xi32>
      %gather3A_174 = tpu.vector_load_idx %arg5[%add3A_173] : memref<8192xf32, #tpu.memory_space<vmem>>[vector<16xi32>], vector<16xf32>,
      %jit3A = arith.constant -1.000000e+30 : f32
      %broadcast_in_dim3A_175 = vector.broadcast %jit3A : f32 to vector<16xf32>
      %select_n3A = arith.select %eq3A, %gather3A_174, %broadcast_in_dim3A_175 : vector<16xi1>, vector<16xf32>
      %masked_sort3A = arith.constant dense<true> : vector<16xi1>
      %masked_sort3A_176, %masked_sort3A_177, %masked_sort3A_178 = tpu.sort %select_n3A, %gather3A masked %masked_sort3A {descending = true} : (vector<16xf32>, vector<16xi32>, vector<16xi1>) -> (vector<16xi1>, vector<16xf32>, vector<16xi32>)
      %lt3A = arith.constant 8 : i32
      %lt3A_179 = vector.broadcast %lt3A : i32 to vector<16xi32>
      %lt3A_180 = arith.cmpi slt, %iota3A, %lt3A_179 : vector<16xi32>
      %jit3A_181 = arith.constant -1.000000e+30 : f32
      %broadcast_in_dim3A_182 = vector.broadcast %jit3A_181 : f32 to vector<16xf32>
      %select_n3A_183 = arith.select %lt3A_180, %masked_sort3A_177, %broadcast_in_dim3A_182 : vector<16xi1>, vector<16xf32>
      %reduce_max3A = arith.constant true
      %reduce_max3A_184 = vector.broadcast %reduce_max3A : i1 to vector<16xi1>
      %reduce_max3A_185 = tpu.scan <max>, %select_n3A_183 masked %reduce_max3A_184 : vector<16xf32>, vector<16xi1> -> vector<16xf32>
      %reduce_max3A_186 = vector.extract %reduce_max3A_185[15] : f32 from vector<16xf32>
      %sub3A = vector.broadcast %reduce_max3A_186 : f32 to vector<16xf32>
      %sub3A_187 = arith.subf %select_n3A_183, %sub3A : vector<16xf32>
      %exp3A = math.exp %sub3A_187 : vector<16xf32>
      %reduce_sum3A = arith.constant true
      %reduce_sum3A_188 = vector.broadcast %reduce_sum3A : i1 to vector<16xi1>
      %reduce_sum3A_189 = tpu.scan <sum>, %exp3A masked %reduce_sum3A_188 : vector<16xf32>, vector<16xi1> -> vector<16xf32>
      %reduce_sum3A_190 = vector.extract %reduce_sum3A_189[15] : f32 from vector<16xf32>
      %div3A = vector.broadcast %reduce_sum3A_190 : f32 to vector<16xf32>
      %div3A_191 = arith.divf %exp3A, %div3A : vector<16xf32>
      %gt3A = arith.constant -5.000000e+29 : f32
      %gt3A_192 = vector.broadcast %gt3A : f32 to vector<16xf32>
      %gt3A_193 = arith.cmpf ogt, %masked_sort3A_177, %gt3A_192 : vector<16xf32>
      %and3A = arith.andi %lt3A_180, %gt3A_193 : vector<16xi1>
      %mul3A_194 = arith.constant 64 : i32
      %mul3A_195 = arith.muli %scan3A_163, %mul3A_194 : i32
      %add3A_196 = arith.constant 0 : i32
      %add3A_197 = arith.addi %mul3A_195, %add3A_196 : i32
      %swap3A = arith.index_cast %add3A_197 : i32 to index
      %swap3A_198 = tpu.vector_load %arg7[%swap3A] {strides = array<i32>} : memref<8192xf32, #tpu.memory_space<vmem>>, vector<16xf32>,
      tpu.vector_store %arg7[%swap3A], %broadcast_in_dim3A_46 {strides = array<i32>} : memref<8192xf32, #tpu.memory_space<vmem>>, vector<16xf32>,
      %mul3A_199 = arith.constant 64 : i32
      %mul3A_200 = arith.muli %scan3A_163, %mul3A_199 : i32
      %add3A_201 = arith.constant 16 : i32
      %add3A_202 = arith.addi %mul3A_200, %add3A_201 : i32
      %swap3A_203 = arith.index_cast %add3A_202 : i32 to index
      %swap3A_204 = tpu.vector_load %arg7[%swap3A_203] {strides = array<i32>} : memref<8192xf32, #tpu.memory_space<vmem>>, vector<16xf32>,
      tpu.vector_store %arg7[%swap3A_203], %broadcast_in_dim3A_46 {strides = array<i32>} : memref<8192xf32, #tpu.memory_space<vmem>>, vector<16xf32>,
      %mul3A_205 = arith.constant 64 : i32
      %mul3A_206 = arith.muli %scan3A_163, %mul3A_205 : i32
      %add3A_207 = arith.constant 32 : i32
      %add3A_208 = arith.addi %mul3A_206, %add3A_207 : i32
      %swap3A_209 = arith.index_cast %add3A_208 : i32 to index
      %swap3A_210 = tpu.vector_load %arg7[%swap3A_209] {strides = array<i32>} : memref<8192xf32, #tpu.memory_space<vmem>>, vector<16xf32>,
      tpu.vector_store %arg7[%swap3A_209], %broadcast_in_dim3A_46 {strides = array<i32>} : memref<8192xf32, #tpu.memory_space<vmem>>, vector<16xf32>,
      %mul3A_211 = arith.constant 64 : i32
      %mul3A_212 = arith.muli %scan3A_163, %mul3A_211 : i32
      %add3A_213 = arith.constant 48 : i32
      %add3A_214 = arith.addi %mul3A_212, %add3A_213 : i32
      %swap3A_215 = arith.index_cast %add3A_214 : i32 to index
      %swap3A_216 = tpu.vector_load %arg7[%swap3A_215] {strides = array<i32>} : memref<8192xf32, #tpu.memory_space<vmem>>, vector<16xf32>,
      tpu.vector_store %arg7[%swap3A_215], %broadcast_in_dim3A_46 {strides = array<i32>} : memref<8192xf32, #tpu.memory_space<vmem>>, vector<16xf32>,
      %mul3A_217 = arith.constant 64 : i32
      %mul3A_218 = arith.muli %scan3A_163, %mul3A_217 : i32
      %add3A_219 = vector.broadcast %mul3A_218 : i32 to vector<16xi32>
      %add3A_220 = arith.addi %add3A_219, %masked_sort3A_178 : vector<16xi32>
      tpu.vector_store_idx %arg7[%add3A_220], %div3A_191 masked %and3A : memref<8192xf32, #tpu.memory_space<vmem>>[vector<16xi32>], vector<16xf32>, vector<16xi1>
      %scan3A_221 = arith.constant 0 : i32
      %scan3A_222 = arith.constant 1 : i32
      %scan3A_223 = arith.addi %scan3A_163, %scan3A_222 : i32
      %mul3A_224 = arith.constant 16 : i32
      %mul3A_225 = arith.muli %scan3A_223, %mul3A_224 : i32
      %add3A_226 = vector.broadcast %mul3A_225 : i32 to vector<16xi32>
      %add3A_227 = arith.addi %add3A_226, %iota3A : vector<16xi32>
      %gather3A_228 = tpu.vector_load_idx %arg6[%add3A_227] : memref<2048xi32, #tpu.memory_space<vmem>>[vector<16xi32>], vector<16xi32>,
      tpu.vector_store_idx %arg8[%gather3A_228], %iota3A : memref<64xi32, #tpu.memory_space<vmem>>[vector<16xi32>], vector<16xi32>,
      %gather3A_229 = tpu.vector_load_idx %arg8[%gather3A_228] : memref<64xi32, #tpu.memory_space<vmem>>[vector<16xi32>], vector<16xi32>,
      %eq3A_230 = arith.cmpi eq, %gather3A_229, %iota3A : vector<16xi32>
      %mul3A_231 = arith.constant 64 : i32
      %mul3A_232 = arith.muli %scan3A_223, %mul3A_231 : i32
      %add3A_233 = vector.broadcast %mul3A_232 : i32 to vector<16xi32>
      %add3A_234 = arith.addi %add3A_233, %gather3A_228 : vector<16xi32>
      %gather3A_235 = tpu.vector_load_idx %arg5[%add3A_234] : memref<8192xf32, #tpu.memory_space<vmem>>[vector<16xi32>], vector<16xf32>,
      %jit3A_236 = arith.constant -1.000000e+30 : f32
      %broadcast_in_dim3A_237 = vector.broadcast %jit3A_236 : f32 to vector<16xf32>
      %select_n3A_238 = arith.select %eq3A_230, %gather3A_235, %broadcast_in_dim3A_237 : vector<16xi1>, vector<16xf32>
      %masked_sort3A_239 = arith.constant dense<true> : vector<16xi1>
      %masked_sort3A_240, %masked_sort3A_241, %masked_sort3A_242 = tpu.sort %select_n3A_238, %gather3A_228 masked %masked_sort3A_239 {descending = true} : (vector<16xf32>, vector<16xi32>, vector<16xi1>) -> (vector<16xi1>, vector<16xf32>, vector<16xi32>)
      %lt3A_243 = arith.constant 8 : i32
      %lt3A_244 = vector.broadcast %lt3A_243 : i32 to vector<16xi32>
      %lt3A_245 = arith.cmpi slt, %iota3A, %lt3A_244 : vector<16xi32>
      %jit3A_246 = arith.constant -1.000000e+30 : f32
      %broadcast_in_dim3A_247 = vector.broadcast %jit3A_246 : f32 to vector<16xf32>
      %select_n3A_248 = arith.select %lt3A_245, %masked_sort3A_241, %broadcast_in_dim3A_247 : vector<16xi1>, vector<16xf32>
      %reduce_max3A_249 = arith.constant true
      %reduce_max3A_250 = vector.broadcast %reduce_max3A_249 : i1 to vector<16xi1>
      %reduce_max3A_251 = tpu.scan <max>, %select_n3A_248 masked %reduce_max3A_250 : vector<16xf32>, vector<16xi1> -> vector<16xf32>
      %reduce_max3A_252 = vector.extract %reduce_max3A_251[15] : f32 from vector<16xf32>
      %sub3A_253 = vector.broadcast %reduce_max3A_252 : f32 to vector<16xf32>
      %sub3A_254 = arith.subf %select_n3A_248, %sub3A_253 : vector<16xf32>
      %exp3A_255 = math.exp %sub3A_254 : vector<16xf32>
      %reduce_sum3A_256 = arith.constant true
      %reduce_sum3A_257 = vector.broadcast %reduce_sum3A_256 : i1 to vector<16xi1>
      %reduce_sum3A_258 = tpu.scan <sum>, %exp3A_255 masked %reduce_sum3A_257 : vector<16xf32>, vector<16xi1> -> vector<16xf32>
      %reduce_sum3A_259 = vector.extract %reduce_sum3A_258[15] : f32 from vector<16xf32>
      %div3A_260 = vector.broadcast %reduce_sum3A_259 : f32 to vector<16xf32>
      %div3A_261 = arith.divf %exp3A_255, %div3A_260 : vector<16xf32>
      %gt3A_262 = arith.constant -5.000000e+29 : f32
      %gt3A_263 = vector.broadcast %gt3A_262 : f32 to vector<16xf32>
      %gt3A_264 = arith.cmpf ogt, %masked_sort3A_241, %gt3A_263 : vector<16xf32>
      %and3A_265 = arith.andi %lt3A_245, %gt3A_264 : vector<16xi1>
      %mul3A_266 = arith.constant 64 : i32
      %mul3A_267 = arith.muli %scan3A_223, %mul3A_266 : i32
      %add3A_268 = arith.constant 0 : i32
      %add3A_269 = arith.addi %mul3A_267, %add3A_268 : i32
      %swap3A_270 = arith.index_cast %add3A_269 : i32 to index
      %swap3A_271 = tpu.vector_load %arg7[%swap3A_270] {strides = array<i32>} : memref<8192xf32, #tpu.memory_space<vmem>>, vector<16xf32>,
      tpu.vector_store %arg7[%swap3A_270], %broadcast_in_dim3A_46 {strides = array<i32>} : memref<8192xf32, #tpu.memory_space<vmem>>, vector<16xf32>,
      %mul3A_272 = arith.constant 64 : i32
      %mul3A_273 = arith.muli %scan3A_223, %mul3A_272 : i32
      %add3A_274 = arith.constant 16 : i32
      %add3A_275 = arith.addi %mul3A_273, %add3A_274 : i32
      %swap3A_276 = arith.index_cast %add3A_275 : i32 to index
      %swap3A_277 = tpu.vector_load %arg7[%swap3A_276] {strides = array<i32>} : memref<8192xf32, #tpu.memory_space<vmem>>, vector<16xf32>,
      tpu.vector_store %arg7[%swap3A_276], %broadcast_in_dim3A_46 {strides = array<i32>} : memref<8192xf32, #tpu.memory_space<vmem>>, vector<16xf32>,
      %mul3A_278 = arith.constant 64 : i32
      %mul3A_279 = arith.muli %scan3A_223, %mul3A_278 : i32
      %add3A_280 = arith.constant 32 : i32
      %add3A_281 = arith.addi %mul3A_279, %add3A_280 : i32
      %swap3A_282 = arith.index_cast %add3A_281 : i32 to index
      %swap3A_283 = tpu.vector_load %arg7[%swap3A_282] {strides = array<i32>} : memref<8192xf32, #tpu.memory_space<vmem>>, vector<16xf32>,
      tpu.vector_store %arg7[%swap3A_282], %broadcast_in_dim3A_46 {strides = array<i32>} : memref<8192xf32, #tpu.memory_space<vmem>>, vector<16xf32>,
      %mul3A_284 = arith.constant 64 : i32
      %mul3A_285 = arith.muli %scan3A_223, %mul3A_284 : i32
      %add3A_286 = arith.constant 48 : i32
      %add3A_287 = arith.addi %mul3A_285, %add3A_286 : i32
      %swap3A_288 = arith.index_cast %add3A_287 : i32 to index
      %swap3A_289 = tpu.vector_load %arg7[%swap3A_288] {strides = array<i32>} : memref<8192xf32, #tpu.memory_space<vmem>>, vector<16xf32>,
      tpu.vector_store %arg7[%swap3A_288], %broadcast_in_dim3A_46 {strides = array<i32>} : memref<8192xf32, #tpu.memory_space<vmem>>, vector<16xf32>,
      %mul3A_290 = arith.constant 64 : i32
      %mul3A_291 = arith.muli %scan3A_223, %mul3A_290 : i32
      %add3A_292 = vector.broadcast %mul3A_291 : i32 to vector<16xi32>
      %add3A_293 = arith.addi %add3A_292, %masked_sort3A_242 : vector<16xi32>
      tpu.vector_store_idx %arg7[%add3A_293], %div3A_261 masked %and3A_265 : memref<8192xf32, #tpu.memory_space<vmem>>[vector<16xi32>], vector<16xf32>, vector<16xi1>
      %scan3A_294 = arith.constant 0 : i32
      %scan3A_295 = arith.constant 2 : i32
      %scan3A_296 = arith.addi %scan3A_163, %scan3A_295 : i32
      %mul3A_297 = arith.constant 16 : i32
      %mul3A_298 = arith.muli %scan3A_296, %mul3A_297 : i32
      %add3A_299 = vector.broadcast %mul3A_298 : i32 to vector<16xi32>
      %add3A_300 = arith.addi %add3A_299, %iota3A : vector<16xi32>
      %gather3A_301 = tpu.vector_load_idx %arg6[%add3A_300] : memref<2048xi32, #tpu.memory_space<vmem>>[vector<16xi32>], vector<16xi32>,
      tpu.vector_store_idx %arg8[%gather3A_301], %iota3A : memref<64xi32, #tpu.memory_space<vmem>>[vector<16xi32>], vector<16xi32>,
      %gather3A_302 = tpu.vector_load_idx %arg8[%gather3A_301] : memref<64xi32, #tpu.memory_space<vmem>>[vector<16xi32>], vector<16xi32>,
      %eq3A_303 = arith.cmpi eq, %gather3A_302, %iota3A : vector<16xi32>
      %mul3A_304 = arith.constant 64 : i32
      %mul3A_305 = arith.muli %scan3A_296, %mul3A_304 : i32
      %add3A_306 = vector.broadcast %mul3A_305 : i32 to vector<16xi32>
      %add3A_307 = arith.addi %add3A_306, %gather3A_301 : vector<16xi32>
      %gather3A_308 = tpu.vector_load_idx %arg5[%add3A_307] : memref<8192xf32, #tpu.memory_space<vmem>>[vector<16xi32>], vector<16xf32>,
      %jit3A_309 = arith.constant -1.000000e+30 : f32
      %broadcast_in_dim3A_310 = vector.broadcast %jit3A_309 : f32 to vector<16xf32>
      %select_n3A_311 = arith.select %eq3A_303, %gather3A_308, %broadcast_in_dim3A_310 : vector<16xi1>, vector<16xf32>
      %masked_sort3A_312 = arith.constant dense<true> : vector<16xi1>
      %masked_sort3A_313, %masked_sort3A_314, %masked_sort3A_315 = tpu.sort %select_n3A_311, %gather3A_301 masked %masked_sort3A_312 {descending = true} : (vector<16xf32>, vector<16xi32>, vector<16xi1>) -> (vector<16xi1>, vector<16xf32>, vector<16xi32>)
      %lt3A_316 = arith.constant 8 : i32
      %lt3A_317 = vector.broadcast %lt3A_316 : i32 to vector<16xi32>
      %lt3A_318 = arith.cmpi slt, %iota3A, %lt3A_317 : vector<16xi32>
      %jit3A_319 = arith.constant -1.000000e+30 : f32
      %broadcast_in_dim3A_320 = vector.broadcast %jit3A_319 : f32 to vector<16xf32>
      %select_n3A_321 = arith.select %lt3A_318, %masked_sort3A_314, %broadcast_in_dim3A_320 : vector<16xi1>, vector<16xf32>
      %reduce_max3A_322 = arith.constant true
      %reduce_max3A_323 = vector.broadcast %reduce_max3A_322 : i1 to vector<16xi1>
      %reduce_max3A_324 = tpu.scan <max>, %select_n3A_321 masked %reduce_max3A_323 : vector<16xf32>, vector<16xi1> -> vector<16xf32>
      %reduce_max3A_325 = vector.extract %reduce_max3A_324[15] : f32 from vector<16xf32>
      %sub3A_326 = vector.broadcast %reduce_max3A_325 : f32 to vector<16xf32>
      %sub3A_327 = arith.subf %select_n3A_321, %sub3A_326 : vector<16xf32>
      %exp3A_328 = math.exp %sub3A_327 : vector<16xf32>
      %reduce_sum3A_329 = arith.constant true
      %reduce_sum3A_330 = vector.broadcast %reduce_sum3A_329 : i1 to vector<16xi1>
      %reduce_sum3A_331 = tpu.scan <sum>, %exp3A_328 masked %reduce_sum3A_330 : vector<16xf32>, vector<16xi1> -> vector<16xf32>
      %reduce_sum3A_332 = vector.extract %reduce_sum3A_331[15] : f32 from vector<16xf32>
      %div3A_333 = vector.broadcast %reduce_sum3A_332 : f32 to vector<16xf32>
      %div3A_334 = arith.divf %exp3A_328, %div3A_333 : vector<16xf32>
      %gt3A_335 = arith.constant -5.000000e+29 : f32
      %gt3A_336 = vector.broadcast %gt3A_335 : f32 to vector<16xf32>
      %gt3A_337 = arith.cmpf ogt, %masked_sort3A_314, %gt3A_336 : vector<16xf32>
      %and3A_338 = arith.andi %lt3A_318, %gt3A_337 : vector<16xi1>
      %mul3A_339 = arith.constant 64 : i32
      %mul3A_340 = arith.muli %scan3A_296, %mul3A_339 : i32
      %add3A_341 = arith.constant 0 : i32
      %add3A_342 = arith.addi %mul3A_340, %add3A_341 : i32
      %swap3A_343 = arith.index_cast %add3A_342 : i32 to index
      %swap3A_344 = tpu.vector_load %arg7[%swap3A_343] {strides = array<i32>} : memref<8192xf32, #tpu.memory_space<vmem>>, vector<16xf32>,
      tpu.vector_store %arg7[%swap3A_343], %broadcast_in_dim3A_46 {strides = array<i32>} : memref<8192xf32, #tpu.memory_space<vmem>>, vector<16xf32>,
      %mul3A_345 = arith.constant 64 : i32
      %mul3A_346 = arith.muli %scan3A_296, %mul3A_345 : i32
      %add3A_347 = arith.constant 16 : i32
      %add3A_348 = arith.addi %mul3A_346, %add3A_347 : i32
      %swap3A_349 = arith.index_cast %add3A_348 : i32 to index
      %swap3A_350 = tpu.vector_load %arg7[%swap3A_349] {strides = array<i32>} : memref<8192xf32, #tpu.memory_space<vmem>>, vector<16xf32>,
      tpu.vector_store %arg7[%swap3A_349], %broadcast_in_dim3A_46 {strides = array<i32>} : memref<8192xf32, #tpu.memory_space<vmem>>, vector<16xf32>,
      %mul3A_351 = arith.constant 64 : i32
      %mul3A_352 = arith.muli %scan3A_296, %mul3A_351 : i32
      %add3A_353 = arith.constant 32 : i32
      %add3A_354 = arith.addi %mul3A_352, %add3A_353 : i32
      %swap3A_355 = arith.index_cast %add3A_354 : i32 to index
      %swap3A_356 = tpu.vector_load %arg7[%swap3A_355] {strides = array<i32>} : memref<8192xf32, #tpu.memory_space<vmem>>, vector<16xf32>,
      tpu.vector_store %arg7[%swap3A_355], %broadcast_in_dim3A_46 {strides = array<i32>} : memref<8192xf32, #tpu.memory_space<vmem>>, vector<16xf32>,
      %mul3A_357 = arith.constant 64 : i32
      %mul3A_358 = arith.muli %scan3A_296, %mul3A_357 : i32
      %add3A_359 = arith.constant 48 : i32
      %add3A_360 = arith.addi %mul3A_358, %add3A_359 : i32
      %swap3A_361 = arith.index_cast %add3A_360 : i32 to index
      %swap3A_362 = tpu.vector_load %arg7[%swap3A_361] {strides = array<i32>} : memref<8192xf32, #tpu.memory_space<vmem>>, vector<16xf32>,
      tpu.vector_store %arg7[%swap3A_361], %broadcast_in_dim3A_46 {strides = array<i32>} : memref<8192xf32, #tpu.memory_space<vmem>>, vector<16xf32>,
      %mul3A_363 = arith.constant 64 : i32
      %mul3A_364 = arith.muli %scan3A_296, %mul3A_363 : i32
      %add3A_365 = vector.broadcast %mul3A_364 : i32 to vector<16xi32>
      %add3A_366 = arith.addi %add3A_365, %masked_sort3A_315 : vector<16xi32>
      tpu.vector_store_idx %arg7[%add3A_366], %div3A_334 masked %and3A_338 : memref<8192xf32, #tpu.memory_space<vmem>>[vector<16xi32>], vector<16xf32>, vector<16xi1>
      %scan3A_367 = arith.constant 0 : i32
      %scan3A_368 = arith.constant 3 : i32
      %scan3A_369 = arith.addi %scan3A_163, %scan3A_368 : i32
      %mul3A_370 = arith.constant 16 : i32
      %mul3A_371 = arith.muli %scan3A_369, %mul3A_370 : i32
      %add3A_372 = vector.broadcast %mul3A_371 : i32 to vector<16xi32>
      %add3A_373 = arith.addi %add3A_372, %iota3A : vector<16xi32>
      %gather3A_374 = tpu.vector_load_idx %arg6[%add3A_373] : memref<2048xi32, #tpu.memory_space<vmem>>[vector<16xi32>], vector<16xi32>,
      tpu.vector_store_idx %arg8[%gather3A_374], %iota3A : memref<64xi32, #tpu.memory_space<vmem>>[vector<16xi32>], vector<16xi32>,
      %gather3A_375 = tpu.vector_load_idx %arg8[%gather3A_374] : memref<64xi32, #tpu.memory_space<vmem>>[vector<16xi32>], vector<16xi32>,
      %eq3A_376 = arith.cmpi eq, %gather3A_375, %iota3A : vector<16xi32>
      %mul3A_377 = arith.constant 64 : i32
      %mul3A_378 = arith.muli %scan3A_369, %mul3A_377 : i32
      %add3A_379 = vector.broadcast %mul3A_378 : i32 to vector<16xi32>
      %add3A_380 = arith.addi %add3A_379, %gather3A_374 : vector<16xi32>
      %gather3A_381 = tpu.vector_load_idx %arg5[%add3A_380] : memref<8192xf32, #tpu.memory_space<vmem>>[vector<16xi32>], vector<16xf32>,
      %jit3A_382 = arith.constant -1.000000e+30 : f32
      %broadcast_in_dim3A_383 = vector.broadcast %jit3A_382 : f32 to vector<16xf32>
      %select_n3A_384 = arith.select %eq3A_376, %gather3A_381, %broadcast_in_dim3A_383 : vector<16xi1>, vector<16xf32>
      %masked_sort3A_385 = arith.constant dense<true> : vector<16xi1>
      %masked_sort3A_386, %masked_sort3A_387, %masked_sort3A_388 = tpu.sort %select_n3A_384, %gather3A_374 masked %masked_sort3A_385 {descending = true} : (vector<16xf32>, vector<16xi32>, vector<16xi1>) -> (vector<16xi1>, vector<16xf32>, vector<16xi32>)
      %lt3A_389 = arith.constant 8 : i32
      %lt3A_390 = vector.broadcast %lt3A_389 : i32 to vector<16xi32>
      %lt3A_391 = arith.cmpi slt, %iota3A, %lt3A_390 : vector<16xi32>
      %jit3A_392 = arith.constant -1.000000e+30 : f32
      %broadcast_in_dim3A_393 = vector.broadcast %jit3A_392 : f32 to vector<16xf32>
      %select_n3A_394 = arith.select %lt3A_391, %masked_sort3A_387, %broadcast_in_dim3A_393 : vector<16xi1>, vector<16xf32>
      %reduce_max3A_395 = arith.constant true
      %reduce_max3A_396 = vector.broadcast %reduce_max3A_395 : i1 to vector<16xi1>
      %reduce_max3A_397 = tpu.scan <max>, %select_n3A_394 masked %reduce_max3A_396 : vector<16xf32>, vector<16xi1> -> vector<16xf32>
      %reduce_max3A_398 = vector.extract %reduce_max3A_397[15] : f32 from vector<16xf32>
      %sub3A_399 = vector.broadcast %reduce_max3A_398 : f32 to vector<16xf32>
      %sub3A_400 = arith.subf %select_n3A_394, %sub3A_399 : vector<16xf32>
      %exp3A_401 = math.exp %sub3A_400 : vector<16xf32>
      %reduce_sum3A_402 = arith.constant true
      %reduce_sum3A_403 = vector.broadcast %reduce_sum3A_402 : i1 to vector<16xi1>
      %reduce_sum3A_404 = tpu.scan <sum>, %exp3A_401 masked %reduce_sum3A_403 : vector<16xf32>, vector<16xi1> -> vector<16xf32>
      %reduce_sum3A_405 = vector.extract %reduce_sum3A_404[15] : f32 from vector<16xf32>
      %div3A_406 = vector.broadcast %reduce_sum3A_405 : f32 to vector<16xf32>
      %div3A_407 = arith.divf %exp3A_401, %div3A_406 : vector<16xf32>
      %gt3A_408 = arith.constant -5.000000e+29 : f32
      %gt3A_409 = vector.broadcast %gt3A_408 : f32 to vector<16xf32>
      %gt3A_410 = arith.cmpf ogt, %masked_sort3A_387, %gt3A_409 : vector<16xf32>
      %and3A_411 = arith.andi %lt3A_391, %gt3A_410 : vector<16xi1>
      %mul3A_412 = arith.constant 64 : i32
      %mul3A_413 = arith.muli %scan3A_369, %mul3A_412 : i32
      %add3A_414 = arith.constant 0 : i32
      %add3A_415 = arith.addi %mul3A_413, %add3A_414 : i32
      %swap3A_416 = arith.index_cast %add3A_415 : i32 to index
      %swap3A_417 = tpu.vector_load %arg7[%swap3A_416] {strides = array<i32>} : memref<8192xf32, #tpu.memory_space<vmem>>, vector<16xf32>,
      tpu.vector_store %arg7[%swap3A_416], %broadcast_in_dim3A_46 {strides = array<i32>} : memref<8192xf32, #tpu.memory_space<vmem>>, vector<16xf32>,
      %mul3A_418 = arith.constant 64 : i32
      %mul3A_419 = arith.muli %scan3A_369, %mul3A_418 : i32
      %add3A_420 = arith.constant 16 : i32
      %add3A_421 = arith.addi %mul3A_419, %add3A_420 : i32
      %swap3A_422 = arith.index_cast %add3A_421 : i32 to index
      %swap3A_423 = tpu.vector_load %arg7[%swap3A_422] {strides = array<i32>} : memref<8192xf32, #tpu.memory_space<vmem>>, vector<16xf32>,
      tpu.vector_store %arg7[%swap3A_422], %broadcast_in_dim3A_46 {strides = array<i32>} : memref<8192xf32, #tpu.memory_space<vmem>>, vector<16xf32>,
      %mul3A_424 = arith.constant 64 : i32
      %mul3A_425 = arith.muli %scan3A_369, %mul3A_424 : i32
      %add3A_426 = arith.constant 32 : i32
      %add3A_427 = arith.addi %mul3A_425, %add3A_426 : i32
      %swap3A_428 = arith.index_cast %add3A_427 : i32 to index
      %swap3A_429 = tpu.vector_load %arg7[%swap3A_428] {strides = array<i32>} : memref<8192xf32, #tpu.memory_space<vmem>>, vector<16xf32>,
      tpu.vector_store %arg7[%swap3A_428], %broadcast_in_dim3A_46 {strides = array<i32>} : memref<8192xf32, #tpu.memory_space<vmem>>, vector<16xf32>,
      %mul3A_430 = arith.constant 64 : i32
      %mul3A_431 = arith.muli %scan3A_369, %mul3A_430 : i32
      %add3A_432 = arith.constant 48 : i32
      %add3A_433 = arith.addi %mul3A_431, %add3A_432 : i32
      %swap3A_434 = arith.index_cast %add3A_433 : i32 to index
      %swap3A_435 = tpu.vector_load %arg7[%swap3A_434] {strides = array<i32>} : memref<8192xf32, #tpu.memory_space<vmem>>, vector<16xf32>,
      tpu.vector_store %arg7[%swap3A_434], %broadcast_in_dim3A_46 {strides = array<i32>} : memref<8192xf32, #tpu.memory_space<vmem>>, vector<16xf32>,
      %mul3A_436 = arith.constant 64 : i32
      %mul3A_437 = arith.muli %scan3A_369, %mul3A_436 : i32
      %add3A_438 = vector.broadcast %mul3A_437 : i32 to vector<16xi32>
      %add3A_439 = arith.addi %add3A_438, %masked_sort3A_388 : vector<16xi32>
      tpu.vector_store_idx %arg7[%add3A_439], %div3A_407 masked %and3A_411 : memref<8192xf32, #tpu.memory_space<vmem>>[vector<16xi32>], vector<16xf32>, vector<16xi1>
      %scan3A_440 = arith.constant 0 : i32
      scf.yield %scan3A_440 : i32
    }
    %scan3A_128 = arith.constant 32 : i32
    %add3A_129 = arith.constant 96 : i32
    %add3A_130 = arith.addi %mul3A_2, %add3A_129 : i32
    %mul3A_131 = arith.constant 64 : i32
    %mul3A_132 = arith.muli %add3A_130, %mul3A_131 : i32
    %dma_start3A_133 = arith.constant 6144 : i32
    %dma_start3A_134 = tpu.memref_slice %arg7[%dma_start3A_133] : memref<8192xf32, #tpu.memory_space<vmem>> -> memref<2048xf32, #tpu.memory_space<vmem>>
    %dma_start3A_135 = tpu.memref_slice %arg4[%mul3A_132] : memref<262144xf32, #tpu.memory_space<hbm>> -> memref<2048xf32, #tpu.memory_space<hbm>>
    %dma_start3A_136 = tpu.memref_slice %arg4[%mul3A_132] : memref<262144xf32, #tpu.memory_space<hbm>> -> memref<2048xf32, #tpu.memory_space<hbm>>
    %dma_start3A_137 = arith.constant 6144 : i32
    %dma_start3A_138 = tpu.memref_slice %arg7[%dma_start3A_137] : memref<8192xf32, #tpu.memory_space<vmem>> -> memref<2048xf32, #tpu.memory_space<vmem>>
    tpu.enqueue_dma source(%dma_start3A_138 : memref<2048xf32, #tpu.memory_space<vmem>>) target(%dma_start3A_136 : memref<2048xf32, #tpu.memory_space<hbm>>) target_semaphore(%arg11 : memref<!tpu.dma_semaphore, #tpu.memory_space<semaphore_mem>>)
    %dma_wait3A_139 = arith.constant 0 : i32
    %dma_wait3A_140 = tpu.memref_slice %arg7[%dma_wait3A_139] : memref<8192xf32, #tpu.memory_space<vmem>> -> memref<2048xf32, #tpu.memory_space<vmem>>
    %dma_wait3A_141 = tpu.memref_slice %arg4[%mul3A_63] : memref<262144xf32, #tpu.memory_space<hbm>> -> memref<2048xf32, #tpu.memory_space<hbm>>
    %dma_wait3A_142 = tpu.memref_slice %arg4[%mul3A_63] : memref<262144xf32, #tpu.memory_space<hbm>> -> memref<2048xf32, #tpu.memory_space<hbm>>
    %dma_wait3A_143 = arith.constant 0 : i32
    %dma_wait3A_144 = tpu.memref_slice %arg7[%dma_wait3A_143] : memref<8192xf32, #tpu.memory_space<vmem>> -> memref<2048xf32, #tpu.memory_space<vmem>>
    tpu.wait_dma2 semaphore(%arg11 : memref<!tpu.dma_semaphore, #tpu.memory_space<semaphore_mem>>) src(%dma_wait3A_144 : memref<2048xf32, #tpu.memory_space<vmem>>) dst(%dma_wait3A_142 : memref<2048xf32, #tpu.memory_space<hbm>>)
    %dma_wait3A_145 = arith.constant 2048 : i32
    %dma_wait3A_146 = tpu.memref_slice %arg7[%dma_wait3A_145] : memref<8192xf32, #tpu.memory_space<vmem>> -> memref<2048xf32, #tpu.memory_space<vmem>>
    %dma_wait3A_147 = tpu.memref_slice %arg4[%mul3A_86] : memref<262144xf32, #tpu.memory_space<hbm>> -> memref<2048xf32, #tpu.memory_space<hbm>>
    %dma_wait3A_148 = tpu.memref_slice %arg4[%mul3A_86] : memref<262144xf32, #tpu.memory_space<hbm>> -> memref<2048xf32, #tpu.memory_space<hbm>>
    %dma_wait3A_149 = arith.constant 2048 : i32
    %dma_wait3A_150 = tpu.memref_slice %arg7[%dma_wait3A_149] : memref<8192xf32, #tpu.memory_space<vmem>> -> memref<2048xf32, #tpu.memory_space<vmem>>
    tpu.wait_dma2 semaphore(%arg11 : memref<!tpu.dma_semaphore, #tpu.memory_space<semaphore_mem>>) src(%dma_wait3A_150 : memref<2048xf32, #tpu.memory_space<vmem>>) dst(%dma_wait3A_148 : memref<2048xf32, #tpu.memory_space<hbm>>)
    %dma_wait3A_151 = arith.constant 4096 : i32
    %dma_wait3A_152 = tpu.memref_slice %arg7[%dma_wait3A_151] : memref<8192xf32, #tpu.memory_space<vmem>> -> memref<2048xf32, #tpu.memory_space<vmem>>
    %dma_wait3A_153 = tpu.memref_slice %arg4[%mul3A_109] : memref<262144xf32, #tpu.memory_space<hbm>> -> memref<2048xf32, #tpu.memory_space<hbm>>
    %dma_wait3A_154 = tpu.memref_slice %arg4[%mul3A_109] : memref<262144xf32, #tpu.memory_space<hbm>> -> memref<2048xf32, #tpu.memory_space<hbm>>
    %dma_wait3A_155 = arith.constant 4096 : i32
    %dma_wait3A_156 = tpu.memref_slice %arg7[%dma_wait3A_155] : memref<8192xf32, #tpu.memory_space<vmem>> -> memref<2048xf32, #tpu.memory_space<vmem>>
    tpu.wait_dma2 semaphore(%arg11 : memref<!tpu.dma_semaphore, #tpu.memory_space<semaphore_mem>>) src(%dma_wait3A_156 : memref<2048xf32, #tpu.memory_space<vmem>>) dst(%dma_wait3A_154 : memref<2048xf32, #tpu.memory_space<hbm>>)
    %dma_wait3A_157 = arith.constant 6144 : i32
    %dma_wait3A_158 = tpu.memref_slice %arg7[%dma_wait3A_157] : memref<8192xf32, #tpu.memory_space<vmem>> -> memref<2048xf32, #tpu.memory_space<vmem>>
    %dma_wait3A_159 = tpu.memref_slice %arg4[%mul3A_132] : memref<262144xf32, #tpu.memory_space<hbm>> -> memref<2048xf32, #tpu.memory_space<hbm>>
    %dma_wait3A_160 = tpu.memref_slice %arg4[%mul3A_132] : memref<262144xf32, #tpu.memory_space<hbm>> -> memref<2048xf32, #tpu.memory_space<hbm>>
    %dma_wait3A_161 = arith.constant 6144 : i32
    %dma_wait3A_162 = tpu.memref_slice %arg7[%dma_wait3A_161] : memref<8192xf32, #tpu.memory_space<vmem>> -> memref<2048xf32, #tpu.memory_space<vmem>>
    tpu.wait_dma2 semaphore(%arg11 : memref<!tpu.dma_semaphore, #tpu.memory_space<semaphore_mem>>) src(%dma_wait3A_162 : memref<2048xf32, #tpu.memory_space<vmem>>) dst(%dma_wait3A_160 : memref<2048xf32, #tpu.memory_space<hbm>>)
    return
  }
}

#map = affine_map<(d0, d1) -> (0)>
module attributes {stable_mosaic.version = 14 : i64} {
  func.func @_route_body(%arg0: i32, %arg1: i32, %arg2: memref<262144xf32, #tpu.memory_space<hbm>>, %arg3: memref<65536xi32, #tpu.memory_space<hbm>>, %arg4: memref<262144xf32, #tpu.memory_space<hbm>>, %arg5: memref<8192xf32, #tpu.memory_space<vmem>>, %arg6: memref<2048xi32, #tpu.memory_space<vmem>>, %arg7: memref<8192xf32, #tpu.memory_space<vmem>>, %arg8: memref<64xi32, #tpu.memory_space<vmem>>, %arg9: memref<!tpu.dma_semaphore, #tpu.memory_space<semaphore_mem>>, %arg10: memref<!tpu.dma_semaphore, #tpu.memory_space<semaphore_mem>>, %arg11: memref<!tpu.dma_semaphore, #tpu.memory_space<semaphore_mem>>) attributes {dimension_semantics = [#tpu.dimension_semantics<core_parallel>, #tpu.dimension_semantics<subcore_parallel>], iteration_bounds = array<i64: 2, 16>, scalar_prefetch = 0 : i64, scratch_operands = 7 : i64, tpu.core_type = #tpu.core_type<sc_vector_subcore>, window_params = [{transform_indices = #map}, {transform_indices = #map}, {transform_indices = #map}]} {
    %mul3A = arith.constant 2 : i32
    %mul3A_0 = arith.muli %arg1, %mul3A : i32
    %add3A = arith.addi %mul3A_0, %arg0 : i32
    %mul3A_1 = arith.constant 128 : i32
    %mul3A_2 = arith.muli %add3A, %mul3A_1 : i32
    %mul3A_3 = arith.constant 16 : i32
    %mul3A_4 = arith.muli %mul3A_2, %mul3A_3 : i32
    %dma_start3A = tpu.memref_slice %arg3[%mul3A_4] : memref<65536xi32, #tpu.memory_space<hbm>> -> memref<2048xi32, #tpu.memory_space<hbm>>
    %dma_start3A_5 = tpu.memref_slice %arg3[%mul3A_4] : memref<65536xi32, #tpu.memory_space<hbm>> -> memref<2048xi32, #tpu.memory_space<hbm>>
    tpu.enqueue_dma source(%dma_start3A_5 : memref<2048xi32, #tpu.memory_space<hbm>>) target(%arg6 : memref<2048xi32, #tpu.memory_space<vmem>>) target_semaphore(%arg9 : memref<!tpu.dma_semaphore, #tpu.memory_space<semaphore_mem>>)
    %add3A_6 = arith.constant 0 : i32
    %add3A_7 = arith.addi %mul3A_2, %add3A_6 : i32
    %mul3A_8 = arith.constant 64 : i32
    %mul3A_9 = arith.muli %add3A_7, %mul3A_8 : i32
    %dma_start3A_10 = arith.constant 0 : i32
    %dma_start3A_11 = tpu.memref_slice %arg5[%dma_start3A_10] : memref<8192xf32, #tpu.memory_space<vmem>> -> memref<2048xf32, #tpu.memory_space<vmem>>
    %dma_start3A_12 = tpu.memref_slice %arg2[%mul3A_9] : memref<262144xf32, #tpu.memory_space<hbm>> -> memref<2048xf32, #tpu.memory_space<hbm>>
    %dma_start3A_13 = arith.constant 0 : i32
    %dma_start3A_14 = tpu.memref_slice %arg5[%dma_start3A_13] : memref<8192xf32, #tpu.memory_space<vmem>> -> memref<2048xf32, #tpu.memory_space<vmem>>
    %dma_start3A_15 = tpu.memref_slice %arg2[%mul3A_9] : memref<262144xf32, #tpu.memory_space<hbm>> -> memref<2048xf32, #tpu.memory_space<hbm>>
    tpu.enqueue_dma source(%dma_start3A_15 : memref<2048xf32, #tpu.memory_space<hbm>>) target(%dma_start3A_14 : memref<2048xf32, #tpu.memory_space<vmem>>) target_semaphore(%arg10 : memref<!tpu.dma_semaphore, #tpu.memory_space<semaphore_mem>>)
    %add3A_16 = arith.constant 32 : i32
    %add3A_17 = arith.addi %mul3A_2, %add3A_16 : i32
    %mul3A_18 = arith.constant 64 : i32
    %mul3A_19 = arith.muli %add3A_17, %mul3A_18 : i32
    %dma_start3A_20 = arith.constant 2048 : i32
    %dma_start3A_21 = tpu.memref_slice %arg5[%dma_start3A_20] : memref<8192xf32, #tpu.memory_space<vmem>> -> memref<2048xf32, #tpu.memory_space<vmem>>
    %dma_start3A_22 = tpu.memref_slice %arg2[%mul3A_19] : memref<262144xf32, #tpu.memory_space<hbm>> -> memref<2048xf32, #tpu.memory_space<hbm>>
    %dma_start3A_23 = arith.constant 2048 : i32
    %dma_start3A_24 = tpu.memref_slice %arg5[%dma_start3A_23] : memref<8192xf32, #tpu.memory_space<vmem>> -> memref<2048xf32, #tpu.memory_space<vmem>>
    %dma_start3A_25 = tpu.memref_slice %arg2[%mul3A_19] : memref<262144xf32, #tpu.memory_space<hbm>> -> memref<2048xf32, #tpu.memory_space<hbm>>
    tpu.enqueue_dma source(%dma_start3A_25 : memref<2048xf32, #tpu.memory_space<hbm>>) target(%dma_start3A_24 : memref<2048xf32, #tpu.memory_space<vmem>>) target_semaphore(%arg10 : memref<!tpu.dma_semaphore, #tpu.memory_space<semaphore_mem>>)
    %add3A_26 = arith.constant 64 : i32
    %add3A_27 = arith.addi %mul3A_2, %add3A_26 : i32
    %mul3A_28 = arith.constant 64 : i32
    %mul3A_29 = arith.muli %add3A_27, %mul3A_28 : i32
    %dma_start3A_30 = arith.constant 4096 : i32
    %dma_start3A_31 = tpu.memref_slice %arg5[%dma_start3A_30] : memref<8192xf32, #tpu.memory_space<vmem>> -> memref<2048xf32, #tpu.memory_space<vmem>>
    %dma_start3A_32 = tpu.memref_slice %arg2[%mul3A_29] : memref<262144xf32, #tpu.memory_space<hbm>> -> memref<2048xf32, #tpu.memory_space<hbm>>
    %dma_start3A_33 = arith.constant 4096 : i32
    %dma_start3A_34 = tpu.memref_slice %arg5[%dma_start3A_33] : memref<8192xf32, #tpu.memory_space<vmem>> -> memref<2048xf32, #tpu.memory_space<vmem>>
    %dma_start3A_35 = tpu.memref_slice %arg2[%mul3A_29] : memref<262144xf32, #tpu.memory_space<hbm>> -> memref<2048xf32, #tpu.memory_space<hbm>>
    tpu.enqueue_dma source(%dma_start3A_35 : memref<2048xf32, #tpu.memory_space<hbm>>) target(%dma_start3A_34 : memref<2048xf32, #tpu.memory_space<vmem>>) target_semaphore(%arg10 : memref<!tpu.dma_semaphore, #tpu.memory_space<semaphore_mem>>)
    %add3A_36 = arith.constant 96 : i32
    %add3A_37 = arith.addi %mul3A_2, %add3A_36 : i32
    %mul3A_38 = arith.constant 64 : i32
    %mul3A_39 = arith.muli %add3A_37, %mul3A_38 : i32
    %dma_start3A_40 = arith.constant 6144 : i32
    %dma_start3A_41 = tpu.memref_slice %arg5[%dma_start3A_40] : memref<8192xf32, #tpu.memory_space<vmem>> -> memref<2048xf32, #tpu.memory_space<vmem>>
    %dma_start3A_42 = tpu.memref_slice %arg2[%mul3A_39] : memref<262144xf32, #tpu.memory_space<hbm>> -> memref<2048xf32, #tpu.memory_space<hbm>>
    %dma_start3A_43 = arith.constant 6144 : i32
    %dma_start3A_44 = tpu.memref_slice %arg5[%dma_start3A_43] : memref<8192xf32, #tpu.memory_space<vmem>> -> memref<2048xf32, #tpu.memory_space<vmem>>
    %dma_start3A_45 = tpu.memref_slice %arg2[%mul3A_39] : memref<262144xf32, #tpu.memory_space<hbm>> -> memref<2048xf32, #tpu.memory_space<hbm>>
    tpu.enqueue_dma source(%dma_start3A_45 : memref<2048xf32, #tpu.memory_space<hbm>>) target(%dma_start3A_44 : memref<2048xf32, #tpu.memory_space<vmem>>) target_semaphore(%arg10 : memref<!tpu.dma_semaphore, #tpu.memory_space<semaphore_mem>>)
    %iota3A = tpu.iota {dimensions = array<i32: 0>} : vector<16xi32>
    %broadcast_in_dim3A = arith.constant 0.000000e+00 : f32
    %broadcast_in_dim3A_46 = vector.broadcast %broadcast_in_dim3A : f32 to vector<16xf32>
    %dma_wait3A = tpu.memref_slice %arg3[%mul3A_4] : memref<65536xi32, #tpu.memory_space<hbm>> -> memref<2048xi32, #tpu.memory_space<hbm>>
    %dma_wait3A_47 = tpu.memref_slice %arg3[%mul3A_4] : memref<65536xi32, #tpu.memory_space<hbm>> -> memref<2048xi32, #tpu.memory_space<hbm>>
    tpu.wait_dma2 semaphore(%arg9 : memref<!tpu.dma_semaphore, #tpu.memory_space<semaphore_mem>>) src(%dma_wait3A_47 : memref<2048xi32, #tpu.memory_space<hbm>>) dst(%arg6 : memref<2048xi32, #tpu.memory_space<vmem>>)
    %dma_wait3A_48 = arith.constant 0 : i32
    %dma_wait3A_49 = tpu.memref_slice %arg5[%dma_wait3A_48] : memref<8192xf32, #tpu.memory_space<vmem>> -> memref<2048xf32, #tpu.memory_space<vmem>>
    %dma_wait3A_50 = tpu.memref_slice %arg2[%mul3A_9] : memref<262144xf32, #tpu.memory_space<hbm>> -> memref<2048xf32, #tpu.memory_space<hbm>>
    %dma_wait3A_51 = arith.constant 0 : i32
    %dma_wait3A_52 = tpu.memref_slice %arg5[%dma_wait3A_51] : memref<8192xf32, #tpu.memory_space<vmem>> -> memref<2048xf32, #tpu.memory_space<vmem>>
    %dma_wait3A_53 = tpu.memref_slice %arg2[%mul3A_9] : memref<262144xf32, #tpu.memory_space<hbm>> -> memref<2048xf32, #tpu.memory_space<hbm>>
    tpu.wait_dma2 semaphore(%arg10 : memref<!tpu.dma_semaphore, #tpu.memory_space<semaphore_mem>>) src(%dma_wait3A_53 : memref<2048xf32, #tpu.memory_space<hbm>>) dst(%dma_wait3A_52 : memref<2048xf32, #tpu.memory_space<vmem>>)
    %scan3A = arith.constant 0 : i32
    %scan3A_54 = arith.constant 0 : i32
    %scan3A_55 = arith.constant 32 : i32
    %scan3A_56 = arith.addi %scan3A_54, %scan3A_55 : i32
    %scan3A_57 = arith.constant 4 : i32
    %scan3A_58 = scf.for %scan3A_163 = %scan3A_54 to %scan3A_56 step %scan3A_57 iter_args(%scan3A_164 = %scan3A) -> (i32)  : i32 {
      %mul3A_165 = arith.constant 16 : i32
      %mul3A_166 = arith.muli %scan3A_163, %mul3A_165 : i32
      %add3A_167 = vector.broadcast %mul3A_166 : i32 to vector<16xi32>
      %add3A_168 = arith.addi %add3A_167, %iota3A : vector<16xi32>
      %gather3A = tpu.vector_load_idx %arg6[%add3A_168] : memref<2048xi32, #tpu.memory_space<vmem>>[vector<16xi32>], vector<16xi32>,
      tpu.vector_store_idx %arg8[%gather3A], %iota3A : memref<64xi32, #tpu.memory_space<vmem>>[vector<16xi32>], vector<16xi32>,
      %gather3A_169 = tpu.vector_load_idx %arg8[%gather3A] : memref<64xi32, #tpu.memory_space<vmem>>[vector<16xi32>], vector<16xi32>,
      %eq3A = arith.cmpi eq, %gather3A_169, %iota3A : vector<16xi32>
      %mul3A_170 = arith.constant 64 : i32
      %mul3A_171 = arith.muli %scan3A_163, %mul3A_170 : i32
      %add3A_172 = vector.broadcast %mul3A_171 : i32 to vector<16xi32>
      %add3A_173 = arith.addi %add3A_172, %gather3A : vector<16xi32>
      %gather3A_174 = tpu.vector_load_idx %arg5[%add3A_173] : memref<8192xf32, #tpu.memory_space<vmem>>[vector<16xi32>], vector<16xf32>,
      %jit3A = arith.constant -1.000000e+30 : f32
      %broadcast_in_dim3A_175 = vector.broadcast %jit3A : f32 to vector<16xf32>
      %select_n3A = arith.select %eq3A, %gather3A_174, %broadcast_in_dim3A_175 : vector<16xi1>, vector<16xf32>
      %masked_sort3A = arith.constant dense<true> : vector<16xi1>
      %masked_sort3A_176, %masked_sort3A_177, %masked_sort3A_178 = tpu.sort %select_n3A, %gather3A masked %masked_sort3A {descending = true} : (vector<16xf32>, vector<16xi32>, vector<16xi1>) -> (vector<16xi1>, vector<16xf32>, vector<16xi32>)
      %lt3A = arith.constant 8 : i32
      %lt3A_179 = vector.broadcast %lt3A : i32 to vector<16xi32>
      %lt3A_180 = arith.cmpi slt, %iota3A, %lt3A_179 : vector<16xi32>
      %jit3A_181 = arith.constant -1.000000e+30 : f32
      %broadcast_in_dim3A_182 = vector.broadcast %jit3A_181 : f32 to vector<16xf32>
      %select_n3A_183 = arith.select %lt3A_180, %masked_sort3A_177, %broadcast_in_dim3A_182 : vector<16xi1>, vector<16xf32>
      %reduce_max3A = arith.constant true
      %reduce_max3A_184 = vector.broadcast %reduce_max3A : i1 to vector<16xi1>
      %reduce_max3A_185 = tpu.scan <max>, %select_n3A_183 masked %reduce_max3A_184 : vector<16xf32>, vector<16xi1> -> vector<16xf32>
      %reduce_max3A_186 = vector.extract %reduce_max3A_185[15] : f32 from vector<16xf32>
      %sub3A = vector.broadcast %reduce_max3A_186 : f32 to vector<16xf32>
      %sub3A_187 = arith.subf %select_n3A_183, %sub3A : vector<16xf32>
      %exp3A = math.exp %sub3A_187 : vector<16xf32>
      %reduce_sum3A = arith.constant true
      %reduce_sum3A_188 = vector.broadcast %reduce_sum3A : i1 to vector<16xi1>
      %reduce_sum3A_189 = tpu.scan <sum>, %exp3A masked %reduce_sum3A_188 : vector<16xf32>, vector<16xi1> -> vector<16xf32>
      %reduce_sum3A_190 = vector.extract %reduce_sum3A_189[15] : f32 from vector<16xf32>
      %div3A = vector.broadcast %reduce_sum3A_190 : f32 to vector<16xf32>
      %div3A_191 = arith.divf %exp3A, %div3A : vector<16xf32>
      %gt3A = arith.constant -5.000000e+29 : f32
      %gt3A_192 = vector.broadcast %gt3A : f32 to vector<16xf32>
      %gt3A_193 = arith.cmpf ogt, %masked_sort3A_177, %gt3A_192 : vector<16xf32>
      %and3A = arith.andi %lt3A_180, %gt3A_193 : vector<16xi1>
      %mul3A_194 = arith.constant 64 : i32
      %mul3A_195 = arith.muli %scan3A_163, %mul3A_194 : i32
      %add3A_196 = arith.constant 0 : i32
      %add3A_197 = arith.addi %mul3A_195, %add3A_196 : i32
      %swap3A = arith.index_cast %add3A_197 : i32 to index
      %swap3A_198 = tpu.vector_load %arg7[%swap3A] {strides = array<i32>} : memref<8192xf32, #tpu.memory_space<vmem>>, vector<16xf32>,
      tpu.vector_store %arg7[%swap3A], %broadcast_in_dim3A_46 {strides = array<i32>} : memref<8192xf32, #tpu.memory_space<vmem>>, vector<16xf32>,
      %mul3A_199 = arith.constant 64 : i32
      %mul3A_200 = arith.muli %scan3A_163, %mul3A_199 : i32
      %add3A_201 = arith.constant 16 : i32
      %add3A_202 = arith.addi %mul3A_200, %add3A_201 : i32
      %swap3A_203 = arith.index_cast %add3A_202 : i32 to index
      %swap3A_204 = tpu.vector_load %arg7[%swap3A_203] {strides = array<i32>} : memref<8192xf32, #tpu.memory_space<vmem>>, vector<16xf32>,
      tpu.vector_store %arg7[%swap3A_203], %broadcast_in_dim3A_46 {strides = array<i32>} : memref<8192xf32, #tpu.memory_space<vmem>>, vector<16xf32>,
      %mul3A_205 = arith.constant 64 : i32
      %mul3A_206 = arith.muli %scan3A_163, %mul3A_205 : i32
      %add3A_207 = arith.constant 32 : i32
      %add3A_208 = arith.addi %mul3A_206, %add3A_207 : i32
      %swap3A_209 = arith.index_cast %add3A_208 : i32 to index
      %swap3A_210 = tpu.vector_load %arg7[%swap3A_209] {strides = array<i32>} : memref<8192xf32, #tpu.memory_space<vmem>>, vector<16xf32>,
      tpu.vector_store %arg7[%swap3A_209], %broadcast_in_dim3A_46 {strides = array<i32>} : memref<8192xf32, #tpu.memory_space<vmem>>, vector<16xf32>,
      %mul3A_211 = arith.constant 64 : i32
      %mul3A_212 = arith.muli %scan3A_163, %mul3A_211 : i32
      %add3A_213 = arith.constant 48 : i32
      %add3A_214 = arith.addi %mul3A_212, %add3A_213 : i32
      %swap3A_215 = arith.index_cast %add3A_214 : i32 to index
      %swap3A_216 = tpu.vector_load %arg7[%swap3A_215] {strides = array<i32>} : memref<8192xf32, #tpu.memory_space<vmem>>, vector<16xf32>,
      tpu.vector_store %arg7[%swap3A_215], %broadcast_in_dim3A_46 {strides = array<i32>} : memref<8192xf32, #tpu.memory_space<vmem>>, vector<16xf32>,
      %mul3A_217 = arith.constant 64 : i32
      %mul3A_218 = arith.muli %scan3A_163, %mul3A_217 : i32
      %add3A_219 = vector.broadcast %mul3A_218 : i32 to vector<16xi32>
      %add3A_220 = arith.addi %add3A_219, %masked_sort3A_178 : vector<16xi32>
      tpu.vector_store_idx %arg7[%add3A_220], %div3A_191 masked %and3A : memref<8192xf32, #tpu.memory_space<vmem>>[vector<16xi32>], vector<16xf32>, vector<16xi1>
      %scan3A_221 = arith.constant 0 : i32
      %scan3A_222 = arith.constant 1 : i32
      %scan3A_223 = arith.addi %scan3A_163, %scan3A_222 : i32
      %mul3A_224 = arith.constant 16 : i32
      %mul3A_225 = arith.muli %scan3A_223, %mul3A_224 : i32
      %add3A_226 = vector.broadcast %mul3A_225 : i32 to vector<16xi32>
      %add3A_227 = arith.addi %add3A_226, %iota3A : vector<16xi32>
      %gather3A_228 = tpu.vector_load_idx %arg6[%add3A_227] : memref<2048xi32, #tpu.memory_space<vmem>>[vector<16xi32>], vector<16xi32>,
      tpu.vector_store_idx %arg8[%gather3A_228], %iota3A : memref<64xi32, #tpu.memory_space<vmem>>[vector<16xi32>], vector<16xi32>,
      %gather3A_229 = tpu.vector_load_idx %arg8[%gather3A_228] : memref<64xi32, #tpu.memory_space<vmem>>[vector<16xi32>], vector<16xi32>,
      %eq3A_230 = arith.cmpi eq, %gather3A_229, %iota3A : vector<16xi32>
      %mul3A_231 = arith.constant 64 : i32
      %mul3A_232 = arith.muli %scan3A_223, %mul3A_231 : i32
      %add3A_233 = vector.broadcast %mul3A_232 : i32 to vector<16xi32>
      %add3A_234 = arith.addi %add3A_233, %gather3A_228 : vector<16xi32>
      %gather3A_235 = tpu.vector_load_idx %arg5[%add3A_234] : memref<8192xf32, #tpu.memory_space<vmem>>[vector<16xi32>], vector<16xf32>,
      %jit3A_236 = arith.constant -1.000000e+30 : f32
      %broadcast_in_dim3A_237 = vector.broadcast %jit3A_236 : f32 to vector<16xf32>
      %select_n3A_238 = arith.select %eq3A_230, %gather3A_235, %broadcast_in_dim3A_237 : vector<16xi1>, vector<16xf32>
      %masked_sort3A_239 = arith.constant dense<true> : vector<16xi1>
      %masked_sort3A_240, %masked_sort3A_241, %masked_sort3A_242 = tpu.sort %select_n3A_238, %gather3A_228 masked %masked_sort3A_239 {descending = true} : (vector<16xf32>, vector<16xi32>, vector<16xi1>) -> (vector<16xi1>, vector<16xf32>, vector<16xi32>)
      %lt3A_243 = arith.constant 8 : i32
      %lt3A_244 = vector.broadcast %lt3A_243 : i32 to vector<16xi32>
      %lt3A_245 = arith.cmpi slt, %iota3A, %lt3A_244 : vector<16xi32>
      %jit3A_246 = arith.constant -1.000000e+30 : f32
      %broadcast_in_dim3A_247 = vector.broadcast %jit3A_246 : f32 to vector<16xf32>
      %select_n3A_248 = arith.select %lt3A_245, %masked_sort3A_241, %broadcast_in_dim3A_247 : vector<16xi1>, vector<16xf32>
      %reduce_max3A_249 = arith.constant true
      %reduce_max3A_250 = vector.broadcast %reduce_max3A_249 : i1 to vector<16xi1>
      %reduce_max3A_251 = tpu.scan <max>, %select_n3A_248 masked %reduce_max3A_250 : vector<16xf32>, vector<16xi1> -> vector<16xf32>
      %reduce_max3A_252 = vector.extract %reduce_max3A_251[15] : f32 from vector<16xf32>
      %sub3A_253 = vector.broadcast %reduce_max3A_252 : f32 to vector<16xf32>
      %sub3A_254 = arith.subf %select_n3A_248, %sub3A_253 : vector<16xf32>
      %exp3A_255 = math.exp %sub3A_254 : vector<16xf32>
      %reduce_sum3A_256 = arith.constant true
      %reduce_sum3A_257 = vector.broadcast %reduce_sum3A_256 : i1 to vector<16xi1>
      %reduce_sum3A_258 = tpu.scan <sum>, %exp3A_255 masked %reduce_sum3A_257 : vector<16xf32>, vector<16xi1> -> vector<16xf32>
      %reduce_sum3A_259 = vector.extract %reduce_sum3A_258[15] : f32 from vector<16xf32>
      %div3A_260 = vector.broadcast %reduce_sum3A_259 : f32 to vector<16xf32>
      %div3A_261 = arith.divf %exp3A_255, %div3A_260 : vector<16xf32>
      %gt3A_262 = arith.constant -5.000000e+29 : f32
      %gt3A_263 = vector.broadcast %gt3A_262 : f32 to vector<16xf32>
      %gt3A_264 = arith.cmpf ogt, %masked_sort3A_241, %gt3A_263 : vector<16xf32>
      %and3A_265 = arith.andi %lt3A_245, %gt3A_264 : vector<16xi1>
      %mul3A_266 = arith.constant 64 : i32
      %mul3A_267 = arith.muli %scan3A_223, %mul3A_266 : i32
      %add3A_268 = arith.constant 0 : i32
      %add3A_269 = arith.addi %mul3A_267, %add3A_268 : i32
      %swap3A_270 = arith.index_cast %add3A_269 : i32 to index
      %swap3A_271 = tpu.vector_load %arg7[%swap3A_270] {strides = array<i32>} : memref<8192xf32, #tpu.memory_space<vmem>>, vector<16xf32>,
      tpu.vector_store %arg7[%swap3A_270], %broadcast_in_dim3A_46 {strides = array<i32>} : memref<8192xf32, #tpu.memory_space<vmem>>, vector<16xf32>,
      %mul3A_272 = arith.constant 64 : i32
      %mul3A_273 = arith.muli %scan3A_223, %mul3A_272 : i32
      %add3A_274 = arith.constant 16 : i32
      %add3A_275 = arith.addi %mul3A_273, %add3A_274 : i32
      %swap3A_276 = arith.index_cast %add3A_275 : i32 to index
      %swap3A_277 = tpu.vector_load %arg7[%swap3A_276] {strides = array<i32>} : memref<8192xf32, #tpu.memory_space<vmem>>, vector<16xf32>,
      tpu.vector_store %arg7[%swap3A_276], %broadcast_in_dim3A_46 {strides = array<i32>} : memref<8192xf32, #tpu.memory_space<vmem>>, vector<16xf32>,
      %mul3A_278 = arith.constant 64 : i32
      %mul3A_279 = arith.muli %scan3A_223, %mul3A_278 : i32
      %add3A_280 = arith.constant 32 : i32
      %add3A_281 = arith.addi %mul3A_279, %add3A_280 : i32
      %swap3A_282 = arith.index_cast %add3A_281 : i32 to index
      %swap3A_283 = tpu.vector_load %arg7[%swap3A_282] {strides = array<i32>} : memref<8192xf32, #tpu.memory_space<vmem>>, vector<16xf32>,
      tpu.vector_store %arg7[%swap3A_282], %broadcast_in_dim3A_46 {strides = array<i32>} : memref<8192xf32, #tpu.memory_space<vmem>>, vector<16xf32>,
      %mul3A_284 = arith.constant 64 : i32
      %mul3A_285 = arith.muli %scan3A_223, %mul3A_284 : i32
      %add3A_286 = arith.constant 48 : i32
      %add3A_287 = arith.addi %mul3A_285, %add3A_286 : i32
      %swap3A_288 = arith.index_cast %add3A_287 : i32 to index
      %swap3A_289 = tpu.vector_load %arg7[%swap3A_288] {strides = array<i32>} : memref<8192xf32, #tpu.memory_space<vmem>>, vector<16xf32>,
      tpu.vector_store %arg7[%swap3A_288], %broadcast_in_dim3A_46 {strides = array<i32>} : memref<8192xf32, #tpu.memory_space<vmem>>, vector<16xf32>,
      %mul3A_290 = arith.constant 64 : i32
      %mul3A_291 = arith.muli %scan3A_223, %mul3A_290 : i32
      %add3A_292 = vector.broadcast %mul3A_291 : i32 to vector<16xi32>
      %add3A_293 = arith.addi %add3A_292, %masked_sort3A_242 : vector<16xi32>
      tpu.vector_store_idx %arg7[%add3A_293], %div3A_261 masked %and3A_265 : memref<8192xf32, #tpu.memory_space<vmem>>[vector<16xi32>], vector<16xf32>, vector<16xi1>
      %scan3A_294 = arith.constant 0 : i32
      %scan3A_295 = arith.constant 2 : i32
      %scan3A_296 = arith.addi %scan3A_163, %scan3A_295 : i32
      %mul3A_297 = arith.constant 16 : i32
      %mul3A_298 = arith.muli %scan3A_296, %mul3A_297 : i32
      %add3A_299 = vector.broadcast %mul3A_298 : i32 to vector<16xi32>
      %add3A_300 = arith.addi %add3A_299, %iota3A : vector<16xi32>
      %gather3A_301 = tpu.vector_load_idx %arg6[%add3A_300] : memref<2048xi32, #tpu.memory_space<vmem>>[vector<16xi32>], vector<16xi32>,
      tpu.vector_store_idx %arg8[%gather3A_301], %iota3A : memref<64xi32, #tpu.memory_space<vmem>>[vector<16xi32>], vector<16xi32>,
      %gather3A_302 = tpu.vector_load_idx %arg8[%gather3A_301] : memref<64xi32, #tpu.memory_space<vmem>>[vector<16xi32>], vector<16xi32>,
      %eq3A_303 = arith.cmpi eq, %gather3A_302, %iota3A : vector<16xi32>
      %mul3A_304 = arith.constant 64 : i32
      %mul3A_305 = arith.muli %scan3A_296, %mul3A_304 : i32
      %add3A_306 = vector.broadcast %mul3A_305 : i32 to vector<16xi32>
      %add3A_307 = arith.addi %add3A_306, %gather3A_301 : vector<16xi32>
      %gather3A_308 = tpu.vector_load_idx %arg5[%add3A_307] : memref<8192xf32, #tpu.memory_space<vmem>>[vector<16xi32>], vector<16xf32>,
      %jit3A_309 = arith.constant -1.000000e+30 : f32
      %broadcast_in_dim3A_310 = vector.broadcast %jit3A_309 : f32 to vector<16xf32>
      %select_n3A_311 = arith.select %eq3A_303, %gather3A_308, %broadcast_in_dim3A_310 : vector<16xi1>, vector<16xf32>
      %masked_sort3A_312 = arith.constant dense<true> : vector<16xi1>
      %masked_sort3A_313, %masked_sort3A_314, %masked_sort3A_315 = tpu.sort %select_n3A_311, %gather3A_301 masked %masked_sort3A_312 {descending = true} : (vector<16xf32>, vector<16xi32>, vector<16xi1>) -> (vector<16xi1>, vector<16xf32>, vector<16xi32>)
      %lt3A_316 = arith.constant 8 : i32
      %lt3A_317 = vector.broadcast %lt3A_316 : i32 to vector<16xi32>
      %lt3A_318 = arith.cmpi slt, %iota3A, %lt3A_317 : vector<16xi32>
      %jit3A_319 = arith.constant -1.000000e+30 : f32
      %broadcast_in_dim3A_320 = vector.broadcast %jit3A_319 : f32 to vector<16xf32>
      %select_n3A_321 = arith.select %lt3A_318, %masked_sort3A_314, %broadcast_in_dim3A_320 : vector<16xi1>, vector<16xf32>
      %reduce_max3A_322 = arith.constant true
      %reduce_max3A_323 = vector.broadcast %reduce_max3A_322 : i1 to vector<16xi1>
      %reduce_max3A_324 = tpu.scan <max>, %select_n3A_321 masked %reduce_max3A_323 : vector<16xf32>, vector<16xi1> -> vector<16xf32>
      %reduce_max3A_325 = vector.extract %reduce_max3A_324[15] : f32 from vector<16xf32>
      %sub3A_326 = vector.broadcast %reduce_max3A_325 : f32 to vector<16xf32>
      %sub3A_327 = arith.subf %select_n3A_321, %sub3A_326 : vector<16xf32>
      %exp3A_328 = math.exp %sub3A_327 : vector<16xf32>
      %reduce_sum3A_329 = arith.constant true
      %reduce_sum3A_330 = vector.broadcast %reduce_sum3A_329 : i1 to vector<16xi1>
      %reduce_sum3A_331 = tpu.scan <sum>, %exp3A_328 masked %reduce_sum3A_330 : vector<16xf32>, vector<16xi1> -> vector<16xf32>
      %reduce_sum3A_332 = vector.extract %reduce_sum3A_331[15] : f32 from vector<16xf32>
      %div3A_333 = vector.broadcast %reduce_sum3A_332 : f32 to vector<16xf32>
      %div3A_334 = arith.divf %exp3A_328, %div3A_333 : vector<16xf32>
      %gt3A_335 = arith.constant -5.000000e+29 : f32
      %gt3A_336 = vector.broadcast %gt3A_335 : f32 to vector<16xf32>
      %gt3A_337 = arith.cmpf ogt, %masked_sort3A_314, %gt3A_336 : vector<16xf32>
      %and3A_338 = arith.andi %lt3A_318, %gt3A_337 : vector<16xi1>
      %mul3A_339 = arith.constant 64 : i32
      %mul3A_340 = arith.muli %scan3A_296, %mul3A_339 : i32
      %add3A_341 = arith.constant 0 : i32
      %add3A_342 = arith.addi %mul3A_340, %add3A_341 : i32
      %swap3A_343 = arith.index_cast %add3A_342 : i32 to index
      %swap3A_344 = tpu.vector_load %arg7[%swap3A_343] {strides = array<i32>} : memref<8192xf32, #tpu.memory_space<vmem>>, vector<16xf32>,
      tpu.vector_store %arg7[%swap3A_343], %broadcast_in_dim3A_46 {strides = array<i32>} : memref<8192xf32, #tpu.memory_space<vmem>>, vector<16xf32>,
      %mul3A_345 = arith.constant 64 : i32
      %mul3A_346 = arith.muli %scan3A_296, %mul3A_345 : i32
      %add3A_347 = arith.constant 16 : i32
      %add3A_348 = arith.addi %mul3A_346, %add3A_347 : i32
      %swap3A_349 = arith.index_cast %add3A_348 : i32 to index
      %swap3A_350 = tpu.vector_load %arg7[%swap3A_349] {strides = array<i32>} : memref<8192xf32, #tpu.memory_space<vmem>>, vector<16xf32>,
      tpu.vector_store %arg7[%swap3A_349], %broadcast_in_dim3A_46 {strides = array<i32>} : memref<8192xf32, #tpu.memory_space<vmem>>, vector<16xf32>,
      %mul3A_351 = arith.constant 64 : i32
      %mul3A_352 = arith.muli %scan3A_296, %mul3A_351 : i32
      %add3A_353 = arith.constant 32 : i32
      %add3A_354 = arith.addi %mul3A_352, %add3A_353 : i32
      %swap3A_355 = arith.index_cast %add3A_354 : i32 to index
      %swap3A_356 = tpu.vector_load %arg7[%swap3A_355] {strides = array<i32>} : memref<8192xf32, #tpu.memory_space<vmem>>, vector<16xf32>,
      tpu.vector_store %arg7[%swap3A_355], %broadcast_in_dim3A_46 {strides = array<i32>} : memref<8192xf32, #tpu.memory_space<vmem>>, vector<16xf32>,
      %mul3A_357 = arith.constant 64 : i32
      %mul3A_358 = arith.muli %scan3A_296, %mul3A_357 : i32
      %add3A_359 = arith.constant 48 : i32
      %add3A_360 = arith.addi %mul3A_358, %add3A_359 : i32
      %swap3A_361 = arith.index_cast %add3A_360 : i32 to index
      %swap3A_362 = tpu.vector_load %arg7[%swap3A_361] {strides = array<i32>} : memref<8192xf32, #tpu.memory_space<vmem>>, vector<16xf32>,
      tpu.vector_store %arg7[%swap3A_361], %broadcast_in_dim3A_46 {strides = array<i32>} : memref<8192xf32, #tpu.memory_space<vmem>>, vector<16xf32>,
      %mul3A_363 = arith.constant 64 : i32
      %mul3A_364 = arith.muli %scan3A_296, %mul3A_363 : i32
      %add3A_365 = vector.broadcast %mul3A_364 : i32 to vector<16xi32>
      %add3A_366 = arith.addi %add3A_365, %masked_sort3A_315 : vector<16xi32>
      tpu.vector_store_idx %arg7[%add3A_366], %div3A_334 masked %and3A_338 : memref<8192xf32, #tpu.memory_space<vmem>>[vector<16xi32>], vector<16xf32>, vector<16xi1>
      %scan3A_367 = arith.constant 0 : i32
      %scan3A_368 = arith.constant 3 : i32
      %scan3A_369 = arith.addi %scan3A_163, %scan3A_368 : i32
      %mul3A_370 = arith.constant 16 : i32
      %mul3A_371 = arith.muli %scan3A_369, %mul3A_370 : i32
      %add3A_372 = vector.broadcast %mul3A_371 : i32 to vector<16xi32>
      %add3A_373 = arith.addi %add3A_372, %iota3A : vector<16xi32>
      %gather3A_374 = tpu.vector_load_idx %arg6[%add3A_373] : memref<2048xi32, #tpu.memory_space<vmem>>[vector<16xi32>], vector<16xi32>,
      tpu.vector_store_idx %arg8[%gather3A_374], %iota3A : memref<64xi32, #tpu.memory_space<vmem>>[vector<16xi32>], vector<16xi32>,
      %gather3A_375 = tpu.vector_load_idx %arg8[%gather3A_374] : memref<64xi32, #tpu.memory_space<vmem>>[vector<16xi32>], vector<16xi32>,
      %eq3A_376 = arith.cmpi eq, %gather3A_375, %iota3A : vector<16xi32>
      %mul3A_377 = arith.constant 64 : i32
      %mul3A_378 = arith.muli %scan3A_369, %mul3A_377 : i32
      %add3A_379 = vector.broadcast %mul3A_378 : i32 to vector<16xi32>
      %add3A_380 = arith.addi %add3A_379, %gather3A_374 : vector<16xi32>
      %gather3A_381 = tpu.vector_load_idx %arg5[%add3A_380] : memref<8192xf32, #tpu.memory_space<vmem>>[vector<16xi32>], vector<16xf32>,
      %jit3A_382 = arith.constant -1.000000e+30 : f32
      %broadcast_in_dim3A_383 = vector.broadcast %jit3A_382 : f32 to vector<16xf32>
      %select_n3A_384 = arith.select %eq3A_376, %gather3A_381, %broadcast_in_dim3A_383 : vector<16xi1>, vector<16xf32>
      %masked_sort3A_385 = arith.constant dense<true> : vector<16xi1>
      %masked_sort3A_386, %masked_sort3A_387, %masked_sort3A_388 = tpu.sort %select_n3A_384, %gather3A_374 masked %masked_sort3A_385 {descending = true} : (vector<16xf32>, vector<16xi32>, vector<16xi1>) -> (vector<16xi1>, vector<16xf32>, vector<16xi32>)
      %lt3A_389 = arith.constant 8 : i32
      %lt3A_390 = vector.broadcast %lt3A_389 : i32 to vector<16xi32>
      %lt3A_391 = arith.cmpi slt, %iota3A, %lt3A_390 : vector<16xi32>
      %jit3A_392 = arith.constant -1.000000e+30 : f32
      %broadcast_in_dim3A_393 = vector.broadcast %jit3A_392 : f32 to vector<16xf32>
      %select_n3A_394 = arith.select %lt3A_391, %masked_sort3A_387, %broadcast_in_dim3A_393 : vector<16xi1>, vector<16xf32>
      %reduce_max3A_395 = arith.constant true
      %reduce_max3A_396 = vector.broadcast %reduce_max3A_395 : i1 to vector<16xi1>
      %reduce_max3A_397 = tpu.scan <max>, %select_n3A_394 masked %reduce_max3A_396 : vector<16xf32>, vector<16xi1> -> vector<16xf32>
      %reduce_max3A_398 = vector.extract %reduce_max3A_397[15] : f32 from vector<16xf32>
      %sub3A_399 = vector.broadcast %reduce_max3A_398 : f32 to vector<16xf32>
      %sub3A_400 = arith.subf %select_n3A_394, %sub3A_399 : vector<16xf32>
      %exp3A_401 = math.exp %sub3A_400 : vector<16xf32>
      %reduce_sum3A_402 = arith.constant true
      %reduce_sum3A_403 = vector.broadcast %reduce_sum3A_402 : i1 to vector<16xi1>
      %reduce_sum3A_404 = tpu.scan <sum>, %exp3A_401 masked %reduce_sum3A_403 : vector<16xf32>, vector<16xi1> -> vector<16xf32>
      %reduce_sum3A_405 = vector.extract %reduce_sum3A_404[15] : f32 from vector<16xf32>
      %div3A_406 = vector.broadcast %reduce_sum3A_405 : f32 to vector<16xf32>
      %div3A_407 = arith.divf %exp3A_401, %div3A_406 : vector<16xf32>
      %gt3A_408 = arith.constant -5.000000e+29 : f32
      %gt3A_409 = vector.broadcast %gt3A_408 : f32 to vector<16xf32>
      %gt3A_410 = arith.cmpf ogt, %masked_sort3A_387, %gt3A_409 : vector<16xf32>
      %and3A_411 = arith.andi %lt3A_391, %gt3A_410 : vector<16xi1>
      %mul3A_412 = arith.constant 64 : i32
      %mul3A_413 = arith.muli %scan3A_369, %mul3A_412 : i32
      %add3A_414 = arith.constant 0 : i32
      %add3A_415 = arith.addi %mul3A_413, %add3A_414 : i32
      %swap3A_416 = arith.index_cast %add3A_415 : i32 to index
      %swap3A_417 = tpu.vector_load %arg7[%swap3A_416] {strides = array<i32>} : memref<8192xf32, #tpu.memory_space<vmem>>, vector<16xf32>,
      tpu.vector_store %arg7[%swap3A_416], %broadcast_in_dim3A_46 {strides = array<i32>} : memref<8192xf32, #tpu.memory_space<vmem>>, vector<16xf32>,
      %mul3A_418 = arith.constant 64 : i32
      %mul3A_419 = arith.muli %scan3A_369, %mul3A_418 : i32
      %add3A_420 = arith.constant 16 : i32
      %add3A_421 = arith.addi %mul3A_419, %add3A_420 : i32
      %swap3A_422 = arith.index_cast %add3A_421 : i32 to index
      %swap3A_423 = tpu.vector_load %arg7[%swap3A_422] {strides = array<i32>} : memref<8192xf32, #tpu.memory_space<vmem>>, vector<16xf32>,
      tpu.vector_store %arg7[%swap3A_422], %broadcast_in_dim3A_46 {strides = array<i32>} : memref<8192xf32, #tpu.memory_space<vmem>>, vector<16xf32>,
      %mul3A_424 = arith.constant 64 : i32
      %mul3A_425 = arith.muli %scan3A_369, %mul3A_424 : i32
      %add3A_426 = arith.constant 32 : i32
      %add3A_427 = arith.addi %mul3A_425, %add3A_426 : i32
      %swap3A_428 = arith.index_cast %add3A_427 : i32 to index
      %swap3A_429 = tpu.vector_load %arg7[%swap3A_428] {strides = array<i32>} : memref<8192xf32, #tpu.memory_space<vmem>>, vector<16xf32>,
      tpu.vector_store %arg7[%swap3A_428], %broadcast_in_dim3A_46 {strides = array<i32>} : memref<8192xf32, #tpu.memory_space<vmem>>, vector<16xf32>,
      %mul3A_430 = arith.constant 64 : i32
      %mul3A_431 = arith.muli %scan3A_369, %mul3A_430 : i32
      %add3A_432 = arith.constant 48 : i32
      %add3A_433 = arith.addi %mul3A_431, %add3A_432 : i32
      %swap3A_434 = arith.index_cast %add3A_433 : i32 to index
      %swap3A_435 = tpu.vector_load %arg7[%swap3A_434] {strides = array<i32>} : memref<8192xf32, #tpu.memory_space<vmem>>, vector<16xf32>,
      tpu.vector_store %arg7[%swap3A_434], %broadcast_in_dim3A_46 {strides = array<i32>} : memref<8192xf32, #tpu.memory_space<vmem>>, vector<16xf32>,
      %mul3A_436 = arith.constant 64 : i32
      %mul3A_437 = arith.muli %scan3A_369, %mul3A_436 : i32
      %add3A_438 = vector.broadcast %mul3A_437 : i32 to vector<16xi32>
      %add3A_439 = arith.addi %add3A_438, %masked_sort3A_388 : vector<16xi32>
      tpu.vector_store_idx %arg7[%add3A_439], %div3A_407 masked %and3A_411 : memref<8192xf32, #tpu.memory_space<vmem>>[vector<16xi32>], vector<16xf32>, vector<16xi1>
      %scan3A_440 = arith.constant 0 : i32
      scf.yield %scan3A_440 : i32
    }
    %scan3A_59 = arith.constant 32 : i32
    %add3A_60 = arith.constant 0 : i32
    %add3A_61 = arith.addi %mul3A_2, %add3A_60 : i32
    %mul3A_62 = arith.constant 64 : i32
    %mul3A_63 = arith.muli %add3A_61, %mul3A_62 : i32
    %dma_start3A_64 = arith.constant 0 : i32
    %dma_start3A_65 = tpu.memref_slice %arg7[%dma_start3A_64] : memref<8192xf32, #tpu.memory_space<vmem>> -> memref<2048xf32, #tpu.memory_space<vmem>>
    %dma_start3A_66 = tpu.memref_slice %arg4[%mul3A_63] : memref<262144xf32, #tpu.memory_space<hbm>> -> memref<2048xf32, #tpu.memory_space<hbm>>
    %dma_start3A_67 = tpu.memref_slice %arg4[%mul3A_63] : memref<262144xf32, #tpu.memory_space<hbm>> -> memref<2048xf32, #tpu.memory_space<hbm>>
    %dma_start3A_68 = arith.constant 0 : i32
    %dma_start3A_69 = tpu.memref_slice %arg7[%dma_start3A_68] : memref<8192xf32, #tpu.memory_space<vmem>> -> memref<2048xf32, #tpu.memory_space<vmem>>
    tpu.enqueue_dma source(%dma_start3A_69 : memref<2048xf32, #tpu.memory_space<vmem>>) target(%dma_start3A_67 : memref<2048xf32, #tpu.memory_space<hbm>>) target_semaphore(%arg11 : memref<!tpu.dma_semaphore, #tpu.memory_space<semaphore_mem>>)
    %dma_wait3A_70 = arith.constant 2048 : i32
    %dma_wait3A_71 = tpu.memref_slice %arg5[%dma_wait3A_70] : memref<8192xf32, #tpu.memory_space<vmem>> -> memref<2048xf32, #tpu.memory_space<vmem>>
    %dma_wait3A_72 = tpu.memref_slice %arg2[%mul3A_19] : memref<262144xf32, #tpu.memory_space<hbm>> -> memref<2048xf32, #tpu.memory_space<hbm>>
    %dma_wait3A_73 = arith.constant 2048 : i32
    %dma_wait3A_74 = tpu.memref_slice %arg5[%dma_wait3A_73] : memref<8192xf32, #tpu.memory_space<vmem>> -> memref<2048xf32, #tpu.memory_space<vmem>>
    %dma_wait3A_75 = tpu.memref_slice %arg2[%mul3A_19] : memref<262144xf32, #tpu.memory_space<hbm>> -> memref<2048xf32, #tpu.memory_space<hbm>>
    tpu.wait_dma2 semaphore(%arg10 : memref<!tpu.dma_semaphore, #tpu.memory_space<semaphore_mem>>) src(%dma_wait3A_75 : memref<2048xf32, #tpu.memory_space<hbm>>) dst(%dma_wait3A_74 : memref<2048xf32, #tpu.memory_space<vmem>>)
    %scan3A_76 = arith.constant 0 : i32
    %scan3A_77 = arith.constant 32 : i32
    %scan3A_78 = arith.constant 32 : i32
    %scan3A_79 = arith.addi %scan3A_77, %scan3A_78 : i32
    %scan3A_80 = arith.constant 4 : i32
    %scan3A_81 = scf.for %scan3A_163 = %scan3A_77 to %scan3A_79 step %scan3A_80 iter_args(%scan3A_164 = %scan3A_76) -> (i32)  : i32 {
      %mul3A_165 = arith.constant 16 : i32
      %mul3A_166 = arith.muli %scan3A_163, %mul3A_165 : i32
      %add3A_167 = vector.broadcast %mul3A_166 : i32 to vector<16xi32>
      %add3A_168 = arith.addi %add3A_167, %iota3A : vector<16xi32>
      %gather3A = tpu.vector_load_idx %arg6[%add3A_168] : memref<2048xi32, #tpu.memory_space<vmem>>[vector<16xi32>], vector<16xi32>,
      tpu.vector_store_idx %arg8[%gather3A], %iota3A : memref<64xi32, #tpu.memory_space<vmem>>[vector<16xi32>], vector<16xi32>,
      %gather3A_169 = tpu.vector_load_idx %arg8[%gather3A] : memref<64xi32, #tpu.memory_space<vmem>>[vector<16xi32>], vector<16xi32>,
      %eq3A = arith.cmpi eq, %gather3A_169, %iota3A : vector<16xi32>
      %mul3A_170 = arith.constant 64 : i32
      %mul3A_171 = arith.muli %scan3A_163, %mul3A_170 : i32
      %add3A_172 = vector.broadcast %mul3A_171 : i32 to vector<16xi32>
      %add3A_173 = arith.addi %add3A_172, %gather3A : vector<16xi32>
      %gather3A_174 = tpu.vector_load_idx %arg5[%add3A_173] : memref<8192xf32, #tpu.memory_space<vmem>>[vector<16xi32>], vector<16xf32>,
      %jit3A = arith.constant -1.000000e+30 : f32
      %broadcast_in_dim3A_175 = vector.broadcast %jit3A : f32 to vector<16xf32>
      %select_n3A = arith.select %eq3A, %gather3A_174, %broadcast_in_dim3A_175 : vector<16xi1>, vector<16xf32>
      %masked_sort3A = arith.constant dense<true> : vector<16xi1>
      %masked_sort3A_176, %masked_sort3A_177, %masked_sort3A_178 = tpu.sort %select_n3A, %gather3A masked %masked_sort3A {descending = true} : (vector<16xf32>, vector<16xi32>, vector<16xi1>) -> (vector<16xi1>, vector<16xf32>, vector<16xi32>)
      %lt3A = arith.constant 8 : i32
      %lt3A_179 = vector.broadcast %lt3A : i32 to vector<16xi32>
      %lt3A_180 = arith.cmpi slt, %iota3A, %lt3A_179 : vector<16xi32>
      %jit3A_181 = arith.constant -1.000000e+30 : f32
      %broadcast_in_dim3A_182 = vector.broadcast %jit3A_181 : f32 to vector<16xf32>
      %select_n3A_183 = arith.select %lt3A_180, %masked_sort3A_177, %broadcast_in_dim3A_182 : vector<16xi1>, vector<16xf32>
      %reduce_max3A = arith.constant true
      %reduce_max3A_184 = vector.broadcast %reduce_max3A : i1 to vector<16xi1>
      %reduce_max3A_185 = tpu.scan <max>, %select_n3A_183 masked %reduce_max3A_184 : vector<16xf32>, vector<16xi1> -> vector<16xf32>
      %reduce_max3A_186 = vector.extract %reduce_max3A_185[15] : f32 from vector<16xf32>
      %sub3A = vector.broadcast %reduce_max3A_186 : f32 to vector<16xf32>
      %sub3A_187 = arith.subf %select_n3A_183, %sub3A : vector<16xf32>
      %exp3A = math.exp %sub3A_187 : vector<16xf32>
      %reduce_sum3A = arith.constant true
      %reduce_sum3A_188 = vector.broadcast %reduce_sum3A : i1 to vector<16xi1>
      %reduce_sum3A_189 = tpu.scan <sum>, %exp3A masked %reduce_sum3A_188 : vector<16xf32>, vector<16xi1> -> vector<16xf32>
      %reduce_sum3A_190 = vector.extract %reduce_sum3A_189[15] : f32 from vector<16xf32>
      %div3A = vector.broadcast %reduce_sum3A_190 : f32 to vector<16xf32>
      %div3A_191 = arith.divf %exp3A, %div3A : vector<16xf32>
      %gt3A = arith.constant -5.000000e+29 : f32
      %gt3A_192 = vector.broadcast %gt3A : f32 to vector<16xf32>
      %gt3A_193 = arith.cmpf ogt, %masked_sort3A_177, %gt3A_192 : vector<16xf32>
      %and3A = arith.andi %lt3A_180, %gt3A_193 : vector<16xi1>
      %mul3A_194 = arith.constant 64 : i32
      %mul3A_195 = arith.muli %scan3A_163, %mul3A_194 : i32
      %add3A_196 = arith.constant 0 : i32
      %add3A_197 = arith.addi %mul3A_195, %add3A_196 : i32
      %swap3A = arith.index_cast %add3A_197 : i32 to index
      %swap3A_198 = tpu.vector_load %arg7[%swap3A] {strides = array<i32>} : memref<8192xf32, #tpu.memory_space<vmem>>, vector<16xf32>,
      tpu.vector_store %arg7[%swap3A], %broadcast_in_dim3A_46 {strides = array<i32>} : memref<8192xf32, #tpu.memory_space<vmem>>, vector<16xf32>,
      %mul3A_199 = arith.constant 64 : i32
      %mul3A_200 = arith.muli %scan3A_163, %mul3A_199 : i32
      %add3A_201 = arith.constant 16 : i32
      %add3A_202 = arith.addi %mul3A_200, %add3A_201 : i32
      %swap3A_203 = arith.index_cast %add3A_202 : i32 to index
      %swap3A_204 = tpu.vector_load %arg7[%swap3A_203] {strides = array<i32>} : memref<8192xf32, #tpu.memory_space<vmem>>, vector<16xf32>,
      tpu.vector_store %arg7[%swap3A_203], %broadcast_in_dim3A_46 {strides = array<i32>} : memref<8192xf32, #tpu.memory_space<vmem>>, vector<16xf32>,
      %mul3A_205 = arith.constant 64 : i32
      %mul3A_206 = arith.muli %scan3A_163, %mul3A_205 : i32
      %add3A_207 = arith.constant 32 : i32
      %add3A_208 = arith.addi %mul3A_206, %add3A_207 : i32
      %swap3A_209 = arith.index_cast %add3A_208 : i32 to index
      %swap3A_210 = tpu.vector_load %arg7[%swap3A_209] {strides = array<i32>} : memref<8192xf32, #tpu.memory_space<vmem>>, vector<16xf32>,
      tpu.vector_store %arg7[%swap3A_209], %broadcast_in_dim3A_46 {strides = array<i32>} : memref<8192xf32, #tpu.memory_space<vmem>>, vector<16xf32>,
      %mul3A_211 = arith.constant 64 : i32
      %mul3A_212 = arith.muli %scan3A_163, %mul3A_211 : i32
      %add3A_213 = arith.constant 48 : i32
      %add3A_214 = arith.addi %mul3A_212, %add3A_213 : i32
      %swap3A_215 = arith.index_cast %add3A_214 : i32 to index
      %swap3A_216 = tpu.vector_load %arg7[%swap3A_215] {strides = array<i32>} : memref<8192xf32, #tpu.memory_space<vmem>>, vector<16xf32>,
      tpu.vector_store %arg7[%swap3A_215], %broadcast_in_dim3A_46 {strides = array<i32>} : memref<8192xf32, #tpu.memory_space<vmem>>, vector<16xf32>,
      %mul3A_217 = arith.constant 64 : i32
      %mul3A_218 = arith.muli %scan3A_163, %mul3A_217 : i32
      %add3A_219 = vector.broadcast %mul3A_218 : i32 to vector<16xi32>
      %add3A_220 = arith.addi %add3A_219, %masked_sort3A_178 : vector<16xi32>
      tpu.vector_store_idx %arg7[%add3A_220], %div3A_191 masked %and3A : memref<8192xf32, #tpu.memory_space<vmem>>[vector<16xi32>], vector<16xf32>, vector<16xi1>
      %scan3A_221 = arith.constant 0 : i32
      %scan3A_222 = arith.constant 1 : i32
      %scan3A_223 = arith.addi %scan3A_163, %scan3A_222 : i32
      %mul3A_224 = arith.constant 16 : i32
      %mul3A_225 = arith.muli %scan3A_223, %mul3A_224 : i32
      %add3A_226 = vector.broadcast %mul3A_225 : i32 to vector<16xi32>
      %add3A_227 = arith.addi %add3A_226, %iota3A : vector<16xi32>
      %gather3A_228 = tpu.vector_load_idx %arg6[%add3A_227] : memref<2048xi32, #tpu.memory_space<vmem>>[vector<16xi32>], vector<16xi32>,
      tpu.vector_store_idx %arg8[%gather3A_228], %iota3A : memref<64xi32, #tpu.memory_space<vmem>>[vector<16xi32>], vector<16xi32>,
      %gather3A_229 = tpu.vector_load_idx %arg8[%gather3A_228] : memref<64xi32, #tpu.memory_space<vmem>>[vector<16xi32>], vector<16xi32>,
      %eq3A_230 = arith.cmpi eq, %gather3A_229, %iota3A : vector<16xi32>
      %mul3A_231 = arith.constant 64 : i32
      %mul3A_232 = arith.muli %scan3A_223, %mul3A_231 : i32
      %add3A_233 = vector.broadcast %mul3A_232 : i32 to vector<16xi32>
      %add3A_234 = arith.addi %add3A_233, %gather3A_228 : vector<16xi32>
      %gather3A_235 = tpu.vector_load_idx %arg5[%add3A_234] : memref<8192xf32, #tpu.memory_space<vmem>>[vector<16xi32>], vector<16xf32>,
      %jit3A_236 = arith.constant -1.000000e+30 : f32
      %broadcast_in_dim3A_237 = vector.broadcast %jit3A_236 : f32 to vector<16xf32>
      %select_n3A_238 = arith.select %eq3A_230, %gather3A_235, %broadcast_in_dim3A_237 : vector<16xi1>, vector<16xf32>
      %masked_sort3A_239 = arith.constant dense<true> : vector<16xi1>
      %masked_sort3A_240, %masked_sort3A_241, %masked_sort3A_242 = tpu.sort %select_n3A_238, %gather3A_228 masked %masked_sort3A_239 {descending = true} : (vector<16xf32>, vector<16xi32>, vector<16xi1>) -> (vector<16xi1>, vector<16xf32>, vector<16xi32>)
      %lt3A_243 = arith.constant 8 : i32
      %lt3A_244 = vector.broadcast %lt3A_243 : i32 to vector<16xi32>
      %lt3A_245 = arith.cmpi slt, %iota3A, %lt3A_244 : vector<16xi32>
      %jit3A_246 = arith.constant -1.000000e+30 : f32
      %broadcast_in_dim3A_247 = vector.broadcast %jit3A_246 : f32 to vector<16xf32>
      %select_n3A_248 = arith.select %lt3A_245, %masked_sort3A_241, %broadcast_in_dim3A_247 : vector<16xi1>, vector<16xf32>
      %reduce_max3A_249 = arith.constant true
      %reduce_max3A_250 = vector.broadcast %reduce_max3A_249 : i1 to vector<16xi1>
      %reduce_max3A_251 = tpu.scan <max>, %select_n3A_248 masked %reduce_max3A_250 : vector<16xf32>, vector<16xi1> -> vector<16xf32>
      %reduce_max3A_252 = vector.extract %reduce_max3A_251[15] : f32 from vector<16xf32>
      %sub3A_253 = vector.broadcast %reduce_max3A_252 : f32 to vector<16xf32>
      %sub3A_254 = arith.subf %select_n3A_248, %sub3A_253 : vector<16xf32>
      %exp3A_255 = math.exp %sub3A_254 : vector<16xf32>
      %reduce_sum3A_256 = arith.constant true
      %reduce_sum3A_257 = vector.broadcast %reduce_sum3A_256 : i1 to vector<16xi1>
      %reduce_sum3A_258 = tpu.scan <sum>, %exp3A_255 masked %reduce_sum3A_257 : vector<16xf32>, vector<16xi1> -> vector<16xf32>
      %reduce_sum3A_259 = vector.extract %reduce_sum3A_258[15] : f32 from vector<16xf32>
      %div3A_260 = vector.broadcast %reduce_sum3A_259 : f32 to vector<16xf32>
      %div3A_261 = arith.divf %exp3A_255, %div3A_260 : vector<16xf32>
      %gt3A_262 = arith.constant -5.000000e+29 : f32
      %gt3A_263 = vector.broadcast %gt3A_262 : f32 to vector<16xf32>
      %gt3A_264 = arith.cmpf ogt, %masked_sort3A_241, %gt3A_263 : vector<16xf32>
      %and3A_265 = arith.andi %lt3A_245, %gt3A_264 : vector<16xi1>
      %mul3A_266 = arith.constant 64 : i32
      %mul3A_267 = arith.muli %scan3A_223, %mul3A_266 : i32
      %add3A_268 = arith.constant 0 : i32
      %add3A_269 = arith.addi %mul3A_267, %add3A_268 : i32
      %swap3A_270 = arith.index_cast %add3A_269 : i32 to index
      %swap3A_271 = tpu.vector_load %arg7[%swap3A_270] {strides = array<i32>} : memref<8192xf32, #tpu.memory_space<vmem>>, vector<16xf32>,
      tpu.vector_store %arg7[%swap3A_270], %broadcast_in_dim3A_46 {strides = array<i32>} : memref<8192xf32, #tpu.memory_space<vmem>>, vector<16xf32>,
      %mul3A_272 = arith.constant 64 : i32
      %mul3A_273 = arith.muli %scan3A_223, %mul3A_272 : i32
      %add3A_274 = arith.constant 16 : i32
      %add3A_275 = arith.addi %mul3A_273, %add3A_274 : i32
      %swap3A_276 = arith.index_cast %add3A_275 : i32 to index
      %swap3A_277 = tpu.vector_load %arg7[%swap3A_276] {strides = array<i32>} : memref<8192xf32, #tpu.memory_space<vmem>>, vector<16xf32>,
      tpu.vector_store %arg7[%swap3A_276], %broadcast_in_dim3A_46 {strides = array<i32>} : memref<8192xf32, #tpu.memory_space<vmem>>, vector<16xf32>,
      %mul3A_278 = arith.constant 64 : i32
      %mul3A_279 = arith.muli %scan3A_223, %mul3A_278 : i32
      %add3A_280 = arith.constant 32 : i32
      %add3A_281 = arith.addi %mul3A_279, %add3A_280 : i32
      %swap3A_282 = arith.index_cast %add3A_281 : i32 to index
      %swap3A_283 = tpu.vector_load %arg7[%swap3A_282] {strides = array<i32>} : memref<8192xf32, #tpu.memory_space<vmem>>, vector<16xf32>,
      tpu.vector_store %arg7[%swap3A_282], %broadcast_in_dim3A_46 {strides = array<i32>} : memref<8192xf32, #tpu.memory_space<vmem>>, vector<16xf32>,
      %mul3A_284 = arith.constant 64 : i32
      %mul3A_285 = arith.muli %scan3A_223, %mul3A_284 : i32
      %add3A_286 = arith.constant 48 : i32
      %add3A_287 = arith.addi %mul3A_285, %add3A_286 : i32
      %swap3A_288 = arith.index_cast %add3A_287 : i32 to index
      %swap3A_289 = tpu.vector_load %arg7[%swap3A_288] {strides = array<i32>} : memref<8192xf32, #tpu.memory_space<vmem>>, vector<16xf32>,
      tpu.vector_store %arg7[%swap3A_288], %broadcast_in_dim3A_46 {strides = array<i32>} : memref<8192xf32, #tpu.memory_space<vmem>>, vector<16xf32>,
      %mul3A_290 = arith.constant 64 : i32
      %mul3A_291 = arith.muli %scan3A_223, %mul3A_290 : i32
      %add3A_292 = vector.broadcast %mul3A_291 : i32 to vector<16xi32>
      %add3A_293 = arith.addi %add3A_292, %masked_sort3A_242 : vector<16xi32>
      tpu.vector_store_idx %arg7[%add3A_293], %div3A_261 masked %and3A_265 : memref<8192xf32, #tpu.memory_space<vmem>>[vector<16xi32>], vector<16xf32>, vector<16xi1>
      %scan3A_294 = arith.constant 0 : i32
      %scan3A_295 = arith.constant 2 : i32
      %scan3A_296 = arith.addi %scan3A_163, %scan3A_295 : i32
      %mul3A_297 = arith.constant 16 : i32
      %mul3A_298 = arith.muli %scan3A_296, %mul3A_297 : i32
      %add3A_299 = vector.broadcast %mul3A_298 : i32 to vector<16xi32>
      %add3A_300 = arith.addi %add3A_299, %iota3A : vector<16xi32>
      %gather3A_301 = tpu.vector_load_idx %arg6[%add3A_300] : memref<2048xi32, #tpu.memory_space<vmem>>[vector<16xi32>], vector<16xi32>,
      tpu.vector_store_idx %arg8[%gather3A_301], %iota3A : memref<64xi32, #tpu.memory_space<vmem>>[vector<16xi32>], vector<16xi32>,
      %gather3A_302 = tpu.vector_load_idx %arg8[%gather3A_301] : memref<64xi32, #tpu.memory_space<vmem>>[vector<16xi32>], vector<16xi32>,
      %eq3A_303 = arith.cmpi eq, %gather3A_302, %iota3A : vector<16xi32>
      %mul3A_304 = arith.constant 64 : i32
      %mul3A_305 = arith.muli %scan3A_296, %mul3A_304 : i32
      %add3A_306 = vector.broadcast %mul3A_305 : i32 to vector<16xi32>
      %add3A_307 = arith.addi %add3A_306, %gather3A_301 : vector<16xi32>
      %gather3A_308 = tpu.vector_load_idx %arg5[%add3A_307] : memref<8192xf32, #tpu.memory_space<vmem>>[vector<16xi32>], vector<16xf32>,
      %jit3A_309 = arith.constant -1.000000e+30 : f32
      %broadcast_in_dim3A_310 = vector.broadcast %jit3A_309 : f32 to vector<16xf32>
      %select_n3A_311 = arith.select %eq3A_303, %gather3A_308, %broadcast_in_dim3A_310 : vector<16xi1>, vector<16xf32>
      %masked_sort3A_312 = arith.constant dense<true> : vector<16xi1>
      %masked_sort3A_313, %masked_sort3A_314, %masked_sort3A_315 = tpu.sort %select_n3A_311, %gather3A_301 masked %masked_sort3A_312 {descending = true} : (vector<16xf32>, vector<16xi32>, vector<16xi1>) -> (vector<16xi1>, vector<16xf32>, vector<16xi32>)
      %lt3A_316 = arith.constant 8 : i32
      %lt3A_317 = vector.broadcast %lt3A_316 : i32 to vector<16xi32>
      %lt3A_318 = arith.cmpi slt, %iota3A, %lt3A_317 : vector<16xi32>
      %jit3A_319 = arith.constant -1.000000e+30 : f32
      %broadcast_in_dim3A_320 = vector.broadcast %jit3A_319 : f32 to vector<16xf32>
      %select_n3A_321 = arith.select %lt3A_318, %masked_sort3A_314, %broadcast_in_dim3A_320 : vector<16xi1>, vector<16xf32>
      %reduce_max3A_322 = arith.constant true
      %reduce_max3A_323 = vector.broadcast %reduce_max3A_322 : i1 to vector<16xi1>
      %reduce_max3A_324 = tpu.scan <max>, %select_n3A_321 masked %reduce_max3A_323 : vector<16xf32>, vector<16xi1> -> vector<16xf32>
      %reduce_max3A_325 = vector.extract %reduce_max3A_324[15] : f32 from vector<16xf32>
      %sub3A_326 = vector.broadcast %reduce_max3A_325 : f32 to vector<16xf32>
      %sub3A_327 = arith.subf %select_n3A_321, %sub3A_326 : vector<16xf32>
      %exp3A_328 = math.exp %sub3A_327 : vector<16xf32>
      %reduce_sum3A_329 = arith.constant true
      %reduce_sum3A_330 = vector.broadcast %reduce_sum3A_329 : i1 to vector<16xi1>
      %reduce_sum3A_331 = tpu.scan <sum>, %exp3A_328 masked %reduce_sum3A_330 : vector<16xf32>, vector<16xi1> -> vector<16xf32>
      %reduce_sum3A_332 = vector.extract %reduce_sum3A_331[15] : f32 from vector<16xf32>
      %div3A_333 = vector.broadcast %reduce_sum3A_332 : f32 to vector<16xf32>
      %div3A_334 = arith.divf %exp3A_328, %div3A_333 : vector<16xf32>
      %gt3A_335 = arith.constant -5.000000e+29 : f32
      %gt3A_336 = vector.broadcast %gt3A_335 : f32 to vector<16xf32>
      %gt3A_337 = arith.cmpf ogt, %masked_sort3A_314, %gt3A_336 : vector<16xf32>
      %and3A_338 = arith.andi %lt3A_318, %gt3A_337 : vector<16xi1>
      %mul3A_339 = arith.constant 64 : i32
      %mul3A_340 = arith.muli %scan3A_296, %mul3A_339 : i32
      %add3A_341 = arith.constant 0 : i32
      %add3A_342 = arith.addi %mul3A_340, %add3A_341 : i32
      %swap3A_343 = arith.index_cast %add3A_342 : i32 to index
      %swap3A_344 = tpu.vector_load %arg7[%swap3A_343] {strides = array<i32>} : memref<8192xf32, #tpu.memory_space<vmem>>, vector<16xf32>,
      tpu.vector_store %arg7[%swap3A_343], %broadcast_in_dim3A_46 {strides = array<i32>} : memref<8192xf32, #tpu.memory_space<vmem>>, vector<16xf32>,
      %mul3A_345 = arith.constant 64 : i32
      %mul3A_346 = arith.muli %scan3A_296, %mul3A_345 : i32
      %add3A_347 = arith.constant 16 : i32
      %add3A_348 = arith.addi %mul3A_346, %add3A_347 : i32
      %swap3A_349 = arith.index_cast %add3A_348 : i32 to index
      %swap3A_350 = tpu.vector_load %arg7[%swap3A_349] {strides = array<i32>} : memref<8192xf32, #tpu.memory_space<vmem>>, vector<16xf32>,
      tpu.vector_store %arg7[%swap3A_349], %broadcast_in_dim3A_46 {strides = array<i32>} : memref<8192xf32, #tpu.memory_space<vmem>>, vector<16xf32>,
      %mul3A_351 = arith.constant 64 : i32
      %mul3A_352 = arith.muli %scan3A_296, %mul3A_351 : i32
      %add3A_353 = arith.constant 32 : i32
      %add3A_354 = arith.addi %mul3A_352, %add3A_353 : i32
      %swap3A_355 = arith.index_cast %add3A_354 : i32 to index
      %swap3A_356 = tpu.vector_load %arg7[%swap3A_355] {strides = array<i32>} : memref<8192xf32, #tpu.memory_space<vmem>>, vector<16xf32>,
      tpu.vector_store %arg7[%swap3A_355], %broadcast_in_dim3A_46 {strides = array<i32>} : memref<8192xf32, #tpu.memory_space<vmem>>, vector<16xf32>,
      %mul3A_357 = arith.constant 64 : i32
      %mul3A_358 = arith.muli %scan3A_296, %mul3A_357 : i32
      %add3A_359 = arith.constant 48 : i32
      %add3A_360 = arith.addi %mul3A_358, %add3A_359 : i32
      %swap3A_361 = arith.index_cast %add3A_360 : i32 to index
      %swap3A_362 = tpu.vector_load %arg7[%swap3A_361] {strides = array<i32>} : memref<8192xf32, #tpu.memory_space<vmem>>, vector<16xf32>,
      tpu.vector_store %arg7[%swap3A_361], %broadcast_in_dim3A_46 {strides = array<i32>} : memref<8192xf32, #tpu.memory_space<vmem>>, vector<16xf32>,
      %mul3A_363 = arith.constant 64 : i32
      %mul3A_364 = arith.muli %scan3A_296, %mul3A_363 : i32
      %add3A_365 = vector.broadcast %mul3A_364 : i32 to vector<16xi32>
      %add3A_366 = arith.addi %add3A_365, %masked_sort3A_315 : vector<16xi32>
      tpu.vector_store_idx %arg7[%add3A_366], %div3A_334 masked %and3A_338 : memref<8192xf32, #tpu.memory_space<vmem>>[vector<16xi32>], vector<16xf32>, vector<16xi1>
      %scan3A_367 = arith.constant 0 : i32
      %scan3A_368 = arith.constant 3 : i32
      %scan3A_369 = arith.addi %scan3A_163, %scan3A_368 : i32
      %mul3A_370 = arith.constant 16 : i32
      %mul3A_371 = arith.muli %scan3A_369, %mul3A_370 : i32
      %add3A_372 = vector.broadcast %mul3A_371 : i32 to vector<16xi32>
      %add3A_373 = arith.addi %add3A_372, %iota3A : vector<16xi32>
      %gather3A_374 = tpu.vector_load_idx %arg6[%add3A_373] : memref<2048xi32, #tpu.memory_space<vmem>>[vector<16xi32>], vector<16xi32>,
      tpu.vector_store_idx %arg8[%gather3A_374], %iota3A : memref<64xi32, #tpu.memory_space<vmem>>[vector<16xi32>], vector<16xi32>,
      %gather3A_375 = tpu.vector_load_idx %arg8[%gather3A_374] : memref<64xi32, #tpu.memory_space<vmem>>[vector<16xi32>], vector<16xi32>,
      %eq3A_376 = arith.cmpi eq, %gather3A_375, %iota3A : vector<16xi32>
      %mul3A_377 = arith.constant 64 : i32
      %mul3A_378 = arith.muli %scan3A_369, %mul3A_377 : i32
      %add3A_379 = vector.broadcast %mul3A_378 : i32 to vector<16xi32>
      %add3A_380 = arith.addi %add3A_379, %gather3A_374 : vector<16xi32>
      %gather3A_381 = tpu.vector_load_idx %arg5[%add3A_380] : memref<8192xf32, #tpu.memory_space<vmem>>[vector<16xi32>], vector<16xf32>,
      %jit3A_382 = arith.constant -1.000000e+30 : f32
      %broadcast_in_dim3A_383 = vector.broadcast %jit3A_382 : f32 to vector<16xf32>
      %select_n3A_384 = arith.select %eq3A_376, %gather3A_381, %broadcast_in_dim3A_383 : vector<16xi1>, vector<16xf32>
      %masked_sort3A_385 = arith.constant dense<true> : vector<16xi1>
      %masked_sort3A_386, %masked_sort3A_387, %masked_sort3A_388 = tpu.sort %select_n3A_384, %gather3A_374 masked %masked_sort3A_385 {descending = true} : (vector<16xf32>, vector<16xi32>, vector<16xi1>) -> (vector<16xi1>, vector<16xf32>, vector<16xi32>)
      %lt3A_389 = arith.constant 8 : i32
      %lt3A_390 = vector.broadcast %lt3A_389 : i32 to vector<16xi32>
      %lt3A_391 = arith.cmpi slt, %iota3A, %lt3A_390 : vector<16xi32>
      %jit3A_392 = arith.constant -1.000000e+30 : f32
      %broadcast_in_dim3A_393 = vector.broadcast %jit3A_392 : f32 to vector<16xf32>
      %select_n3A_394 = arith.select %lt3A_391, %masked_sort3A_387, %broadcast_in_dim3A_393 : vector<16xi1>, vector<16xf32>
      %reduce_max3A_395 = arith.constant true
      %reduce_max3A_396 = vector.broadcast %reduce_max3A_395 : i1 to vector<16xi1>
      %reduce_max3A_397 = tpu.scan <max>, %select_n3A_394 masked %reduce_max3A_396 : vector<16xf32>, vector<16xi1> -> vector<16xf32>
      %reduce_max3A_398 = vector.extract %reduce_max3A_397[15] : f32 from vector<16xf32>
      %sub3A_399 = vector.broadcast %reduce_max3A_398 : f32 to vector<16xf32>
      %sub3A_400 = arith.subf %select_n3A_394, %sub3A_399 : vector<16xf32>
      %exp3A_401 = math.exp %sub3A_400 : vector<16xf32>
      %reduce_sum3A_402 = arith.constant true
      %reduce_sum3A_403 = vector.broadcast %reduce_sum3A_402 : i1 to vector<16xi1>
      %reduce_sum3A_404 = tpu.scan <sum>, %exp3A_401 masked %reduce_sum3A_403 : vector<16xf32>, vector<16xi1> -> vector<16xf32>
      %reduce_sum3A_405 = vector.extract %reduce_sum3A_404[15] : f32 from vector<16xf32>
      %div3A_406 = vector.broadcast %reduce_sum3A_405 : f32 to vector<16xf32>
      %div3A_407 = arith.divf %exp3A_401, %div3A_406 : vector<16xf32>
      %gt3A_408 = arith.constant -5.000000e+29 : f32
      %gt3A_409 = vector.broadcast %gt3A_408 : f32 to vector<16xf32>
      %gt3A_410 = arith.cmpf ogt, %masked_sort3A_387, %gt3A_409 : vector<16xf32>
      %and3A_411 = arith.andi %lt3A_391, %gt3A_410 : vector<16xi1>
      %mul3A_412 = arith.constant 64 : i32
      %mul3A_413 = arith.muli %scan3A_369, %mul3A_412 : i32
      %add3A_414 = arith.constant 0 : i32
      %add3A_415 = arith.addi %mul3A_413, %add3A_414 : i32
      %swap3A_416 = arith.index_cast %add3A_415 : i32 to index
      %swap3A_417 = tpu.vector_load %arg7[%swap3A_416] {strides = array<i32>} : memref<8192xf32, #tpu.memory_space<vmem>>, vector<16xf32>,
      tpu.vector_store %arg7[%swap3A_416], %broadcast_in_dim3A_46 {strides = array<i32>} : memref<8192xf32, #tpu.memory_space<vmem>>, vector<16xf32>,
      %mul3A_418 = arith.constant 64 : i32
      %mul3A_419 = arith.muli %scan3A_369, %mul3A_418 : i32
      %add3A_420 = arith.constant 16 : i32
      %add3A_421 = arith.addi %mul3A_419, %add3A_420 : i32
      %swap3A_422 = arith.index_cast %add3A_421 : i32 to index
      %swap3A_423 = tpu.vector_load %arg7[%swap3A_422] {strides = array<i32>} : memref<8192xf32, #tpu.memory_space<vmem>>, vector<16xf32>,
      tpu.vector_store %arg7[%swap3A_422], %broadcast_in_dim3A_46 {strides = array<i32>} : memref<8192xf32, #tpu.memory_space<vmem>>, vector<16xf32>,
      %mul3A_424 = arith.constant 64 : i32
      %mul3A_425 = arith.muli %scan3A_369, %mul3A_424 : i32
      %add3A_426 = arith.constant 32 : i32
      %add3A_427 = arith.addi %mul3A_425, %add3A_426 : i32
      %swap3A_428 = arith.index_cast %add3A_427 : i32 to index
      %swap3A_429 = tpu.vector_load %arg7[%swap3A_428] {strides = array<i32>} : memref<8192xf32, #tpu.memory_space<vmem>>, vector<16xf32>,
      tpu.vector_store %arg7[%swap3A_428], %broadcast_in_dim3A_46 {strides = array<i32>} : memref<8192xf32, #tpu.memory_space<vmem>>, vector<16xf32>,
      %mul3A_430 = arith.constant 64 : i32
      %mul3A_431 = arith.muli %scan3A_369, %mul3A_430 : i32
      %add3A_432 = arith.constant 48 : i32
      %add3A_433 = arith.addi %mul3A_431, %add3A_432 : i32
      %swap3A_434 = arith.index_cast %add3A_433 : i32 to index
      %swap3A_435 = tpu.vector_load %arg7[%swap3A_434] {strides = array<i32>} : memref<8192xf32, #tpu.memory_space<vmem>>, vector<16xf32>,
      tpu.vector_store %arg7[%swap3A_434], %broadcast_in_dim3A_46 {strides = array<i32>} : memref<8192xf32, #tpu.memory_space<vmem>>, vector<16xf32>,
      %mul3A_436 = arith.constant 64 : i32
      %mul3A_437 = arith.muli %scan3A_369, %mul3A_436 : i32
      %add3A_438 = vector.broadcast %mul3A_437 : i32 to vector<16xi32>
      %add3A_439 = arith.addi %add3A_438, %masked_sort3A_388 : vector<16xi32>
      tpu.vector_store_idx %arg7[%add3A_439], %div3A_407 masked %and3A_411 : memref<8192xf32, #tpu.memory_space<vmem>>[vector<16xi32>], vector<16xf32>, vector<16xi1>
      %scan3A_440 = arith.constant 0 : i32
      scf.yield %scan3A_440 : i32
    }
    %scan3A_82 = arith.constant 32 : i32
    %add3A_83 = arith.constant 32 : i32
    %add3A_84 = arith.addi %mul3A_2, %add3A_83 : i32
    %mul3A_85 = arith.constant 64 : i32
    %mul3A_86 = arith.muli %add3A_84, %mul3A_85 : i32
    %dma_start3A_87 = arith.constant 2048 : i32
    %dma_start3A_88 = tpu.memref_slice %arg7[%dma_start3A_87] : memref<8192xf32, #tpu.memory_space<vmem>> -> memref<2048xf32, #tpu.memory_space<vmem>>
    %dma_start3A_89 = tpu.memref_slice %arg4[%mul3A_86] : memref<262144xf32, #tpu.memory_space<hbm>> -> memref<2048xf32, #tpu.memory_space<hbm>>
    %dma_start3A_90 = tpu.memref_slice %arg4[%mul3A_86] : memref<262144xf32, #tpu.memory_space<hbm>> -> memref<2048xf32, #tpu.memory_space<hbm>>
    %dma_start3A_91 = arith.constant 2048 : i32
    %dma_start3A_92 = tpu.memref_slice %arg7[%dma_start3A_91] : memref<8192xf32, #tpu.memory_space<vmem>> -> memref<2048xf32, #tpu.memory_space<vmem>>
    tpu.enqueue_dma source(%dma_start3A_92 : memref<2048xf32, #tpu.memory_space<vmem>>) target(%dma_start3A_90 : memref<2048xf32, #tpu.memory_space<hbm>>) target_semaphore(%arg11 : memref<!tpu.dma_semaphore, #tpu.memory_space<semaphore_mem>>)
    %dma_wait3A_93 = arith.constant 4096 : i32
    %dma_wait3A_94 = tpu.memref_slice %arg5[%dma_wait3A_93] : memref<8192xf32, #tpu.memory_space<vmem>> -> memref<2048xf32, #tpu.memory_space<vmem>>
    %dma_wait3A_95 = tpu.memref_slice %arg2[%mul3A_29] : memref<262144xf32, #tpu.memory_space<hbm>> -> memref<2048xf32, #tpu.memory_space<hbm>>
    %dma_wait3A_96 = arith.constant 4096 : i32
    %dma_wait3A_97 = tpu.memref_slice %arg5[%dma_wait3A_96] : memref<8192xf32, #tpu.memory_space<vmem>> -> memref<2048xf32, #tpu.memory_space<vmem>>
    %dma_wait3A_98 = tpu.memref_slice %arg2[%mul3A_29] : memref<262144xf32, #tpu.memory_space<hbm>> -> memref<2048xf32, #tpu.memory_space<hbm>>
    tpu.wait_dma2 semaphore(%arg10 : memref<!tpu.dma_semaphore, #tpu.memory_space<semaphore_mem>>) src(%dma_wait3A_98 : memref<2048xf32, #tpu.memory_space<hbm>>) dst(%dma_wait3A_97 : memref<2048xf32, #tpu.memory_space<vmem>>)
    %scan3A_99 = arith.constant 0 : i32
    %scan3A_100 = arith.constant 64 : i32
    %scan3A_101 = arith.constant 32 : i32
    %scan3A_102 = arith.addi %scan3A_100, %scan3A_101 : i32
    %scan3A_103 = arith.constant 4 : i32
    %scan3A_104 = scf.for %scan3A_163 = %scan3A_100 to %scan3A_102 step %scan3A_103 iter_args(%scan3A_164 = %scan3A_99) -> (i32)  : i32 {
      %mul3A_165 = arith.constant 16 : i32
      %mul3A_166 = arith.muli %scan3A_163, %mul3A_165 : i32
      %add3A_167 = vector.broadcast %mul3A_166 : i32 to vector<16xi32>
      %add3A_168 = arith.addi %add3A_167, %iota3A : vector<16xi32>
      %gather3A = tpu.vector_load_idx %arg6[%add3A_168] : memref<2048xi32, #tpu.memory_space<vmem>>[vector<16xi32>], vector<16xi32>,
      tpu.vector_store_idx %arg8[%gather3A], %iota3A : memref<64xi32, #tpu.memory_space<vmem>>[vector<16xi32>], vector<16xi32>,
      %gather3A_169 = tpu.vector_load_idx %arg8[%gather3A] : memref<64xi32, #tpu.memory_space<vmem>>[vector<16xi32>], vector<16xi32>,
      %eq3A = arith.cmpi eq, %gather3A_169, %iota3A : vector<16xi32>
      %mul3A_170 = arith.constant 64 : i32
      %mul3A_171 = arith.muli %scan3A_163, %mul3A_170 : i32
      %add3A_172 = vector.broadcast %mul3A_171 : i32 to vector<16xi32>
      %add3A_173 = arith.addi %add3A_172, %gather3A : vector<16xi32>
      %gather3A_174 = tpu.vector_load_idx %arg5[%add3A_173] : memref<8192xf32, #tpu.memory_space<vmem>>[vector<16xi32>], vector<16xf32>,
      %jit3A = arith.constant -1.000000e+30 : f32
      %broadcast_in_dim3A_175 = vector.broadcast %jit3A : f32 to vector<16xf32>
      %select_n3A = arith.select %eq3A, %gather3A_174, %broadcast_in_dim3A_175 : vector<16xi1>, vector<16xf32>
      %masked_sort3A = arith.constant dense<true> : vector<16xi1>
      %masked_sort3A_176, %masked_sort3A_177, %masked_sort3A_178 = tpu.sort %select_n3A, %gather3A masked %masked_sort3A {descending = true} : (vector<16xf32>, vector<16xi32>, vector<16xi1>) -> (vector<16xi1>, vector<16xf32>, vector<16xi32>)
      %lt3A = arith.constant 8 : i32
      %lt3A_179 = vector.broadcast %lt3A : i32 to vector<16xi32>
      %lt3A_180 = arith.cmpi slt, %iota3A, %lt3A_179 : vector<16xi32>
      %jit3A_181 = arith.constant -1.000000e+30 : f32
      %broadcast_in_dim3A_182 = vector.broadcast %jit3A_181 : f32 to vector<16xf32>
      %select_n3A_183 = arith.select %lt3A_180, %masked_sort3A_177, %broadcast_in_dim3A_182 : vector<16xi1>, vector<16xf32>
      %reduce_max3A = arith.constant true
      %reduce_max3A_184 = vector.broadcast %reduce_max3A : i1 to vector<16xi1>
      %reduce_max3A_185 = tpu.scan <max>, %select_n3A_183 masked %reduce_max3A_184 : vector<16xf32>, vector<16xi1> -> vector<16xf32>
      %reduce_max3A_186 = vector.extract %reduce_max3A_185[15] : f32 from vector<16xf32>
      %sub3A = vector.broadcast %reduce_max3A_186 : f32 to vector<16xf32>
      %sub3A_187 = arith.subf %select_n3A_183, %sub3A : vector<16xf32>
      %exp3A = math.exp %sub3A_187 : vector<16xf32>
      %reduce_sum3A = arith.constant true
      %reduce_sum3A_188 = vector.broadcast %reduce_sum3A : i1 to vector<16xi1>
      %reduce_sum3A_189 = tpu.scan <sum>, %exp3A masked %reduce_sum3A_188 : vector<16xf32>, vector<16xi1> -> vector<16xf32>
      %reduce_sum3A_190 = vector.extract %reduce_sum3A_189[15] : f32 from vector<16xf32>
      %div3A = vector.broadcast %reduce_sum3A_190 : f32 to vector<16xf32>
      %div3A_191 = arith.divf %exp3A, %div3A : vector<16xf32>
      %gt3A = arith.constant -5.000000e+29 : f32
      %gt3A_192 = vector.broadcast %gt3A : f32 to vector<16xf32>
      %gt3A_193 = arith.cmpf ogt, %masked_sort3A_177, %gt3A_192 : vector<16xf32>
      %and3A = arith.andi %lt3A_180, %gt3A_193 : vector<16xi1>
      %mul3A_194 = arith.constant 64 : i32
      %mul3A_195 = arith.muli %scan3A_163, %mul3A_194 : i32
      %add3A_196 = arith.constant 0 : i32
      %add3A_197 = arith.addi %mul3A_195, %add3A_196 : i32
      %swap3A = arith.index_cast %add3A_197 : i32 to index
      %swap3A_198 = tpu.vector_load %arg7[%swap3A] {strides = array<i32>} : memref<8192xf32, #tpu.memory_space<vmem>>, vector<16xf32>,
      tpu.vector_store %arg7[%swap3A], %broadcast_in_dim3A_46 {strides = array<i32>} : memref<8192xf32, #tpu.memory_space<vmem>>, vector<16xf32>,
      %mul3A_199 = arith.constant 64 : i32
      %mul3A_200 = arith.muli %scan3A_163, %mul3A_199 : i32
      %add3A_201 = arith.constant 16 : i32
      %add3A_202 = arith.addi %mul3A_200, %add3A_201 : i32
      %swap3A_203 = arith.index_cast %add3A_202 : i32 to index
      %swap3A_204 = tpu.vector_load %arg7[%swap3A_203] {strides = array<i32>} : memref<8192xf32, #tpu.memory_space<vmem>>, vector<16xf32>,
      tpu.vector_store %arg7[%swap3A_203], %broadcast_in_dim3A_46 {strides = array<i32>} : memref<8192xf32, #tpu.memory_space<vmem>>, vector<16xf32>,
      %mul3A_205 = arith.constant 64 : i32
      %mul3A_206 = arith.muli %scan3A_163, %mul3A_205 : i32
      %add3A_207 = arith.constant 32 : i32
      %add3A_208 = arith.addi %mul3A_206, %add3A_207 : i32
      %swap3A_209 = arith.index_cast %add3A_208 : i32 to index
      %swap3A_210 = tpu.vector_load %arg7[%swap3A_209] {strides = array<i32>} : memref<8192xf32, #tpu.memory_space<vmem>>, vector<16xf32>,
      tpu.vector_store %arg7[%swap3A_209], %broadcast_in_dim3A_46 {strides = array<i32>} : memref<8192xf32, #tpu.memory_space<vmem>>, vector<16xf32>,
      %mul3A_211 = arith.constant 64 : i32
      %mul3A_212 = arith.muli %scan3A_163, %mul3A_211 : i32
      %add3A_213 = arith.constant 48 : i32
      %add3A_214 = arith.addi %mul3A_212, %add3A_213 : i32
      %swap3A_215 = arith.index_cast %add3A_214 : i32 to index
      %swap3A_216 = tpu.vector_load %arg7[%swap3A_215] {strides = array<i32>} : memref<8192xf32, #tpu.memory_space<vmem>>, vector<16xf32>,
      tpu.vector_store %arg7[%swap3A_215], %broadcast_in_dim3A_46 {strides = array<i32>} : memref<8192xf32, #tpu.memory_space<vmem>>, vector<16xf32>,
      %mul3A_217 = arith.constant 64 : i32
      %mul3A_218 = arith.muli %scan3A_163, %mul3A_217 : i32
      %add3A_219 = vector.broadcast %mul3A_218 : i32 to vector<16xi32>
      %add3A_220 = arith.addi %add3A_219, %masked_sort3A_178 : vector<16xi32>
      tpu.vector_store_idx %arg7[%add3A_220], %div3A_191 masked %and3A : memref<8192xf32, #tpu.memory_space<vmem>>[vector<16xi32>], vector<16xf32>, vector<16xi1>
      %scan3A_221 = arith.constant 0 : i32
      %scan3A_222 = arith.constant 1 : i32
      %scan3A_223 = arith.addi %scan3A_163, %scan3A_222 : i32
      %mul3A_224 = arith.constant 16 : i32
      %mul3A_225 = arith.muli %scan3A_223, %mul3A_224 : i32
      %add3A_226 = vector.broadcast %mul3A_225 : i32 to vector<16xi32>
      %add3A_227 = arith.addi %add3A_226, %iota3A : vector<16xi32>
      %gather3A_228 = tpu.vector_load_idx %arg6[%add3A_227] : memref<2048xi32, #tpu.memory_space<vmem>>[vector<16xi32>], vector<16xi32>,
      tpu.vector_store_idx %arg8[%gather3A_228], %iota3A : memref<64xi32, #tpu.memory_space<vmem>>[vector<16xi32>], vector<16xi32>,
      %gather3A_229 = tpu.vector_load_idx %arg8[%gather3A_228] : memref<64xi32, #tpu.memory_space<vmem>>[vector<16xi32>], vector<16xi32>,
      %eq3A_230 = arith.cmpi eq, %gather3A_229, %iota3A : vector<16xi32>
      %mul3A_231 = arith.constant 64 : i32
      %mul3A_232 = arith.muli %scan3A_223, %mul3A_231 : i32
      %add3A_233 = vector.broadcast %mul3A_232 : i32 to vector<16xi32>
      %add3A_234 = arith.addi %add3A_233, %gather3A_228 : vector<16xi32>
      %gather3A_235 = tpu.vector_load_idx %arg5[%add3A_234] : memref<8192xf32, #tpu.memory_space<vmem>>[vector<16xi32>], vector<16xf32>,
      %jit3A_236 = arith.constant -1.000000e+30 : f32
      %broadcast_in_dim3A_237 = vector.broadcast %jit3A_236 : f32 to vector<16xf32>
      %select_n3A_238 = arith.select %eq3A_230, %gather3A_235, %broadcast_in_dim3A_237 : vector<16xi1>, vector<16xf32>
      %masked_sort3A_239 = arith.constant dense<true> : vector<16xi1>
      %masked_sort3A_240, %masked_sort3A_241, %masked_sort3A_242 = tpu.sort %select_n3A_238, %gather3A_228 masked %masked_sort3A_239 {descending = true} : (vector<16xf32>, vector<16xi32>, vector<16xi1>) -> (vector<16xi1>, vector<16xf32>, vector<16xi32>)
      %lt3A_243 = arith.constant 8 : i32
      %lt3A_244 = vector.broadcast %lt3A_243 : i32 to vector<16xi32>
      %lt3A_245 = arith.cmpi slt, %iota3A, %lt3A_244 : vector<16xi32>
      %jit3A_246 = arith.constant -1.000000e+30 : f32
      %broadcast_in_dim3A_247 = vector.broadcast %jit3A_246 : f32 to vector<16xf32>
      %select_n3A_248 = arith.select %lt3A_245, %masked_sort3A_241, %broadcast_in_dim3A_247 : vector<16xi1>, vector<16xf32>
      %reduce_max3A_249 = arith.constant true
      %reduce_max3A_250 = vector.broadcast %reduce_max3A_249 : i1 to vector<16xi1>
      %reduce_max3A_251 = tpu.scan <max>, %select_n3A_248 masked %reduce_max3A_250 : vector<16xf32>, vector<16xi1> -> vector<16xf32>
      %reduce_max3A_252 = vector.extract %reduce_max3A_251[15] : f32 from vector<16xf32>
      %sub3A_253 = vector.broadcast %reduce_max3A_252 : f32 to vector<16xf32>
      %sub3A_254 = arith.subf %select_n3A_248, %sub3A_253 : vector<16xf32>
      %exp3A_255 = math.exp %sub3A_254 : vector<16xf32>
      %reduce_sum3A_256 = arith.constant true
      %reduce_sum3A_257 = vector.broadcast %reduce_sum3A_256 : i1 to vector<16xi1>
      %reduce_sum3A_258 = tpu.scan <sum>, %exp3A_255 masked %reduce_sum3A_257 : vector<16xf32>, vector<16xi1> -> vector<16xf32>
      %reduce_sum3A_259 = vector.extract %reduce_sum3A_258[15] : f32 from vector<16xf32>
      %div3A_260 = vector.broadcast %reduce_sum3A_259 : f32 to vector<16xf32>
      %div3A_261 = arith.divf %exp3A_255, %div3A_260 : vector<16xf32>
      %gt3A_262 = arith.constant -5.000000e+29 : f32
      %gt3A_263 = vector.broadcast %gt3A_262 : f32 to vector<16xf32>
      %gt3A_264 = arith.cmpf ogt, %masked_sort3A_241, %gt3A_263 : vector<16xf32>
      %and3A_265 = arith.andi %lt3A_245, %gt3A_264 : vector<16xi1>
      %mul3A_266 = arith.constant 64 : i32
      %mul3A_267 = arith.muli %scan3A_223, %mul3A_266 : i32
      %add3A_268 = arith.constant 0 : i32
      %add3A_269 = arith.addi %mul3A_267, %add3A_268 : i32
      %swap3A_270 = arith.index_cast %add3A_269 : i32 to index
      %swap3A_271 = tpu.vector_load %arg7[%swap3A_270] {strides = array<i32>} : memref<8192xf32, #tpu.memory_space<vmem>>, vector<16xf32>,
      tpu.vector_store %arg7[%swap3A_270], %broadcast_in_dim3A_46 {strides = array<i32>} : memref<8192xf32, #tpu.memory_space<vmem>>, vector<16xf32>,
      %mul3A_272 = arith.constant 64 : i32
      %mul3A_273 = arith.muli %scan3A_223, %mul3A_272 : i32
      %add3A_274 = arith.constant 16 : i32
      %add3A_275 = arith.addi %mul3A_273, %add3A_274 : i32
      %swap3A_276 = arith.index_cast %add3A_275 : i32 to index
      %swap3A_277 = tpu.vector_load %arg7[%swap3A_276] {strides = array<i32>} : memref<8192xf32, #tpu.memory_space<vmem>>, vector<16xf32>,
      tpu.vector_store %arg7[%swap3A_276], %broadcast_in_dim3A_46 {strides = array<i32>} : memref<8192xf32, #tpu.memory_space<vmem>>, vector<16xf32>,
      %mul3A_278 = arith.constant 64 : i32
      %mul3A_279 = arith.muli %scan3A_223, %mul3A_278 : i32
      %add3A_280 = arith.constant 32 : i32
      %add3A_281 = arith.addi %mul3A_279, %add3A_280 : i32
      %swap3A_282 = arith.index_cast %add3A_281 : i32 to index
      %swap3A_283 = tpu.vector_load %arg7[%swap3A_282] {strides = array<i32>} : memref<8192xf32, #tpu.memory_space<vmem>>, vector<16xf32>,
      tpu.vector_store %arg7[%swap3A_282], %broadcast_in_dim3A_46 {strides = array<i32>} : memref<8192xf32, #tpu.memory_space<vmem>>, vector<16xf32>,
      %mul3A_284 = arith.constant 64 : i32
      %mul3A_285 = arith.muli %scan3A_223, %mul3A_284 : i32
      %add3A_286 = arith.constant 48 : i32
      %add3A_287 = arith.addi %mul3A_285, %add3A_286 : i32
      %swap3A_288 = arith.index_cast %add3A_287 : i32 to index
      %swap3A_289 = tpu.vector_load %arg7[%swap3A_288] {strides = array<i32>} : memref<8192xf32, #tpu.memory_space<vmem>>, vector<16xf32>,
      tpu.vector_store %arg7[%swap3A_288], %broadcast_in_dim3A_46 {strides = array<i32>} : memref<8192xf32, #tpu.memory_space<vmem>>, vector<16xf32>,
      %mul3A_290 = arith.constant 64 : i32
      %mul3A_291 = arith.muli %scan3A_223, %mul3A_290 : i32
      %add3A_292 = vector.broadcast %mul3A_291 : i32 to vector<16xi32>
      %add3A_293 = arith.addi %add3A_292, %masked_sort3A_242 : vector<16xi32>
      tpu.vector_store_idx %arg7[%add3A_293], %div3A_261 masked %and3A_265 : memref<8192xf32, #tpu.memory_space<vmem>>[vector<16xi32>], vector<16xf32>, vector<16xi1>
      %scan3A_294 = arith.constant 0 : i32
      %scan3A_295 = arith.constant 2 : i32
      %scan3A_296 = arith.addi %scan3A_163, %scan3A_295 : i32
      %mul3A_297 = arith.constant 16 : i32
      %mul3A_298 = arith.muli %scan3A_296, %mul3A_297 : i32
      %add3A_299 = vector.broadcast %mul3A_298 : i32 to vector<16xi32>
      %add3A_300 = arith.addi %add3A_299, %iota3A : vector<16xi32>
      %gather3A_301 = tpu.vector_load_idx %arg6[%add3A_300] : memref<2048xi32, #tpu.memory_space<vmem>>[vector<16xi32>], vector<16xi32>,
      tpu.vector_store_idx %arg8[%gather3A_301], %iota3A : memref<64xi32, #tpu.memory_space<vmem>>[vector<16xi32>], vector<16xi32>,
      %gather3A_302 = tpu.vector_load_idx %arg8[%gather3A_301] : memref<64xi32, #tpu.memory_space<vmem>>[vector<16xi32>], vector<16xi32>,
      %eq3A_303 = arith.cmpi eq, %gather3A_302, %iota3A : vector<16xi32>
      %mul3A_304 = arith.constant 64 : i32
      %mul3A_305 = arith.muli %scan3A_296, %mul3A_304 : i32
      %add3A_306 = vector.broadcast %mul3A_305 : i32 to vector<16xi32>
      %add3A_307 = arith.addi %add3A_306, %gather3A_301 : vector<16xi32>
      %gather3A_308 = tpu.vector_load_idx %arg5[%add3A_307] : memref<8192xf32, #tpu.memory_space<vmem>>[vector<16xi32>], vector<16xf32>,
      %jit3A_309 = arith.constant -1.000000e+30 : f32
      %broadcast_in_dim3A_310 = vector.broadcast %jit3A_309 : f32 to vector<16xf32>
      %select_n3A_311 = arith.select %eq3A_303, %gather3A_308, %broadcast_in_dim3A_310 : vector<16xi1>, vector<16xf32>
      %masked_sort3A_312 = arith.constant dense<true> : vector<16xi1>
      %masked_sort3A_313, %masked_sort3A_314, %masked_sort3A_315 = tpu.sort %select_n3A_311, %gather3A_301 masked %masked_sort3A_312 {descending = true} : (vector<16xf32>, vector<16xi32>, vector<16xi1>) -> (vector<16xi1>, vector<16xf32>, vector<16xi32>)
      %lt3A_316 = arith.constant 8 : i32
      %lt3A_317 = vector.broadcast %lt3A_316 : i32 to vector<16xi32>
      %lt3A_318 = arith.cmpi slt, %iota3A, %lt3A_317 : vector<16xi32>
      %jit3A_319 = arith.constant -1.000000e+30 : f32
      %broadcast_in_dim3A_320 = vector.broadcast %jit3A_319 : f32 to vector<16xf32>
      %select_n3A_321 = arith.select %lt3A_318, %masked_sort3A_314, %broadcast_in_dim3A_320 : vector<16xi1>, vector<16xf32>
      %reduce_max3A_322 = arith.constant true
      %reduce_max3A_323 = vector.broadcast %reduce_max3A_322 : i1 to vector<16xi1>
      %reduce_max3A_324 = tpu.scan <max>, %select_n3A_321 masked %reduce_max3A_323 : vector<16xf32>, vector<16xi1> -> vector<16xf32>
      %reduce_max3A_325 = vector.extract %reduce_max3A_324[15] : f32 from vector<16xf32>
      %sub3A_326 = vector.broadcast %reduce_max3A_325 : f32 to vector<16xf32>
      %sub3A_327 = arith.subf %select_n3A_321, %sub3A_326 : vector<16xf32>
      %exp3A_328 = math.exp %sub3A_327 : vector<16xf32>
      %reduce_sum3A_329 = arith.constant true
      %reduce_sum3A_330 = vector.broadcast %reduce_sum3A_329 : i1 to vector<16xi1>
      %reduce_sum3A_331 = tpu.scan <sum>, %exp3A_328 masked %reduce_sum3A_330 : vector<16xf32>, vector<16xi1> -> vector<16xf32>
      %reduce_sum3A_332 = vector.extract %reduce_sum3A_331[15] : f32 from vector<16xf32>
      %div3A_333 = vector.broadcast %reduce_sum3A_332 : f32 to vector<16xf32>
      %div3A_334 = arith.divf %exp3A_328, %div3A_333 : vector<16xf32>
      %gt3A_335 = arith.constant -5.000000e+29 : f32
      %gt3A_336 = vector.broadcast %gt3A_335 : f32 to vector<16xf32>
      %gt3A_337 = arith.cmpf ogt, %masked_sort3A_314, %gt3A_336 : vector<16xf32>
      %and3A_338 = arith.andi %lt3A_318, %gt3A_337 : vector<16xi1>
      %mul3A_339 = arith.constant 64 : i32
      %mul3A_340 = arith.muli %scan3A_296, %mul3A_339 : i32
      %add3A_341 = arith.constant 0 : i32
      %add3A_342 = arith.addi %mul3A_340, %add3A_341 : i32
      %swap3A_343 = arith.index_cast %add3A_342 : i32 to index
      %swap3A_344 = tpu.vector_load %arg7[%swap3A_343] {strides = array<i32>} : memref<8192xf32, #tpu.memory_space<vmem>>, vector<16xf32>,
      tpu.vector_store %arg7[%swap3A_343], %broadcast_in_dim3A_46 {strides = array<i32>} : memref<8192xf32, #tpu.memory_space<vmem>>, vector<16xf32>,
      %mul3A_345 = arith.constant 64 : i32
      %mul3A_346 = arith.muli %scan3A_296, %mul3A_345 : i32
      %add3A_347 = arith.constant 16 : i32
      %add3A_348 = arith.addi %mul3A_346, %add3A_347 : i32
      %swap3A_349 = arith.index_cast %add3A_348 : i32 to index
      %swap3A_350 = tpu.vector_load %arg7[%swap3A_349] {strides = array<i32>} : memref<8192xf32, #tpu.memory_space<vmem>>, vector<16xf32>,
      tpu.vector_store %arg7[%swap3A_349], %broadcast_in_dim3A_46 {strides = array<i32>} : memref<8192xf32, #tpu.memory_space<vmem>>, vector<16xf32>,
      %mul3A_351 = arith.constant 64 : i32
      %mul3A_352 = arith.muli %scan3A_296, %mul3A_351 : i32
      %add3A_353 = arith.constant 32 : i32
      %add3A_354 = arith.addi %mul3A_352, %add3A_353 : i32
      %swap3A_355 = arith.index_cast %add3A_354 : i32 to index
      %swap3A_356 = tpu.vector_load %arg7[%swap3A_355] {strides = array<i32>} : memref<8192xf32, #tpu.memory_space<vmem>>, vector<16xf32>,
      tpu.vector_store %arg7[%swap3A_355], %broadcast_in_dim3A_46 {strides = array<i32>} : memref<8192xf32, #tpu.memory_space<vmem>>, vector<16xf32>,
      %mul3A_357 = arith.constant 64 : i32
      %mul3A_358 = arith.muli %scan3A_296, %mul3A_357 : i32
      %add3A_359 = arith.constant 48 : i32
      %add3A_360 = arith.addi %mul3A_358, %add3A_359 : i32
      %swap3A_361 = arith.index_cast %add3A_360 : i32 to index
      %swap3A_362 = tpu.vector_load %arg7[%swap3A_361] {strides = array<i32>} : memref<8192xf32, #tpu.memory_space<vmem>>, vector<16xf32>,
      tpu.vector_store %arg7[%swap3A_361], %broadcast_in_dim3A_46 {strides = array<i32>} : memref<8192xf32, #tpu.memory_space<vmem>>, vector<16xf32>,
      %mul3A_363 = arith.constant 64 : i32
      %mul3A_364 = arith.muli %scan3A_296, %mul3A_363 : i32
      %add3A_365 = vector.broadcast %mul3A_364 : i32 to vector<16xi32>
      %add3A_366 = arith.addi %add3A_365, %masked_sort3A_315 : vector<16xi32>
      tpu.vector_store_idx %arg7[%add3A_366], %div3A_334 masked %and3A_338 : memref<8192xf32, #tpu.memory_space<vmem>>[vector<16xi32>], vector<16xf32>, vector<16xi1>
      %scan3A_367 = arith.constant 0 : i32
      %scan3A_368 = arith.constant 3 : i32
      %scan3A_369 = arith.addi %scan3A_163, %scan3A_368 : i32
      %mul3A_370 = arith.constant 16 : i32
      %mul3A_371 = arith.muli %scan3A_369, %mul3A_370 : i32
      %add3A_372 = vector.broadcast %mul3A_371 : i32 to vector<16xi32>
      %add3A_373 = arith.addi %add3A_372, %iota3A : vector<16xi32>
      %gather3A_374 = tpu.vector_load_idx %arg6[%add3A_373] : memref<2048xi32, #tpu.memory_space<vmem>>[vector<16xi32>], vector<16xi32>,
      tpu.vector_store_idx %arg8[%gather3A_374], %iota3A : memref<64xi32, #tpu.memory_space<vmem>>[vector<16xi32>], vector<16xi32>,
      %gather3A_375 = tpu.vector_load_idx %arg8[%gather3A_374] : memref<64xi32, #tpu.memory_space<vmem>>[vector<16xi32>], vector<16xi32>,
      %eq3A_376 = arith.cmpi eq, %gather3A_375, %iota3A : vector<16xi32>
      %mul3A_377 = arith.constant 64 : i32
      %mul3A_378 = arith.muli %scan3A_369, %mul3A_377 : i32
      %add3A_379 = vector.broadcast %mul3A_378 : i32 to vector<16xi32>
      %add3A_380 = arith.addi %add3A_379, %gather3A_374 : vector<16xi32>
      %gather3A_381 = tpu.vector_load_idx %arg5[%add3A_380] : memref<8192xf32, #tpu.memory_space<vmem>>[vector<16xi32>], vector<16xf32>,
      %jit3A_382 = arith.constant -1.000000e+30 : f32
      %broadcast_in_dim3A_383 = vector.broadcast %jit3A_382 : f32 to vector<16xf32>
      %select_n3A_384 = arith.select %eq3A_376, %gather3A_381, %broadcast_in_dim3A_383 : vector<16xi1>, vector<16xf32>
      %masked_sort3A_385 = arith.constant dense<true> : vector<16xi1>
      %masked_sort3A_386, %masked_sort3A_387, %masked_sort3A_388 = tpu.sort %select_n3A_384, %gather3A_374 masked %masked_sort3A_385 {descending = true} : (vector<16xf32>, vector<16xi32>, vector<16xi1>) -> (vector<16xi1>, vector<16xf32>, vector<16xi32>)
      %lt3A_389 = arith.constant 8 : i32
      %lt3A_390 = vector.broadcast %lt3A_389 : i32 to vector<16xi32>
      %lt3A_391 = arith.cmpi slt, %iota3A, %lt3A_390 : vector<16xi32>
      %jit3A_392 = arith.constant -1.000000e+30 : f32
      %broadcast_in_dim3A_393 = vector.broadcast %jit3A_392 : f32 to vector<16xf32>
      %select_n3A_394 = arith.select %lt3A_391, %masked_sort3A_387, %broadcast_in_dim3A_393 : vector<16xi1>, vector<16xf32>
      %reduce_max3A_395 = arith.constant true
      %reduce_max3A_396 = vector.broadcast %reduce_max3A_395 : i1 to vector<16xi1>
      %reduce_max3A_397 = tpu.scan <max>, %select_n3A_394 masked %reduce_max3A_396 : vector<16xf32>, vector<16xi1> -> vector<16xf32>
      %reduce_max3A_398 = vector.extract %reduce_max3A_397[15] : f32 from vector<16xf32>
      %sub3A_399 = vector.broadcast %reduce_max3A_398 : f32 to vector<16xf32>
      %sub3A_400 = arith.subf %select_n3A_394, %sub3A_399 : vector<16xf32>
      %exp3A_401 = math.exp %sub3A_400 : vector<16xf32>
      %reduce_sum3A_402 = arith.constant true
      %reduce_sum3A_403 = vector.broadcast %reduce_sum3A_402 : i1 to vector<16xi1>
      %reduce_sum3A_404 = tpu.scan <sum>, %exp3A_401 masked %reduce_sum3A_403 : vector<16xf32>, vector<16xi1> -> vector<16xf32>
      %reduce_sum3A_405 = vector.extract %reduce_sum3A_404[15] : f32 from vector<16xf32>
      %div3A_406 = vector.broadcast %reduce_sum3A_405 : f32 to vector<16xf32>
      %div3A_407 = arith.divf %exp3A_401, %div3A_406 : vector<16xf32>
      %gt3A_408 = arith.constant -5.000000e+29 : f32
      %gt3A_409 = vector.broadcast %gt3A_408 : f32 to vector<16xf32>
      %gt3A_410 = arith.cmpf ogt, %masked_sort3A_387, %gt3A_409 : vector<16xf32>
      %and3A_411 = arith.andi %lt3A_391, %gt3A_410 : vector<16xi1>
      %mul3A_412 = arith.constant 64 : i32
      %mul3A_413 = arith.muli %scan3A_369, %mul3A_412 : i32
      %add3A_414 = arith.constant 0 : i32
      %add3A_415 = arith.addi %mul3A_413, %add3A_414 : i32
      %swap3A_416 = arith.index_cast %add3A_415 : i32 to index
      %swap3A_417 = tpu.vector_load %arg7[%swap3A_416] {strides = array<i32>} : memref<8192xf32, #tpu.memory_space<vmem>>, vector<16xf32>,
      tpu.vector_store %arg7[%swap3A_416], %broadcast_in_dim3A_46 {strides = array<i32>} : memref<8192xf32, #tpu.memory_space<vmem>>, vector<16xf32>,
      %mul3A_418 = arith.constant 64 : i32
      %mul3A_419 = arith.muli %scan3A_369, %mul3A_418 : i32
      %add3A_420 = arith.constant 16 : i32
      %add3A_421 = arith.addi %mul3A_419, %add3A_420 : i32
      %swap3A_422 = arith.index_cast %add3A_421 : i32 to index
      %swap3A_423 = tpu.vector_load %arg7[%swap3A_422] {strides = array<i32>} : memref<8192xf32, #tpu.memory_space<vmem>>, vector<16xf32>,
      tpu.vector_store %arg7[%swap3A_422], %broadcast_in_dim3A_46 {strides = array<i32>} : memref<8192xf32, #tpu.memory_space<vmem>>, vector<16xf32>,
      %mul3A_424 = arith.constant 64 : i32
      %mul3A_425 = arith.muli %scan3A_369, %mul3A_424 : i32
      %add3A_426 = arith.constant 32 : i32
      %add3A_427 = arith.addi %mul3A_425, %add3A_426 : i32
      %swap3A_428 = arith.index_cast %add3A_427 : i32 to index
      %swap3A_429 = tpu.vector_load %arg7[%swap3A_428] {strides = array<i32>} : memref<8192xf32, #tpu.memory_space<vmem>>, vector<16xf32>,
      tpu.vector_store %arg7[%swap3A_428], %broadcast_in_dim3A_46 {strides = array<i32>} : memref<8192xf32, #tpu.memory_space<vmem>>, vector<16xf32>,
      %mul3A_430 = arith.constant 64 : i32
      %mul3A_431 = arith.muli %scan3A_369, %mul3A_430 : i32
      %add3A_432 = arith.constant 48 : i32
      %add3A_433 = arith.addi %mul3A_431, %add3A_432 : i32
      %swap3A_434 = arith.index_cast %add3A_433 : i32 to index
      %swap3A_435 = tpu.vector_load %arg7[%swap3A_434] {strides = array<i32>} : memref<8192xf32, #tpu.memory_space<vmem>>, vector<16xf32>,
      tpu.vector_store %arg7[%swap3A_434], %broadcast_in_dim3A_46 {strides = array<i32>} : memref<8192xf32, #tpu.memory_space<vmem>>, vector<16xf32>,
      %mul3A_436 = arith.constant 64 : i32
      %mul3A_437 = arith.muli %scan3A_369, %mul3A_436 : i32
      %add3A_438 = vector.broadcast %mul3A_437 : i32 to vector<16xi32>
      %add3A_439 = arith.addi %add3A_438, %masked_sort3A_388 : vector<16xi32>
      tpu.vector_store_idx %arg7[%add3A_439], %div3A_407 masked %and3A_411 : memref<8192xf32, #tpu.memory_space<vmem>>[vector<16xi32>], vector<16xf32>, vector<16xi1>
      %scan3A_440 = arith.constant 0 : i32
      scf.yield %scan3A_440 : i32
    }
    %scan3A_105 = arith.constant 32 : i32
    %add3A_106 = arith.constant 64 : i32
    %add3A_107 = arith.addi %mul3A_2, %add3A_106 : i32
    %mul3A_108 = arith.constant 64 : i32
    %mul3A_109 = arith.muli %add3A_107, %mul3A_108 : i32
    %dma_start3A_110 = arith.constant 4096 : i32
    %dma_start3A_111 = tpu.memref_slice %arg7[%dma_start3A_110] : memref<8192xf32, #tpu.memory_space<vmem>> -> memref<2048xf32, #tpu.memory_space<vmem>>
    %dma_start3A_112 = tpu.memref_slice %arg4[%mul3A_109] : memref<262144xf32, #tpu.memory_space<hbm>> -> memref<2048xf32, #tpu.memory_space<hbm>>
    %dma_start3A_113 = tpu.memref_slice %arg4[%mul3A_109] : memref<262144xf32, #tpu.memory_space<hbm>> -> memref<2048xf32, #tpu.memory_space<hbm>>
    %dma_start3A_114 = arith.constant 4096 : i32
    %dma_start3A_115 = tpu.memref_slice %arg7[%dma_start3A_114] : memref<8192xf32, #tpu.memory_space<vmem>> -> memref<2048xf32, #tpu.memory_space<vmem>>
    tpu.enqueue_dma source(%dma_start3A_115 : memref<2048xf32, #tpu.memory_space<vmem>>) target(%dma_start3A_113 : memref<2048xf32, #tpu.memory_space<hbm>>) target_semaphore(%arg11 : memref<!tpu.dma_semaphore, #tpu.memory_space<semaphore_mem>>)
    %dma_wait3A_116 = arith.constant 6144 : i32
    %dma_wait3A_117 = tpu.memref_slice %arg5[%dma_wait3A_116] : memref<8192xf32, #tpu.memory_space<vmem>> -> memref<2048xf32, #tpu.memory_space<vmem>>
    %dma_wait3A_118 = tpu.memref_slice %arg2[%mul3A_39] : memref<262144xf32, #tpu.memory_space<hbm>> -> memref<2048xf32, #tpu.memory_space<hbm>>
    %dma_wait3A_119 = arith.constant 6144 : i32
    %dma_wait3A_120 = tpu.memref_slice %arg5[%dma_wait3A_119] : memref<8192xf32, #tpu.memory_space<vmem>> -> memref<2048xf32, #tpu.memory_space<vmem>>
    %dma_wait3A_121 = tpu.memref_slice %arg2[%mul3A_39] : memref<262144xf32, #tpu.memory_space<hbm>> -> memref<2048xf32, #tpu.memory_space<hbm>>
    tpu.wait_dma2 semaphore(%arg10 : memref<!tpu.dma_semaphore, #tpu.memory_space<semaphore_mem>>) src(%dma_wait3A_121 : memref<2048xf32, #tpu.memory_space<hbm>>) dst(%dma_wait3A_120 : memref<2048xf32, #tpu.memory_space<vmem>>)
    %scan3A_122 = arith.constant 0 : i32
    %scan3A_123 = arith.constant 96 : i32
    %scan3A_124 = arith.constant 32 : i32
    %scan3A_125 = arith.addi %scan3A_123, %scan3A_124 : i32
    %scan3A_126 = arith.constant 4 : i32
    %scan3A_127 = scf.for %scan3A_163 = %scan3A_123 to %scan3A_125 step %scan3A_126 iter_args(%scan3A_164 = %scan3A_122) -> (i32)  : i32 {
      %mul3A_165 = arith.constant 16 : i32
      %mul3A_166 = arith.muli %scan3A_163, %mul3A_165 : i32
      %add3A_167 = vector.broadcast %mul3A_166 : i32 to vector<16xi32>
      %add3A_168 = arith.addi %add3A_167, %iota3A : vector<16xi32>
      %gather3A = tpu.vector_load_idx %arg6[%add3A_168] : memref<2048xi32, #tpu.memory_space<vmem>>[vector<16xi32>], vector<16xi32>,
      tpu.vector_store_idx %arg8[%gather3A], %iota3A : memref<64xi32, #tpu.memory_space<vmem>>[vector<16xi32>], vector<16xi32>,
      %gather3A_169 = tpu.vector_load_idx %arg8[%gather3A] : memref<64xi32, #tpu.memory_space<vmem>>[vector<16xi32>], vector<16xi32>,
      %eq3A = arith.cmpi eq, %gather3A_169, %iota3A : vector<16xi32>
      %mul3A_170 = arith.constant 64 : i32
      %mul3A_171 = arith.muli %scan3A_163, %mul3A_170 : i32
      %add3A_172 = vector.broadcast %mul3A_171 : i32 to vector<16xi32>
      %add3A_173 = arith.addi %add3A_172, %gather3A : vector<16xi32>
      %gather3A_174 = tpu.vector_load_idx %arg5[%add3A_173] : memref<8192xf32, #tpu.memory_space<vmem>>[vector<16xi32>], vector<16xf32>,
      %jit3A = arith.constant -1.000000e+30 : f32
      %broadcast_in_dim3A_175 = vector.broadcast %jit3A : f32 to vector<16xf32>
      %select_n3A = arith.select %eq3A, %gather3A_174, %broadcast_in_dim3A_175 : vector<16xi1>, vector<16xf32>
      %masked_sort3A = arith.constant dense<true> : vector<16xi1>
      %masked_sort3A_176, %masked_sort3A_177, %masked_sort3A_178 = tpu.sort %select_n3A, %gather3A masked %masked_sort3A {descending = true} : (vector<16xf32>, vector<16xi32>, vector<16xi1>) -> (vector<16xi1>, vector<16xf32>, vector<16xi32>)
      %lt3A = arith.constant 8 : i32
      %lt3A_179 = vector.broadcast %lt3A : i32 to vector<16xi32>
      %lt3A_180 = arith.cmpi slt, %iota3A, %lt3A_179 : vector<16xi32>
      %jit3A_181 = arith.constant -1.000000e+30 : f32
      %broadcast_in_dim3A_182 = vector.broadcast %jit3A_181 : f32 to vector<16xf32>
      %select_n3A_183 = arith.select %lt3A_180, %masked_sort3A_177, %broadcast_in_dim3A_182 : vector<16xi1>, vector<16xf32>
      %reduce_max3A = arith.constant true
      %reduce_max3A_184 = vector.broadcast %reduce_max3A : i1 to vector<16xi1>
      %reduce_max3A_185 = tpu.scan <max>, %select_n3A_183 masked %reduce_max3A_184 : vector<16xf32>, vector<16xi1> -> vector<16xf32>
      %reduce_max3A_186 = vector.extract %reduce_max3A_185[15] : f32 from vector<16xf32>
      %sub3A = vector.broadcast %reduce_max3A_186 : f32 to vector<16xf32>
      %sub3A_187 = arith.subf %select_n3A_183, %sub3A : vector<16xf32>
      %exp3A = math.exp %sub3A_187 : vector<16xf32>
      %reduce_sum3A = arith.constant true
      %reduce_sum3A_188 = vector.broadcast %reduce_sum3A : i1 to vector<16xi1>
      %reduce_sum3A_189 = tpu.scan <sum>, %exp3A masked %reduce_sum3A_188 : vector<16xf32>, vector<16xi1> -> vector<16xf32>
      %reduce_sum3A_190 = vector.extract %reduce_sum3A_189[15] : f32 from vector<16xf32>
      %div3A = vector.broadcast %reduce_sum3A_190 : f32 to vector<16xf32>
      %div3A_191 = arith.divf %exp3A, %div3A : vector<16xf32>
      %gt3A = arith.constant -5.000000e+29 : f32
      %gt3A_192 = vector.broadcast %gt3A : f32 to vector<16xf32>
      %gt3A_193 = arith.cmpf ogt, %masked_sort3A_177, %gt3A_192 : vector<16xf32>
      %and3A = arith.andi %lt3A_180, %gt3A_193 : vector<16xi1>
      %mul3A_194 = arith.constant 64 : i32
      %mul3A_195 = arith.muli %scan3A_163, %mul3A_194 : i32
      %add3A_196 = arith.constant 0 : i32
      %add3A_197 = arith.addi %mul3A_195, %add3A_196 : i32
      %swap3A = arith.index_cast %add3A_197 : i32 to index
      %swap3A_198 = tpu.vector_load %arg7[%swap3A] {strides = array<i32>} : memref<8192xf32, #tpu.memory_space<vmem>>, vector<16xf32>,
      tpu.vector_store %arg7[%swap3A], %broadcast_in_dim3A_46 {strides = array<i32>} : memref<8192xf32, #tpu.memory_space<vmem>>, vector<16xf32>,
      %mul3A_199 = arith.constant 64 : i32
      %mul3A_200 = arith.muli %scan3A_163, %mul3A_199 : i32
      %add3A_201 = arith.constant 16 : i32
      %add3A_202 = arith.addi %mul3A_200, %add3A_201 : i32
      %swap3A_203 = arith.index_cast %add3A_202 : i32 to index
      %swap3A_204 = tpu.vector_load %arg7[%swap3A_203] {strides = array<i32>} : memref<8192xf32, #tpu.memory_space<vmem>>, vector<16xf32>,
      tpu.vector_store %arg7[%swap3A_203], %broadcast_in_dim3A_46 {strides = array<i32>} : memref<8192xf32, #tpu.memory_space<vmem>>, vector<16xf32>,
      %mul3A_205 = arith.constant 64 : i32
      %mul3A_206 = arith.muli %scan3A_163, %mul3A_205 : i32
      %add3A_207 = arith.constant 32 : i32
      %add3A_208 = arith.addi %mul3A_206, %add3A_207 : i32
      %swap3A_209 = arith.index_cast %add3A_208 : i32 to index
      %swap3A_210 = tpu.vector_load %arg7[%swap3A_209] {strides = array<i32>} : memref<8192xf32, #tpu.memory_space<vmem>>, vector<16xf32>,
      tpu.vector_store %arg7[%swap3A_209], %broadcast_in_dim3A_46 {strides = array<i32>} : memref<8192xf32, #tpu.memory_space<vmem>>, vector<16xf32>,
      %mul3A_211 = arith.constant 64 : i32
      %mul3A_212 = arith.muli %scan3A_163, %mul3A_211 : i32
      %add3A_213 = arith.constant 48 : i32
      %add3A_214 = arith.addi %mul3A_212, %add3A_213 : i32
      %swap3A_215 = arith.index_cast %add3A_214 : i32 to index
      %swap3A_216 = tpu.vector_load %arg7[%swap3A_215] {strides = array<i32>} : memref<8192xf32, #tpu.memory_space<vmem>>, vector<16xf32>,
      tpu.vector_store %arg7[%swap3A_215], %broadcast_in_dim3A_46 {strides = array<i32>} : memref<8192xf32, #tpu.memory_space<vmem>>, vector<16xf32>,
      %mul3A_217 = arith.constant 64 : i32
      %mul3A_218 = arith.muli %scan3A_163, %mul3A_217 : i32
      %add3A_219 = vector.broadcast %mul3A_218 : i32 to vector<16xi32>
      %add3A_220 = arith.addi %add3A_219, %masked_sort3A_178 : vector<16xi32>
      tpu.vector_store_idx %arg7[%add3A_220], %div3A_191 masked %and3A : memref<8192xf32, #tpu.memory_space<vmem>>[vector<16xi32>], vector<16xf32>, vector<16xi1>
      %scan3A_221 = arith.constant 0 : i32
      %scan3A_222 = arith.constant 1 : i32
      %scan3A_223 = arith.addi %scan3A_163, %scan3A_222 : i32
      %mul3A_224 = arith.constant 16 : i32
      %mul3A_225 = arith.muli %scan3A_223, %mul3A_224 : i32
      %add3A_226 = vector.broadcast %mul3A_225 : i32 to vector<16xi32>
      %add3A_227 = arith.addi %add3A_226, %iota3A : vector<16xi32>
      %gather3A_228 = tpu.vector_load_idx %arg6[%add3A_227] : memref<2048xi32, #tpu.memory_space<vmem>>[vector<16xi32>], vector<16xi32>,
      tpu.vector_store_idx %arg8[%gather3A_228], %iota3A : memref<64xi32, #tpu.memory_space<vmem>>[vector<16xi32>], vector<16xi32>,
      %gather3A_229 = tpu.vector_load_idx %arg8[%gather3A_228] : memref<64xi32, #tpu.memory_space<vmem>>[vector<16xi32>], vector<16xi32>,
      %eq3A_230 = arith.cmpi eq, %gather3A_229, %iota3A : vector<16xi32>
      %mul3A_231 = arith.constant 64 : i32
      %mul3A_232 = arith.muli %scan3A_223, %mul3A_231 : i32
      %add3A_233 = vector.broadcast %mul3A_232 : i32 to vector<16xi32>
      %add3A_234 = arith.addi %add3A_233, %gather3A_228 : vector<16xi32>
      %gather3A_235 = tpu.vector_load_idx %arg5[%add3A_234] : memref<8192xf32, #tpu.memory_space<vmem>>[vector<16xi32>], vector<16xf32>,
      %jit3A_236 = arith.constant -1.000000e+30 : f32
      %broadcast_in_dim3A_237 = vector.broadcast %jit3A_236 : f32 to vector<16xf32>
      %select_n3A_238 = arith.select %eq3A_230, %gather3A_235, %broadcast_in_dim3A_237 : vector<16xi1>, vector<16xf32>
      %masked_sort3A_239 = arith.constant dense<true> : vector<16xi1>
      %masked_sort3A_240, %masked_sort3A_241, %masked_sort3A_242 = tpu.sort %select_n3A_238, %gather3A_228 masked %masked_sort3A_239 {descending = true} : (vector<16xf32>, vector<16xi32>, vector<16xi1>) -> (vector<16xi1>, vector<16xf32>, vector<16xi32>)
      %lt3A_243 = arith.constant 8 : i32
      %lt3A_244 = vector.broadcast %lt3A_243 : i32 to vector<16xi32>
      %lt3A_245 = arith.cmpi slt, %iota3A, %lt3A_244 : vector<16xi32>
      %jit3A_246 = arith.constant -1.000000e+30 : f32
      %broadcast_in_dim3A_247 = vector.broadcast %jit3A_246 : f32 to vector<16xf32>
      %select_n3A_248 = arith.select %lt3A_245, %masked_sort3A_241, %broadcast_in_dim3A_247 : vector<16xi1>, vector<16xf32>
      %reduce_max3A_249 = arith.constant true
      %reduce_max3A_250 = vector.broadcast %reduce_max3A_249 : i1 to vector<16xi1>
      %reduce_max3A_251 = tpu.scan <max>, %select_n3A_248 masked %reduce_max3A_250 : vector<16xf32>, vector<16xi1> -> vector<16xf32>
      %reduce_max3A_252 = vector.extract %reduce_max3A_251[15] : f32 from vector<16xf32>
      %sub3A_253 = vector.broadcast %reduce_max3A_252 : f32 to vector<16xf32>
      %sub3A_254 = arith.subf %select_n3A_248, %sub3A_253 : vector<16xf32>
      %exp3A_255 = math.exp %sub3A_254 : vector<16xf32>
      %reduce_sum3A_256 = arith.constant true
      %reduce_sum3A_257 = vector.broadcast %reduce_sum3A_256 : i1 to vector<16xi1>
      %reduce_sum3A_258 = tpu.scan <sum>, %exp3A_255 masked %reduce_sum3A_257 : vector<16xf32>, vector<16xi1> -> vector<16xf32>
      %reduce_sum3A_259 = vector.extract %reduce_sum3A_258[15] : f32 from vector<16xf32>
      %div3A_260 = vector.broadcast %reduce_sum3A_259 : f32 to vector<16xf32>
      %div3A_261 = arith.divf %exp3A_255, %div3A_260 : vector<16xf32>
      %gt3A_262 = arith.constant -5.000000e+29 : f32
      %gt3A_263 = vector.broadcast %gt3A_262 : f32 to vector<16xf32>
      %gt3A_264 = arith.cmpf ogt, %masked_sort3A_241, %gt3A_263 : vector<16xf32>
      %and3A_265 = arith.andi %lt3A_245, %gt3A_264 : vector<16xi1>
      %mul3A_266 = arith.constant 64 : i32
      %mul3A_267 = arith.muli %scan3A_223, %mul3A_266 : i32
      %add3A_268 = arith.constant 0 : i32
      %add3A_269 = arith.addi %mul3A_267, %add3A_268 : i32
      %swap3A_270 = arith.index_cast %add3A_269 : i32 to index
      %swap3A_271 = tpu.vector_load %arg7[%swap3A_270] {strides = array<i32>} : memref<8192xf32, #tpu.memory_space<vmem>>, vector<16xf32>,
      tpu.vector_store %arg7[%swap3A_270], %broadcast_in_dim3A_46 {strides = array<i32>} : memref<8192xf32, #tpu.memory_space<vmem>>, vector<16xf32>,
      %mul3A_272 = arith.constant 64 : i32
      %mul3A_273 = arith.muli %scan3A_223, %mul3A_272 : i32
      %add3A_274 = arith.constant 16 : i32
      %add3A_275 = arith.addi %mul3A_273, %add3A_274 : i32
      %swap3A_276 = arith.index_cast %add3A_275 : i32 to index
      %swap3A_277 = tpu.vector_load %arg7[%swap3A_276] {strides = array<i32>} : memref<8192xf32, #tpu.memory_space<vmem>>, vector<16xf32>,
      tpu.vector_store %arg7[%swap3A_276], %broadcast_in_dim3A_46 {strides = array<i32>} : memref<8192xf32, #tpu.memory_space<vmem>>, vector<16xf32>,
      %mul3A_278 = arith.constant 64 : i32
      %mul3A_279 = arith.muli %scan3A_223, %mul3A_278 : i32
      %add3A_280 = arith.constant 32 : i32
      %add3A_281 = arith.addi %mul3A_279, %add3A_280 : i32
      %swap3A_282 = arith.index_cast %add3A_281 : i32 to index
      %swap3A_283 = tpu.vector_load %arg7[%swap3A_282] {strides = array<i32>} : memref<8192xf32, #tpu.memory_space<vmem>>, vector<16xf32>,
      tpu.vector_store %arg7[%swap3A_282], %broadcast_in_dim3A_46 {strides = array<i32>} : memref<8192xf32, #tpu.memory_space<vmem>>, vector<16xf32>,
      %mul3A_284 = arith.constant 64 : i32
      %mul3A_285 = arith.muli %scan3A_223, %mul3A_284 : i32
      %add3A_286 = arith.constant 48 : i32
      %add3A_287 = arith.addi %mul3A_285, %add3A_286 : i32
      %swap3A_288 = arith.index_cast %add3A_287 : i32 to index
      %swap3A_289 = tpu.vector_load %arg7[%swap3A_288] {strides = array<i32>} : memref<8192xf32, #tpu.memory_space<vmem>>, vector<16xf32>,
      tpu.vector_store %arg7[%swap3A_288], %broadcast_in_dim3A_46 {strides = array<i32>} : memref<8192xf32, #tpu.memory_space<vmem>>, vector<16xf32>,
      %mul3A_290 = arith.constant 64 : i32
      %mul3A_291 = arith.muli %scan3A_223, %mul3A_290 : i32
      %add3A_292 = vector.broadcast %mul3A_291 : i32 to vector<16xi32>
      %add3A_293 = arith.addi %add3A_292, %masked_sort3A_242 : vector<16xi32>
      tpu.vector_store_idx %arg7[%add3A_293], %div3A_261 masked %and3A_265 : memref<8192xf32, #tpu.memory_space<vmem>>[vector<16xi32>], vector<16xf32>, vector<16xi1>
      %scan3A_294 = arith.constant 0 : i32
      %scan3A_295 = arith.constant 2 : i32
      %scan3A_296 = arith.addi %scan3A_163, %scan3A_295 : i32
      %mul3A_297 = arith.constant 16 : i32
      %mul3A_298 = arith.muli %scan3A_296, %mul3A_297 : i32
      %add3A_299 = vector.broadcast %mul3A_298 : i32 to vector<16xi32>
      %add3A_300 = arith.addi %add3A_299, %iota3A : vector<16xi32>
      %gather3A_301 = tpu.vector_load_idx %arg6[%add3A_300] : memref<2048xi32, #tpu.memory_space<vmem>>[vector<16xi32>], vector<16xi32>,
      tpu.vector_store_idx %arg8[%gather3A_301], %iota3A : memref<64xi32, #tpu.memory_space<vmem>>[vector<16xi32>], vector<16xi32>,
      %gather3A_302 = tpu.vector_load_idx %arg8[%gather3A_301] : memref<64xi32, #tpu.memory_space<vmem>>[vector<16xi32>], vector<16xi32>,
      %eq3A_303 = arith.cmpi eq, %gather3A_302, %iota3A : vector<16xi32>
      %mul3A_304 = arith.constant 64 : i32
      %mul3A_305 = arith.muli %scan3A_296, %mul3A_304 : i32
      %add3A_306 = vector.broadcast %mul3A_305 : i32 to vector<16xi32>
      %add3A_307 = arith.addi %add3A_306, %gather3A_301 : vector<16xi32>
      %gather3A_308 = tpu.vector_load_idx %arg5[%add3A_307] : memref<8192xf32, #tpu.memory_space<vmem>>[vector<16xi32>], vector<16xf32>,
      %jit3A_309 = arith.constant -1.000000e+30 : f32
      %broadcast_in_dim3A_310 = vector.broadcast %jit3A_309 : f32 to vector<16xf32>
      %select_n3A_311 = arith.select %eq3A_303, %gather3A_308, %broadcast_in_dim3A_310 : vector<16xi1>, vector<16xf32>
      %masked_sort3A_312 = arith.constant dense<true> : vector<16xi1>
      %masked_sort3A_313, %masked_sort3A_314, %masked_sort3A_315 = tpu.sort %select_n3A_311, %gather3A_301 masked %masked_sort3A_312 {descending = true} : (vector<16xf32>, vector<16xi32>, vector<16xi1>) -> (vector<16xi1>, vector<16xf32>, vector<16xi32>)
      %lt3A_316 = arith.constant 8 : i32
      %lt3A_317 = vector.broadcast %lt3A_316 : i32 to vector<16xi32>
      %lt3A_318 = arith.cmpi slt, %iota3A, %lt3A_317 : vector<16xi32>
      %jit3A_319 = arith.constant -1.000000e+30 : f32
      %broadcast_in_dim3A_320 = vector.broadcast %jit3A_319 : f32 to vector<16xf32>
      %select_n3A_321 = arith.select %lt3A_318, %masked_sort3A_314, %broadcast_in_dim3A_320 : vector<16xi1>, vector<16xf32>
      %reduce_max3A_322 = arith.constant true
      %reduce_max3A_323 = vector.broadcast %reduce_max3A_322 : i1 to vector<16xi1>
      %reduce_max3A_324 = tpu.scan <max>, %select_n3A_321 masked %reduce_max3A_323 : vector<16xf32>, vector<16xi1> -> vector<16xf32>
      %reduce_max3A_325 = vector.extract %reduce_max3A_324[15] : f32 from vector<16xf32>
      %sub3A_326 = vector.broadcast %reduce_max3A_325 : f32 to vector<16xf32>
      %sub3A_327 = arith.subf %select_n3A_321, %sub3A_326 : vector<16xf32>
      %exp3A_328 = math.exp %sub3A_327 : vector<16xf32>
      %reduce_sum3A_329 = arith.constant true
      %reduce_sum3A_330 = vector.broadcast %reduce_sum3A_329 : i1 to vector<16xi1>
      %reduce_sum3A_331 = tpu.scan <sum>, %exp3A_328 masked %reduce_sum3A_330 : vector<16xf32>, vector<16xi1> -> vector<16xf32>
      %reduce_sum3A_332 = vector.extract %reduce_sum3A_331[15] : f32 from vector<16xf32>
      %div3A_333 = vector.broadcast %reduce_sum3A_332 : f32 to vector<16xf32>
      %div3A_334 = arith.divf %exp3A_328, %div3A_333 : vector<16xf32>
      %gt3A_335 = arith.constant -5.000000e+29 : f32
      %gt3A_336 = vector.broadcast %gt3A_335 : f32 to vector<16xf32>
      %gt3A_337 = arith.cmpf ogt, %masked_sort3A_314, %gt3A_336 : vector<16xf32>
      %and3A_338 = arith.andi %lt3A_318, %gt3A_337 : vector<16xi1>
      %mul3A_339 = arith.constant 64 : i32
      %mul3A_340 = arith.muli %scan3A_296, %mul3A_339 : i32
      %add3A_341 = arith.constant 0 : i32
      %add3A_342 = arith.addi %mul3A_340, %add3A_341 : i32
      %swap3A_343 = arith.index_cast %add3A_342 : i32 to index
      %swap3A_344 = tpu.vector_load %arg7[%swap3A_343] {strides = array<i32>} : memref<8192xf32, #tpu.memory_space<vmem>>, vector<16xf32>,
      tpu.vector_store %arg7[%swap3A_343], %broadcast_in_dim3A_46 {strides = array<i32>} : memref<8192xf32, #tpu.memory_space<vmem>>, vector<16xf32>,
      %mul3A_345 = arith.constant 64 : i32
      %mul3A_346 = arith.muli %scan3A_296, %mul3A_345 : i32
      %add3A_347 = arith.constant 16 : i32
      %add3A_348 = arith.addi %mul3A_346, %add3A_347 : i32
      %swap3A_349 = arith.index_cast %add3A_348 : i32 to index
      %swap3A_350 = tpu.vector_load %arg7[%swap3A_349] {strides = array<i32>} : memref<8192xf32, #tpu.memory_space<vmem>>, vector<16xf32>,
      tpu.vector_store %arg7[%swap3A_349], %broadcast_in_dim3A_46 {strides = array<i32>} : memref<8192xf32, #tpu.memory_space<vmem>>, vector<16xf32>,
      %mul3A_351 = arith.constant 64 : i32
      %mul3A_352 = arith.muli %scan3A_296, %mul3A_351 : i32
      %add3A_353 = arith.constant 32 : i32
      %add3A_354 = arith.addi %mul3A_352, %add3A_353 : i32
      %swap3A_355 = arith.index_cast %add3A_354 : i32 to index
      %swap3A_356 = tpu.vector_load %arg7[%swap3A_355] {strides = array<i32>} : memref<8192xf32, #tpu.memory_space<vmem>>, vector<16xf32>,
      tpu.vector_store %arg7[%swap3A_355], %broadcast_in_dim3A_46 {strides = array<i32>} : memref<8192xf32, #tpu.memory_space<vmem>>, vector<16xf32>,
      %mul3A_357 = arith.constant 64 : i32
      %mul3A_358 = arith.muli %scan3A_296, %mul3A_357 : i32
      %add3A_359 = arith.constant 48 : i32
      %add3A_360 = arith.addi %mul3A_358, %add3A_359 : i32
      %swap3A_361 = arith.index_cast %add3A_360 : i32 to index
      %swap3A_362 = tpu.vector_load %arg7[%swap3A_361] {strides = array<i32>} : memref<8192xf32, #tpu.memory_space<vmem>>, vector<16xf32>,
      tpu.vector_store %arg7[%swap3A_361], %broadcast_in_dim3A_46 {strides = array<i32>} : memref<8192xf32, #tpu.memory_space<vmem>>, vector<16xf32>,
      %mul3A_363 = arith.constant 64 : i32
      %mul3A_364 = arith.muli %scan3A_296, %mul3A_363 : i32
      %add3A_365 = vector.broadcast %mul3A_364 : i32 to vector<16xi32>
      %add3A_366 = arith.addi %add3A_365, %masked_sort3A_315 : vector<16xi32>
      tpu.vector_store_idx %arg7[%add3A_366], %div3A_334 masked %and3A_338 : memref<8192xf32, #tpu.memory_space<vmem>>[vector<16xi32>], vector<16xf32>, vector<16xi1>
      %scan3A_367 = arith.constant 0 : i32
      %scan3A_368 = arith.constant 3 : i32
      %scan3A_369 = arith.addi %scan3A_163, %scan3A_368 : i32
      %mul3A_370 = arith.constant 16 : i32
      %mul3A_371 = arith.muli %scan3A_369, %mul3A_370 : i32
      %add3A_372 = vector.broadcast %mul3A_371 : i32 to vector<16xi32>
      %add3A_373 = arith.addi %add3A_372, %iota3A : vector<16xi32>
      %gather3A_374 = tpu.vector_load_idx %arg6[%add3A_373] : memref<2048xi32, #tpu.memory_space<vmem>>[vector<16xi32>], vector<16xi32>,
      tpu.vector_store_idx %arg8[%gather3A_374], %iota3A : memref<64xi32, #tpu.memory_space<vmem>>[vector<16xi32>], vector<16xi32>,
      %gather3A_375 = tpu.vector_load_idx %arg8[%gather3A_374] : memref<64xi32, #tpu.memory_space<vmem>>[vector<16xi32>], vector<16xi32>,
      %eq3A_376 = arith.cmpi eq, %gather3A_375, %iota3A : vector<16xi32>
      %mul3A_377 = arith.constant 64 : i32
      %mul3A_378 = arith.muli %scan3A_369, %mul3A_377 : i32
      %add3A_379 = vector.broadcast %mul3A_378 : i32 to vector<16xi32>
      %add3A_380 = arith.addi %add3A_379, %gather3A_374 : vector<16xi32>
      %gather3A_381 = tpu.vector_load_idx %arg5[%add3A_380] : memref<8192xf32, #tpu.memory_space<vmem>>[vector<16xi32>], vector<16xf32>,
      %jit3A_382 = arith.constant -1.000000e+30 : f32
      %broadcast_in_dim3A_383 = vector.broadcast %jit3A_382 : f32 to vector<16xf32>
      %select_n3A_384 = arith.select %eq3A_376, %gather3A_381, %broadcast_in_dim3A_383 : vector<16xi1>, vector<16xf32>
      %masked_sort3A_385 = arith.constant dense<true> : vector<16xi1>
      %masked_sort3A_386, %masked_sort3A_387, %masked_sort3A_388 = tpu.sort %select_n3A_384, %gather3A_374 masked %masked_sort3A_385 {descending = true} : (vector<16xf32>, vector<16xi32>, vector<16xi1>) -> (vector<16xi1>, vector<16xf32>, vector<16xi32>)
      %lt3A_389 = arith.constant 8 : i32
      %lt3A_390 = vector.broadcast %lt3A_389 : i32 to vector<16xi32>
      %lt3A_391 = arith.cmpi slt, %iota3A, %lt3A_390 : vector<16xi32>
      %jit3A_392 = arith.constant -1.000000e+30 : f32
      %broadcast_in_dim3A_393 = vector.broadcast %jit3A_392 : f32 to vector<16xf32>
      %select_n3A_394 = arith.select %lt3A_391, %masked_sort3A_387, %broadcast_in_dim3A_393 : vector<16xi1>, vector<16xf32>
      %reduce_max3A_395 = arith.constant true
      %reduce_max3A_396 = vector.broadcast %reduce_max3A_395 : i1 to vector<16xi1>
      %reduce_max3A_397 = tpu.scan <max>, %select_n3A_394 masked %reduce_max3A_396 : vector<16xf32>, vector<16xi1> -> vector<16xf32>
      %reduce_max3A_398 = vector.extract %reduce_max3A_397[15] : f32 from vector<16xf32>
      %sub3A_399 = vector.broadcast %reduce_max3A_398 : f32 to vector<16xf32>
      %sub3A_400 = arith.subf %select_n3A_394, %sub3A_399 : vector<16xf32>
      %exp3A_401 = math.exp %sub3A_400 : vector<16xf32>
      %reduce_sum3A_402 = arith.constant true
      %reduce_sum3A_403 = vector.broadcast %reduce_sum3A_402 : i1 to vector<16xi1>
      %reduce_sum3A_404 = tpu.scan <sum>, %exp3A_401 masked %reduce_sum3A_403 : vector<16xf32>, vector<16xi1> -> vector<16xf32>
      %reduce_sum3A_405 = vector.extract %reduce_sum3A_404[15] : f32 from vector<16xf32>
      %div3A_406 = vector.broadcast %reduce_sum3A_405 : f32 to vector<16xf32>
      %div3A_407 = arith.divf %exp3A_401, %div3A_406 : vector<16xf32>
      %gt3A_408 = arith.constant -5.000000e+29 : f32
      %gt3A_409 = vector.broadcast %gt3A_408 : f32 to vector<16xf32>
      %gt3A_410 = arith.cmpf ogt, %masked_sort3A_387, %gt3A_409 : vector<16xf32>
      %and3A_411 = arith.andi %lt3A_391, %gt3A_410 : vector<16xi1>
      %mul3A_412 = arith.constant 64 : i32
      %mul3A_413 = arith.muli %scan3A_369, %mul3A_412 : i32
      %add3A_414 = arith.constant 0 : i32
      %add3A_415 = arith.addi %mul3A_413, %add3A_414 : i32
      %swap3A_416 = arith.index_cast %add3A_415 : i32 to index
      %swap3A_417 = tpu.vector_load %arg7[%swap3A_416] {strides = array<i32>} : memref<8192xf32, #tpu.memory_space<vmem>>, vector<16xf32>,
      tpu.vector_store %arg7[%swap3A_416], %broadcast_in_dim3A_46 {strides = array<i32>} : memref<8192xf32, #tpu.memory_space<vmem>>, vector<16xf32>,
      %mul3A_418 = arith.constant 64 : i32
      %mul3A_419 = arith.muli %scan3A_369, %mul3A_418 : i32
      %add3A_420 = arith.constant 16 : i32
      %add3A_421 = arith.addi %mul3A_419, %add3A_420 : i32
      %swap3A_422 = arith.index_cast %add3A_421 : i32 to index
      %swap3A_423 = tpu.vector_load %arg7[%swap3A_422] {strides = array<i32>} : memref<8192xf32, #tpu.memory_space<vmem>>, vector<16xf32>,
      tpu.vector_store %arg7[%swap3A_422], %broadcast_in_dim3A_46 {strides = array<i32>} : memref<8192xf32, #tpu.memory_space<vmem>>, vector<16xf32>,
      %mul3A_424 = arith.constant 64 : i32
      %mul3A_425 = arith.muli %scan3A_369, %mul3A_424 : i32
      %add3A_426 = arith.constant 32 : i32
      %add3A_427 = arith.addi %mul3A_425, %add3A_426 : i32
      %swap3A_428 = arith.index_cast %add3A_427 : i32 to index
      %swap3A_429 = tpu.vector_load %arg7[%swap3A_428] {strides = array<i32>} : memref<8192xf32, #tpu.memory_space<vmem>>, vector<16xf32>,
      tpu.vector_store %arg7[%swap3A_428], %broadcast_in_dim3A_46 {strides = array<i32>} : memref<8192xf32, #tpu.memory_space<vmem>>, vector<16xf32>,
      %mul3A_430 = arith.constant 64 : i32
      %mul3A_431 = arith.muli %scan3A_369, %mul3A_430 : i32
      %add3A_432 = arith.constant 48 : i32
      %add3A_433 = arith.addi %mul3A_431, %add3A_432 : i32
      %swap3A_434 = arith.index_cast %add3A_433 : i32 to index
      %swap3A_435 = tpu.vector_load %arg7[%swap3A_434] {strides = array<i32>} : memref<8192xf32, #tpu.memory_space<vmem>>, vector<16xf32>,
      tpu.vector_store %arg7[%swap3A_434], %broadcast_in_dim3A_46 {strides = array<i32>} : memref<8192xf32, #tpu.memory_space<vmem>>, vector<16xf32>,
      %mul3A_436 = arith.constant 64 : i32
      %mul3A_437 = arith.muli %scan3A_369, %mul3A_436 : i32
      %add3A_438 = vector.broadcast %mul3A_437 : i32 to vector<16xi32>
      %add3A_439 = arith.addi %add3A_438, %masked_sort3A_388 : vector<16xi32>
      tpu.vector_store_idx %arg7[%add3A_439], %div3A_407 masked %and3A_411 : memref<8192xf32, #tpu.memory_space<vmem>>[vector<16xi32>], vector<16xf32>, vector<16xi1>
      %scan3A_440 = arith.constant 0 : i32
      scf.yield %scan3A_440 : i32
    }
    %scan3A_128 = arith.constant 32 : i32
    %add3A_129 = arith.constant 96 : i32
    %add3A_130 = arith.addi %mul3A_2, %add3A_129 : i32
    %mul3A_131 = arith.constant 64 : i32
    %mul3A_132 = arith.muli %add3A_130, %mul3A_131 : i32
    %dma_start3A_133 = arith.constant 6144 : i32
    %dma_start3A_134 = tpu.memref_slice %arg7[%dma_start3A_133] : memref<8192xf32, #tpu.memory_space<vmem>> -> memref<2048xf32, #tpu.memory_space<vmem>>
    %dma_start3A_135 = tpu.memref_slice %arg4[%mul3A_132] : memref<262144xf32, #tpu.memory_space<hbm>> -> memref<2048xf32, #tpu.memory_space<hbm>>
    %dma_start3A_136 = tpu.memref_slice %arg4[%mul3A_132] : memref<262144xf32, #tpu.memory_space<hbm>> -> memref<2048xf32, #tpu.memory_space<hbm>>
    %dma_start3A_137 = arith.constant 6144 : i32
    %dma_start3A_138 = tpu.memref_slice %arg7[%dma_start3A_137] : memref<8192xf32, #tpu.memory_space<vmem>> -> memref<2048xf32, #tpu.memory_space<vmem>>
    tpu.enqueue_dma source(%dma_start3A_138 : memref<2048xf32, #tpu.memory_space<vmem>>) target(%dma_start3A_136 : memref<2048xf32, #tpu.memory_space<hbm>>) target_semaphore(%arg11 : memref<!tpu.dma_semaphore, #tpu.memory_space<semaphore_mem>>)
    %dma_wait3A_139 = arith.constant 0 : i32
    %dma_wait3A_140 = tpu.memref_slice %arg7[%dma_wait3A_139] : memref<8192xf32, #tpu.memory_space<vmem>> -> memref<2048xf32, #tpu.memory_space<vmem>>
    %dma_wait3A_141 = tpu.memref_slice %arg4[%mul3A_63] : memref<262144xf32, #tpu.memory_space<hbm>> -> memref<2048xf32, #tpu.memory_space<hbm>>
    %dma_wait3A_142 = tpu.memref_slice %arg4[%mul3A_63] : memref<262144xf32, #tpu.memory_space<hbm>> -> memref<2048xf32, #tpu.memory_space<hbm>>
    %dma_wait3A_143 = arith.constant 0 : i32
    %dma_wait3A_144 = tpu.memref_slice %arg7[%dma_wait3A_143] : memref<8192xf32, #tpu.memory_space<vmem>> -> memref<2048xf32, #tpu.memory_space<vmem>>
    tpu.wait_dma2 semaphore(%arg11 : memref<!tpu.dma_semaphore, #tpu.memory_space<semaphore_mem>>) src(%dma_wait3A_144 : memref<2048xf32, #tpu.memory_space<vmem>>) dst(%dma_wait3A_142 : memref<2048xf32, #tpu.memory_space<hbm>>)
    %dma_wait3A_145 = arith.constant 2048 : i32
    %dma_wait3A_146 = tpu.memref_slice %arg7[%dma_wait3A_145] : memref<8192xf32, #tpu.memory_space<vmem>> -> memref<2048xf32, #tpu.memory_space<vmem>>
    %dma_wait3A_147 = tpu.memref_slice %arg4[%mul3A_86] : memref<262144xf32, #tpu.memory_space<hbm>> -> memref<2048xf32, #tpu.memory_space<hbm>>
    %dma_wait3A_148 = tpu.memref_slice %arg4[%mul3A_86] : memref<262144xf32, #tpu.memory_space<hbm>> -> memref<2048xf32, #tpu.memory_space<hbm>>
    %dma_wait3A_149 = arith.constant 2048 : i32
    %dma_wait3A_150 = tpu.memref_slice %arg7[%dma_wait3A_149] : memref<8192xf32, #tpu.memory_space<vmem>> -> memref<2048xf32, #tpu.memory_space<vmem>>
    tpu.wait_dma2 semaphore(%arg11 : memref<!tpu.dma_semaphore, #tpu.memory_space<semaphore_mem>>) src(%dma_wait3A_150 : memref<2048xf32, #tpu.memory_space<vmem>>) dst(%dma_wait3A_148 : memref<2048xf32, #tpu.memory_space<hbm>>)
    %dma_wait3A_151 = arith.constant 4096 : i32
    %dma_wait3A_152 = tpu.memref_slice %arg7[%dma_wait3A_151] : memref<8192xf32, #tpu.memory_space<vmem>> -> memref<2048xf32, #tpu.memory_space<vmem>>
    %dma_wait3A_153 = tpu.memref_slice %arg4[%mul3A_109] : memref<262144xf32, #tpu.memory_space<hbm>> -> memref<2048xf32, #tpu.memory_space<hbm>>
    %dma_wait3A_154 = tpu.memref_slice %arg4[%mul3A_109] : memref<262144xf32, #tpu.memory_space<hbm>> -> memref<2048xf32, #tpu.memory_space<hbm>>
    %dma_wait3A_155 = arith.constant 4096 : i32
    %dma_wait3A_156 = tpu.memref_slice %arg7[%dma_wait3A_155] : memref<8192xf32, #tpu.memory_space<vmem>> -> memref<2048xf32, #tpu.memory_space<vmem>>
    tpu.wait_dma2 semaphore(%arg11 : memref<!tpu.dma_semaphore, #tpu.memory_space<semaphore_mem>>) src(%dma_wait3A_156 : memref<2048xf32, #tpu.memory_space<vmem>>) dst(%dma_wait3A_154 : memref<2048xf32, #tpu.memory_space<hbm>>)
    %dma_wait3A_157 = arith.constant 6144 : i32
    %dma_wait3A_158 = tpu.memref_slice %arg7[%dma_wait3A_157] : memref<8192xf32, #tpu.memory_space<vmem>> -> memref<2048xf32, #tpu.memory_space<vmem>>
    %dma_wait3A_159 = tpu.memref_slice %arg4[%mul3A_132] : memref<262144xf32, #tpu.memory_space<hbm>> -> memref<2048xf32, #tpu.memory_space<hbm>>
    %dma_wait3A_160 = tpu.memref_slice %arg4[%mul3A_132] : memref<262144xf32, #tpu.memory_space<hbm>> -> memref<2048xf32, #tpu.memory_space<hbm>>
    %dma_wait3A_161 = arith.constant 6144 : i32
    %dma_wait3A_162 = tpu.memref_slice %arg7[%dma_wait3A_161] : memref<8192xf32, #tpu.memory_space<vmem>> -> memref<2048xf32, #tpu.memory_space<vmem>>
    tpu.wait_dma2 semaphore(%arg11 : memref<!tpu.dma_semaphore, #tpu.memory_space<semaphore_mem>>) src(%dma_wait3A_162 : memref<2048xf32, #tpu.memory_space<vmem>>) dst(%dma_wait3A_160 : memref<2048xf32, #tpu.memory_space<hbm>>)
    return
  }
}

module attributes {stable_mosaic.version = 14 : i64} {
  func.func @_scores_body(%arg0: i32, %arg1: i32, %arg2: memref<1x512x1024xf32, #tpu.memory_space<vmem>>, %arg3: memref<1x64x1024xf32, #tpu.memory_space<vmem>>, %arg4: memref<1024x1024xf32, #tpu.memory_space<vmem>>, %arg5: memref<1x1024xf32, #tpu.memory_space<vmem>>, %arg6: memref<1x512x64xf32, #tpu.memory_space<vmem>>) attributes {dimension_semantics = [#tpu.dimension_semantics<arbitrary>, #tpu.dimension_semantics<arbitrary>], iteration_bounds = array<i64: 1, 8>, scalar_prefetch = 0 : i64, scratch_operands = 0 : i64, tpu.core_type = #tpu.core_type<tc>, window_params = [{transform_indices = @transform_0, window_bounds = array<i64: 1, 512, 1024>}, {transform_indices = @transform_1, window_bounds = array<i64: 1, 64, 1024>}, {pipeline_mode = #tpu.pipeline_mode<synchronous>, transform_indices = @transform_2, window_bounds = array<i64: 1024, 1024>}, {pipeline_mode = #tpu.pipeline_mode<synchronous>, transform_indices = @transform_3, window_bounds = array<i64: 1, 1024>}, {transform_indices = @transform_4, window_bounds = array<i64: 1, 512, 64>}]} {
    %get3A = arith.constant 0 : index
    %get3A_0 = arith.constant 0 : index
    %get3A_1 = arith.constant 0 : index
    %get3A_2 = vector.load %arg2[%get3A, %get3A_0, %get3A_1] : memref<1x512x1024xf32, #tpu.memory_space<vmem>>, vector<1x512x1024xf32>
    %get3A_3 = vector.shape_cast %get3A_2 : vector<1x512x1024xf32> to vector<512x1024xf32>
    %get3A_4 = arith.constant 0 : index
    %get3A_5 = arith.constant 0 : index
    %get3A_6 = vector.load %arg4[%get3A_4, %get3A_5] : memref<1024x1024xf32, #tpu.memory_space<vmem>>, vector<1024x1024xf32>
    %dot_general3A = arith.constant dense<0.000000e+00> : vector<512x1024xf32>
    %dot_general3A_7 = tpu.matmul %get3A_3, %get3A_6, %dot_general3A {dimension_numbers = #tpu.dot_dimension_numbers<[1], [1], [0], [0], [0, 0, 1, 0], [], []>, transpose_lhs_hint = false} : vector<512x1024xf32>, vector<1024x1024xf32>, vector<512x1024xf32> -> vector<512x1024xf32>
    %get3A_8 = arith.constant 0 : index
    %get3A_9 = arith.constant 0 : index
    %get3A_10 = vector.load %arg5[%get3A_8, %get3A_9] : memref<1x1024xf32, #tpu.memory_space<vmem>>, vector<1x1024xf32>
    %add3A = vector.broadcast %get3A_10 : vector<1x1024xf32> to vector<512x1024xf32>
    %add3A_11 = arith.addf %dot_general3A_7, %add3A : vector<512x1024xf32>
    %get3A_12 = arith.constant 0 : index
    %get3A_13 = arith.constant 0 : index
    %get3A_14 = arith.constant 0 : index
    %get3A_15 = vector.load %arg3[%get3A_12, %get3A_13, %get3A_14] : memref<1x64x1024xf32, #tpu.memory_space<vmem>>, vector<1x64x1024xf32>
    %get3A_16 = vector.shape_cast %get3A_15 : vector<1x64x1024xf32> to vector<64x1024xf32>
    %dot_general3A_17 = arith.constant dense<0.000000e+00> : vector<512x64xf32>
    %dot_general3A_18 = tpu.matmul %add3A_11, %get3A_16, %dot_general3A_17 {dimension_numbers = #tpu.dot_dimension_numbers<[1], [1], [0], [0], [0, 0, 1, 0], [], []>, transpose_lhs_hint = false} : vector<512x1024xf32>, vector<64x1024xf32>, vector<512x64xf32> -> vector<512x64xf32>
    %mul3A = arith.constant 3.125000e-02 : f32
    %mul3A_19 = vector.broadcast %mul3A : f32 to vector<512x64xf32>
    %mul3A_20 = arith.mulf %dot_general3A_18, %mul3A_19 : vector<512x64xf32>
    %swap3A = arith.constant 0 : index
    %swap3A_21 = arith.constant 0 : index
    %swap3A_22 = arith.constant 0 : index
    %swap3A_23 = vector.load %arg6[%swap3A, %swap3A_21, %swap3A_22] : memref<1x512x64xf32, #tpu.memory_space<vmem>>, vector<1x512x64xf32>
    %swap3A_24 = vector.shape_cast %swap3A_23 : vector<1x512x64xf32> to vector<512x64xf32>
    %swap3A_25 = vector.shape_cast %mul3A_20 : vector<512x64xf32> to vector<1x512x64xf32>
    tpu.vector_store %arg6[%swap3A, %swap3A_21, %swap3A_22], %swap3A_25 {strides = array<i32>} : memref<1x512x64xf32, #tpu.memory_space<vmem>>, vector<1x512x64xf32>,
    return
  }
  func.func @transform_0(%arg0: i32, %arg1: i32) -> (i32, i32, i32) {
    %c0_i32 = arith.constant 0 : i32
    %c0_i32_0 = arith.constant 0 : i32
    return %arg0, %arg1, %c0_i32 : i32, i32, i32
  }
  func.func @transform_1(%arg0: i32, %arg1: i32) -> (i32, i32, i32) {
    %c0_i32 = arith.constant 0 : i32
    %c0_i32_0 = arith.constant 0 : i32
    %c0_i32_1 = arith.constant 0 : i32
    return %arg0, %c0_i32, %c0_i32_0 : i32, i32, i32
  }
  func.func @transform_2(%arg0: i32, %arg1: i32) -> (i32, i32) {
    %c0_i32 = arith.constant 0 : i32
    %c0_i32_0 = arith.constant 0 : i32
    %c0_i32_1 = arith.constant 0 : i32
    return %c0_i32, %c0_i32_0 : i32, i32
  }
  func.func @transform_3(%arg0: i32, %arg1: i32) -> (i32, i32) {
    %c0_i32 = arith.constant 0 : i32
    %c0_i32_0 = arith.constant 0 : i32
    %c0_i32_1 = arith.constant 0 : i32
    return %c0_i32, %c0_i32_0 : i32, i32
  }
  func.func @transform_4(%arg0: i32, %arg1: i32) -> (i32, i32, i32) {
    %c0_i32 = arith.constant 0 : i32
    %c0_i32_0 = arith.constant 0 : i32
    return %arg0, %arg1, %c0_i32 : i32, i32, i32
  }
}

module attributes {stable_mosaic.version = 14 : i64} {
  func.func @_combine_body(%arg0: i32, %arg1: i32, %arg2: memref<512x64xf32, #tpu.memory_space<vmem>>, %arg3: memref<1x64x1024xf32, #tpu.memory_space<vmem>>, %arg4: memref<1x512x1024xf32, #tpu.memory_space<vmem>>) attributes {dimension_semantics = [#tpu.dimension_semantics<arbitrary>, #tpu.dimension_semantics<arbitrary>], iteration_bounds = array<i64: 1, 8>, scalar_prefetch = 0 : i64, scratch_operands = 0 : i64, tpu.core_type = #tpu.core_type<tc>, window_params = [{transform_indices = @transform_0, window_bounds = array<i64: 512, 64>}, {transform_indices = @transform_1, window_bounds = array<i64: 1, 64, 1024>}, {transform_indices = @transform_2, window_bounds = array<i64: 1, 512, 1024>}]} {
    %get3A = arith.constant 0 : index
    %get3A_0 = arith.constant 0 : index
    %get3A_1 = vector.load %arg2[%get3A, %get3A_0] : memref<512x64xf32, #tpu.memory_space<vmem>>, vector<512x64xf32>
    %get3A_2 = arith.constant 0 : index
    %get3A_3 = arith.constant 0 : index
    %get3A_4 = arith.constant 0 : index
    %get3A_5 = vector.load %arg3[%get3A_2, %get3A_3, %get3A_4] : memref<1x64x1024xf32, #tpu.memory_space<vmem>>, vector<1x64x1024xf32>
    %get3A_6 = vector.shape_cast %get3A_5 : vector<1x64x1024xf32> to vector<64x1024xf32>
    %dot_general3A = arith.constant dense<0.000000e+00> : vector<512x1024xf32>
    %dot_general3A_7 = tpu.matmul %get3A_1, %get3A_6, %dot_general3A {dimension_numbers = #tpu.dot_dimension_numbers<[1], [0], [0], [1], [0, 0, 1, 1], [], []>, transpose_lhs_hint = false} : vector<512x64xf32>, vector<64x1024xf32>, vector<512x1024xf32> -> vector<512x1024xf32>
    %swap3A = arith.constant 0 : index
    %swap3A_8 = arith.constant 0 : index
    %swap3A_9 = arith.constant 0 : index
    %swap3A_10 = vector.load %arg4[%swap3A, %swap3A_8, %swap3A_9] : memref<1x512x1024xf32, #tpu.memory_space<vmem>>, vector<1x512x1024xf32>
    %swap3A_11 = vector.shape_cast %swap3A_10 : vector<1x512x1024xf32> to vector<512x1024xf32>
    %swap3A_12 = vector.shape_cast %dot_general3A_7 : vector<512x1024xf32> to vector<1x512x1024xf32>
    tpu.vector_store %arg4[%swap3A, %swap3A_8, %swap3A_9], %swap3A_12 {strides = array<i32>} : memref<1x512x1024xf32, #tpu.memory_space<vmem>>, vector<1x512x1024xf32>,
    return
  }
  func.func @transform_0(%arg0: i32, %arg1: i32) -> (i32, i32) {
    %c0_i32 = arith.constant 0 : i32
    %c0_i32_0 = arith.constant 0 : i32
    return %arg1, %c0_i32 : i32, i32
  }
  func.func @transform_1(%arg0: i32, %arg1: i32) -> (i32, i32, i32) {
    %c0_i32 = arith.constant 0 : i32
    %c0_i32_0 = arith.constant 0 : i32
    %c0_i32_1 = arith.constant 0 : i32
    return %arg0, %c0_i32, %c0_i32_0 : i32, i32, i32
  }
  func.func @transform_2(%arg0: i32, %arg1: i32) -> (i32, i32, i32) {
    %c0_i32 = arith.constant 0 : i32
    %c0_i32_0 = arith.constant 0 : i32
    return %arg0, %arg1, %c0_i32 : i32, i32, i32
  }
}

</mosaic_0001>

<sc_bundles>
// kernel: _run.11.cloned.1.call-start
scs
__scs_entry_jumppad:
0x0: {  	(pc) =	sbr.rel $0x88, $3  }
0x1: {  	(tag) =	ssettag $0x0;
	lr =	simm.s32 $0x1  }
0x2: {  	[smem:$0x3F9B] =	sst lr;
	_ =	strace $0xD0000000  }
0x3: {  	_ = 	snop  }
0x4: {  	_ = 	snop  }
0x5: {  	_ = 	snop  }
0x6: {  	_ = 	snop  }
0x7: {  	_ = 	snop  }
__scs_overlays_trampoline_lowered:
0x8: {  	[smem:$0x3FAA] =	sst s0  }
0x9: {  	[smem:$0x3FAB] =	sst s1  }
0xa: {  	[smem:$0x3FAC] =	sst s2  }
0xb: {  	[smem:$0x3FAD] =	sst s3  }
0xc: {  	[smem:$0x3FAE] =	sst s4  }
0xd: {  	[smem:$0x3FAF] =	sst s5  }
0xe: {  	[smem:$0x3FB0] =	sst s6  }
0xf: {  	[smem:$0x3FB1] =	sst s7  }
0x10: {  	[smem:$0x3FB2] =	sst s8  }
0x11: {  	[smem:$0x3FB3] =	sst s9;
	s0 =	simm.s32 @!p0 $0x0  }
0x12: {  	s1 =	sld [smem:$0x3F99];
	s0 =	simm.s32 @p0 $0x1  }
0x13: {  	[smem:$0x3FB4] =	sst s0;
	s0 =	simm.s32 @!p1 $0x0  }
0x14: {  	s2 =	sld [smem:$0x3F98];
	s0 =	simm.s32 @p1 $0x1  }
0x15: {  	[smem:$0x3FB5] =	sst s0;
	s0 =	simm.s32 @!p2 $0x0  }
0x16: {  	s3 =	sld [smem:$0x3FDB];
	s0 =	simm.s32 @p2 $0x1  }
0x17: {  	s4 =	simm.s32 $0x1BF5;
	[smem:$0x3FB7] =	sst s0  }
0x18: {  	s0 =	sld [smem:$0x3F9A];
	_ =	swait.ge [sflag:s4], $0x0  }
0x19: {  	s7 =	sld [smem:$0x3F9B]  }
0x1a: {  	s8 =	sadd.s32 $0xFFFFE003, lr  }
0x1b: {  	s9 =	sadd.s32 $0xFFFFFEF7, lr;
	s5 =	simm.s32 $0xFFFFFFFF;
	p2 =	slt.u32 s8, $0xFFFFF086  }
0x1c: {  	p1 =	slt.u32 s9, $0xF7A;
	s5 =	simm.s32 @!p2 $0x0  }
0x1d: {  	s5 =	simm.s32 @p1 $0x1;
	p0 =	seq.s32 s7, s2  }
0x1e: {  	s7 =	smul.u32 @!p0 $0xF7A, s2;
	p2 =	seq.s32 @!p0 s5, $0x0  }
0x1f: {  	s9 =	smul.u32 $0xF7A, s1;
	s8 =	simm.s32 @!p0 $0x1BF5;
	p2 =	por !p2, p0  }
0x20: {  	[sflag:s8] =	ssyncset.s32 @!p0 $0xFFFFF086;
	s6 =	sadd.s32 @!p0 s3, s7;
	s7 =	simm.s32 @!p0 $0x108  }
0x21: {  	s3 =	sadd.s32 s3, s9;
	s6 =	sadd.s32 @!p0 $0x88, s6;
	s7 =	simm.s32 @p2 $0x1082  }
0x22: {  	[simem:s7], [sflag:s8] =	dma.local @!p0 [hbm:s6], $0xF7A  }
0x23: {  	s9 =	sor.u32 $0xD0000000, s2;
	s6 =	simm.s32 $0x108;
	_ =	swait.ge @!p0 [sflag:s8], $0x0  }
0x24: {  	s3 =	sadd.s32 $0x88, s3;
	s6 =	simm.s32 @!p1 $0x1082;
	[sflag:s4] =	ssyncset.s32 $0xFFFFF086  }
0x25: {  	[simem:s6], [sflag:s4] =	dma.local [hbm:s3], $0xF7A  }
0x26: {  	[smem:$0x3F9B] =	sst s1;
	(tag) =	ssettag s2;
	_ =	strace s9  }
0x27: {  	s1 =	sld [smem:$0x3FAB]  }
0x28: {  	s2 =	sld [smem:$0x3FAC]  }
0x29: {  	s4 =	sld [smem:$0x3FAE]  }
0x2a: {  	p0 =	seq.s32 s5, $0x0;
	s5 =	sld [smem:$0x3FAF]  }
0x2b: {  	s6 =	sld [smem:$0x3FB0]  }
0x2c: {  	s7 =	sld [smem:$0x3FB1]  }
0x2d: {  	s3 =	simm.s32 $0x108;
	s8 =	sld [smem:$0x3FB2]  }
0x2e: {  	s3 =	simm.s32 @!p0 $0x1082;
	s9 =	sld [smem:$0x3FB3]  }
0x2f: {  	lr =	sadd.s32 s0, s3;
	s0 =	sld [smem:$0x3FAA]  }
0x30: {  	s3 =	sld [smem:$0x3FAD]  }
0x31: {  	[smem:$0x3FB6] =	sst s10  }
0x32: {  	s10 =	sld [smem:$0x3FB4];
	_ =	sdelay $0x3  }
0x33: {  	p0 =	seq.s32 s10, $0x1;
	s10 =	sld [smem:$0x3FB6];
	_ =	sdelay $0x3  }
0x34: {  	[smem:$0x3FB6] =	sst s10  }
0x35: {  	s10 =	sld [smem:$0x3FB5];
	_ =	sdelay $0x3  }
0x36: {  	p1 =	seq.s32 s10, $0x1;
	s10 =	sld [smem:$0x3FB6];
	_ =	sdelay $0x3  }
0x37: {  	[smem:$0x3FB6] =	sst s10  }
0x38: {  	s10 =	sld [smem:$0x3FB7]  }
0x39: {  	_ = 	snop;
	(pc) =	sbr.ind lr, $3  }
0x3a: {  	_ = 	snop  }
0x3b: {  	_ = 	snop  }
0x3c: {  	p2 =	seq.s32 s10, $0x1;
	s10 =	sld [smem:$0x3FB6]  }
0x3d: {  	_ =	shalt  }
0x3e: {  	_ =	shalt  }
0x3f: {  	_ =	shalt  }
0x40: {  	_ =	shalt  }
0x41: {  	_ =	shalt  }
0x42: {  	_ =	shalt  }
0x43: {  	_ =	shalt  }
0x44: {  	_ =	shalt  }
0x45: {  	_ =	shalt  }
0x46: {  	_ =	shalt  }
0x47: {  	_ =	shalt  }
0x48: {  	_ =	shalt  }
0x49: {  	_ =	shalt  }
0x4a: {  	_ =	shalt  }
0x4b: {  	_ =	shalt  }
0x4c: {  	_ =	shalt  }
0x4d: {  	_ =	shalt  }
0x4e: {  	_ =	shalt  }
0x4f: {  	_ =	shalt  }
0x50: {  	_ =	shalt  }
0x51: {  	_ =	shalt  }
0x52: {  	_ =	shalt  }
0x53: {  	_ =	shalt  }
0x54: {  	_ =	shalt  }
0x55: {  	_ =	shalt  }
0x56: {  	_ =	shalt  }
0x57: {  	_ =	shalt  }
0x58: {  	_ =	shalt  }
0x59: {  	_ =	shalt  }
0x5a: {  	_ =	shalt  }
0x5b: {  	_ =	shalt  }
0x5c: {  	_ =	shalt  }
0x5d: {  	_ =	shalt  }
0x5e: {  	_ =	shalt  }
0x5f: {  	_ =	shalt  }
0x60: {  	_ =	shalt  }
0x61: {  	_ =	shalt  }
0x62: {  	_ =	shalt  }
0x63: {  	_ =	shalt  }
0x64: {  	_ =	shalt  }
0x65: {  	_ =	shalt  }
0x66: {  	_ =	shalt  }
0x67: {  	_ =	shalt  }
0x68: {  	_ =	shalt  }
0x69: {  	_ =	shalt  }
0x6a: {  	_ =	shalt  }
0x6b: {  	_ =	shalt  }
0x6c: {  	_ =	shalt  }
0x6d: {  	_ =	shalt  }
0x6e: {  	_ =	shalt  }
0x6f: {  	_ =	shalt  }
0x70: {  	_ =	shalt  }
0x71: {  	_ =	shalt  }
0x72: {  	_ =	shalt  }
0x73: {  	_ =	shalt  }
0x74: {  	_ =	shalt  }
0x75: {  	_ =	shalt  }
0x76: {  	_ =	shalt  }
0x77: {  	_ =	shalt  }
0x78: {  	_ =	shalt  }
0x79: {  	_ =	shalt  }
0x7a: {  	_ =	shalt  }
0x7b: {  	_ =	shalt  }
0x7c: {  	_ =	shalt  }
0x7d: {  	_ =	shalt  }
0x7e: {  	_ =	shalt  }
0x7f: {  	_ =	shalt  }
0x80: {  	_ =	shalt  }
0x81: {  	_ =	shalt  }
0x82: {  	_ =	shalt  }
0x83: {  	_ =	shalt  }
0x84: {  	_ =	shalt  }
0x85: {  	_ =	shalt  }
0x86: {  	_ =	shalt  }
0x87: {  	_ =	shalt  }
.Lfunc_end0:
.L_simem_size_0:
called_computation.1_lowered:
.L_overlay_start_0:
0x88: {  	s2 =	sld [smem:$0x3FD9]  }
0x89: {  	s3 =	sld [smem:$0x3FFE];
	_ =	sdelay $0x1  }
0x8a: {  	s1 =	srdreg.scid  }
0x8b: {  	s0 =	sand.u32 $0x1, s1  }
0x8c: {  	s16 =	sshll.u32 s0, $0xA;
	s2 =	sadd.s32 s3, s2  }
0x8d: {  	s2 =	sadd.s32 s2, s16  }
0x8e: {  	[smem:$0x3FC2] =	sst s2  }
0x8f: {  	_ = 	snop  }
0x90: {  	(tm) =	ssettm $0x1  }
0x91: {  	s17 =	sld [smem:$0x3FFB];
	_ =	sdelay $0x3  }
0x92: {  	_ =	strace s17  }
0x93: {  	s2 =	sld [smem:$0x3FFC];
	_ =	sdelay $0x3  }
0x94: {  	_ =	strace s2  }
0x95: {  	s2 =	sld [smem:$0x3FFD];
	_ =	sdelay $0x3  }
0x96: {  	_ =	strace s2  }
0x97: {  	_ =	strace $0x8FFFFFFF  }
0x98: {  	s18 =	sld [smem:$0x3FDB];
	_ =	sdelay $0x1  }
0x99: {  	s19 =	simm.s32 $_scs_section_size  }
0x9a: {  	s4 =	simm.s32 $_size__tile_overlayer_lowered;
	s5 =	simm.s32 $_tile_overlayer_lowered  }
0x9b: {  	s22 =	simm.s32 $0x1BFF;
	s21 =	sshll.u32 s5, $0x1;
	s2 =	sadd.s32 s19, s18  }
0x9c: {  	s6 =	simm.s32 $0x0;
	s20 =	sshll.u32 s4, $0x1;
	s4 =	sadd.s32 s21, s2  }
0x9d: {  	[timem:s6], [sflag:s22] =	dma.local [hbm:s4], s20  }
0x9e: {  	_ =	swait.ge [sflag:s22], s20  }
0x9f: {  	s3 =	ssub.s32 $0x0, s20;
	[sflag:s22] =	ssyncset.done $0x0  }
0xa0: {  	[sflag:s22] =	ssyncadd.s32 s3;
	_ =	sdelay $0x1  }
0xa1: {  	s23 =	simm.s32 $0x1B8B  }
0xa2: {  	_ =	swait.ge [sflag:s23], $0x1  }
0xa3: {  	[sflag:s23] =	ssyncset.done $0x0  }
0xa4: {  	s25 =	simm.s32 $0x1B8E;
	s24 =	sld [smem:$0x3FFE];
	[sflag:s23] =	ssyncadd.s32 $0xFFFFFFFF  }
0xa5: {  	s26 =	simm.s32 $execute0_lowered;
	[smem:$0x3FD2] =	sst s25  }
0xa6: {  	s4 =	sshll.u32 s26, $0x1;
	_ =	strace $0x80000046;
	[dreg:$0x1] =	wrdreg $0xFFFFFFFF  }
0xa7: {  	s28 =	simm.s32 $_size_execute0_lowered;
	s2 =	sadd.s32 s2, s4;
	[dreg:$0x0] =	wrdreg $0x0  }
0xa8: {  	s4 =	sshll.u32 s28, $0x1;
	[dreg:$0x2] =	wrdreg s2  }
0xa9: {  	[dreg:$0x3] =	wrdreg s4  }
0xaa: {  	[dreg:$0x4] =	wrdreg $0xC0  }
0xab: {  	_ =	task [dreg:s6], $0x5FFFF  }
0xac: {  	[dreg:$0x1] =	wrdreg $0xFFFFFFFF  }
0xad: {  	[dreg:$0x0] =	wrdreg $0x60  }
0xae: {  	[dreg:$0x2] =	wrdreg s24  }
0xaf: {  	[dreg:$0x3] =	wrdreg $0xA  }
0xb0: {  	_ =	task.clear_ibuf [dreg:s6], $0x4FFFF;
	_ =	strace $0x90000046  }
0xb1: {  	s29 =	simm.s32 $0xA;
	_ =	strace $0x80000048  }
0xb2: {  	_ =	swait.ge [sflag:s29], $0x1  }
0xb3: {  	[sflag:s29] =	ssyncadd.s32 $0xFFFFFFFF  }
0xb4: {  	_ =	strace $0x90000048  }
0xb5: {  	_ =	sfence  }
0xb6: {  	s30 =	sld [smem:$0x0];
	_ =	sdelay $0x2  }
0xb7: {  	s31 =	sshll.u32 s1, $0xD;
	s1 =	sshrl.u32 s1, $0x2  }
0xb8: {  	s3 =	sand.u32 $0x4000, s31;
	s1 =	sadd.s32 s1, s30  }
0xb9: {  	s0 =	sor.u32 s3, s0;
	s1 =	sshll.u32 s1, $0x11  }
0xba: {  	s0 =	sor.u32 s1, s0  }
0xbb: {  	s0 =	sadd.s32 $0x8F2B, s0  }
0xbc: {  	[sflag:s0] =	ssyncadd.remote.s32 $0x1  }
0xbd: {  	_ =	sfence.sel $0xFFFF  }
0xbe: {  	[dreg:$0x0] =	wrdreg $0xFFFFFFFF;
	(pc) =	sbr.abs _section_cstart, $3  }
0xbf: {  	[dreg:$0x1] =	wrdreg $0xFFFFFFFF  }
0xc0: {  	_ =	task.clear_ibuf [dreg:s6], $0x2FFFF;
	_ =	strace $0x9FFFFFFF  }
0xc1: {  	(tm) =	ssettm $0x7FFFFFFF  }
tec
execute0_lowered:
.L_overlay_start_1:
0x0: {  	(tag) =	ssettag $0x1  }
0x1: {  	s3 =	rddreg [dreg:$0x0]  }
0x2: {  	s4 =	srdreg.scid;
	s1 =	stileid.u32;
	s2 =	simm.s32 $0x0  }
0x3: {  	s14 =	simm.s32 $0x800;
	s15 =	simm.s32 $0x1000;
	s16 =	simm.s32 $0x1800  }
0x4: {  	s17 =	simm.s32 $0x1;
	s18 =	simm.s32 $0x2;
	s19 =	simm.s32 $0x4800  }
0x5: {  	s20 =	simm.s32 $0x2800;
	s21 =	simm.s32 $0x3000;
	s22 =	simm.s32 $0x3800  }
0x6: {  	s23 =	simm.s32 $0x4000;
	s24 =	simm.s32 $0x3;
	s25 =	simm.s32 $0x0  }
0x7: {  	s4 =	sand.u32 $0x1, s4;
	s5 =	sshll.u32 s1, $0x1;
	[smem:$0x7FF] =	sst s2  }
0x8: {  	s7 =	sadd.s32 $0x3A00, s3;
	s11 =	sadd.s32 $0xBA00, s3;
	s5 =	sor.u32 s4, s5  }
0x9: {  	_ =	strace $0x80000047;
	s4 =	ssub.s32 $0x2, s4;
	s6 =	sshll.u32 s5, $0x8  }
0xa: {  	s31 =	sshrl.u32 s4, $0x1;
	s8 =	sshll.u32 s5, $0xA;
	s6 =	sadd.s32 s6, s3  }
0xb: {  	s12 =	ssub.s32 s4, s31;
	s4 =	sadd.s32 s7, s8;
	s9 =	sor.u32 $0x100, s8  }
0xc: {  	s10 =	sor.u32 $0x200, s8;
	s13 =	sor.u32 $0x300, s8;
	s8 =	sadd.s32 s11, s8  }
0xd: {  	s3 =	sadd.s32 $0x1A00, s6;
	s5 =	sadd.s32 s7, s9;
	s6 =	sadd.s32 s7, s10  }
0xe: {  	s7 =	sadd.s32 s7, s13;
	s9 =	sadd.s32 s11, s9;
	s10 =	sadd.s32 s11, s10  }
0xf: {  	v0 =	vlaneseq.u32;
	vm0 =	vmmov $0xff;
	v1 =	vimm.f32 $0.0e+00;
	s11 =	sadd.s32 s11, s13;
	s12 =	smax.u32 s12, $0x1;
	s13 =	simm.s32 $0x2000  }
.LBB2_1:
0x10: {  	[tilespmem:s13], [sflag:$0x1] =	stream.linear.gather [hbm4b:s3+s2], $0x800, $0x38;
	[tilespmem:$0x4880] =	vst v63  }
0x11: {  	_ = 	snop  }
0x12: {  	[tilespmem:s2], [sflag:$0x2] =	stream.linear.gather [hbm4b:s4+s2], $0x800, $0x38;
	[tilespmem:$0x4880] =	vst v63  }
0x13: {  	_ = 	snop  }
0x14: {  	[tilespmem:s14], [sflag:$0x2] =	stream.linear.gather [hbm4b:s5+s2], $0x800, $0x38;
	[tilespmem:$0x4880] =	vst v63  }
0x15: {  	_ = 	snop  }
0x16: {  	[tilespmem:s15], [sflag:$0x2] =	stream.linear.gather [hbm4b:s6+s2], $0x800, $0x38;
	[tilespmem:$0x4880] =	vst v63  }
0x17: {  	_ = 	snop  }
0x18: {  	[tilespmem:s16], [sflag:$0x2] =	stream.linear.gather [hbm4b:s7+s2], $0x800, $0x38;
	[tilespmem:$0x4880] =	vst v63  }
0x19: {  	_ =	swait.ge [sflag:s17], $0x800  }
0x1a: {  	[sflag:s17] =	ssyncset.done $0x0  }
0x1b: {  	[sflag:s17] =	ssyncadd.s32 $0xFFFFF800  }
0x1c: {  	_ =	swait.ge [sflag:s18], $0x800  }
0x1d: {  	s26 =	simm.s32 $0xFFFFFFFC;
	s28 =	simm.s32 $0xC0;
	[sflag:s18] =	ssyncset.done $0x0  }
0x1e: {  	s29 =	simm.s32 $0x2880;
	s30 =	simm.s32 $0x0;
	[sflag:s18] =	ssyncadd.s32 $0xFFFFF800  }
.LBB2_2:
0x1f: {  	v2 =	vor.u32 s30, v0;
	_ =	sdelay $0x4  }
0x20: {  	v2 =	vld.idx.msk [tilespmem:v2+s13+$0x0], $0xffff;
	_ =	sdelay $0x3  }
0x21: {  	s31 =	sadd.s32 $0xFFFFFF40, s28  }
0x22: {  	v3 =	vadd.s32 s31, v2;
	_ =	sdelay $0x2  }
0x23: {  	[tilespmem:v2+s19+$0x0] =	vst.idx.msk $0xffff, v0  }
0x24: {  	v4 =	vld.idx.msk [tilespmem:v2+s19+$0x0], $0xffff  }
0x25: {  	v3 =	vld.idx.msk [tilespmem:v3+s2+$0x0], $0xffff;
	_ =	sdelay $0x3  }
0x26: {  	vm1 =	veq.s32 v4, v0  }
0x27: {  	v3 =	vnsel vm1, $0xF149F2CA, v3  }
0x28: {  	(xrf1) =	vsort.dscd.msk.f32 $0xffff, v3, v2;
	_ =	sdelay $0xd  }
0x29: {  	v2, v3, _ =	vpop (xrf1)  }
0x2a: {  	v53 =	vnsel vm0, $0xF149F2CA, v2  }
0x2b: {  	(xrf0) =	vmax.scan.msk.f32 $0xffff, v53;
	_ =	sdelay $0x5  }
0x2c: {  	v5, _, _ =	vpop (xrf0)  }
0x2d: {  	v5 =	vbroadcast v5, $0xF;
	_ =	sdelay $0x1  }
0x2e: {  	v4 =	vsub.f32 v53, v5;
	_ =	sdelay $0x1  }
0x2f: {  	v4 =	vmul.f32 $1.442695020e+00, v4;
	_ =	sdelay $0x1  }
0x30: {  	(erf) = vpow2.f32 v4;
	_ =	sdelay $0x8  }
0x31: {  	v4 =	vpop (erf)  }
0x32: {  	(xrf2) =	vadd.scan.msk.f32 $0xffff, v4;
	_ =	sdelay $0x9  }
0x33: {  	v54, _, _ =	vpop (xrf2)  }
0x34: {  	v5 =	vbroadcast v54, $0xF;
	_ =	sdelay $0x1  }
0x35: {  	(erf) = vrcp.f32 v5;
	_ =	sdelay $0x4  }
0x36: {  	vm1 =	vgt.f32 v2, $-5.000000080e+29  }
0x37: {  	vm1 =	vmand vm1, vm0  }
0x38: {  	s0 =	sadd.s32 $0x10, s30;
	v2 =	vadd.s32 s31, v3  }
0x39: {  	[tilespmem:s29+$0xFFFFFF80] =	vst v1;
	v3 =	vor.u32 s0, v0  }
0x3a: {  	[tilespmem:s29+$0xFFFFFF90] =	vst v1;
	v5 =	vpop (erf)  }
0x3b: {  	[tilespmem:s29+$0xFFFFFFA0] =	vst v1;
	v4 =	vmul.f32 v5, v4  }
0x3c: {  	[tilespmem:s29+$0xFFFFFFB0] =	vst v1  }
0x3d: {  	[tilespmem:v2+s20+$0x0] =	vst.idx.msk vm1, v4  }
0x3e: {  	v2 =	vld.idx.msk [tilespmem:v3+s13+$0x0], $0xffff;
	_ =	sdelay $0x3  }
0x3f: {  	s31 =	sadd.s32 $0xFFFFFF80, s28  }
0x40: {  	v3 =	vadd.s32 s31, v2;
	_ =	sdelay $0x2  }
0x41: {  	[tilespmem:v2+s19+$0x0] =	vst.idx.msk $0xffff, v0  }
0x42: {  	v4 =	vld.idx.msk [tilespmem:v2+s19+$0x0], $0xffff  }
0x43: {  	v3 =	vld.idx.msk [tilespmem:v3+s2+$0x0], $0xffff;
	_ =	sdelay $0x3  }
0x44: {  	vm1 =	veq.s32 v4, v0  }
0x45: {  	v3 =	vnsel vm1, $0xF149F2CA, v3  }
0x46: {  	(xrf1) =	vsort.dscd.msk.f32 $0xffff, v3, v2;
	_ =	sdelay $0xd  }
0x47: {  	v2, v3, _ =	vpop (xrf1)  }
0x48: {  	v55 =	vnsel vm0, $0xF149F2CA, v2  }
0x49: {  	(xrf0) =	vmax.scan.msk.f32 $0xffff, v55;
	_ =	sdelay $0x5  }
0x4a: {  	v56, _, _ =	vpop (xrf0)  }
0x4b: {  	v5 =	vbroadcast v56, $0xF;
	_ =	sdelay $0x1  }
0x4c: {  	v4 =	vsub.f32 v55, v5;
	_ =	sdelay $0x1  }
0x4d: {  	v4 =	vmul.f32 $1.442695020e+00, v4;
	_ =	sdelay $0x1  }
0x4e: {  	(erf) = vpow2.f32 v4;
	_ =	sdelay $0x8  }
0x4f: {  	v4 =	vpop (erf)  }
0x50: {  	(xrf2) =	vadd.scan.msk.f32 $0xffff, v4;
	_ =	sdelay $0x9  }
0x51: {  	v57, _, _ =	vpop (xrf2)  }
0x52: {  	v5 =	vbroadcast v57, $0xF;
	_ =	sdelay $0x1  }
0x53: {  	(erf) = vrcp.f32 v5;
	_ =	sdelay $0x4  }
0x54: {  	vm1 =	vgt.f32 v2, $-5.000000080e+29  }
0x55: {  	vm1 =	vmand vm1, vm0  }
0x56: {  	s0 =	sadd.s32 $0x20, s30;
	v2 =	vadd.s32 s31, v3  }
0x57: {  	[tilespmem:s29+$0xFFFFFFC0] =	vst v1;
	v3 =	vor.u32 s0, v0;
	s0 =	sor.u32 $0x50, s31  }
0x58: {  	[tilespmem:s0+$0x2800] =	vst v1;
	s0 =	sor.u32 $0x60, s31;
	v5 =	vpop (erf)  }
0x59: {  	s31 =	sor.u32 $0x70, s31;
	[tilespmem:s0+$0x2800] =	vst v1;
	v4 =	vmul.f32 v5, v4  }
0x5a: {  	[tilespmem:s31+$0x2800] =	vst v1  }
0x5b: {  	[tilespmem:v2+s20+$0x0] =	vst.idx.msk vm1, v4  }
0x5c: {  	v2 =	vld.idx.msk [tilespmem:v3+s13+$0x0], $0xffff;
	_ =	sdelay $0x3  }
0x5d: {  	s31 =	sadd.s32 $0xFFFFFFC0, s28  }
0x5e: {  	v3 =	vadd.s32 s31, v2;
	_ =	sdelay $0x2  }
0x5f: {  	[tilespmem:v2+s19+$0x0] =	vst.idx.msk $0xffff, v0  }
0x60: {  	v4 =	vld.idx.msk [tilespmem:v2+s19+$0x0], $0xffff  }
0x61: {  	v3 =	vld.idx.msk [tilespmem:v3+s2+$0x0], $0xffff;
	_ =	sdelay $0x3  }
0x62: {  	vm1 =	veq.s32 v4, v0  }
0x63: {  	v3 =	vnsel vm1, $0xF149F2CA, v3  }
0x64: {  	(xrf1) =	vsort.dscd.msk.f32 $0xffff, v3, v2;
	_ =	sdelay $0xd  }
0x65: {  	v2, v3, _ =	vpop (xrf1)  }
0x66: {  	v58 =	vnsel vm0, $0xF149F2CA, v2  }
0x67: {  	(xrf0) =	vmax.scan.msk.f32 $0xffff, v58;
	_ =	sdelay $0x5  }
0x68: {  	v59, _, _ =	vpop (xrf0)  }
0x69: {  	v5 =	vbroadcast v59, $0xF;
	_ =	sdelay $0x1  }
0x6a: {  	v4 =	vsub.f32 v58, v5;
	_ =	sdelay $0x1  }
0x6b: {  	v4 =	vmul.f32 $1.442695020e+00, v4;
	_ =	sdelay $0x1  }
0x6c: {  	(erf) = vpow2.f32 v4;
	_ =	sdelay $0x8  }
0x6d: {  	v4 =	vpop (erf)  }
0x6e: {  	(xrf2) =	vadd.scan.msk.f32 $0xffff, v4;
	_ =	sdelay $0x9  }
0x6f: {  	v60, _, _ =	vpop (xrf2)  }
0x70: {  	v5 =	vbroadcast v60, $0xF;
	_ =	sdelay $0x1  }
0x71: {  	(erf) = vrcp.f32 v5;
	_ =	sdelay $0x4  }
0x72: {  	vm1 =	vgt.f32 v2, $-5.000000080e+29  }
0x73: {  	vm1 =	vmand vm1, vm0  }
0x74: {  	v2 =	vadd.s32 s31, v3;
	s31 =	sadd.s32 $0x30, s30  }
0x75: {  	[tilespmem:s29+$0x0] =	vst v1;
	v3 =	vor.u32 s31, v0  }
0x76: {  	[tilespmem:s29+$0x10] =	vst v1;
	v5 =	vpop (erf)  }
0x77: {  	[tilespmem:s29+$0x20] =	vst v1;
	v4 =	vmul.f32 v5, v4  }
0x78: {  	[tilespmem:s29+$0x30] =	vst v1  }
0x79: {  	[tilespmem:v2+s20+$0x0] =	vst.idx.msk vm1, v4  }
0x7a: {  	v2 =	vld.idx.msk [tilespmem:v3+s13+$0x0], $0xffff;
	_ =	sdelay $0x4  }
0x7b: {  	v3 =	vadd.s32 s28, v2;
	_ =	sdelay $0x2  }
0x7c: {  	[tilespmem:v2+s19+$0x0] =	vst.idx.msk $0xffff, v0  }
0x7d: {  	v4 =	vld.idx.msk [tilespmem:v2+s19+$0x0], $0xffff  }
0x7e: {  	v3 =	vld.idx.msk [tilespmem:v3+s2+$0x0], $0xffff;
	_ =	sdelay $0x3  }
0x7f: {  	vm1 =	veq.s32 v4, v0  }
0x80: {  	v3 =	vnsel vm1, $0xF149F2CA, v3  }
0x81: {  	(xrf1) =	vsort.dscd.msk.f32 $0xffff, v3, v2;
	_ =	sdelay $0xd  }
0x82: {  	v2, v3, _ =	vpop (xrf1)  }
0x83: {  	v61 =	vnsel vm0, $0xF149F2CA, v2  }
0x84: {  	(xrf0) =	vmax.scan.msk.f32 $0xffff, v61;
	_ =	sdelay $0x5  }
0x85: {  	v62, _, _ =	vpop (xrf0)  }
0x86: {  	v5 =	vbroadcast v62, $0xF;
	_ =	sdelay $0x1  }
0x87: {  	v4 =	vsub.f32 v61, v5;
	_ =	sdelay $0x1  }
0x88: {  	v4 =	vmul.f32 $1.442695020e+00, v4;
	_ =	sdelay $0x1  }
0x89: {  	(erf) = vpow2.f32 v4;
	_ =	sdelay $0x8  }
0x8a: {  	v4 =	vpop (erf)  }
0x8b: {  	(xrf2) =	vadd.scan.msk.f32 $0xffff, v4;
	_ =	sdelay $0x9  }
0x8c: {  	v63, _, _ =	vpop (xrf2)  }
0x8d: {  	v5 =	vbroadcast v63, $0xF;
	_ =	sdelay $0x1  }
0x8e: {  	(erf) = vrcp.f32 v5;
	_ =	sdelay $0x4  }
0x8f: {  	vm1 =	vgt.f32 v2, $-5.000000080e+29  }
0x90: {  	s26 =	sadd.s32 $0x4, s26;
	vm1 =	vmand vm1, vm0  }
0x91: {  	p0 =	slt.u32 s26, $0x1C;
	v2 =	vadd.s32 s28, v3  }
.Ltmp0:
0x92: {  	s31 =	sor.u32 $0x50, s28;
	[tilespmem:s29+$0x40] =	vst v1;
	(pc) =	sbr.rel @p0 .LBB2_2-.Ltmp0, $4  }
0x93: {  	[tilespmem:s31+$0x2800] =	vst v1;
	s31 =	sor.u32 $0x60, s28;
	v3 =	vpop (erf)  }
0x94: {  	[tilespmem:s31+$0x2800] =	vst v1;
	s31 =	sor.u32 $0x70, s28;
	v3 =	vmul.f32 v3, v4  }
0x95: {  	[tilespmem:s31+$0x2800] =	vst v1  }
0x96: {  	s30 =	sadd.s32 $0x40, s30;
	s29 =	sadd.s32 $0x100, s29;
	s28 =	sadd.s32 $0x100, s28;
	[tilespmem:v2+s20+$0x0] =	vst.idx.msk vm1, v3  }
0x97: {  	[hbm4b:s8+s2] =	stream.linear.scatter [tilespmem:s20], [sflag:$0x3], $0x800, $0x38;
	[tilespmem:$0x4880] =	vst v63  }
0x98: {  	_ =	swait.ge [sflag:s18], $0x800  }
0x99: {  	s26 =	simm.s32 $0x1C;
	s28 =	simm.s32 $0x8C0;
	[sflag:s18] =	ssyncset.done $0x0  }
0x9a: {  	s29 =	simm.s32 $0x200;
	s30 =	simm.s32 $0x30C0;
	[sflag:s18] =	ssyncadd.s32 $0xFFFFF800  }
.LBB2_4:
0x9b: {  	v2 =	vor.u32 s29, v0;
	_ =	sdelay $0x4  }
0x9c: {  	v2 =	vld.idx.msk [tilespmem:v2+s13+$0x0], $0xffff;
	_ =	sdelay $0x3  }
0x9d: {  	s0 =	sadd.s32 $0xFFFFFF40, s28  }
0x9e: {  	v3 =	vadd.s32 s0, v2;
	_ =	sdelay $0x2  }
0x9f: {  	[tilespmem:v2+s19+$0x0] =	vst.idx.msk $0xffff, v0  }
0xa0: {  	v4 =	vld.idx.msk [tilespmem:v2+s19+$0x0], $0xffff  }
0xa1: {  	v3 =	vld.idx.msk [tilespmem:v3+s2+$0x0], $0xffff;
	_ =	sdelay $0x3  }
0xa2: {  	vm1 =	veq.s32 v4, v0  }
0xa3: {  	v3 =	vnsel vm1, $0xF149F2CA, v3  }
0xa4: {  	(xrf1) =	vsort.dscd.msk.f32 $0xffff, v3, v2;
	_ =	sdelay $0xd  }
0xa5: {  	v2, v3, _ =	vpop (xrf1)  }
0xa6: {  	v53 =	vnsel vm0, $0xF149F2CA, v2  }
0xa7: {  	(xrf0) =	vmax.scan.msk.f32 $0xffff, v53;
	_ =	sdelay $0x5  }
0xa8: {  	v5, _, _ =	vpop (xrf0)  }
0xa9: {  	v5 =	vbroadcast v5, $0xF;
	_ =	sdelay $0x1  }
0xaa: {  	v4 =	vsub.f32 v53, v5;
	_ =	sdelay $0x1  }
0xab: {  	v4 =	vmul.f32 $1.442695020e+00, v4;
	_ =	sdelay $0x1  }
0xac: {  	(erf) = vpow2.f32 v4;
	_ =	sdelay $0x8  }
0xad: {  	v4 =	vpop (erf)  }
0xae: {  	(xrf2) =	vadd.scan.msk.f32 $0xffff, v4;
	_ =	sdelay $0x9  }
0xaf: {  	v54, _, _ =	vpop (xrf2)  }
0xb0: {  	v5 =	vbroadcast v54, $0xF;
	_ =	sdelay $0x1  }
0xb1: {  	(erf) = vrcp.f32 v5;
	_ =	sdelay $0x4  }
0xb2: {  	vm1 =	vgt.f32 v2, $-5.000000080e+29  }
0xb3: {  	vm1 =	vmand vm1, vm0  }
0xb4: {  	s31 =	sadd.s32 $0x10, s29;
	v2 =	vadd.s32 s0, v3  }
0xb5: {  	[tilespmem:s30+$0xFFFFFF40] =	vst v1;
	v3 =	vor.u32 s31, v0  }
0xb6: {  	[tilespmem:s30+$0xFFFFFF50] =	vst v1;
	v5 =	vpop (erf)  }
0xb7: {  	[tilespmem:s30+$0xFFFFFF60] =	vst v1;
	v4 =	vmul.f32 v5, v4  }
0xb8: {  	[tilespmem:s30+$0xFFFFFF70] =	vst v1  }
0xb9: {  	[tilespmem:v2+s20+$0x0] =	vst.idx.msk vm1, v4  }
0xba: {  	v2 =	vld.idx.msk [tilespmem:v3+s13+$0x0], $0xffff;
	_ =	sdelay $0x3  }
0xbb: {  	s0 =	sadd.s32 $0xFFFFFF80, s28  }
0xbc: {  	v3 =	vadd.s32 s0, v2;
	_ =	sdelay $0x2  }
0xbd: {  	[tilespmem:v2+s19+$0x0] =	vst.idx.msk $0xffff, v0  }
0xbe: {  	v4 =	vld.idx.msk [tilespmem:v2+s19+$0x0], $0xffff  }
0xbf: {  	v3 =	vld.idx.msk [tilespmem:v3+s2+$0x0], $0xffff;
	_ =	sdelay $0x3  }
0xc0: {  	vm1 =	veq.s32 v4, v0  }
0xc1: {  	v3 =	vnsel vm1, $0xF149F2CA, v3  }
0xc2: {  	(xrf1) =	vsort.dscd.msk.f32 $0xffff, v3, v2;
	_ =	sdelay $0xd  }
0xc3: {  	v2, v3, _ =	vpop (xrf1)  }
0xc4: {  	v55 =	vnsel vm0, $0xF149F2CA, v2  }
0xc5: {  	(xrf0) =	vmax.scan.msk.f32 $0xffff, v55;
	_ =	sdelay $0x5  }
0xc6: {  	v56, _, _ =	vpop (xrf0)  }
0xc7: {  	v5 =	vbroadcast v56, $0xF;
	_ =	sdelay $0x1  }
0xc8: {  	v4 =	vsub.f32 v55, v5;
	_ =	sdelay $0x1  }
0xc9: {  	v4 =	vmul.f32 $1.442695020e+00, v4;
	_ =	sdelay $0x1  }
0xca: {  	(erf) = vpow2.f32 v4;
	_ =	sdelay $0x8  }
0xcb: {  	v4 =	vpop (erf)  }
0xcc: {  	(xrf2) =	vadd.scan.msk.f32 $0xffff, v4;
	_ =	sdelay $0x9  }
0xcd: {  	v57, _, _ =	vpop (xrf2)  }
0xce: {  	v5 =	vbroadcast v57, $0xF;
	_ =	sdelay $0x1  }
0xcf: {  	(erf) = vrcp.f32 v5;
	_ =	sdelay $0x4  }
0xd0: {  	vm1 =	vgt.f32 v2, $-5.000000080e+29  }
0xd1: {  	vm1 =	vmand vm1, vm0  }
0xd2: {  	s31 =	sadd.s32 $0x20, s29;
	v2 =	vadd.s32 s0, v3  }
0xd3: {  	[tilespmem:s30+$0xFFFFFF80] =	vst v1;
	v3 =	vor.u32 s31, v0;
	s31 =	sor.u32 $0x50, s0  }
0xd4: {  	[tilespmem:s31+$0x2800] =	vst v1;
	s31 =	sor.u32 $0x60, s0;
	v5 =	vpop (erf)  }
0xd5: {  	s0 =	sor.u32 $0x70, s0;
	[tilespmem:s31+$0x2800] =	vst v1;
	v4 =	vmul.f32 v5, v4  }
0xd6: {  	[tilespmem:s0+$0x2800] =	vst v1  }
0xd7: {  	[tilespmem:v2+s20+$0x0] =	vst.idx.msk vm1, v4  }
0xd8: {  	v2 =	vld.idx.msk [tilespmem:v3+s13+$0x0], $0xffff;
	_ =	sdelay $0x3  }
0xd9: {  	s31 =	sadd.s32 $0xFFFFFFC0, s28  }
0xda: {  	v3 =	vadd.s32 s31, v2;
	_ =	sdelay $0x2  }
0xdb: {  	[tilespmem:v2+s19+$0x0] =	vst.idx.msk $0xffff, v0  }
0xdc: {  	v4 =	vld.idx.msk [tilespmem:v2+s19+$0x0], $0xffff  }
0xdd: {  	v3 =	vld.idx.msk [tilespmem:v3+s2+$0x0], $0xffff;
	_ =	sdelay $0x3  }
0xde: {  	vm1 =	veq.s32 v4, v0  }
0xdf: {  	v3 =	vnsel vm1, $0xF149F2CA, v3  }
0xe0: {  	(xrf1) =	vsort.dscd.msk.f32 $0xffff, v3, v2;
	_ =	sdelay $0xd  }
0xe1: {  	v2, v3, _ =	vpop (xrf1)  }
0xe2: {  	v58 =	vnsel vm0, $0xF149F2CA, v2  }
0xe3: {  	(xrf0) =	vmax.scan.msk.f32 $0xffff, v58;
	_ =	sdelay $0x5  }
0xe4: {  	v59, _, _ =	vpop (xrf0)  }
0xe5: {  	v5 =	vbroadcast v59, $0xF;
	_ =	sdelay $0x1  }
0xe6: {  	v4 =	vsub.f32 v58, v5;
	_ =	sdelay $0x1  }
0xe7: {  	v4 =	vmul.f32 $1.442695020e+00, v4;
	_ =	sdelay $0x1  }
0xe8: {  	(erf) = vpow2.f32 v4;
	_ =	sdelay $0x8  }
0xe9: {  	v4 =	vpop (erf)  }
0xea: {  	(xrf2) =	vadd.scan.msk.f32 $0xffff, v4;
	_ =	sdelay $0x9  }
0xeb: {  	v60, _, _ =	vpop (xrf2)  }
0xec: {  	v5 =	vbroadcast v60, $0xF;
	_ =	sdelay $0x1  }
0xed: {  	(erf) = vrcp.f32 v5;
	_ =	sdelay $0x4  }
0xee: {  	vm1 =	vgt.f32 v2, $-5.000000080e+29  }
0xef: {  	vm1 =	vmand vm1, vm0  }
0xf0: {  	v2 =	vadd.s32 s31, v3;
	s31 =	sadd.s32 $0x30, s29  }
0xf1: {  	[tilespmem:s30+$0xFFFFFFC0] =	vst v1;
	v3 =	vor.u32 s31, v0  }
0xf2: {  	[tilespmem:s30+$0xFFFFFFD0] =	vst v1;
	v5 =	vpop (erf)  }
0xf3: {  	[tilespmem:s30+$0xFFFFFFE0] =	vst v1;
	v4 =	vmul.f32 v5, v4  }
0xf4: {  	[tilespmem:s30+$0xFFFFFFF0] =	vst v1  }
0xf5: {  	[tilespmem:v2+s20+$0x0] =	vst.idx.msk vm1, v4  }
0xf6: {  	v2 =	vld.idx.msk [tilespmem:v3+s13+$0x0], $0xffff;
	_ =	sdelay $0x4  }
0xf7: {  	v3 =	vadd.s32 s28, v2;
	_ =	sdelay $0x2  }
0xf8: {  	[tilespmem:v2+s19+$0x0] =	vst.idx.msk $0xffff, v0  }
0xf9: {  	v4 =	vld.idx.msk [tilespmem:v2+s19+$0x0], $0xffff  }
0xfa: {  	v3 =	vld.idx.msk [tilespmem:v3+s2+$0x0], $0xffff;
	_ =	sdelay $0x3  }
0xfb: {  	vm1 =	veq.s32 v4, v0  }
0xfc: {  	v3 =	vnsel vm1, $0xF149F2CA, v3  }
0xfd: {  	(xrf1) =	vsort.dscd.msk.f32 $0xffff, v3, v2;
	_ =	sdelay $0xd  }
0xfe: {  	v2, v3, _ =	vpop (xrf1)  }
0xff: {  	v61 =	vnsel vm0, $0xF149F2CA, v2  }
0x100: {  	(xrf0) =	vmax.scan.msk.f32 $0xffff, v61;
	_ =	sdelay $0x5  }
0x101: {  	v62, _, _ =	vpop (xrf0)  }
0x102: {  	v5 =	vbroadcast v62, $0xF;
	_ =	sdelay $0x1  }
0x103: {  	v4 =	vsub.f32 v61, v5;
	_ =	sdelay $0x1  }
0x104: {  	v4 =	vmul.f32 $1.442695020e+00, v4;
	_ =	sdelay $0x1  }
0x105: {  	(erf) = vpow2.f32 v4;
	_ =	sdelay $0x8  }
0x106: {  	v4 =	vpop (erf)  }
0x107: {  	(xrf2) =	vadd.scan.msk.f32 $0xffff, v4;
	_ =	sdelay $0x9  }
0x108: {  	v63, _, _ =	vpop (xrf2)  }
0x109: {  	v5 =	vbroadcast v63, $0xF;
	_ =	sdelay $0x1  }
0x10a: {  	(erf) = vrcp.f32 v5;
	_ =	sdelay $0x4  }
0x10b: {  	vm1 =	vgt.f32 v2, $-5.000000080e+29  }
0x10c: {  	s26 =	sadd.s32 $0x4, s26;
	vm1 =	vmand vm1, vm0  }
0x10d: {  	p0 =	slt.u32 s26, $0x3C;
	v2 =	vadd.s32 s28, v3  }
.Ltmp1:
0x10e: {  	s31 =	sor.u32 $0x50, s28;
	[tilespmem:s30+$0x0] =	vst v1;
	(pc) =	sbr.rel @p0 .LBB2_4-.Ltmp1, $4  }
0x10f: {  	[tilespmem:s31+$0x2800] =	vst v1;
	s31 =	sor.u32 $0x60, s28;
	v3 =	vpop (erf)  }
0x110: {  	[tilespmem:s31+$0x2800] =	vst v1;
	s31 =	sor.u32 $0x70, s28;
	v3 =	vmul.f32 v3, v4  }
0x111: {  	[tilespmem:s31+$0x2800] =	vst v1  }
0x112: {  	s29 =	sadd.s32 $0x40, s29;
	s30 =	sadd.s32 $0x100, s30;
	s28 =	sadd.s32 $0x100, s28;
	[tilespmem:v2+s20+$0x0] =	vst.idx.msk vm1, v3  }
0x113: {  	[hbm4b:s9+s2] =	stream.linear.scatter [tilespmem:s21], [sflag:$0x3], $0x800, $0x38;
	[tilespmem:$0x4880] =	vst v63  }
0x114: {  	_ =	swait.ge [sflag:s18], $0x800  }
0x115: {  	s26 =	simm.s32 $0x3C;
	s28 =	simm.s32 $0x10C0;
	[sflag:s18] =	ssyncset.done $0x0  }
0x116: {  	s29 =	simm.s32 $0x400;
	s30 =	simm.s32 $0x38C0;
	[sflag:s18] =	ssyncadd.s32 $0xFFFFF800  }
.LBB2_6:
0x117: {  	v2 =	vor.u32 s29, v0;
	_ =	sdelay $0x4  }
0x118: {  	v2 =	vld.idx.msk [tilespmem:v2+s13+$0x0], $0xffff;
	_ =	sdelay $0x3  }
0x119: {  	s0 =	sadd.s32 $0xFFFFFF40, s28  }
0x11a: {  	v3 =	vadd.s32 s0, v2;
	_ =	sdelay $0x2  }
0x11b: {  	[tilespmem:v2+s19+$0x0] =	vst.idx.msk $0xffff, v0  }
0x11c: {  	v4 =	vld.idx.msk [tilespmem:v2+s19+$0x0], $0xffff  }
0x11d: {  	v3 =	vld.idx.msk [tilespmem:v3+s2+$0x0], $0xffff;
	_ =	sdelay $0x3  }
0x11e: {  	vm1 =	veq.s32 v4, v0  }
0x11f: {  	v3 =	vnsel vm1, $0xF149F2CA, v3  }
0x120: {  	(xrf1) =	vsort.dscd.msk.f32 $0xffff, v3, v2;
	_ =	sdelay $0xd  }
0x121: {  	v2, v3, _ =	vpop (xrf1)  }
0x122: {  	v53 =	vnsel vm0, $0xF149F2CA, v2  }
0x123: {  	(xrf0) =	vmax.scan.msk.f32 $0xffff, v53;
	_ =	sdelay $0x5  }
0x124: {  	v5, _, _ =	vpop (xrf0)  }
0x125: {  	v5 =	vbroadcast v5, $0xF;
	_ =	sdelay $0x1  }
0x126: {  	v4 =	vsub.f32 v53, v5;
	_ =	sdelay $0x1  }
0x127: {  	v4 =	vmul.f32 $1.442695020e+00, v4;
	_ =	sdelay $0x1  }
0x128: {  	(erf) = vpow2.f32 v4;
	_ =	sdelay $0x8  }
0x129: {  	v4 =	vpop (erf)  }
0x12a: {  	(xrf2) =	vadd.scan.msk.f32 $0xffff, v4;
	_ =	sdelay $0x9  }
0x12b: {  	v54, _, _ =	vpop (xrf2)  }
0x12c: {  	v5 =	vbroadcast v54, $0xF;
	_ =	sdelay $0x1  }
0x12d: {  	(erf) = vrcp.f32 v5;
	_ =	sdelay $0x4  }
0x12e: {  	vm1 =	vgt.f32 v2, $-5.000000080e+29  }
0x12f: {  	vm1 =	vmand vm1, vm0  }
0x130: {  	s31 =	sadd.s32 $0x10, s29;
	v2 =	vadd.s32 s0, v3  }
0x131: {  	[tilespmem:s30+$0xFFFFFF40] =	vst v1;
	v3 =	vor.u32 s31, v0  }
0x132: {  	[tilespmem:s30+$0xFFFFFF50] =	vst v1;
	v5 =	vpop (erf)  }
0x133: {  	[tilespmem:s30+$0xFFFFFF60] =	vst v1;
	v4 =	vmul.f32 v5, v4  }
0x134: {  	[tilespmem:s30+$0xFFFFFF70] =	vst v1  }
0x135: {  	[tilespmem:v2+s20+$0x0] =	vst.idx.msk vm1, v4  }
0x136: {  	v2 =	vld.idx.msk [tilespmem:v3+s13+$0x0], $0xffff;
	_ =	sdelay $0x3  }
0x137: {  	s0 =	sadd.s32 $0xFFFFFF80, s28  }
0x138: {  	v3 =	vadd.s32 s0, v2;
	_ =	sdelay $0x2  }
0x139: {  	[tilespmem:v2+s19+$0x0] =	vst.idx.msk $0xffff, v0  }
0x13a: {  	v4 =	vld.idx.msk [tilespmem:v2+s19+$0x0], $0xffff  }
0x13b: {  	v3 =	vld.idx.msk [tilespmem:v3+s2+$0x0], $0xffff;
	_ =	sdelay $0x3  }
0x13c: {  	vm1 =	veq.s32 v4, v0  }
0x13d: {  	v3 =	vnsel vm1, $0xF149F2CA, v3  }
0x13e: {  	(xrf1) =	vsort.dscd.msk.f32 $0xffff, v3, v2;
	_ =	sdelay $0xd  }
0x13f: {  	v2, v3, _ =	vpop (xrf1)  }
0x140: {  	v55 =	vnsel vm0, $0xF149F2CA, v2  }
0x141: {  	(xrf0) =	vmax.scan.msk.f32 $0xffff, v55;
	_ =	sdelay $0x5  }
0x142: {  	v56, _, _ =	vpop (xrf0)  }
0x143: {  	v5 =	vbroadcast v56, $0xF;
	_ =	sdelay $0x1  }
0x144: {  	v4 =	vsub.f32 v55, v5;
	_ =	sdelay $0x1  }
0x145: {  	v4 =	vmul.f32 $1.442695020e+00, v4;
	_ =	sdelay $0x1  }
0x146: {  	(erf) = vpow2.f32 v4;
	_ =	sdelay $0x8  }
0x147: {  	v4 =	vpop (erf)  }
0x148: {  	(xrf2) =	vadd.scan.msk.f32 $0xffff, v4;
	_ =	sdelay $0x9  }
0x149: {  	v57, _, _ =	vpop (xrf2)  }
0x14a: {  	v5 =	vbroadcast v57, $0xF;
	_ =	sdelay $0x1  }
0x14b: {  	(erf) = vrcp.f32 v5;
	_ =	sdelay $0x4  }
0x14c: {  	vm1 =	vgt.f32 v2, $-5.000000080e+29  }
0x14d: {  	vm1 =	vmand vm1, vm0  }
0x14e: {  	s31 =	sadd.s32 $0x20, s29;
	v2 =	vadd.s32 s0, v3  }
0x14f: {  	[tilespmem:s30+$0xFFFFFF80] =	vst v1;
	v3 =	vor.u32 s31, v0;
	s31 =	sor.u32 $0x50, s0  }
0x150: {  	[tilespmem:s31+$0x2800] =	vst v1;
	s31 =	sor.u32 $0x60, s0;
	v5 =	vpop (erf)  }
0x151: {  	s0 =	sor.u32 $0x70, s0;
	[tilespmem:s31+$0x2800] =	vst v1;
	v4 =	vmul.f32 v5, v4  }
0x152: {  	[tilespmem:s0+$0x2800] =	vst v1  }
0x153: {  	[tilespmem:v2+s20+$0x0] =	vst.idx.msk vm1, v4  }
0x154: {  	v2 =	vld.idx.msk [tilespmem:v3+s13+$0x0], $0xffff;
	_ =	sdelay $0x3  }
0x155: {  	s31 =	sadd.s32 $0xFFFFFFC0, s28  }
0x156: {  	v3 =	vadd.s32 s31, v2;
	_ =	sdelay $0x2  }
0x157: {  	[tilespmem:v2+s19+$0x0] =	vst.idx.msk $0xffff, v0  }
0x158: {  	v4 =	vld.idx.msk [tilespmem:v2+s19+$0x0], $0xffff  }
0x159: {  	v3 =	vld.idx.msk [tilespmem:v3+s2+$0x0], $0xffff;
	_ =	sdelay $0x3  }
0x15a: {  	vm1 =	veq.s32 v4, v0  }
0x15b: {  	v3 =	vnsel vm1, $0xF149F2CA, v3  }
0x15c: {  	(xrf1) =	vsort.dscd.msk.f32 $0xffff, v3, v2;
	_ =	sdelay $0xd  }
0x15d: {  	v2, v3, _ =	vpop (xrf1)  }
0x15e: {  	v58 =	vnsel vm0, $0xF149F2CA, v2  }
0x15f: {  	(xrf0) =	vmax.scan.msk.f32 $0xffff, v58;
	_ =	sdelay $0x5  }
0x160: {  	v59, _, _ =	vpop (xrf0)  }
0x161: {  	v5 =	vbroadcast v59, $0xF;
	_ =	sdelay $0x1  }
0x162: {  	v4 =	vsub.f32 v58, v5;
	_ =	sdelay $0x1  }
0x163: {  	v4 =	vmul.f32 $1.442695020e+00, v4;
	_ =	sdelay $0x1  }
0x164: {  	(erf) = vpow2.f32 v4;
	_ =	sdelay $0x8  }
0x165: {  	v4 =	vpop (erf)  }
0x166: {  	(xrf2) =	vadd.scan.msk.f32 $0xffff, v4;
	_ =	sdelay $0x9  }
0x167: {  	v60, _, _ =	vpop (xrf2)  }
0x168: {  	v5 =	vbroadcast v60, $0xF;
	_ =	sdelay $0x1  }
0x169: {  	(erf) = vrcp.f32 v5;
	_ =	sdelay $0x4  }
0x16a: {  	vm1 =	vgt.f32 v2, $-5.000000080e+29  }
0x16b: {  	vm1 =	vmand vm1, vm0  }
0x16c: {  	v2 =	vadd.s32 s31, v3;
	s31 =	sadd.s32 $0x30, s29  }
0x16d: {  	[tilespmem:s30+$0xFFFFFFC0] =	vst v1;
	v3 =	vor.u32 s31, v0  }
0x16e: {  	[tilespmem:s30+$0xFFFFFFD0] =	vst v1;
	v5 =	vpop (erf)  }
0x16f: {  	[tilespmem:s30+$0xFFFFFFE0] =	vst v1;
	v4 =	vmul.f32 v5, v4  }
0x170: {  	[tilespmem:s30+$0xFFFFFFF0] =	vst v1  }
0x171: {  	[tilespmem:v2+s20+$0x0] =	vst.idx.msk vm1, v4  }
0x172: {  	v2 =	vld.idx.msk [tilespmem:v3+s13+$0x0], $0xffff;
	_ =	sdelay $0x4  }
0x173: {  	v3 =	vadd.s32 s28, v2;
	_ =	sdelay $0x2  }
0x174: {  	[tilespmem:v2+s19+$0x0] =	vst.idx.msk $0xffff, v0  }
0x175: {  	v4 =	vld.idx.msk [tilespmem:v2+s19+$0x0], $0xffff  }
0x176: {  	v3 =	vld.idx.msk [tilespmem:v3+s2+$0x0], $0xffff;
	_ =	sdelay $0x3  }
0x177: {  	vm1 =	veq.s32 v4, v0  }
0x178: {  	v3 =	vnsel vm1, $0xF149F2CA, v3  }
0x179: {  	(xrf1) =	vsort.dscd.msk.f32 $0xffff, v3, v2;
	_ =	sdelay $0xd  }
0x17a: {  	v2, v3, _ =	vpop (xrf1)  }
0x17b: {  	v61 =	vnsel vm0, $0xF149F2CA, v2  }
0x17c: {  	(xrf0) =	vmax.scan.msk.f32 $0xffff, v61;
	_ =	sdelay $0x5  }
0x17d: {  	v62, _, _ =	vpop (xrf0)  }
0x17e: {  	v5 =	vbroadcast v62, $0xF;
	_ =	sdelay $0x1  }
0x17f: {  	v4 =	vsub.f32 v61, v5;
	_ =	sdelay $0x1  }
0x180: {  	v4 =	vmul.f32 $1.442695020e+00, v4;
	_ =	sdelay $0x1  }
0x181: {  	(erf) = vpow2.f32 v4;
	_ =	sdelay $0x8  }
0x182: {  	v4 =	vpop (erf)  }
0x183: {  	(xrf2) =	vadd.scan.msk.f32 $0xffff, v4;
	_ =	sdelay $0x9  }
0x184: {  	v63, _, _ =	vpop (xrf2)  }
0x185: {  	v5 =	vbroadcast v63, $0xF;
	_ =	sdelay $0x1  }
0x186: {  	(erf) = vrcp.f32 v5;
	_ =	sdelay $0x4  }
0x187: {  	vm1 =	vgt.f32 v2, $-5.000000080e+29  }
0x188: {  	s26 =	sadd.s32 $0x4, s26;
	vm1 =	vmand vm1, vm0  }
0x189: {  	p0 =	slt.u32 s26, $0x5C;
	v2 =	vadd.s32 s28, v3  }
.Ltmp2:
0x18a: {  	s31 =	sor.u32 $0x50, s28;
	[tilespmem:s30+$0x0] =	vst v1;
	(pc) =	sbr.rel @p0 .LBB2_6-.Ltmp2, $4  }
0x18b: {  	[tilespmem:s31+$0x2800] =	vst v1;
	s31 =	sor.u32 $0x60, s28;
	v3 =	vpop (erf)  }
0x18c: {  	[tilespmem:s31+$0x2800] =	vst v1;
	s31 =	sor.u32 $0x70, s28;
	v3 =	vmul.f32 v3, v4  }
0x18d: {  	[tilespmem:s31+$0x2800] =	vst v1  }
0x18e: {  	s29 =	sadd.s32 $0x40, s29;
	s30 =	sadd.s32 $0x100, s30;
	s28 =	sadd.s32 $0x100, s28;
	[tilespmem:v2+s20+$0x0] =	vst.idx.msk vm1, v3  }
0x18f: {  	[hbm4b:s10+s2] =	stream.linear.scatter [tilespmem:s22], [sflag:$0x3], $0x800, $0x38;
	[tilespmem:$0x4880] =	vst v63  }
0x190: {  	_ =	swait.ge [sflag:s18], $0x800  }
0x191: {  	s26 =	simm.s32 $0x5C;
	s28 =	simm.s32 $0x18C0;
	[sflag:s18] =	ssyncset.done $0x0  }
0x192: {  	s29 =	simm.s32 $0x600;
	s30 =	simm.s32 $0x40C0;
	[sflag:s18] =	ssyncadd.s32 $0xFFFFF800  }
.LBB2_8:
0x193: {  	v2 =	vor.u32 s29, v0;
	_ =	sdelay $0x4  }
0x194: {  	v2 =	vld.idx.msk [tilespmem:v2+s13+$0x0], $0xffff;
	_ =	sdelay $0x3  }
0x195: {  	s0 =	sadd.s32 $0xFFFFFF40, s28  }
0x196: {  	v3 =	vadd.s32 s0, v2;
	_ =	sdelay $0x2  }
0x197: {  	[tilespmem:v2+s19+$0x0] =	vst.idx.msk $0xffff, v0  }
0x198: {  	v4 =	vld.idx.msk [tilespmem:v2+s19+$0x0], $0xffff  }
0x199: {  	v3 =	vld.idx.msk [tilespmem:v3+s2+$0x0], $0xffff;
	_ =	sdelay $0x3  }
0x19a: {  	vm1 =	veq.s32 v4, v0  }
0x19b: {  	v3 =	vnsel vm1, $0xF149F2CA, v3  }
0x19c: {  	(xrf1) =	vsort.dscd.msk.f32 $0xffff, v3, v2;
	_ =	sdelay $0xd  }
0x19d: {  	v2, v3, _ =	vpop (xrf1)  }
0x19e: {  	v53 =	vnsel vm0, $0xF149F2CA, v2  }
0x19f: {  	(xrf0) =	vmax.scan.msk.f32 $0xffff, v53;
	_ =	sdelay $0x5  }
0x1a0: {  	v5, _, _ =	vpop (xrf0)  }
0x1a1: {  	v5 =	vbroadcast v5, $0xF;
	_ =	sdelay $0x1  }
0x1a2: {  	v4 =	vsub.f32 v53, v5;
	_ =	sdelay $0x1  }
0x1a3: {  	v4 =	vmul.f32 $1.442695020e+00, v4;
	_ =	sdelay $0x1  }
0x1a4: {  	(erf) = vpow2.f32 v4;
	_ =	sdelay $0x8  }
0x1a5: {  	v4 =	vpop (erf)  }
0x1a6: {  	(xrf2) =	vadd.scan.msk.f32 $0xffff, v4;
	_ =	sdelay $0x9  }
0x1a7: {  	v54, _, _ =	vpop (xrf2)  }
0x1a8: {  	v5 =	vbroadcast v54, $0xF;
	_ =	sdelay $0x1  }
0x1a9: {  	(erf) = vrcp.f32 v5;
	_ =	sdelay $0x4  }
0x1aa: {  	vm1 =	vgt.f32 v2, $-5.000000080e+29  }
0x1ab: {  	vm1 =	vmand vm1, vm0  }
0x1ac: {  	s31 =	sadd.s32 $0x10, s29;
	v2 =	vadd.s32 s0, v3  }
0x1ad: {  	[tilespmem:s30+$0xFFFFFF40] =	vst v1;
	v3 =	vor.u32 s31, v0  }
0x1ae: {  	[tilespmem:s30+$0xFFFFFF50] =	vst v1;
	v5 =	vpop (erf)  }
0x1af: {  	[tilespmem:s30+$0xFFFFFF60] =	vst v1;
	v4 =	vmul.f32 v5, v4  }
0x1b0: {  	[tilespmem:s30+$0xFFFFFF70] =	vst v1  }
0x1b1: {  	[tilespmem:v2+s20+$0x0] =	vst.idx.msk vm1, v4  }
0x1b2: {  	v2 =	vld.idx.msk [tilespmem:v3+s13+$0x0], $0xffff;
	_ =	sdelay $0x3  }
0x1b3: {  	s0 =	sadd.s32 $0xFFFFFF80, s28  }
0x1b4: {  	v3 =	vadd.s32 s0, v2;
	_ =	sdelay $0x2  }
0x1b5: {  	[tilespmem:v2+s19+$0x0] =	vst.idx.msk $0xffff, v0  }
0x1b6: {  	v4 =	vld.idx.msk [tilespmem:v2+s19+$0x0], $0xffff  }
0x1b7: {  	v3 =	vld.idx.msk [tilespmem:v3+s2+$0x0], $0xffff;
	_ =	sdelay $0x3  }
0x1b8: {  	vm1 =	veq.s32 v4, v0  }
0x1b9: {  	v3 =	vnsel vm1, $0xF149F2CA, v3  }
0x1ba: {  	(xrf1) =	vsort.dscd.msk.f32 $0xffff, v3, v2;
	_ =	sdelay $0xd  }
0x1bb: {  	v2, v3, _ =	vpop (xrf1)  }
0x1bc: {  	v55 =	vnsel vm0, $0xF149F2CA, v2  }
0x1bd: {  	(xrf0) =	vmax.scan.msk.f32 $0xffff, v55;
	_ =	sdelay $0x5  }
0x1be: {  	v56, _, _ =	vpop (xrf0)  }
0x1bf: {  	v5 =	vbroadcast v56, $0xF;
	_ =	sdelay $0x1  }
0x1c0: {  	v4 =	vsub.f32 v55, v5;
	_ =	sdelay $0x1  }
0x1c1: {  	v4 =	vmul.f32 $1.442695020e+00, v4;
	_ =	sdelay $0x1  }
0x1c2: {  	(erf) = vpow2.f32 v4;
	_ =	sdelay $0x8  }
0x1c3: {  	v4 =	vpop (erf)  }
0x1c4: {  	(xrf2) =	vadd.scan.msk.f32 $0xffff, v4;
	_ =	sdelay $0x9  }
0x1c5: {  	v57, _, _ =	vpop (xrf2)  }
0x1c6: {  	v5 =	vbroadcast v57, $0xF;
	_ =	sdelay $0x1  }
0x1c7: {  	(erf) = vrcp.f32 v5;
	_ =	sdelay $0x4  }
0x1c8: {  	vm1 =	vgt.f32 v2, $-5.000000080e+29  }
0x1c9: {  	vm1 =	vmand vm1, vm0  }
0x1ca: {  	s31 =	sadd.s32 $0x20, s29;
	v2 =	vadd.s32 s0, v3  }
0x1cb: {  	[tilespmem:s30+$0xFFFFFF80] =	vst v1;
	v3 =	vor.u32 s31, v0;
	s31 =	sor.u32 $0x50, s0  }
0x1cc: {  	[tilespmem:s31+$0x2800] =	vst v1;
	s31 =	sor.u32 $0x60, s0;
	v5 =	vpop (erf)  }
0x1cd: {  	s0 =	sor.u32 $0x70, s0;
	[tilespmem:s31+$0x2800] =	vst v1;
	v4 =	vmul.f32 v5, v4  }
0x1ce: {  	[tilespmem:s0+$0x2800] =	vst v1  }
0x1cf: {  	[tilespmem:v2+s20+$0x0] =	vst.idx.msk vm1, v4  }
0x1d0: {  	v2 =	vld.idx.msk [tilespmem:v3+s13+$0x0], $0xffff;
	_ =	sdelay $0x3  }
0x1d1: {  	s31 =	sadd.s32 $0xFFFFFFC0, s28  }
0x1d2: {  	v3 =	vadd.s32 s31, v2;
	_ =	sdelay $0x2  }
0x1d3: {  	[tilespmem:v2+s19+$0x0] =	vst.idx.msk $0xffff, v0  }
0x1d4: {  	v4 =	vld.idx.msk [tilespmem:v2+s19+$0x0], $0xffff  }
0x1d5: {  	v3 =	vld.idx.msk [tilespmem:v3+s2+$0x0], $0xffff;
	_ =	sdelay $0x3  }
0x1d6: {  	vm1 =	veq.s32 v4, v0  }
0x1d7: {  	v3 =	vnsel vm1, $0xF149F2CA, v3  }
0x1d8: {  	(xrf1) =	vsort.dscd.msk.f32 $0xffff, v3, v2;
	_ =	sdelay $0xd  }
0x1d9: {  	v2, v3, _ =	vpop (xrf1)  }
0x1da: {  	v58 =	vnsel vm0, $0xF149F2CA, v2  }
0x1db: {  	(xrf0) =	vmax.scan.msk.f32 $0xffff, v58;
	_ =	sdelay $0x5  }
0x1dc: {  	v59, _, _ =	vpop (xrf0)  }
0x1dd: {  	v5 =	vbroadcast v59, $0xF;
	_ =	sdelay $0x1  }
0x1de: {  	v4 =	vsub.f32 v58, v5;
	_ =	sdelay $0x1  }
0x1df: {  	v4 =	vmul.f32 $1.442695020e+00, v4;
	_ =	sdelay $0x1  }
0x1e0: {  	(erf) = vpow2.f32 v4;
	_ =	sdelay $0x8  }
0x1e1: {  	v4 =	vpop (erf)  }
0x1e2: {  	(xrf2) =	vadd.scan.msk.f32 $0xffff, v4;
	_ =	sdelay $0x9  }
0x1e3: {  	v60, _, _ =	vpop (xrf2)  }
0x1e4: {  	v5 =	vbroadcast v60, $0xF;
	_ =	sdelay $0x1  }
0x1e5: {  	(erf) = vrcp.f32 v5;
	_ =	sdelay $0x4  }
0x1e6: {  	vm1 =	vgt.f32 v2, $-5.000000080e+29  }
0x1e7: {  	vm1 =	vmand vm1, vm0  }
0x1e8: {  	v2 =	vadd.s32 s31, v3;
	s31 =	sadd.s32 $0x30, s29  }
0x1e9: {  	[tilespmem:s30+$0xFFFFFFC0] =	vst v1;
	v3 =	vor.u32 s31, v0  }
0x1ea: {  	[tilespmem:s30+$0xFFFFFFD0] =	vst v1;
	v5 =	vpop (erf)  }
0x1eb: {  	[tilespmem:s30+$0xFFFFFFE0] =	vst v1;
	v4 =	vmul.f32 v5, v4  }
0x1ec: {  	[tilespmem:s30+$0xFFFFFFF0] =	vst v1  }
0x1ed: {  	[tilespmem:v2+s20+$0x0] =	vst.idx.msk vm1, v4  }
0x1ee: {  	v2 =	vld.idx.msk [tilespmem:v3+s13+$0x0], $0xffff;
	_ =	sdelay $0x4  }
0x1ef: {  	v3 =	vadd.s32 s28, v2;
	_ =	sdelay $0x2  }
0x1f0: {  	[tilespmem:v2+s19+$0x0] =	vst.idx.msk $0xffff, v0  }
0x1f1: {  	v4 =	vld.idx.msk [tilespmem:v2+s19+$0x0], $0xffff  }
0x1f2: {  	v3 =	vld.idx.msk [tilespmem:v3+s2+$0x0], $0xffff;
	_ =	sdelay $0x3  }
0x1f3: {  	vm1 =	veq.s32 v4, v0  }
0x1f4: {  	v3 =	vnsel vm1, $0xF149F2CA, v3  }
0x1f5: {  	(xrf1) =	vsort.dscd.msk.f32 $0xffff, v3, v2;
	_ =	sdelay $0xd  }
0x1f6: {  	v2, v3, _ =	vpop (xrf1)  }
0x1f7: {  	v61 =	vnsel vm0, $0xF149F2CA, v2  }
0x1f8: {  	(xrf0) =	vmax.scan.msk.f32 $0xffff, v61;
	_ =	sdelay $0x5  }
0x1f9: {  	v62, _, _ =	vpop (xrf0)  }
0x1fa: {  	v5 =	vbroadcast v62, $0xF;
	_ =	sdelay $0x1  }
0x1fb: {  	v4 =	vsub.f32 v61, v5;
	_ =	sdelay $0x1  }
0x1fc: {  	v4 =	vmul.f32 $1.442695020e+00, v4;
	_ =	sdelay $0x1  }
0x1fd: {  	(erf) = vpow2.f32 v4;
	_ =	sdelay $0x8  }
0x1fe: {  	v4 =	vpop (erf)  }
0x1ff: {  	(xrf2) =	vadd.scan.msk.f32 $0xffff, v4;
	_ =	sdelay $0x9  }
0x200: {  	v63, _, _ =	vpop (xrf2)  }
0x201: {  	v5 =	vbroadcast v63, $0xF;
	_ =	sdelay $0x1  }
0x202: {  	(erf) = vrcp.f32 v5;
	_ =	sdelay $0x4  }
0x203: {  	vm1 =	vgt.f32 v2, $-5.000000080e+29  }
0x204: {  	s26 =	sadd.s32 $0x4, s26;
	vm1 =	vmand vm1, vm0  }
0x205: {  	p0 =	slt.u32 s26, $0x7C;
	v2 =	vadd.s32 s28, v3  }
.Ltmp3:
0x206: {  	s31 =	sor.u32 $0x50, s28;
	[tilespmem:s30+$0x0] =	vst v1;
	(pc) =	sbr.rel @p0 .LBB2_8-.Ltmp3, $4  }
0x207: {  	[tilespmem:s31+$0x2800] =	vst v1;
	s31 =	sor.u32 $0x60, s28;
	v3 =	vpop (erf)  }
0x208: {  	[tilespmem:s31+$0x2800] =	vst v1;
	s31 =	sor.u32 $0x70, s28;
	v3 =	vmul.f32 v3, v4  }
0x209: {  	[tilespmem:s31+$0x2800] =	vst v1  }
0x20a: {  	s29 =	sadd.s32 $0x40, s29;
	s30 =	sadd.s32 $0x100, s30;
	s28 =	sadd.s32 $0x100, s28;
	[tilespmem:v2+s20+$0x0] =	vst.idx.msk vm1, v3  }
0x20b: {  	[hbm4b:s11+s2] =	stream.linear.scatter [tilespmem:s23], [sflag:$0x3], $0x800, $0x38;
	[tilespmem:$0x4880] =	vst v63  }
0x20c: {  	_ =	swait.ge [sflag:s24], $0x800  }
0x20d: {  	[sflag:s24] =	ssyncset.done $0x0  }
0x20e: {  	[sflag:s24] =	ssyncadd.s32 $0xFFFFF800  }
0x20f: {  	_ =	swait.ge [sflag:s24], $0x800  }
0x210: {  	[sflag:s24] =	ssyncset.done $0x0  }
0x211: {  	s25 =	sadd.s32 $0x1, s25;
	[sflag:s24] =	ssyncadd.s32 $0xFFFFF800  }
0x212: {  	p0 =	sne.s32 s25, s12;
	_ =	swait.ge [sflag:s24], $0x800  }
.Ltmp4:
0x213: {  	[sflag:s24] =	ssyncset.done $0x0;
	(pc) =	sbr.rel @p0 .LBB2_1-.Ltmp4, $4  }
0x214: {  	[sflag:s24] =	ssyncadd.s32 $0xFFFFF800  }
0x215: {  	_ =	swait.ge [sflag:s24], $0x800  }
0x216: {  	[sflag:s24] =	ssyncset.done $0x0  }
0x217: {  	[sflag:s24] =	ssyncadd.s32 $0xFFFFF800  }
0x218: {  	_ =	sfence.sel $0x180000  }
0x219: {  	[bflag:$0x0] =	sbarrier.arrive $0xFFFF  }
0x21a: {  	_ =	strace $0x90000047  }
0x21b: {  	[bflag:$0x2] =	sbarrier.arrive $0xFFFF  }
0x21c: {  	p0 =	sne.s32 s1, $0x0;
	s0 =	rddreg [dreg:$0x1]  }
0x21d: {  	s0 =	sadd.s32 @!p0 $0x100000, s0  }
0x21e: {  	[sflag:s0] =	ssyncadd.tile.s32 @!p0 $0x1;
	_ =	shalt  }
.Lfunc_end2:
_tile_overlayer_lowered:
.L_overlay_start_2:
0x21f: {  	(tag) =	ssettag $0x2  }
0x220: {  	s0 =	rddreg [dreg:$0x0];
	s2 =	stileid.u32  }
0x221: {  	s1 =	rddreg [dreg:$0x1];
	p0 =	sne.s32 s2, $0x0  }
0x222: {  	s3 =	rddreg [dreg:$0x2];
	[bflag:$0x3] =	sbarrier.arrive $0xFFFF;
	s2 =	simm.s32 @!p0 $0x1C04  }
0x223: {  	[timem:s3], [sflag:s2] =	dma.local @!p0 [hbm:s0], s1  }
0x224: {  	s0 =	simm.s32 @!p0 $0x4  }
0x225: {  	_ =	swait.ge @!p0 [sflag:s0], s1  }
0x226: {  	s1 =	ssub.s32 @!p0 $0x0, s1;
	[sflag:s0] =	ssyncset.done @!p0 $0x0  }
0x227: {  	[sflag:s0] =	ssyncadd.s32 @!p0 s1  }
0x228: {  	[bflag:$0x3] =	sbarrier.arrive $0xFFFF  }
0x229: {  	_ =	shalt  }

// kernel: _run.8.cloned.1.call-start
scs
__scs_entry_jumppad:
0x0: {  	(pc) =	sbr.rel $0x88, $3  }
0x1: {  	(tag) =	ssettag $0x0;
	lr =	simm.s32 $0x1  }
0x2: {  	[smem:$0x3F9B] =	sst lr;
	_ =	strace $0xD0000000  }
0x3: {  	_ = 	snop  }
0x4: {  	_ = 	snop  }
0x5: {  	_ = 	snop  }
0x6: {  	_ = 	snop  }
0x7: {  	_ = 	snop  }
__scs_overlays_trampoline_lowered:
0x8: {  	[smem:$0x3FAA] =	sst s0  }
0x9: {  	[smem:$0x3FAB] =	sst s1  }
0xa: {  	[smem:$0x3FAC] =	sst s2  }
0xb: {  	[smem:$0x3FAD] =	sst s3  }
0xc: {  	[smem:$0x3FAE] =	sst s4  }
0xd: {  	[smem:$0x3FAF] =	sst s5  }
0xe: {  	[smem:$0x3FB0] =	sst s6  }
0xf: {  	[smem:$0x3FB1] =	sst s7  }
0x10: {  	[smem:$0x3FB2] =	sst s8  }
0x11: {  	[smem:$0x3FB3] =	sst s9;
	s0 =	simm.s32 @!p0 $0x0  }
0x12: {  	s1 =	sld [smem:$0x3F99];
	s0 =	simm.s32 @p0 $0x1  }
0x13: {  	[smem:$0x3FB4] =	sst s0;
	s0 =	simm.s32 @!p1 $0x0  }
0x14: {  	s2 =	sld [smem:$0x3F98];
	s0 =	simm.s32 @p1 $0x1  }
0x15: {  	[smem:$0x3FB5] =	sst s0;
	s0 =	simm.s32 @!p2 $0x0  }
0x16: {  	s3 =	sld [smem:$0x3FDB];
	s0 =	simm.s32 @p2 $0x1  }
0x17: {  	s4 =	simm.s32 $0x1BF5;
	[smem:$0x3FB7] =	sst s0  }
0x18: {  	s0 =	sld [smem:$0x3F9A];
	_ =	swait.ge [sflag:s4], $0x0  }
0x19: {  	s7 =	sld [smem:$0x3F9B]  }
0x1a: {  	s8 =	sadd.s32 $0xFFFFE003, lr  }
0x1b: {  	s9 =	sadd.s32 $0xFFFFFEF7, lr;
	s5 =	simm.s32 $0xFFFFFFFF;
	p2 =	slt.u32 s8, $0xFFFFF086  }
0x1c: {  	p1 =	slt.u32 s9, $0xF7A;
	s5 =	simm.s32 @!p2 $0x0  }
0x1d: {  	s5 =	simm.s32 @p1 $0x1;
	p0 =	seq.s32 s7, s2  }
0x1e: {  	s7 =	smul.u32 @!p0 $0xF7A, s2;
	p2 =	seq.s32 @!p0 s5, $0x0  }
0x1f: {  	s9 =	smul.u32 $0xF7A, s1;
	s8 =	simm.s32 @!p0 $0x1BF5;
	p2 =	por !p2, p0  }
0x20: {  	[sflag:s8] =	ssyncset.s32 @!p0 $0xFFFFF086;
	s6 =	sadd.s32 @!p0 s3, s7;
	s7 =	simm.s32 @!p0 $0x108  }
0x21: {  	s3 =	sadd.s32 s3, s9;
	s6 =	sadd.s32 @!p0 $0x88, s6;
	s7 =	simm.s32 @p2 $0x1082  }
0x22: {  	[simem:s7], [sflag:s8] =	dma.local @!p0 [hbm:s6], $0xF7A  }
0x23: {  	s9 =	sor.u32 $0xD0000000, s2;
	s6 =	simm.s32 $0x108;
	_ =	swait.ge @!p0 [sflag:s8], $0x0  }
0x24: {  	s3 =	sadd.s32 $0x88, s3;
	s6 =	simm.s32 @!p1 $0x1082;
	[sflag:s4] =	ssyncset.s32 $0xFFFFF086  }
0x25: {  	[simem:s6], [sflag:s4] =	dma.local [hbm:s3], $0xF7A  }
0x26: {  	[smem:$0x3F9B] =	sst s1;
	(tag) =	ssettag s2;
	_ =	strace s9  }
0x27: {  	s1 =	sld [smem:$0x3FAB]  }
0x28: {  	s2 =	sld [smem:$0x3FAC]  }
0x29: {  	s4 =	sld [smem:$0x3FAE]  }
0x2a: {  	p0 =	seq.s32 s5, $0x0;
	s5 =	sld [smem:$0x3FAF]  }
0x2b: {  	s6 =	sld [smem:$0x3FB0]  }
0x2c: {  	s7 =	sld [smem:$0x3FB1]  }
0x2d: {  	s3 =	simm.s32 $0x108;
	s8 =	sld [smem:$0x3FB2]  }
0x2e: {  	s3 =	simm.s32 @!p0 $0x1082;
	s9 =	sld [smem:$0x3FB3]  }
0x2f: {  	lr =	sadd.s32 s0, s3;
	s0 =	sld [smem:$0x3FAA]  }
0x30: {  	s3 =	sld [smem:$0x3FAD]  }
0x31: {  	[smem:$0x3FB6] =	sst s10  }
0x32: {  	s10 =	sld [smem:$0x3FB4];
	_ =	sdelay $0x3  }
0x33: {  	p0 =	seq.s32 s10, $0x1;
	s10 =	sld [smem:$0x3FB6];
	_ =	sdelay $0x3  }
0x34: {  	[smem:$0x3FB6] =	sst s10  }
0x35: {  	s10 =	sld [smem:$0x3FB5];
	_ =	sdelay $0x3  }
0x36: {  	p1 =	seq.s32 s10, $0x1;
	s10 =	sld [smem:$0x3FB6];
	_ =	sdelay $0x3  }
0x37: {  	[smem:$0x3FB6] =	sst s10  }
0x38: {  	s10 =	sld [smem:$0x3FB7]  }
0x39: {  	_ = 	snop;
	(pc) =	sbr.ind lr, $3  }
0x3a: {  	_ = 	snop  }
0x3b: {  	_ = 	snop  }
0x3c: {  	p2 =	seq.s32 s10, $0x1;
	s10 =	sld [smem:$0x3FB6]  }
0x3d: {  	_ =	shalt  }
0x3e: {  	_ =	shalt  }
0x3f: {  	_ =	shalt  }
0x40: {  	_ =	shalt  }
0x41: {  	_ =	shalt  }
0x42: {  	_ =	shalt  }
0x43: {  	_ =	shalt  }
0x44: {  	_ =	shalt  }
0x45: {  	_ =	shalt  }
0x46: {  	_ =	shalt  }
0x47: {  	_ =	shalt  }
0x48: {  	_ =	shalt  }
0x49: {  	_ =	shalt  }
0x4a: {  	_ =	shalt  }
0x4b: {  	_ =	shalt  }
0x4c: {  	_ =	shalt  }
0x4d: {  	_ =	shalt  }
0x4e: {  	_ =	shalt  }
0x4f: {  	_ =	shalt  }
0x50: {  	_ =	shalt  }
0x51: {  	_ =	shalt  }
0x52: {  	_ =	shalt  }
0x53: {  	_ =	shalt  }
0x54: {  	_ =	shalt  }
0x55: {  	_ =	shalt  }
0x56: {  	_ =	shalt  }
0x57: {  	_ =	shalt  }
0x58: {  	_ =	shalt  }
0x59: {  	_ =	shalt  }
0x5a: {  	_ =	shalt  }
0x5b: {  	_ =	shalt  }
0x5c: {  	_ =	shalt  }
0x5d: {  	_ =	shalt  }
0x5e: {  	_ =	shalt  }
0x5f: {  	_ =	shalt  }
0x60: {  	_ =	shalt  }
0x61: {  	_ =	shalt  }
0x62: {  	_ =	shalt  }
0x63: {  	_ =	shalt  }
0x64: {  	_ =	shalt  }
0x65: {  	_ =	shalt  }
0x66: {  	_ =	shalt  }
0x67: {  	_ =	shalt  }
0x68: {  	_ =	shalt  }
0x69: {  	_ =	shalt  }
0x6a: {  	_ =	shalt  }
0x6b: {  	_ =	shalt  }
0x6c: {  	_ =	shalt  }
0x6d: {  	_ =	shalt  }
0x6e: {  	_ =	shalt  }
0x6f: {  	_ =	shalt  }
0x70: {  	_ =	shalt  }
0x71: {  	_ =	shalt  }
0x72: {  	_ =	shalt  }
0x73: {  	_ =	shalt  }
0x74: {  	_ =	shalt  }
0x75: {  	_ =	shalt  }
0x76: {  	_ =	shalt  }
0x77: {  	_ =	shalt  }
0x78: {  	_ =	shalt  }
0x79: {  	_ =	shalt  }
0x7a: {  	_ =	shalt  }
0x7b: {  	_ =	shalt  }
0x7c: {  	_ =	shalt  }
0x7d: {  	_ =	shalt  }
0x7e: {  	_ =	shalt  }
0x7f: {  	_ =	shalt  }
0x80: {  	_ =	shalt  }
0x81: {  	_ =	shalt  }
0x82: {  	_ =	shalt  }
0x83: {  	_ =	shalt  }
0x84: {  	_ =	shalt  }
0x85: {  	_ =	shalt  }
0x86: {  	_ =	shalt  }
0x87: {  	_ =	shalt  }
.Lfunc_end0:
.L_simem_size_0:
called_computation_lowered:
.L_overlay_start_0:
0x88: {  	s2 =	sld [smem:$0x3FD9]  }
0x89: {  	s3 =	sld [smem:$0x3FFE];
	_ =	sdelay $0x1  }
0x8a: {  	s1 =	srdreg.scid  }
0x8b: {  	s0 =	sand.u32 $0x1, s1  }
0x8c: {  	s17 =	sshll.u32 s0, $0xA;
	s2 =	sadd.s32 s3, s2  }
0x8d: {  	s2 =	sadd.s32 s2, s17  }
0x8e: {  	[smem:$0x3FC2] =	sst s2  }
0x8f: {  	_ = 	snop  }
0x90: {  	s18 =	sld [smem:$0x3FD0];
	(tm) =	ssettm $0x1  }
0x91: {  	s19 =	sld [smem:$0x3FFB];
	_ =	sdelay $0x3  }
0x92: {  	_ =	strace s19  }
0x93: {  	s2 =	sld [smem:$0x3FFC];
	_ =	sdelay $0x3  }
0x94: {  	_ =	strace s2  }
0x95: {  	s2 =	sld [smem:$0x3FFD];
	_ =	sdelay $0x3  }
0x96: {  	_ =	strace s2  }
0x97: {  	_ =	strace $0x8FFFFFFF  }
0x98: {  	s20 =	sld [smem:$0x3FDB];
	_ =	sdelay $0x1  }
0x99: {  	s4 =	simm.s32 $_scs_section_size  }
0x9a: {  	s5 =	simm.s32 $_size__tile_overlayer_lowered;
	s6 =	simm.s32 $_tile_overlayer_lowered  }
0x9b: {  	s7 =	simm.s32 $0x1BFF;
	s21 =	sshll.u32 s6, $0x1;
	s4 =	sadd.s32 s4, s20  }
0x9c: {  	s22 =	simm.s32 $0x0;
	s5 =	sshll.u32 s5, $0x1;
	s6 =	sadd.s32 s21, s4  }
0x9d: {  	[timem:s22], [sflag:s7] =	dma.local [hbm:s6], s5  }
0x9e: {  	_ =	swait.ge [sflag:s7], s5  }
0x9f: {  	s5 =	ssub.s32 $0x0, s5;
	[sflag:s7] =	ssyncset.done $0x0  }
0xa0: {  	[sflag:s7] =	ssyncadd.s32 s5;
	_ =	sdelay $0x1  }
0xa1: {  	s23 =	simm.s32 $0x1B8B  }
0xa2: {  	_ =	swait.ge [sflag:s23], $0x1  }
0xa3: {  	[sflag:s23] =	ssyncset.done $0x0  }
0xa4: {  	[sflag:s23] =	ssyncadd.s32 $0xFFFFFFFF  }
0xa5: {  	s5 =	sld [smem:$0x0]  }
0xa6: {  	s6 =	sand.u32 $0xFFFFFFFE, s1  }
0xa7: {  	p0 =	sne.s32 s1, s6  }
0xa8: {  	s6 =	sshll.u32 @p0 s6, $0xE  }
0xa9: {  	s6 =	sadd.s32 @p0 $0x11B8D, s6;
	s7 =	sshll.u32 @p0 s5, $0x11  }
0xaa: {  	s6 =	sor.u32 @p0 s7, s6  }
0xab: {  	[sflag:s6] =	ssyncadd.remote.s32 @p0 $0x1;
	_ =	sdelay $0x1  }
0xac: {  	s6 =	simm.s32 @p0 $0x1B8D  }
0xad: {  	_ =	swait.eq @p0 [sflag:s6], $0x1  }
0xae: {  	[sflag:s6] =	ssyncadd.s32 @p0 $0xFFFFFFFF  }
0xaf: {  	s7 =	sshll.u32 @!p0 s1, $0xE  }
0xb0: {  	s7 =	sor.u32 @!p0 $0x4000, s7;
	s6 =	simm.s32 @!p0 $0x1B8D  }
0xb1: {  	s5 =	sshll.u32 @!p0 s5, $0x11;
	s7 =	sadd.s32 @!p0 $0x11B8D, s7;
	_ =	swait.eq @!p0 [sflag:s6], $0x1  }
0xb2: {  	s5 =	sor.u32 @!p0 s5, s7;
	[sflag:s6] =	ssyncadd.s32 @!p0 $0xFFFFFFFF  }
0xb3: {  	s25 =	simm.s32 $0x1B8E;
	s24 =	sld [smem:$0x3FFE];
	[sflag:s5] =	ssyncadd.remote.s32 @!p0 $0x1  }
0xb4: {  	s26 =	simm.s32 $execute0_lowered;
	[smem:$0x3FD2] =	sst s25  }
0xb5: {  	s6 =	sshll.u32 s26, $0x1;
	_ =	strace $0x80000049;
	[dreg:$0x1] =	wrdreg $0xFFFFFFFF  }
0xb6: {  	s28 =	simm.s32 $_size_execute0_lowered;
	s4 =	sadd.s32 s4, s6;
	[dreg:$0x0] =	wrdreg $0x0  }
0xb7: {  	s6 =	sshll.u32 s28, $0x1;
	[dreg:$0x2] =	wrdreg s4  }
0xb8: {  	[dreg:$0x3] =	wrdreg s6  }
0xb9: {  	[dreg:$0x4] =	wrdreg $0xC0  }
0xba: {  	_ =	task [dreg:s22], $0x5FFFF  }
0xbb: {  	[dreg:$0x1] =	wrdreg $0xFFFFFFFF  }
0xbc: {  	[dreg:$0x0] =	wrdreg $0x60  }
0xbd: {  	[dreg:$0x2] =	wrdreg s18  }
0xbe: {  	[dreg:$0x3] =	wrdreg s24  }
0xbf: {  	[dreg:$0x4] =	wrdreg $0x9  }
0xc0: {  	_ =	task.clear_ibuf [dreg:s22], $0x5FFFF;
	_ =	strace $0x90000049  }
0xc1: {  	s29 =	simm.s32 $0x9;
	_ =	strace $0x8000004B  }
0xc2: {  	_ =	swait.ge [sflag:s29], $0x1  }
0xc3: {  	[sflag:s29] =	ssyncadd.s32 $0xFFFFFFFF  }
0xc4: {  	_ =	strace $0x9000004B  }
0xc5: {  	_ =	sfence  }
0xc6: {  	s30 =	sld [smem:$0x0];
	_ =	sdelay $0x2  }
0xc7: {  	s31 =	sshll.u32 s1, $0xD;
	s1 =	sshrl.u32 s1, $0x2  }
0xc8: {  	s4 =	sand.u32 $0x4000, s31;
	s1 =	sadd.s32 s1, s30  }
0xc9: {  	s0 =	sor.u32 s4, s0;
	s1 =	sshll.u32 s1, $0x11  }
0xca: {  	s0 =	sor.u32 s1, s0  }
0xcb: {  	s0 =	sadd.s32 $0x8F2B, s0  }
0xcc: {  	[sflag:s0] =	ssyncadd.remote.s32 $0x1  }
0xcd: {  	_ =	sfence.sel $0xFFFF  }
0xce: {  	[dreg:$0x0] =	wrdreg $0xFFFFFFFF;
	(pc) =	sbr.abs _section_cstart, $3  }
0xcf: {  	[dreg:$0x1] =	wrdreg $0xFFFFFFFF  }
0xd0: {  	_ =	task.clear_ibuf [dreg:s22], $0x2FFFF;
	_ =	strace $0x9FFFFFFF  }
0xd1: {  	(tm) =	ssettm $0x7FFFFFFF  }
tec
execute0_lowered:
.L_overlay_start_1:
0x0: {  	(tag) =	ssettag $0x1  }
0x1: {  	s7 =	rddreg [dreg:$0x0];
	s1 =	srdreg.scid  }
0x2: {  	s0 =	stileid.u32;
	s3 =	rddreg [dreg:$0x1]  }
0x3: {  	s2 =	simm.s32 $0x0;
	s14 =	simm.s32 $0x800;
	s15 =	simm.s32 $0x1000  }
0x4: {  	s16 =	simm.s32 $0x1800;
	s17 =	simm.s32 $0x1;
	s18 =	simm.s32 $0x2  }
0x5: {  	s19 =	simm.s32 $0x4800;
	s20 =	simm.s32 $0x2800;
	s21 =	simm.s32 $0x3000  }
0x6: {  	s22 =	simm.s32 $0x3800;
	s23 =	simm.s32 $0x4000;
	s24 =	simm.s32 $0x3  }
0x7: {  	s25 =	simm.s32 $0x0;
	s4 =	sand.u32 $0x1, s1;
	s5 =	sshll.u32 s0, $0x1  }
0x8: {  	[smem:$0x7FF] =	sst s2;
	s11 =	sadd.s32 $0x15A00, s3;
	s5 =	sor.u32 s4, s5  }
0x9: {  	_ =	strace $0x8000004A;
	s4 =	ssub.s32 $0x2, s4;
	s6 =	sshll.u32 s5, $0x8  }
0xa: {  	s31 =	sshrl.u32 s4, $0x1;
	s8 =	sshll.u32 s5, $0xA;
	s6 =	sadd.s32 s6, s3  }
0xb: {  	s12 =	ssub.s32 s4, s31;
	s4 =	sadd.s32 s7, s8;
	s9 =	sor.u32 $0x100, s8  }
0xc: {  	s10 =	sor.u32 $0x200, s8;
	s13 =	sor.u32 $0x300, s8;
	s8 =	sadd.s32 s11, s8  }
0xd: {  	s3 =	sadd.s32 $0x13A00, s6;
	s5 =	sadd.s32 s7, s9;
	s6 =	sadd.s32 s7, s10  }
0xe: {  	s7 =	sadd.s32 s7, s13;
	s9 =	sadd.s32 s11, s9;
	s10 =	sadd.s32 s11, s10  }
0xf: {  	v0 =	vlaneseq.u32;
	vm0 =	vmmov $0xff;
	v1 =	vimm.f32 $0.0e+00;
	s11 =	sadd.s32 s11, s13;
	s12 =	smax.u32 s12, $0x1;
	s13 =	simm.s32 $0x2000  }
.LBB2_1:
0x10: {  	[tilespmem:s13], [sflag:$0x1] =	stream.linear.gather [hbm4b:s3+s2], $0x800, $0x38;
	[tilespmem:$0x4880] =	vst v63  }
0x11: {  	_ = 	snop  }
0x12: {  	[tilespmem:s2], [sflag:$0x2] =	stream.linear.gather [hbm4b:s4+s2], $0x800, $0x38;
	[tilespmem:$0x4880] =	vst v63  }
0x13: {  	_ = 	snop  }
0x14: {  	[tilespmem:s14], [sflag:$0x2] =	stream.linear.gather [hbm4b:s5+s2], $0x800, $0x38;
	[tilespmem:$0x4880] =	vst v63  }
0x15: {  	_ = 	snop  }
0x16: {  	[tilespmem:s15], [sflag:$0x2] =	stream.linear.gather [hbm4b:s6+s2], $0x800, $0x38;
	[tilespmem:$0x4880] =	vst v63  }
0x17: {  	_ = 	snop  }
0x18: {  	[tilespmem:s16], [sflag:$0x2] =	stream.linear.gather [hbm4b:s7+s2], $0x800, $0x38;
	[tilespmem:$0x4880] =	vst v63  }
0x19: {  	_ =	swait.ge [sflag:s17], $0x800  }
0x1a: {  	[sflag:s17] =	ssyncset.done $0x0  }
0x1b: {  	[sflag:s17] =	ssyncadd.s32 $0xFFFFF800  }
0x1c: {  	_ =	swait.ge [sflag:s18], $0x800  }
0x1d: {  	s26 =	simm.s32 $0xFFFFFFFC;
	s28 =	simm.s32 $0xC0;
	[sflag:s18] =	ssyncset.done $0x0  }
0x1e: {  	s29 =	simm.s32 $0x2880;
	s30 =	simm.s32 $0x0;
	[sflag:s18] =	ssyncadd.s32 $0xFFFFF800  }
.LBB2_2:
0x1f: {  	v2 =	vor.u32 s30, v0;
	_ =	sdelay $0x4  }
0x20: {  	v2 =	vld.idx.msk [tilespmem:v2+s13+$0x0], $0xffff;
	_ =	sdelay $0x3  }
0x21: {  	s31 =	sadd.s32 $0xFFFFFF40, s28  }
0x22: {  	v3 =	vadd.s32 s31, v2;
	_ =	sdelay $0x2  }
0x23: {  	[tilespmem:v2+s19+$0x0] =	vst.idx.msk $0xffff, v0  }
0x24: {  	v4 =	vld.idx.msk [tilespmem:v2+s19+$0x0], $0xffff  }
0x25: {  	v3 =	vld.idx.msk [tilespmem:v3+s2+$0x0], $0xffff;
	_ =	sdelay $0x3  }
0x26: {  	vm1 =	veq.s32 v4, v0  }
0x27: {  	v3 =	vnsel vm1, $0xF149F2CA, v3  }
0x28: {  	(xrf1) =	vsort.dscd.msk.f32 $0xffff, v3, v2;
	_ =	sdelay $0xd  }
0x29: {  	v2, v3, _ =	vpop (xrf1)  }
0x2a: {  	v53 =	vnsel vm0, $0xF149F2CA, v2  }
0x2b: {  	(xrf0) =	vmax.scan.msk.f32 $0xffff, v53;
	_ =	sdelay $0x5  }
0x2c: {  	v5, _, _ =	vpop (xrf0)  }
0x2d: {  	v5 =	vbroadcast v5, $0xF;
	_ =	sdelay $0x1  }
0x2e: {  	v4 =	vsub.f32 v53, v5;
	_ =	sdelay $0x1  }
0x2f: {  	v4 =	vmul.f32 $1.442695020e+00, v4;
	_ =	sdelay $0x1  }
0x30: {  	(erf) = vpow2.f32 v4;
	_ =	sdelay $0x8  }
0x31: {  	v4 =	vpop (erf)  }
0x32: {  	(xrf2) =	vadd.scan.msk.f32 $0xffff, v4;
	_ =	sdelay $0x9  }
0x33: {  	v54, _, _ =	vpop (xrf2)  }
0x34: {  	v5 =	vbroadcast v54, $0xF;
	_ =	sdelay $0x1  }
0x35: {  	(erf) = vrcp.f32 v5;
	_ =	sdelay $0x4  }
0x36: {  	vm1 =	vgt.f32 v2, $-5.000000080e+29  }
0x37: {  	vm1 =	vmand vm1, vm0  }
0x38: {  	s1 =	sadd.s32 $0x10, s30;
	v2 =	vadd.s32 s31, v3  }
0x39: {  	[tilespmem:s29+$0xFFFFFF80] =	vst v1;
	v3 =	vor.u32 s1, v0  }
0x3a: {  	[tilespmem:s29+$0xFFFFFF90] =	vst v1;
	v5 =	vpop (erf)  }
0x3b: {  	[tilespmem:s29+$0xFFFFFFA0] =	vst v1;
	v4 =	vmul.f32 v5, v4  }
0x3c: {  	[tilespmem:s29+$0xFFFFFFB0] =	vst v1  }
0x3d: {  	[tilespmem:v2+s20+$0x0] =	vst.idx.msk vm1, v4  }
0x3e: {  	v2 =	vld.idx.msk [tilespmem:v3+s13+$0x0], $0xffff;
	_ =	sdelay $0x3  }
0x3f: {  	s31 =	sadd.s32 $0xFFFFFF80, s28  }
0x40: {  	v3 =	vadd.s32 s31, v2;
	_ =	sdelay $0x2  }
0x41: {  	[tilespmem:v2+s19+$0x0] =	vst.idx.msk $0xffff, v0  }
0x42: {  	v4 =	vld.idx.msk [tilespmem:v2+s19+$0x0], $0xffff  }
0x43: {  	v3 =	vld.idx.msk [tilespmem:v3+s2+$0x0], $0xffff;
	_ =	sdelay $0x3  }
0x44: {  	vm1 =	veq.s32 v4, v0  }
0x45: {  	v3 =	vnsel vm1, $0xF149F2CA, v3  }
0x46: {  	(xrf1) =	vsort.dscd.msk.f32 $0xffff, v3, v2;
	_ =	sdelay $0xd  }
0x47: {  	v2, v3, _ =	vpop (xrf1)  }
0x48: {  	v55 =	vnsel vm0, $0xF149F2CA, v2  }
0x49: {  	(xrf0) =	vmax.scan.msk.f32 $0xffff, v55;
	_ =	sdelay $0x5  }
0x4a: {  	v56, _, _ =	vpop (xrf0)  }
0x4b: {  	v5 =	vbroadcast v56, $0xF;
	_ =	sdelay $0x1  }
0x4c: {  	v4 =	vsub.f32 v55, v5;
	_ =	sdelay $0x1  }
0x4d: {  	v4 =	vmul.f32 $1.442695020e+00, v4;
	_ =	sdelay $0x1  }
0x4e: {  	(erf) = vpow2.f32 v4;
	_ =	sdelay $0x8  }
0x4f: {  	v4 =	vpop (erf)  }
0x50: {  	(xrf2) =	vadd.scan.msk.f32 $0xffff, v4;
	_ =	sdelay $0x9  }
0x51: {  	v57, _, _ =	vpop (xrf2)  }
0x52: {  	v5 =	vbroadcast v57, $0xF;
	_ =	sdelay $0x1  }
0x53: {  	(erf) = vrcp.f32 v5;
	_ =	sdelay $0x4  }
0x54: {  	vm1 =	vgt.f32 v2, $-5.000000080e+29  }
0x55: {  	vm1 =	vmand vm1, vm0  }
0x56: {  	s1 =	sadd.s32 $0x20, s30;
	v2 =	vadd.s32 s31, v3  }
0x57: {  	[tilespmem:s29+$0xFFFFFFC0] =	vst v1;
	v3 =	vor.u32 s1, v0;
	s1 =	sor.u32 $0x50, s31  }
0x58: {  	[tilespmem:s1+$0x2800] =	vst v1;
	s1 =	sor.u32 $0x60, s31;
	v5 =	vpop (erf)  }
0x59: {  	s31 =	sor.u32 $0x70, s31;
	[tilespmem:s1+$0x2800] =	vst v1;
	v4 =	vmul.f32 v5, v4  }
0x5a: {  	[tilespmem:s31+$0x2800] =	vst v1  }
0x5b: {  	[tilespmem:v2+s20+$0x0] =	vst.idx.msk vm1, v4  }
0x5c: {  	v2 =	vld.idx.msk [tilespmem:v3+s13+$0x0], $0xffff;
	_ =	sdelay $0x3  }
0x5d: {  	s31 =	sadd.s32 $0xFFFFFFC0, s28  }
0x5e: {  	v3 =	vadd.s32 s31, v2;
	_ =	sdelay $0x2  }
0x5f: {  	[tilespmem:v2+s19+$0x0] =	vst.idx.msk $0xffff, v0  }
0x60: {  	v4 =	vld.idx.msk [tilespmem:v2+s19+$0x0], $0xffff  }
0x61: {  	v3 =	vld.idx.msk [tilespmem:v3+s2+$0x0], $0xffff;
	_ =	sdelay $0x3  }
0x62: {  	vm1 =	veq.s32 v4, v0  }
0x63: {  	v3 =	vnsel vm1, $0xF149F2CA, v3  }
0x64: {  	(xrf1) =	vsort.dscd.msk.f32 $0xffff, v3, v2;
	_ =	sdelay $0xd  }
0x65: {  	v2, v3, _ =	vpop (xrf1)  }
0x66: {  	v58 =	vnsel vm0, $0xF149F2CA, v2  }
0x67: {  	(xrf0) =	vmax.scan.msk.f32 $0xffff, v58;
	_ =	sdelay $0x5  }
0x68: {  	v59, _, _ =	vpop (xrf0)  }
0x69: {  	v5 =	vbroadcast v59, $0xF;
	_ =	sdelay $0x1  }
0x6a: {  	v4 =	vsub.f32 v58, v5;
	_ =	sdelay $0x1  }
0x6b: {  	v4 =	vmul.f32 $1.442695020e+00, v4;
	_ =	sdelay $0x1  }
0x6c: {  	(erf) = vpow2.f32 v4;
	_ =	sdelay $0x8  }
0x6d: {  	v4 =	vpop (erf)  }
0x6e: {  	(xrf2) =	vadd.scan.msk.f32 $0xffff, v4;
	_ =	sdelay $0x9  }
0x6f: {  	v60, _, _ =	vpop (xrf2)  }
0x70: {  	v5 =	vbroadcast v60, $0xF;
	_ =	sdelay $0x1  }
0x71: {  	(erf) = vrcp.f32 v5;
	_ =	sdelay $0x4  }
0x72: {  	vm1 =	vgt.f32 v2, $-5.000000080e+29  }
0x73: {  	vm1 =	vmand vm1, vm0  }
0x74: {  	v2 =	vadd.s32 s31, v3;
	s31 =	sadd.s32 $0x30, s30  }
0x75: {  	[tilespmem:s29+$0x0] =	vst v1;
	v3 =	vor.u32 s31, v0  }
0x76: {  	[tilespmem:s29+$0x10] =	vst v1;
	v5 =	vpop (erf)  }
0x77: {  	[tilespmem:s29+$0x20] =	vst v1;
	v4 =	vmul.f32 v5, v4  }
0x78: {  	[tilespmem:s29+$0x30] =	vst v1  }
0x79: {  	[tilespmem:v2+s20+$0x0] =	vst.idx.msk vm1, v4  }
0x7a: {  	v2 =	vld.idx.msk [tilespmem:v3+s13+$0x0], $0xffff;
	_ =	sdelay $0x4  }
0x7b: {  	v3 =	vadd.s32 s28, v2;
	_ =	sdelay $0x2  }
0x7c: {  	[tilespmem:v2+s19+$0x0] =	vst.idx.msk $0xffff, v0  }
0x7d: {  	v4 =	vld.idx.msk [tilespmem:v2+s19+$0x0], $0xffff  }
0x7e: {  	v3 =	vld.idx.msk [tilespmem:v3+s2+$0x0], $0xffff;
	_ =	sdelay $0x3  }
0x7f: {  	vm1 =	veq.s32 v4, v0  }
0x80: {  	v3 =	vnsel vm1, $0xF149F2CA, v3  }
0x81: {  	(xrf1) =	vsort.dscd.msk.f32 $0xffff, v3, v2;
	_ =	sdelay $0xd  }
0x82: {  	v2, v3, _ =	vpop (xrf1)  }
0x83: {  	v61 =	vnsel vm0, $0xF149F2CA, v2  }
0x84: {  	(xrf0) =	vmax.scan.msk.f32 $0xffff, v61;
	_ =	sdelay $0x5  }
0x85: {  	v62, _, _ =	vpop (xrf0)  }
0x86: {  	v5 =	vbroadcast v62, $0xF;
	_ =	sdelay $0x1  }
0x87: {  	v4 =	vsub.f32 v61, v5;
	_ =	sdelay $0x1  }
0x88: {  	v4 =	vmul.f32 $1.442695020e+00, v4;
	_ =	sdelay $0x1  }
0x89: {  	(erf) = vpow2.f32 v4;
	_ =	sdelay $0x8  }
0x8a: {  	v4 =	vpop (erf)  }
0x8b: {  	(xrf2) =	vadd.scan.msk.f32 $0xffff, v4;
	_ =	sdelay $0x9  }
0x8c: {  	v63, _, _ =	vpop (xrf2)  }
0x8d: {  	v5 =	vbroadcast v63, $0xF;
	_ =	sdelay $0x1  }
0x8e: {  	(erf) = vrcp.f32 v5;
	_ =	sdelay $0x4  }
0x8f: {  	vm1 =	vgt.f32 v2, $-5.000000080e+29  }
0x90: {  	s26 =	sadd.s32 $0x4, s26;
	vm1 =	vmand vm1, vm0  }
0x91: {  	p0 =	slt.u32 s26, $0x1C;
	v2 =	vadd.s32 s28, v3  }
.Ltmp0:
0x92: {  	s31 =	sor.u32 $0x50, s28;
	[tilespmem:s29+$0x40] =	vst v1;
	(pc) =	sbr.rel @p0 .LBB2_2-.Ltmp0, $4  }
0x93: {  	[tilespmem:s31+$0x2800] =	vst v1;
	s31 =	sor.u32 $0x60, s28;
	v3 =	vpop (erf)  }
0x94: {  	[tilespmem:s31+$0x2800] =	vst v1;
	s31 =	sor.u32 $0x70, s28;
	v3 =	vmul.f32 v3, v4  }
0x95: {  	[tilespmem:s31+$0x2800] =	vst v1  }
0x96: {  	s30 =	sadd.s32 $0x40, s30;
	s29 =	sadd.s32 $0x100, s29;
	s28 =	sadd.s32 $0x100, s28;
	[tilespmem:v2+s20+$0x0] =	vst.idx.msk vm1, v3  }
0x97: {  	[hbm4b:s8+s2] =	stream.linear.scatter [tilespmem:s20], [sflag:$0x3], $0x800, $0x38;
	[tilespmem:$0x4880] =	vst v63  }
0x98: {  	_ =	swait.ge [sflag:s18], $0x800  }
0x99: {  	s26 =	simm.s32 $0x1C;
	s28 =	simm.s32 $0x8C0;
	[sflag:s18] =	ssyncset.done $0x0  }
0x9a: {  	s29 =	simm.s32 $0x200;
	s30 =	simm.s32 $0x30C0;
	[sflag:s18] =	ssyncadd.s32 $0xFFFFF800  }
.LBB2_4:
0x9b: {  	v2 =	vor.u32 s29, v0;
	_ =	sdelay $0x4  }
0x9c: {  	v2 =	vld.idx.msk [tilespmem:v2+s13+$0x0], $0xffff;
	_ =	sdelay $0x3  }
0x9d: {  	s1 =	sadd.s32 $0xFFFFFF40, s28  }
0x9e: {  	v3 =	vadd.s32 s1, v2;
	_ =	sdelay $0x2  }
0x9f: {  	[tilespmem:v2+s19+$0x0] =	vst.idx.msk $0xffff, v0  }
0xa0: {  	v4 =	vld.idx.msk [tilespmem:v2+s19+$0x0], $0xffff  }
0xa1: {  	v3 =	vld.idx.msk [tilespmem:v3+s2+$0x0], $0xffff;
	_ =	sdelay $0x3  }
0xa2: {  	vm1 =	veq.s32 v4, v0  }
0xa3: {  	v3 =	vnsel vm1, $0xF149F2CA, v3  }
0xa4: {  	(xrf1) =	vsort.dscd.msk.f32 $0xffff, v3, v2;
	_ =	sdelay $0xd  }
0xa5: {  	v2, v3, _ =	vpop (xrf1)  }
0xa6: {  	v53 =	vnsel vm0, $0xF149F2CA, v2  }
0xa7: {  	(xrf0) =	vmax.scan.msk.f32 $0xffff, v53;
	_ =	sdelay $0x5  }
0xa8: {  	v5, _, _ =	vpop (xrf0)  }
0xa9: {  	v5 =	vbroadcast v5, $0xF;
	_ =	sdelay $0x1  }
0xaa: {  	v4 =	vsub.f32 v53, v5;
	_ =	sdelay $0x1  }
0xab: {  	v4 =	vmul.f32 $1.442695020e+00, v4;
	_ =	sdelay $0x1  }
0xac: {  	(erf) = vpow2.f32 v4;
	_ =	sdelay $0x8  }
0xad: {  	v4 =	vpop (erf)  }
0xae: {  	(xrf2) =	vadd.scan.msk.f32 $0xffff, v4;
	_ =	sdelay $0x9  }
0xaf: {  	v54, _, _ =	vpop (xrf2)  }
0xb0: {  	v5 =	vbroadcast v54, $0xF;
	_ =	sdelay $0x1  }
0xb1: {  	(erf) = vrcp.f32 v5;
	_ =	sdelay $0x4  }
0xb2: {  	vm1 =	vgt.f32 v2, $-5.000000080e+29  }
0xb3: {  	vm1 =	vmand vm1, vm0  }
0xb4: {  	s31 =	sadd.s32 $0x10, s29;
	v2 =	vadd.s32 s1, v3  }
0xb5: {  	[tilespmem:s30+$0xFFFFFF40] =	vst v1;
	v3 =	vor.u32 s31, v0  }
0xb6: {  	[tilespmem:s30+$0xFFFFFF50] =	vst v1;
	v5 =	vpop (erf)  }
0xb7: {  	[tilespmem:s30+$0xFFFFFF60] =	vst v1;
	v4 =	vmul.f32 v5, v4  }
0xb8: {  	[tilespmem:s30+$0xFFFFFF70] =	vst v1  }
0xb9: {  	[tilespmem:v2+s20+$0x0] =	vst.idx.msk vm1, v4  }
0xba: {  	v2 =	vld.idx.msk [tilespmem:v3+s13+$0x0], $0xffff;
	_ =	sdelay $0x3  }
0xbb: {  	s1 =	sadd.s32 $0xFFFFFF80, s28  }
0xbc: {  	v3 =	vadd.s32 s1, v2;
	_ =	sdelay $0x2  }
0xbd: {  	[tilespmem:v2+s19+$0x0] =	vst.idx.msk $0xffff, v0  }
0xbe: {  	v4 =	vld.idx.msk [tilespmem:v2+s19+$0x0], $0xffff  }
0xbf: {  	v3 =	vld.idx.msk [tilespmem:v3+s2+$0x0], $0xffff;
	_ =	sdelay $0x3  }
0xc0: {  	vm1 =	veq.s32 v4, v0  }
0xc1: {  	v3 =	vnsel vm1, $0xF149F2CA, v3  }
0xc2: {  	(xrf1) =	vsort.dscd.msk.f32 $0xffff, v3, v2;
	_ =	sdelay $0xd  }
0xc3: {  	v2, v3, _ =	vpop (xrf1)  }
0xc4: {  	v55 =	vnsel vm0, $0xF149F2CA, v2  }
0xc5: {  	(xrf0) =	vmax.scan.msk.f32 $0xffff, v55;
	_ =	sdelay $0x5  }
0xc6: {  	v56, _, _ =	vpop (xrf0)  }
0xc7: {  	v5 =	vbroadcast v56, $0xF;
	_ =	sdelay $0x1  }
0xc8: {  	v4 =	vsub.f32 v55, v5;
	_ =	sdelay $0x1  }
0xc9: {  	v4 =	vmul.f32 $1.442695020e+00, v4;
	_ =	sdelay $0x1  }
0xca: {  	(erf) = vpow2.f32 v4;
	_ =	sdelay $0x8  }
0xcb: {  	v4 =	vpop (erf)  }
0xcc: {  	(xrf2) =	vadd.scan.msk.f32 $0xffff, v4;
	_ =	sdelay $0x9  }
0xcd: {  	v57, _, _ =	vpop (xrf2)  }
0xce: {  	v5 =	vbroadcast v57, $0xF;
	_ =	sdelay $0x1  }
0xcf: {  	(erf) = vrcp.f32 v5;
	_ =	sdelay $0x4  }
0xd0: {  	vm1 =	vgt.f32 v2, $-5.000000080e+29  }
0xd1: {  	vm1 =	vmand vm1, vm0  }
0xd2: {  	s31 =	sadd.s32 $0x20, s29;
	v2 =	vadd.s32 s1, v3  }
0xd3: {  	[tilespmem:s30+$0xFFFFFF80] =	vst v1;
	v3 =	vor.u32 s31, v0;
	s31 =	sor.u32 $0x50, s1  }
0xd4: {  	[tilespmem:s31+$0x2800] =	vst v1;
	s31 =	sor.u32 $0x60, s1;
	v5 =	vpop (erf)  }
0xd5: {  	s1 =	sor.u32 $0x70, s1;
	[tilespmem:s31+$0x2800] =	vst v1;
	v4 =	vmul.f32 v5, v4  }
0xd6: {  	[tilespmem:s1+$0x2800] =	vst v1  }
0xd7: {  	[tilespmem:v2+s20+$0x0] =	vst.idx.msk vm1, v4  }
0xd8: {  	v2 =	vld.idx.msk [tilespmem:v3+s13+$0x0], $0xffff;
	_ =	sdelay $0x3  }
0xd9: {  	s31 =	sadd.s32 $0xFFFFFFC0, s28  }
0xda: {  	v3 =	vadd.s32 s31, v2;
	_ =	sdelay $0x2  }
0xdb: {  	[tilespmem:v2+s19+$0x0] =	vst.idx.msk $0xffff, v0  }
0xdc: {  	v4 =	vld.idx.msk [tilespmem:v2+s19+$0x0], $0xffff  }
0xdd: {  	v3 =	vld.idx.msk [tilespmem:v3+s2+$0x0], $0xffff;
	_ =	sdelay $0x3  }
0xde: {  	vm1 =	veq.s32 v4, v0  }
0xdf: {  	v3 =	vnsel vm1, $0xF149F2CA, v3  }
0xe0: {  	(xrf1) =	vsort.dscd.msk.f32 $0xffff, v3, v2;
	_ =	sdelay $0xd  }
0xe1: {  	v2, v3, _ =	vpop (xrf1)  }
0xe2: {  	v58 =	vnsel vm0, $0xF149F2CA, v2  }
0xe3: {  	(xrf0) =	vmax.scan.msk.f32 $0xffff, v58;
	_ =	sdelay $0x5  }
0xe4: {  	v59, _, _ =	vpop (xrf0)  }
0xe5: {  	v5 =	vbroadcast v59, $0xF;
	_ =	sdelay $0x1  }
0xe6: {  	v4 =	vsub.f32 v58, v5;
	_ =	sdelay $0x1  }
0xe7: {  	v4 =	vmul.f32 $1.442695020e+00, v4;
	_ =	sdelay $0x1  }
0xe8: {  	(erf) = vpow2.f32 v4;
	_ =	sdelay $0x8  }
0xe9: {  	v4 =	vpop (erf)  }
0xea: {  	(xrf2) =	vadd.scan.msk.f32 $0xffff, v4;
	_ =	sdelay $0x9  }
0xeb: {  	v60, _, _ =	vpop (xrf2)  }
0xec: {  	v5 =	vbroadcast v60, $0xF;
	_ =	sdelay $0x1  }
0xed: {  	(erf) = vrcp.f32 v5;
	_ =	sdelay $0x4  }
0xee: {  	vm1 =	vgt.f32 v2, $-5.000000080e+29  }
0xef: {  	vm1 =	vmand vm1, vm0  }
0xf0: {  	v2 =	vadd.s32 s31, v3;
	s31 =	sadd.s32 $0x30, s29  }
0xf1: {  	[tilespmem:s30+$0xFFFFFFC0] =	vst v1;
	v3 =	vor.u32 s31, v0  }
0xf2: {  	[tilespmem:s30+$0xFFFFFFD0] =	vst v1;
	v5 =	vpop (erf)  }
0xf3: {  	[tilespmem:s30+$0xFFFFFFE0] =	vst v1;
	v4 =	vmul.f32 v5, v4  }
0xf4: {  	[tilespmem:s30+$0xFFFFFFF0] =	vst v1  }
0xf5: {  	[tilespmem:v2+s20+$0x0] =	vst.idx.msk vm1, v4  }
0xf6: {  	v2 =	vld.idx.msk [tilespmem:v3+s13+$0x0], $0xffff;
	_ =	sdelay $0x4  }
0xf7: {  	v3 =	vadd.s32 s28, v2;
	_ =	sdelay $0x2  }
0xf8: {  	[tilespmem:v2+s19+$0x0] =	vst.idx.msk $0xffff, v0  }
0xf9: {  	v4 =	vld.idx.msk [tilespmem:v2+s19+$0x0], $0xffff  }
0xfa: {  	v3 =	vld.idx.msk [tilespmem:v3+s2+$0x0], $0xffff;
	_ =	sdelay $0x3  }
0xfb: {  	vm1 =	veq.s32 v4, v0  }
0xfc: {  	v3 =	vnsel vm1, $0xF149F2CA, v3  }
0xfd: {  	(xrf1) =	vsort.dscd.msk.f32 $0xffff, v3, v2;
	_ =	sdelay $0xd  }
0xfe: {  	v2, v3, _ =	vpop (xrf1)  }
0xff: {  	v61 =	vnsel vm0, $0xF149F2CA, v2  }
0x100: {  	(xrf0) =	vmax.scan.msk.f32 $0xffff, v61;
	_ =	sdelay $0x5  }
0x101: {  	v62, _, _ =	vpop (xrf0)  }
0x102: {  	v5 =	vbroadcast v62, $0xF;
	_ =	sdelay $0x1  }
0x103: {  	v4 =	vsub.f32 v61, v5;
	_ =	sdelay $0x1  }
0x104: {  	v4 =	vmul.f32 $1.442695020e+00, v4;
	_ =	sdelay $0x1  }
0x105: {  	(erf) = vpow2.f32 v4;
	_ =	sdelay $0x8  }
0x106: {  	v4 =	vpop (erf)  }
0x107: {  	(xrf2) =	vadd.scan.msk.f32 $0xffff, v4;
	_ =	sdelay $0x9  }
0x108: {  	v63, _, _ =	vpop (xrf2)  }
0x109: {  	v5 =	vbroadcast v63, $0xF;
	_ =	sdelay $0x1  }
0x10a: {  	(erf) = vrcp.f32 v5;
	_ =	sdelay $0x4  }
0x10b: {  	vm1 =	vgt.f32 v2, $-5.000000080e+29  }
0x10c: {  	s26 =	sadd.s32 $0x4, s26;
	vm1 =	vmand vm1, vm0  }
0x10d: {  	p0 =	slt.u32 s26, $0x3C;
	v2 =	vadd.s32 s28, v3  }
.Ltmp1:
0x10e: {  	s31 =	sor.u32 $0x50, s28;
	[tilespmem:s30+$0x0] =	vst v1;
	(pc) =	sbr.rel @p0 .LBB2_4-.Ltmp1, $4  }
0x10f: {  	[tilespmem:s31+$0x2800] =	vst v1;
	s31 =	sor.u32 $0x60, s28;
	v3 =	vpop (erf)  }
0x110: {  	[tilespmem:s31+$0x2800] =	vst v1;
	s31 =	sor.u32 $0x70, s28;
	v3 =	vmul.f32 v3, v4  }
0x111: {  	[tilespmem:s31+$0x2800] =	vst v1  }
0x112: {  	s29 =	sadd.s32 $0x40, s29;
	s30 =	sadd.s32 $0x100, s30;
	s28 =	sadd.s32 $0x100, s28;
	[tilespmem:v2+s20+$0x0] =	vst.idx.msk vm1, v3  }
0x113: {  	[hbm4b:s9+s2] =	stream.linear.scatter [tilespmem:s21], [sflag:$0x3], $0x800, $0x38;
	[tilespmem:$0x4880] =	vst v63  }
0x114: {  	_ =	swait.ge [sflag:s18], $0x800  }
0x115: {  	s26 =	simm.s32 $0x3C;
	s28 =	simm.s32 $0x10C0;
	[sflag:s18] =	ssyncset.done $0x0  }
0x116: {  	s29 =	simm.s32 $0x400;
	s30 =	simm.s32 $0x38C0;
	[sflag:s18] =	ssyncadd.s32 $0xFFFFF800  }
.LBB2_6:
0x117: {  	v2 =	vor.u32 s29, v0;
	_ =	sdelay $0x4  }
0x118: {  	v2 =	vld.idx.msk [tilespmem:v2+s13+$0x0], $0xffff;
	_ =	sdelay $0x3  }
0x119: {  	s1 =	sadd.s32 $0xFFFFFF40, s28  }
0x11a: {  	v3 =	vadd.s32 s1, v2;
	_ =	sdelay $0x2  }
0x11b: {  	[tilespmem:v2+s19+$0x0] =	vst.idx.msk $0xffff, v0  }
0x11c: {  	v4 =	vld.idx.msk [tilespmem:v2+s19+$0x0], $0xffff  }
0x11d: {  	v3 =	vld.idx.msk [tilespmem:v3+s2+$0x0], $0xffff;
	_ =	sdelay $0x3  }
0x11e: {  	vm1 =	veq.s32 v4, v0  }
0x11f: {  	v3 =	vnsel vm1, $0xF149F2CA, v3  }
0x120: {  	(xrf1) =	vsort.dscd.msk.f32 $0xffff, v3, v2;
	_ =	sdelay $0xd  }
0x121: {  	v2, v3, _ =	vpop (xrf1)  }
0x122: {  	v53 =	vnsel vm0, $0xF149F2CA, v2  }
0x123: {  	(xrf0) =	vmax.scan.msk.f32 $0xffff, v53;
	_ =	sdelay $0x5  }
0x124: {  	v5, _, _ =	vpop (xrf0)  }
0x125: {  	v5 =	vbroadcast v5, $0xF;
	_ =	sdelay $0x1  }
0x126: {  	v4 =	vsub.f32 v53, v5;
	_ =	sdelay $0x1  }
0x127: {  	v4 =	vmul.f32 $1.442695020e+00, v4;
	_ =	sdelay $0x1  }
0x128: {  	(erf) = vpow2.f32 v4;
	_ =	sdelay $0x8  }
0x129: {  	v4 =	vpop (erf)  }
0x12a: {  	(xrf2) =	vadd.scan.msk.f32 $0xffff, v4;
	_ =	sdelay $0x9  }
0x12b: {  	v54, _, _ =	vpop (xrf2)  }
0x12c: {  	v5 =	vbroadcast v54, $0xF;
	_ =	sdelay $0x1  }
0x12d: {  	(erf) = vrcp.f32 v5;
	_ =	sdelay $0x4  }
0x12e: {  	vm1 =	vgt.f32 v2, $-5.000000080e+29  }
0x12f: {  	vm1 =	vmand vm1, vm0  }
0x130: {  	s31 =	sadd.s32 $0x10, s29;
	v2 =	vadd.s32 s1, v3  }
0x131: {  	[tilespmem:s30+$0xFFFFFF40] =	vst v1;
	v3 =	vor.u32 s31, v0  }
0x132: {  	[tilespmem:s30+$0xFFFFFF50] =	vst v1;
	v5 =	vpop (erf)  }
0x133: {  	[tilespmem:s30+$0xFFFFFF60] =	vst v1;
	v4 =	vmul.f32 v5, v4  }
0x134: {  	[tilespmem:s30+$0xFFFFFF70] =	vst v1  }
0x135: {  	[tilespmem:v2+s20+$0x0] =	vst.idx.msk vm1, v4  }
0x136: {  	v2 =	vld.idx.msk [tilespmem:v3+s13+$0x0], $0xffff;
	_ =	sdelay $0x3  }
0x137: {  	s1 =	sadd.s32 $0xFFFFFF80, s28  }
0x138: {  	v3 =	vadd.s32 s1, v2;
	_ =	sdelay $0x2  }
0x139: {  	[tilespmem:v2+s19+$0x0] =	vst.idx.msk $0xffff, v0  }
0x13a: {  	v4 =	vld.idx.msk [tilespmem:v2+s19+$0x0], $0xffff  }
0x13b: {  	v3 =	vld.idx.msk [tilespmem:v3+s2+$0x0], $0xffff;
	_ =	sdelay $0x3  }
0x13c: {  	vm1 =	veq.s32 v4, v0  }
0x13d: {  	v3 =	vnsel vm1, $0xF149F2CA, v3  }
0x13e: {  	(xrf1) =	vsort.dscd.msk.f32 $0xffff, v3, v2;
	_ =	sdelay $0xd  }
0x13f: {  	v2, v3, _ =	vpop (xrf1)  }
0x140: {  	v55 =	vnsel vm0, $0xF149F2CA, v2  }
0x141: {  	(xrf0) =	vmax.scan.msk.f32 $0xffff, v55;
	_ =	sdelay $0x5  }
0x142: {  	v56, _, _ =	vpop (xrf0)  }
0x143: {  	v5 =	vbroadcast v56, $0xF;
	_ =	sdelay $0x1  }
0x144: {  	v4 =	vsub.f32 v55, v5;
	_ =	sdelay $0x1  }
0x145: {  	v4 =	vmul.f32 $1.442695020e+00, v4;
	_ =	sdelay $0x1  }
0x146: {  	(erf) = vpow2.f32 v4;
	_ =	sdelay $0x8  }
0x147: {  	v4 =	vpop (erf)  }
0x148: {  	(xrf2) =	vadd.scan.msk.f32 $0xffff, v4;
	_ =	sdelay $0x9  }
0x149: {  	v57, _, _ =	vpop (xrf2)  }
0x14a: {  	v5 =	vbroadcast v57, $0xF;
	_ =	sdelay $0x1  }
0x14b: {  	(erf) = vrcp.f32 v5;
	_ =	sdelay $0x4  }
0x14c: {  	vm1 =	vgt.f32 v2, $-5.000000080e+29  }
0x14d: {  	vm1 =	vmand vm1, vm0  }
0x14e: {  	s31 =	sadd.s32 $0x20, s29;
	v2 =	vadd.s32 s1, v3  }
0x14f: {  	[tilespmem:s30+$0xFFFFFF80] =	vst v1;
	v3 =	vor.u32 s31, v0;
	s31 =	sor.u32 $0x50, s1  }
0x150: {  	[tilespmem:s31+$0x2800] =	vst v1;
	s31 =	sor.u32 $0x60, s1;
	v5 =	vpop (erf)  }
0x151: {  	s1 =	sor.u32 $0x70, s1;
	[tilespmem:s31+$0x2800] =	vst v1;
	v4 =	vmul.f32 v5, v4  }
0x152: {  	[tilespmem:s1+$0x2800] =	vst v1  }
0x153: {  	[tilespmem:v2+s20+$0x0] =	vst.idx.msk vm1, v4  }
0x154: {  	v2 =	vld.idx.msk [tilespmem:v3+s13+$0x0], $0xffff;
	_ =	sdelay $0x3  }
0x155: {  	s31 =	sadd.s32 $0xFFFFFFC0, s28  }
0x156: {  	v3 =	vadd.s32 s31, v2;
	_ =	sdelay $0x2  }
0x157: {  	[tilespmem:v2+s19+$0x0] =	vst.idx.msk $0xffff, v0  }
0x158: {  	v4 =	vld.idx.msk [tilespmem:v2+s19+$0x0], $0xffff  }
0x159: {  	v3 =	vld.idx.msk [tilespmem:v3+s2+$0x0], $0xffff;
	_ =	sdelay $0x3  }
0x15a: {  	vm1 =	veq.s32 v4, v0  }
0x15b: {  	v3 =	vnsel vm1, $0xF149F2CA, v3  }
0x15c: {  	(xrf1) =	vsort.dscd.msk.f32 $0xffff, v3, v2;
	_ =	sdelay $0xd  }
0x15d: {  	v2, v3, _ =	vpop (xrf1)  }
0x15e: {  	v58 =	vnsel vm0, $0xF149F2CA, v2  }
0x15f: {  	(xrf0) =	vmax.scan.msk.f32 $0xffff, v58;
	_ =	sdelay $0x5  }
0x160: {  	v59, _, _ =	vpop (xrf0)  }
0x161: {  	v5 =	vbroadcast v59, $0xF;
	_ =	sdelay $0x1  }
0x162: {  	v4 =	vsub.f32 v58, v5;
	_ =	sdelay $0x1  }
0x163: {  	v4 =	vmul.f32 $1.442695020e+00, v4;
	_ =	sdelay $0x1  }
0x164: {  	(erf) = vpow2.f32 v4;
	_ =	sdelay $0x8  }
0x165: {  	v4 =	vpop (erf)  }
0x166: {  	(xrf2) =	vadd.scan.msk.f32 $0xffff, v4;
	_ =	sdelay $0x9  }
0x167: {  	v60, _, _ =	vpop (xrf2)  }
0x168: {  	v5 =	vbroadcast v60, $0xF;
	_ =	sdelay $0x1  }
0x169: {  	(erf) = vrcp.f32 v5;
	_ =	sdelay $0x4  }
0x16a: {  	vm1 =	vgt.f32 v2, $-5.000000080e+29  }
0x16b: {  	vm1 =	vmand vm1, vm0  }
0x16c: {  	v2 =	vadd.s32 s31, v3;
	s31 =	sadd.s32 $0x30, s29  }
0x16d: {  	[tilespmem:s30+$0xFFFFFFC0] =	vst v1;
	v3 =	vor.u32 s31, v0  }
0x16e: {  	[tilespmem:s30+$0xFFFFFFD0] =	vst v1;
	v5 =	vpop (erf)  }
0x16f: {  	[tilespmem:s30+$0xFFFFFFE0] =	vst v1;
	v4 =	vmul.f32 v5, v4  }
0x170: {  	[tilespmem:s30+$0xFFFFFFF0] =	vst v1  }
0x171: {  	[tilespmem:v2+s20+$0x0] =	vst.idx.msk vm1, v4  }
0x172: {  	v2 =	vld.idx.msk [tilespmem:v3+s13+$0x0], $0xffff;
	_ =	sdelay $0x4  }
0x173: {  	v3 =	vadd.s32 s28, v2;
	_ =	sdelay $0x2  }
0x174: {  	[tilespmem:v2+s19+$0x0] =	vst.idx.msk $0xffff, v0  }
0x175: {  	v4 =	vld.idx.msk [tilespmem:v2+s19+$0x0], $0xffff  }
0x176: {  	v3 =	vld.idx.msk [tilespmem:v3+s2+$0x0], $0xffff;
	_ =	sdelay $0x3  }
0x177: {  	vm1 =	veq.s32 v4, v0  }
0x178: {  	v3 =	vnsel vm1, $0xF149F2CA, v3  }
0x179: {  	(xrf1) =	vsort.dscd.msk.f32 $0xffff, v3, v2;
	_ =	sdelay $0xd  }
0x17a: {  	v2, v3, _ =	vpop (xrf1)  }
0x17b: {  	v61 =	vnsel vm0, $0xF149F2CA, v2  }
0x17c: {  	(xrf0) =	vmax.scan.msk.f32 $0xffff, v61;
	_ =	sdelay $0x5  }
0x17d: {  	v62, _, _ =	vpop (xrf0)  }
0x17e: {  	v5 =	vbroadcast v62, $0xF;
	_ =	sdelay $0x1  }
0x17f: {  	v4 =	vsub.f32 v61, v5;
	_ =	sdelay $0x1  }
0x180: {  	v4 =	vmul.f32 $1.442695020e+00, v4;
	_ =	sdelay $0x1  }
0x181: {  	(erf) = vpow2.f32 v4;
	_ =	sdelay $0x8  }
0x182: {  	v4 =	vpop (erf)  }
0x183: {  	(xrf2) =	vadd.scan.msk.f32 $0xffff, v4;
	_ =	sdelay $0x9  }
0x184: {  	v63, _, _ =	vpop (xrf2)  }
0x185: {  	v5 =	vbroadcast v63, $0xF;
	_ =	sdelay $0x1  }
0x186: {  	(erf) = vrcp.f32 v5;
	_ =	sdelay $0x4  }
0x187: {  	vm1 =	vgt.f32 v2, $-5.000000080e+29  }
0x188: {  	s26 =	sadd.s32 $0x4, s26;
	vm1 =	vmand vm1, vm0  }
0x189: {  	p0 =	slt.u32 s26, $0x5C;
	v2 =	vadd.s32 s28, v3  }
.Ltmp2:
0x18a: {  	s31 =	sor.u32 $0x50, s28;
	[tilespmem:s30+$0x0] =	vst v1;
	(pc) =	sbr.rel @p0 .LBB2_6-.Ltmp2, $4  }
0x18b: {  	[tilespmem:s31+$0x2800] =	vst v1;
	s31 =	sor.u32 $0x60, s28;
	v3 =	vpop (erf)  }
0x18c: {  	[tilespmem:s31+$0x2800] =	vst v1;
	s31 =	sor.u32 $0x70, s28;
	v3 =	vmul.f32 v3, v4  }
0x18d: {  	[tilespmem:s31+$0x2800] =	vst v1  }
0x18e: {  	s29 =	sadd.s32 $0x40, s29;
	s30 =	sadd.s32 $0x100, s30;
	s28 =	sadd.s32 $0x100, s28;
	[tilespmem:v2+s20+$0x0] =	vst.idx.msk vm1, v3  }
0x18f: {  	[hbm4b:s10+s2] =	stream.linear.scatter [tilespmem:s22], [sflag:$0x3], $0x800, $0x38;
	[tilespmem:$0x4880] =	vst v63  }
0x190: {  	_ =	swait.ge [sflag:s18], $0x800  }
0x191: {  	s26 =	simm.s32 $0x5C;
	s28 =	simm.s32 $0x18C0;
	[sflag:s18] =	ssyncset.done $0x0  }
0x192: {  	s29 =	simm.s32 $0x600;
	s30 =	simm.s32 $0x40C0;
	[sflag:s18] =	ssyncadd.s32 $0xFFFFF800  }
.LBB2_8:
0x193: {  	v2 =	vor.u32 s29, v0;
	_ =	sdelay $0x4  }
0x194: {  	v2 =	vld.idx.msk [tilespmem:v2+s13+$0x0], $0xffff;
	_ =	sdelay $0x3  }
0x195: {  	s1 =	sadd.s32 $0xFFFFFF40, s28  }
0x196: {  	v3 =	vadd.s32 s1, v2;
	_ =	sdelay $0x2  }
0x197: {  	[tilespmem:v2+s19+$0x0] =	vst.idx.msk $0xffff, v0  }
0x198: {  	v4 =	vld.idx.msk [tilespmem:v2+s19+$0x0], $0xffff  }
0x199: {  	v3 =	vld.idx.msk [tilespmem:v3+s2+$0x0], $0xffff;
	_ =	sdelay $0x3  }
0x19a: {  	vm1 =	veq.s32 v4, v0  }
0x19b: {  	v3 =	vnsel vm1, $0xF149F2CA, v3  }
0x19c: {  	(xrf1) =	vsort.dscd.msk.f32 $0xffff, v3, v2;
	_ =	sdelay $0xd  }
0x19d: {  	v2, v3, _ =	vpop (xrf1)  }
0x19e: {  	v53 =	vnsel vm0, $0xF149F2CA, v2  }
0x19f: {  	(xrf0) =	vmax.scan.msk.f32 $0xffff, v53;
	_ =	sdelay $0x5  }
0x1a0: {  	v5, _, _ =	vpop (xrf0)  }
0x1a1: {  	v5 =	vbroadcast v5, $0xF;
	_ =	sdelay $0x1  }
0x1a2: {  	v4 =	vsub.f32 v53, v5;
	_ =	sdelay $0x1  }
0x1a3: {  	v4 =	vmul.f32 $1.442695020e+00, v4;
	_ =	sdelay $0x1  }
0x1a4: {  	(erf) = vpow2.f32 v4;
	_ =	sdelay $0x8  }
0x1a5: {  	v4 =	vpop (erf)  }
0x1a6: {  	(xrf2) =	vadd.scan.msk.f32 $0xffff, v4;
	_ =	sdelay $0x9  }
0x1a7: {  	v54, _, _ =	vpop (xrf2)  }
0x1a8: {  	v5 =	vbroadcast v54, $0xF;
	_ =	sdelay $0x1  }
0x1a9: {  	(erf) = vrcp.f32 v5;
	_ =	sdelay $0x4  }
0x1aa: {  	vm1 =	vgt.f32 v2, $-5.000000080e+29  }
0x1ab: {  	vm1 =	vmand vm1, vm0  }
0x1ac: {  	s31 =	sadd.s32 $0x10, s29;
	v2 =	vadd.s32 s1, v3  }
0x1ad: {  	[tilespmem:s30+$0xFFFFFF40] =	vst v1;
	v3 =	vor.u32 s31, v0  }
0x1ae: {  	[tilespmem:s30+$0xFFFFFF50] =	vst v1;
	v5 =	vpop (erf)  }
0x1af: {  	[tilespmem:s30+$0xFFFFFF60] =	vst v1;
	v4 =	vmul.f32 v5, v4  }
0x1b0: {  	[tilespmem:s30+$0xFFFFFF70] =	vst v1  }
0x1b1: {  	[tilespmem:v2+s20+$0x0] =	vst.idx.msk vm1, v4  }
0x1b2: {  	v2 =	vld.idx.msk [tilespmem:v3+s13+$0x0], $0xffff;
	_ =	sdelay $0x3  }
0x1b3: {  	s1 =	sadd.s32 $0xFFFFFF80, s28  }
0x1b4: {  	v3 =	vadd.s32 s1, v2;
	_ =	sdelay $0x2  }
0x1b5: {  	[tilespmem:v2+s19+$0x0] =	vst.idx.msk $0xffff, v0  }
0x1b6: {  	v4 =	vld.idx.msk [tilespmem:v2+s19+$0x0], $0xffff  }
0x1b7: {  	v3 =	vld.idx.msk [tilespmem:v3+s2+$0x0], $0xffff;
	_ =	sdelay $0x3  }
0x1b8: {  	vm1 =	veq.s32 v4, v0  }
0x1b9: {  	v3 =	vnsel vm1, $0xF149F2CA, v3  }
0x1ba: {  	(xrf1) =	vsort.dscd.msk.f32 $0xffff, v3, v2;
	_ =	sdelay $0xd  }
0x1bb: {  	v2, v3, _ =	vpop (xrf1)  }
0x1bc: {  	v55 =	vnsel vm0, $0xF149F2CA, v2  }
0x1bd: {  	(xrf0) =	vmax.scan.msk.f32 $0xffff, v55;
	_ =	sdelay $0x5  }
0x1be: {  	v56, _, _ =	vpop (xrf0)  }
0x1bf: {  	v5 =	vbroadcast v56, $0xF;
	_ =	sdelay $0x1  }
0x1c0: {  	v4 =	vsub.f32 v55, v5;
	_ =	sdelay $0x1  }
0x1c1: {  	v4 =	vmul.f32 $1.442695020e+00, v4;
	_ =	sdelay $0x1  }
0x1c2: {  	(erf) = vpow2.f32 v4;
	_ =	sdelay $0x8  }
0x1c3: {  	v4 =	vpop (erf)  }
0x1c4: {  	(xrf2) =	vadd.scan.msk.f32 $0xffff, v4;
	_ =	sdelay $0x9  }
0x1c5: {  	v57, _, _ =	vpop (xrf2)  }
0x1c6: {  	v5 =	vbroadcast v57, $0xF;
	_ =	sdelay $0x1  }
0x1c7: {  	(erf) = vrcp.f32 v5;
	_ =	sdelay $0x4  }
0x1c8: {  	vm1 =	vgt.f32 v2, $-5.000000080e+29  }
0x1c9: {  	vm1 =	vmand vm1, vm0  }
0x1ca: {  	s31 =	sadd.s32 $0x20, s29;
	v2 =	vadd.s32 s1, v3  }
0x1cb: {  	[tilespmem:s30+$0xFFFFFF80] =	vst v1;
	v3 =	vor.u32 s31, v0;
	s31 =	sor.u32 $0x50, s1  }
0x1cc: {  	[tilespmem:s31+$0x2800] =	vst v1;
	s31 =	sor.u32 $0x60, s1;
	v5 =	vpop (erf)  }
0x1cd: {  	s1 =	sor.u32 $0x70, s1;
	[tilespmem:s31+$0x2800] =	vst v1;
	v4 =	vmul.f32 v5, v4  }
0x1ce: {  	[tilespmem:s1+$0x2800] =	vst v1  }
0x1cf: {  	[tilespmem:v2+s20+$0x0] =	vst.idx.msk vm1, v4  }
0x1d0: {  	v2 =	vld.idx.msk [tilespmem:v3+s13+$0x0], $0xffff;
	_ =	sdelay $0x3  }
0x1d1: {  	s31 =	sadd.s32 $0xFFFFFFC0, s28  }
0x1d2: {  	v3 =	vadd.s32 s31, v2;
	_ =	sdelay $0x2  }
0x1d3: {  	[tilespmem:v2+s19+$0x0] =	vst.idx.msk $0xffff, v0  }
0x1d4: {  	v4 =	vld.idx.msk [tilespmem:v2+s19+$0x0], $0xffff  }
0x1d5: {  	v3 =	vld.idx.msk [tilespmem:v3+s2+$0x0], $0xffff;
	_ =	sdelay $0x3  }
0x1d6: {  	vm1 =	veq.s32 v4, v0  }
0x1d7: {  	v3 =	vnsel vm1, $0xF149F2CA, v3  }
0x1d8: {  	(xrf1) =	vsort.dscd.msk.f32 $0xffff, v3, v2;
	_ =	sdelay $0xd  }
0x1d9: {  	v2, v3, _ =	vpop (xrf1)  }
0x1da: {  	v58 =	vnsel vm0, $0xF149F2CA, v2  }
0x1db: {  	(xrf0) =	vmax.scan.msk.f32 $0xffff, v58;
	_ =	sdelay $0x5  }
0x1dc: {  	v59, _, _ =	vpop (xrf0)  }
0x1dd: {  	v5 =	vbroadcast v59, $0xF;
	_ =	sdelay $0x1  }
0x1de: {  	v4 =	vsub.f32 v58, v5;
	_ =	sdelay $0x1  }
0x1df: {  	v4 =	vmul.f32 $1.442695020e+00, v4;
	_ =	sdelay $0x1  }
0x1e0: {  	(erf) = vpow2.f32 v4;
	_ =	sdelay $0x8  }
0x1e1: {  	v4 =	vpop (erf)  }
0x1e2: {  	(xrf2) =	vadd.scan.msk.f32 $0xffff, v4;
	_ =	sdelay $0x9  }
0x1e3: {  	v60, _, _ =	vpop (xrf2)  }
0x1e4: {  	v5 =	vbroadcast v60, $0xF;
	_ =	sdelay $0x1  }
0x1e5: {  	(erf) = vrcp.f32 v5;
	_ =	sdelay $0x4  }
0x1e6: {  	vm1 =	vgt.f32 v2, $-5.000000080e+29  }
0x1e7: {  	vm1 =	vmand vm1, vm0  }
0x1e8: {  	v2 =	vadd.s32 s31, v3;
	s31 =	sadd.s32 $0x30, s29  }
0x1e9: {  	[tilespmem:s30+$0xFFFFFFC0] =	vst v1;
	v3 =	vor.u32 s31, v0  }
0x1ea: {  	[tilespmem:s30+$0xFFFFFFD0] =	vst v1;
	v5 =	vpop (erf)  }
0x1eb: {  	[tilespmem:s30+$0xFFFFFFE0] =	vst v1;
	v4 =	vmul.f32 v5, v4  }
0x1ec: {  	[tilespmem:s30+$0xFFFFFFF0] =	vst v1  }
0x1ed: {  	[tilespmem:v2+s20+$0x0] =	vst.idx.msk vm1, v4  }
0x1ee: {  	v2 =	vld.idx.msk [tilespmem:v3+s13+$0x0], $0xffff;
	_ =	sdelay $0x4  }
0x1ef: {  	v3 =	vadd.s32 s28, v2;
	_ =	sdelay $0x2  }
0x1f0: {  	[tilespmem:v2+s19+$0x0] =	vst.idx.msk $0xffff, v0  }
0x1f1: {  	v4 =	vld.idx.msk [tilespmem:v2+s19+$0x0], $0xffff  }
0x1f2: {  	v3 =	vld.idx.msk [tilespmem:v3+s2+$0x0], $0xffff;
	_ =	sdelay $0x3  }
0x1f3: {  	vm1 =	veq.s32 v4, v0  }
0x1f4: {  	v3 =	vnsel vm1, $0xF149F2CA, v3  }
0x1f5: {  	(xrf1) =	vsort.dscd.msk.f32 $0xffff, v3, v2;
	_ =	sdelay $0xd  }
0x1f6: {  	v2, v3, _ =	vpop (xrf1)  }
0x1f7: {  	v61 =	vnsel vm0, $0xF149F2CA, v2  }
0x1f8: {  	(xrf0) =	vmax.scan.msk.f32 $0xffff, v61;
	_ =	sdelay $0x5  }
0x1f9: {  	v62, _, _ =	vpop (xrf0)  }
0x1fa: {  	v5 =	vbroadcast v62, $0xF;
	_ =	sdelay $0x1  }
0x1fb: {  	v4 =	vsub.f32 v61, v5;
	_ =	sdelay $0x1  }
0x1fc: {  	v4 =	vmul.f32 $1.442695020e+00, v4;
	_ =	sdelay $0x1  }
0x1fd: {  	(erf) = vpow2.f32 v4;
	_ =	sdelay $0x8  }
0x1fe: {  	v4 =	vpop (erf)  }
0x1ff: {  	(xrf2) =	vadd.scan.msk.f32 $0xffff, v4;
	_ =	sdelay $0x9  }
0x200: {  	v63, _, _ =	vpop (xrf2)  }
0x201: {  	v5 =	vbroadcast v63, $0xF;
	_ =	sdelay $0x1  }
0x202: {  	(erf) = vrcp.f32 v5;
	_ =	sdelay $0x4  }
0x203: {  	vm1 =	vgt.f32 v2, $-5.000000080e+29  }
0x204: {  	s26 =	sadd.s32 $0x4, s26;
	vm1 =	vmand vm1, vm0  }
0x205: {  	p0 =	slt.u32 s26, $0x7C;
	v2 =	vadd.s32 s28, v3  }
.Ltmp3:
0x206: {  	s31 =	sor.u32 $0x50, s28;
	[tilespmem:s30+$0x0] =	vst v1;
	(pc) =	sbr.rel @p0 .LBB2_8-.Ltmp3, $4  }
0x207: {  	[tilespmem:s31+$0x2800] =	vst v1;
	s31 =	sor.u32 $0x60, s28;
	v3 =	vpop (erf)  }
0x208: {  	[tilespmem:s31+$0x2800] =	vst v1;
	s31 =	sor.u32 $0x70, s28;
	v3 =	vmul.f32 v3, v4  }
0x209: {  	[tilespmem:s31+$0x2800] =	vst v1  }
0x20a: {  	s29 =	sadd.s32 $0x40, s29;
	s30 =	sadd.s32 $0x100, s30;
	s28 =	sadd.s32 $0x100, s28;
	[tilespmem:v2+s20+$0x0] =	vst.idx.msk vm1, v3  }
0x20b: {  	[hbm4b:s11+s2] =	stream.linear.scatter [tilespmem:s23], [sflag:$0x3], $0x800, $0x38;
	[tilespmem:$0x4880] =	vst v63  }
0x20c: {  	_ =	swait.ge [sflag:s24], $0x800  }
0x20d: {  	[sflag:s24] =	ssyncset.done $0x0  }
0x20e: {  	[sflag:s24] =	ssyncadd.s32 $0xFFFFF800  }
0x20f: {  	_ =	swait.ge [sflag:s24], $0x800  }
0x210: {  	[sflag:s24] =	ssyncset.done $0x0  }
0x211: {  	s25 =	sadd.s32 $0x1, s25;
	[sflag:s24] =	ssyncadd.s32 $0xFFFFF800  }
0x212: {  	p0 =	sne.s32 s25, s12;
	_ =	swait.ge [sflag:s24], $0x800  }
.Ltmp4:
0x213: {  	[sflag:s24] =	ssyncset.done $0x0;
	(pc) =	sbr.rel @p0 .LBB2_1-.Ltmp4, $4  }
0x214: {  	[sflag:s24] =	ssyncadd.s32 $0xFFFFF800  }
0x215: {  	_ =	swait.ge [sflag:s24], $0x800  }
0x216: {  	[sflag:s24] =	ssyncset.done $0x0  }
0x217: {  	[sflag:s24] =	ssyncadd.s32 $0xFFFFF800  }
0x218: {  	_ =	sfence.sel $0x180000  }
0x219: {  	[bflag:$0x0] =	sbarrier.arrive $0xFFFF  }
0x21a: {  	_ =	strace $0x9000004A  }
0x21b: {  	[bflag:$0x2] =	sbarrier.arrive $0xFFFF  }
0x21c: {  	p0 =	sne.s32 s0, $0x0;
	s0 =	rddreg [dreg:$0x2]  }
0x21d: {  	s0 =	sadd.s32 @!p0 $0x100000, s0  }
0x21e: {  	[sflag:s0] =	ssyncadd.tile.s32 @!p0 $0x1;
	_ =	shalt  }
.Lfunc_end2:
_tile_overlayer_lowered:
.L_overlay_start_2:
0x21f: {  	(tag) =	ssettag $0x2  }
0x220: {  	s0 =	rddreg [dreg:$0x0];
	s2 =	stileid.u32  }
0x221: {  	s1 =	rddreg [dreg:$0x1];
	p0 =	sne.s32 s2, $0x0  }
0x222: {  	s3 =	rddreg [dreg:$0x2];
	[bflag:$0x3] =	sbarrier.arrive $0xFFFF;
	s2 =	simm.s32 @!p0 $0x1C04  }
0x223: {  	[timem:s3], [sflag:s2] =	dma.local @!p0 [hbm:s0], s1  }
0x224: {  	s0 =	simm.s32 @!p0 $0x4  }
0x225: {  	_ =	swait.ge @!p0 [sflag:s0], s1  }
0x226: {  	s1 =	ssub.s32 @!p0 $0x0, s1;
	[sflag:s0] =	ssyncset.done @!p0 $0x0  }
0x227: {  	[sflag:s0] =	ssyncadd.s32 @!p0 s1  }
0x228: {  	[bflag:$0x3] =	sbarrier.arrive $0xFFFF  }
0x229: {  	_ =	shalt  }

</sc_bundles>
